<compile_context>
chip_gen: v7x
topology: tpu7x:2x2x1
jax: 0.10.2.dev20260603
libtpu: 0.0.44.dev20260713+nightly
codegen_flags: <defaults>
</compile_context>

<pallas_src>
import numpy as np
import jax
import jax.numpy as jnp
from jax import lax
from jax.experimental import pallas as pl
from jax.experimental.pallas import tpu as pltpu
from jax.experimental.pallas import tpu_sc as plsc

_SHAPE = (128, 128, 128)
_FWHM = 2.0
_QUATS = np.array([
    [0.0, 0.0, 0.0, 1.0],
    [0.70710678, 0.0, 0.0, 0.70710678],
    [0.0, 0.70710678, 0.0, 0.70710678],
    [0.0, 0.0, 0.70710678, 0.70710678],
    [0.38268343, 0.0, 0.0, 0.92387953],
    [0.0, 0.38268343, 0.0, 0.92387953],
    [0.0, 0.0, 0.38268343, 0.92387953],
    [0.5, 0.5, 0.5, 0.5],
], dtype=np.float64)
_SHIFTS = np.array([-12.0, -8.0, -4.0, 0.0, 4.0, 8.0, 12.0, 16.0],
                   dtype=np.float64)


def _profile(x):
    x = np.asarray(x, dtype=np.float64)
    return np.exp(-x ** 2 / (0.36 * _FWHM ** 2))


def _rotmat(q):
    q = q / np.linalg.norm(q)
    x, y, z, w = q
    return np.array([
        [1 - 2 * (y * y + z * z), 2 * (x * y - z * w), 2 * (x * z + y * w)],
        [2 * (x * y + z * w), 1 - 2 * (x * x + z * z), 2 * (y * z - x * w)],
        [2 * (x * z - y * w), 2 * (y * z + x * w), 1 - 2 * (x * x + y * y)],
    ])


def _halfwidth(m):
    r = np.arange(-m, m)
    pr = _profile(r)
    cs = np.cumsum(pr) / pr.sum()
    left = int(r[np.argmax(cs > 0.01)])
    right = int(r[np.argmax(cs > 0.99)])
    return int(max(abs(left), abs(right)) + 1)


_M = max(_SHAPE)
_W = _halfwidth(_M)
_WK = _W - 1
_NZ = 2 * _WK + 1
_NB = len(_QUATS)
_ROWS = _NB * _M
_NWORK = 32
_RPW = _ROWS // _NWORK
_XYOFFS = (0, 128, 16384, 16512)
_NC = 4
_NK = _NZ * _NC


def _build_compressed():
    center = (np.array(_SHAPE) - 1) / 2.0
    xs = np.arange(_M) - (_M - 1) / 2.0
    dz = np.arange(-_WK, _WK + 1)
    pw = _profile(dz)
    base = np.empty((_NB, _M, _M, _NZ), np.int32)
    aw = np.empty((_NB, _M, _M, _NZ, 6), np.float32)
    for b, (q, shift) in enumerate(zip(_QUATS, _SHIFTS)):
        R = _rotmat(q)
        gx, gy, gz = np.meshgrid(xs, xs, dz + shift, indexing='ij')
        pos = np.stack([gx, gy, gz], axis=-1) @ R.T + center
        fl = np.floor(pos)
        frac = pos - fl
        fli = fl.astype(np.int64)
        a0 = np.where((fli >= 0) & (fli <= 127), 1.0 - frac, 0.0)
        a1 = np.where((fli + 1 >= 0) & (fli + 1 <= 127), frac, 0.0)
        lo = fli == -1
        hi = fli == 127
        a0p = np.where(lo, a1, np.where(hi, 0.0, a0))
        a1p = np.where(lo, 0.0, np.where(hi, a0, a1))
        cb = np.clip(fli, 0, 126)
        base[b] = (cb[..., 0] * (128 * 128) + cb[..., 1] * 128
                   + cb[..., 2]).astype(np.int32)
        pwb = pw[None, None, :]
        aw[b, ..., 0] = a0p[..., 0]
        aw[b, ..., 1] = a1p[..., 0]
        aw[b, ..., 2] = a0p[..., 1] * a0p[..., 2] * pwb
        aw[b, ..., 3] = a0p[..., 1] * a1p[..., 2] * pwb
        aw[b, ..., 4] = a1p[..., 1] * a0p[..., 2] * pwb
        aw[b, ..., 5] = a1p[..., 1] * a1p[..., 2] * pwb
    base_k = np.transpose(base, (0, 1, 3, 2)).reshape(_ROWS, _NZ, 128)
    aw_k = np.transpose(aw, (0, 1, 3, 4, 2)).reshape(_ROWS, _NZ, 6, 128)
    return base_k, aw_k


_BASE_NP, _AW_NP = _build_compressed()
_HIMASK = np.uint32(0xFFFF0000)


def _stage(row, xp_hbm, base_hbm, aw_hbm, base_v, aw_v, idx_v, val_v, sem,
           sem2, sem3, sem4):
    pltpu.sync_copy(base_hbm.at[row], base_v)
    pltpu.sync_copy(aw_hbm.at[row], aw_v)

    def idx_body(d, carry):
        for g in range(8):
            sl = pl.ds(g * 16, 16)
            bvec = base_v[d, sl]
            for ci, off in enumerate(_XYOFFS):
                idx_v[pl.ds((d * _NC + ci) * 128 + g * 16, 16)] = bvec + off
        return carry

    lax.fori_loop(0, _NZ, idx_body, 0)

    h = _NK * 32
    for q, s in enumerate((sem, sem2, sem3, sem4)):
        pltpu.async_copy(xp_hbm.at[idx_v.at[pl.ds(q * h, h)]],
                         val_v.at[pl.ds(q * h, h)], s)


def _process(row, xp_hbm, out_hbm, aw_v, idx_v, val_v, out_v, sem, sem2,
             sem3, sem4):

    h = _NK * 32
    for q, s in enumerate((sem, sem2, sem3, sem4)):
        pltpu.make_async_copy(xp_hbm.at[idx_v.at[pl.ds(q * h, h)]],
                              val_v.at[pl.ds(q * h, h)], s).wait()

    for g in range(8):
        sl = pl.ds(g * 16, 16)

        def dz_body(d, acc):
            a0x = aw_v[d, 0, sl]
            a1x = aw_v[d, 1, sl]
            p00 = aw_v[d, 2, sl]
            p01 = aw_v[d, 3, sl]
            p10 = aw_v[d, 4, sl]
            p11 = aw_v[d, 5, sl]
            k0 = d * _NC
            v00 = val_v[pl.ds((k0 + 0) * 128 + g * 16, 16)]
            v01 = val_v[pl.ds((k0 + 1) * 128 + g * 16, 16)]
            v10 = val_v[pl.ds((k0 + 2) * 128 + g * 16, 16)]
            v11 = val_v[pl.ds((k0 + 3) * 128 + g * 16, 16)]
            t0 = p00 * lax.bitcast_convert_type(v00 << 16, jnp.float32)
            t0 += p01 * lax.bitcast_convert_type(v00 & _HIMASK, jnp.float32)
            t0 += p10 * lax.bitcast_convert_type(v01 << 16, jnp.float32)
            t0 += p11 * lax.bitcast_convert_type(v01 & _HIMASK, jnp.float32)
            t1 = p00 * lax.bitcast_convert_type(v10 << 16, jnp.float32)
            t1 += p01 * lax.bitcast_convert_type(v10 & _HIMASK, jnp.float32)
            t1 += p10 * lax.bitcast_convert_type(v11 << 16, jnp.float32)
            t1 += p11 * lax.bitcast_convert_type(v11 & _HIMASK, jnp.float32)
            return acc + a0x * t0 + a1x * t1

        out_v[sl] = lax.fori_loop(0, _NZ, dz_body,
                                  jnp.zeros((16,), jnp.float32))
    pltpu.sync_copy(out_v, out_hbm.at[row])


def _sc_body(xp_hbm, base_hbm, aw_hbm, out_hbm,
             base_a, aw_a, idx_a, val_a, base_b, aw_b, idx_b, val_b,
             out_v, sem_a, sem_a2, sem_a3, sem_a4,
             sem_b, sem_b2, sem_b3, sem_b4):
    c = lax.axis_index("c")
    s = lax.axis_index("s")
    wid = s * 2 + c
    r0 = wid * _RPW

    def stage(row, bufs):
        base_v, aw_v, idx_v, val_v, sem, sem2, sem3, sem4 = bufs
        _stage(row, xp_hbm, base_hbm, aw_hbm, base_v, aw_v, idx_v, val_v,
               sem, sem2, sem3, sem4)

    def process(row, bufs):
        base_v, aw_v, idx_v, val_v, sem, sem2, sem3, sem4 = bufs
        _process(row, xp_hbm, out_hbm, aw_v, idx_v, val_v, out_v, sem,
                 sem2, sem3, sem4)

    bufs_a = (base_a, aw_a, idx_a, val_a, sem_a, sem_a2, sem_a3, sem_a4)
    bufs_b = (base_b, aw_b, idx_b, val_b, sem_b, sem_b2, sem_b3, sem_b4)

    stage(r0, bufs_a)

    def pair_body(r2, carry):
        ra = r0 + 2 * r2
        stage(ra + 1, bufs_b)
        process(ra, bufs_a)

        @pl.when(r2 < _RPW // 2 - 1)
        def _():
            stage(ra + 2, bufs_a)

        process(ra + 1, bufs_b)
        return carry

    lax.fori_loop(0, _RPW // 2, pair_body, 0)


@jax.jit
def _project(xp, base_k, aw_k):
    mesh = plsc.VectorSubcoreMesh(core_axis_name="c", subcore_axis_name="s")
    buf = lambda: [
        pltpu.VMEM((_NZ, 128), jnp.int32),
        pltpu.VMEM((_NZ, 6, 128), jnp.float32),
        pltpu.VMEM((_NK * 128,), jnp.int32),
        pltpu.VMEM((_NK * 128,), jnp.uint32),
    ]
    f = pl.kernel(
        _sc_body,
        out_type=jax.ShapeDtypeStruct((_ROWS, 128), jnp.float32),
        mesh=mesh,
        scratch_types=buf() + buf() + [
            pltpu.VMEM((128,), jnp.float32),
        ] + [pltpu.SemaphoreType.DMA] * 8,
    )
    return f(xp, base_k, aw_k)


def kernel(x):
    xf = x.reshape(-1)
    lo = lax.bitcast_convert_type(xf.astype(jnp.bfloat16),
                                  jnp.uint16).astype(jnp.uint32)
    hi = jnp.concatenate([lo[1:], jnp.zeros((1,), jnp.uint32)])
    xp = lo | (hi << 16)
    out = _project(xp, jnp.asarray(_BASE_NP), jnp.asarray(_AW_NP))
    return out.reshape(_NB, _M, _M)

# --- scband reference (transcript-rebuilt; emitter-appended) ---
"""Pipeline reference for scband-slice-projection-87050397156061 (READ-ONLY COPY).

The authoritative reference and input builder live on the scoring server;
editing this copy changes nothing except your own understanding.
"""

import jax, jax.numpy as jnp
import numpy as np

INPUT_SHAPE = (128, 128, 128)
FWHM = 2.0
QUATS = np.array([
    [0.0, 0.0, 0.0, 1.0],
    [0.70710678, 0.0, 0.0, 0.70710678],
    [0.0, 0.70710678, 0.0, 0.70710678],
    [0.0, 0.0, 0.70710678, 0.70710678],
    [0.38268343, 0.0, 0.0, 0.92387953],
    [0.0, 0.38268343, 0.0, 0.92387953],
    [0.0, 0.0, 0.38268343, 0.92387953],
    [0.5, 0.5, 0.5, 0.5],
], dtype=np.float64)
SHIFTS = np.array([-12.0, -8.0, -4.0, 0.0, 4.0, 8.0, 12.0, 16.0], dtype=np.float64)


def _slice_profile(x):
    x = np.asarray(x, dtype=np.float64)
    return np.exp(-x ** 2 / (0.36 * FWHM ** 2))


def _quat_to_rotmat(q):
    q = q / np.linalg.norm(q)
    x, y, z, w = q
    return np.array([
        [1 - 2 * (y * y + z * z), 2 * (x * y - z * w), 2 * (x * z + y * w)],
        [2 * (x * y + z * w), 1 - 2 * (x * x + z * z), 2 * (y * z - x * w)],
        [2 * (x * z - y * w), 2 * (y * z + x * w), 1 - 2 * (x * x + y * y)],
    ])


def _compute_w(m):
    r = np.arange(-m, m)
    pr = _slice_profile(r)
    cs = np.cumsum(pr) / pr.sum()
    left = int(r[np.argmax(cs > 0.01)])
    right = int(r[np.argmax(cs > 0.99)])
    return int(max(abs(left), abs(right)) + 1)


def _build_taps():
    m = max(INPUT_SHAPE)
    w = _compute_w(m)
    shp = np.array(INPUT_SHAPE)
    center = (shp - 1) / 2.0
    xs = np.arange(m) - (m - 1) / 2.0
    dz = np.arange(-w, w + 1)
    pw = _slice_profile(dz)
    idx_all, wts_all = [], []
    for q, shift in zip(QUATS, SHIFTS):
        R = _quat_to_rotmat(q)
        gx, gy, gz = np.meshgrid(xs, xs, dz + shift, indexing='ij')
        pts = np.stack([gx, gy, gz], axis=-1)
        pos = pts @ R.T + center
        fl = np.floor(pos)
        frac = pos - fl
        fl = fl.astype(np.int64)
        idx_c, wts_c = [], []
        for c in range(8):
            off = np.array([(c >> 2) & 1, (c >> 1) & 1, c & 1])
            ci = fl + off
            cw = np.prod(np.where(off.astype(bool), frac, 1.0 - frac), axis=-1)
            valid = np.all((ci >= 0) & (ci < shp), axis=-1)
            cic = np.clip(ci, 0, shp - 1)
            flat = cic[..., 0] * (shp[1] * shp[2]) + cic[..., 1] * shp[2] + cic[..., 2]
            idx_c.append(flat)
            wts_c.append(cw * pw[None, None, :] * valid)
        idx_all.append(np.stack(idx_c, axis=-1).reshape(m, m, -1))
        wts_all.append(np.stack(wts_c, axis=-1).reshape(m, m, -1))
    idx = np.stack(idx_all).astype(np.int32)
    wts = np.stack(wts_all).astype(np.float32)
    return jnp.asarray(idx), jnp.asarray(wts)


_IDX, _WTS = _build_taps()


def setup_inputs(seed: int = 0):
    key = jax.random.key(seed)
    x = jax.random.normal(key, INPUT_SHAPE, dtype=jnp.float32)
    return {"x": x}


def reference(x):
    # Sparse projection matrix applied to the raveled volume, expressed as a
    # weighted gather: out[b, i, j] = sum_t W[b,i,j,t] * x.ravel()[IDX[b,i,j,t]]
    flat = x.ravel()
    out = (jnp.take(flat, _IDX, axis=0) * _WTS).sum(axis=-1)
    return out

if __name__ == "__main__":
    import jax
    _d = setup_inputs()
    print(jax.jit(kernel)(*tuple(_d.values())))

</pallas_src>

<mosaic_0001>
#map = affine_map<(d0, d1) -> (0)>
#map1 = affine_map<(d0, d1) -> (0, 0, 0)>
#map2 = affine_map<(d0, d1) -> (0, 0, 0, 0)>
#map3 = affine_map<(d0, d1) -> (0, 0)>
module attributes {stable_mosaic.version = 14 : i64} {
  func.func @_sc_body(%arg0: i32, %arg1: i32, %arg2: memref<2097152xi32, #tpu.memory_space<hbm>>, %arg3: memref<1024x5x128xi32, #tpu.memory_space<hbm>>, %arg4: memref<1024x5x6x128xf32, #tpu.memory_space<hbm>>, %arg5: memref<1024x128xf32, #tpu.memory_space<hbm>>, %arg6: memref<5x128xi32, #tpu.memory_space<vmem>>, %arg7: memref<5x6x128xf32, #tpu.memory_space<vmem>>, %arg8: memref<2560xi32, #tpu.memory_space<vmem>>, %arg9: memref<2560xi32, #tpu.memory_space<vmem>>, %arg10: memref<5x128xi32, #tpu.memory_space<vmem>>, %arg11: memref<5x6x128xf32, #tpu.memory_space<vmem>>, %arg12: memref<2560xi32, #tpu.memory_space<vmem>>, %arg13: memref<2560xi32, #tpu.memory_space<vmem>>, %arg14: memref<128xf32, #tpu.memory_space<vmem>>, %arg15: memref<!tpu.dma_semaphore, #tpu.memory_space<semaphore_mem>>, %arg16: memref<!tpu.dma_semaphore, #tpu.memory_space<semaphore_mem>>, %arg17: memref<!tpu.dma_semaphore, #tpu.memory_space<semaphore_mem>>, %arg18: memref<!tpu.dma_semaphore, #tpu.memory_space<semaphore_mem>>, %arg19: memref<!tpu.dma_semaphore, #tpu.memory_space<semaphore_mem>>, %arg20: memref<!tpu.dma_semaphore, #tpu.memory_space<semaphore_mem>>, %arg21: memref<!tpu.dma_semaphore, #tpu.memory_space<semaphore_mem>>, %arg22: memref<!tpu.dma_semaphore, #tpu.memory_space<semaphore_mem>>) attributes {dimension_semantics = [#tpu.dimension_semantics<core_parallel>, #tpu.dimension_semantics<subcore_parallel>], iteration_bounds = array<i64: 2, 16>, scalar_prefetch = 0 : i64, scratch_operands = 17 : i64, tpu.core_type = #tpu.core_type<sc_vector_subcore>, window_params = [{transform_indices = #map}, {transform_indices = #map1}, {transform_indices = #map2}, {transform_indices = #map3}]} {
    %mul3A = arith.constant 2 : i32
    %mul3A_0 = arith.muli %arg1, %mul3A : i32
    %add3A = arith.addi %mul3A_0, %arg0 : i32
    %mul3A_1 = arith.constant 32 : i32
    %mul3A_2 = arith.muli %add3A, %mul3A_1 : i32
    "tpu.region"() ({
      %run_scoped3A = tpu.sem_alloc : memref<!tpu.dma_semaphore, #tpu.memory_space<semaphore_mem>>
      %dma_start3A_37 = arith.constant 0 : i32
      %dma_start3A_38 = arith.constant 0 : i32
      %dma_start3A_39 = tpu.memref_slice %arg3[%mul3A_2, %dma_start3A_37, %dma_start3A_38] : memref<1024x5x128xi32, #tpu.memory_space<hbm>> -> memref<1x5x128xi32, #tpu.memory_space<hbm>>
      %dma_start3A_40 = tpu.memref_squeeze %dma_start3A_39 : memref<1x5x128xi32, #tpu.memory_space<hbm>> -> memref<5x128xi32, #tpu.memory_space<hbm>>
      %dma_start3A_41 = arith.constant 0 : i32
      %dma_start3A_42 = arith.constant 0 : i32
      %dma_start3A_43 = tpu.memref_slice %arg3[%mul3A_2, %dma_start3A_41, %dma_start3A_42] : memref<1024x5x128xi32, #tpu.memory_space<hbm>> -> memref<1x5x128xi32, #tpu.memory_space<hbm>>
      %dma_start3A_44 = tpu.memref_squeeze %dma_start3A_43 : memref<1x5x128xi32, #tpu.memory_space<hbm>> -> memref<5x128xi32, #tpu.memory_space<hbm>>
      tpu.enqueue_dma source(%dma_start3A_44 : memref<5x128xi32, #tpu.memory_space<hbm>>) target(%arg6 : memref<5x128xi32, #tpu.memory_space<vmem>>) target_semaphore(%run_scoped3A : memref<!tpu.dma_semaphore, #tpu.memory_space<semaphore_mem>>)
      %dma_wait3A = arith.constant 0 : i32
      %dma_wait3A_45 = arith.constant 0 : i32
      %dma_wait3A_46 = tpu.memref_slice %arg3[%mul3A_2, %dma_wait3A, %dma_wait3A_45] : memref<1024x5x128xi32, #tpu.memory_space<hbm>> -> memref<1x5x128xi32, #tpu.memory_space<hbm>>
      %dma_wait3A_47 = tpu.memref_squeeze %dma_wait3A_46 : memref<1x5x128xi32, #tpu.memory_space<hbm>> -> memref<5x128xi32, #tpu.memory_space<hbm>>
      %dma_wait3A_48 = arith.constant 0 : i32
      %dma_wait3A_49 = arith.constant 0 : i32
      %dma_wait3A_50 = tpu.memref_slice %arg3[%mul3A_2, %dma_wait3A_48, %dma_wait3A_49] : memref<1024x5x128xi32, #tpu.memory_space<hbm>> -> memref<1x5x128xi32, #tpu.memory_space<hbm>>
      %dma_wait3A_51 = tpu.memref_squeeze %dma_wait3A_50 : memref<1x5x128xi32, #tpu.memory_space<hbm>> -> memref<5x128xi32, #tpu.memory_space<hbm>>
      tpu.wait_dma2 semaphore(%run_scoped3A : memref<!tpu.dma_semaphore, #tpu.memory_space<semaphore_mem>>) src(%dma_wait3A_51 : memref<5x128xi32, #tpu.memory_space<hbm>>) dst(%arg6 : memref<5x128xi32, #tpu.memory_space<vmem>>)
      tpu.yield
    }) : () -> ()
    "tpu.region"() ({
      %run_scoped3A = tpu.sem_alloc : memref<!tpu.dma_semaphore, #tpu.memory_space<semaphore_mem>>
      %dma_start3A_37 = arith.constant 0 : i32
      %dma_start3A_38 = arith.constant 0 : i32
      %dma_start3A_39 = arith.constant 0 : i32
      %dma_start3A_40 = tpu.memref_slice %arg4[%mul3A_2, %dma_start3A_37, %dma_start3A_38, %dma_start3A_39] : memref<1024x5x6x128xf32, #tpu.memory_space<hbm>> -> memref<1x5x6x128xf32, #tpu.memory_space<hbm>>
      %dma_start3A_41 = tpu.memref_squeeze %dma_start3A_40 : memref<1x5x6x128xf32, #tpu.memory_space<hbm>> -> memref<5x6x128xf32, #tpu.memory_space<hbm>>
      %dma_start3A_42 = arith.constant 0 : i32
      %dma_start3A_43 = arith.constant 0 : i32
      %dma_start3A_44 = arith.constant 0 : i32
      %dma_start3A_45 = tpu.memref_slice %arg4[%mul3A_2, %dma_start3A_42, %dma_start3A_43, %dma_start3A_44] : memref<1024x5x6x128xf32, #tpu.memory_space<hbm>> -> memref<1x5x6x128xf32, #tpu.memory_space<hbm>>
      %dma_start3A_46 = tpu.memref_squeeze %dma_start3A_45 : memref<1x5x6x128xf32, #tpu.memory_space<hbm>> -> memref<5x6x128xf32, #tpu.memory_space<hbm>>
      tpu.enqueue_dma source(%dma_start3A_46 : memref<5x6x128xf32, #tpu.memory_space<hbm>>) target(%arg7 : memref<5x6x128xf32, #tpu.memory_space<vmem>>) target_semaphore(%run_scoped3A : memref<!tpu.dma_semaphore, #tpu.memory_space<semaphore_mem>>)
      %dma_wait3A = arith.constant 0 : i32
      %dma_wait3A_47 = arith.constant 0 : i32
      %dma_wait3A_48 = arith.constant 0 : i32
      %dma_wait3A_49 = tpu.memref_slice %arg4[%mul3A_2, %dma_wait3A, %dma_wait3A_47, %dma_wait3A_48] : memref<1024x5x6x128xf32, #tpu.memory_space<hbm>> -> memref<1x5x6x128xf32, #tpu.memory_space<hbm>>
      %dma_wait3A_50 = tpu.memref_squeeze %dma_wait3A_49 : memref<1x5x6x128xf32, #tpu.memory_space<hbm>> -> memref<5x6x128xf32, #tpu.memory_space<hbm>>
      %dma_wait3A_51 = arith.constant 0 : i32
      %dma_wait3A_52 = arith.constant 0 : i32
      %dma_wait3A_53 = arith.constant 0 : i32
      %dma_wait3A_54 = tpu.memref_slice %arg4[%mul3A_2, %dma_wait3A_51, %dma_wait3A_52, %dma_wait3A_53] : memref<1024x5x6x128xf32, #tpu.memory_space<hbm>> -> memref<1x5x6x128xf32, #tpu.memory_space<hbm>>
      %dma_wait3A_55 = tpu.memref_squeeze %dma_wait3A_54 : memref<1x5x6x128xf32, #tpu.memory_space<hbm>> -> memref<5x6x128xf32, #tpu.memory_space<hbm>>
      tpu.wait_dma2 semaphore(%run_scoped3A : memref<!tpu.dma_semaphore, #tpu.memory_space<semaphore_mem>>) src(%dma_wait3A_55 : memref<5x6x128xf32, #tpu.memory_space<hbm>>) dst(%arg7 : memref<5x6x128xf32, #tpu.memory_space<vmem>>)
      tpu.yield
    }) : () -> ()
    %scan3A = arith.constant 0 : i32
    %scan3A_3 = arith.constant 0 : i32
    %scan3A_4 = arith.constant 5 : i32
    %scan3A_5 = arith.addi %scan3A_3, %scan3A_4 : i32
    %scan3A_6 = arith.constant 1 : i32
    scf.for %scan3A_37 = %scan3A_3 to %scan3A_5 step %scan3A_6  : i32 {
      %get3A = arith.index_cast %scan3A_37 : i32 to index
      %get3A_38 = arith.constant 0 : index
      %get3A_39 = tpu.vector_load %arg6[%get3A, %get3A_38] {strides = array<i32>} : memref<5x128xi32, #tpu.memory_space<vmem>>, vector<1x16xi32>,
      %get3A_40 = vector.shape_cast %get3A_39 : vector<1x16xi32> to vector<16xi32>
      %add3A_41 = arith.constant 0 : i32
      %add3A_42 = vector.broadcast %add3A_41 : i32 to vector<16xi32>
      %add3A_43 = arith.addi %get3A_40, %add3A_42 : vector<16xi32>
      %mul3A_44 = arith.constant 4 : i32
      %mul3A_45 = arith.muli %scan3A_37, %mul3A_44 : i32
      %add3A_46 = arith.constant 0 : i32
      %add3A_47 = arith.addi %mul3A_45, %add3A_46 : i32
      %mul3A_48 = arith.constant 128 : i32
      %mul3A_49 = arith.muli %add3A_47, %mul3A_48 : i32
      %add3A_50 = arith.constant 0 : i32
      %add3A_51 = arith.addi %mul3A_49, %add3A_50 : i32
      %swap3A = arith.index_cast %add3A_51 : i32 to index
      %swap3A_52 = tpu.vector_load %arg8[%swap3A] {strides = array<i32>} : memref<2560xi32, #tpu.memory_space<vmem>>, vector<16xi32>,
      %swap3A_53 = vector.shape_cast %swap3A_52 : vector<16xi32> to vector<16xi32>
      %swap3A_54 = vector.shape_cast %add3A_43 : vector<16xi32> to vector<16xi32>
      tpu.vector_store %arg8[%swap3A], %swap3A_54 {strides = array<i32>} : memref<2560xi32, #tpu.memory_space<vmem>>, vector<16xi32>,
      %add3A_55 = arith.constant 128 : i32
      %add3A_56 = vector.broadcast %add3A_55 : i32 to vector<16xi32>
      %add3A_57 = arith.addi %get3A_40, %add3A_56 : vector<16xi32>
      %mul3A_58 = arith.constant 4 : i32
      %mul3A_59 = arith.muli %scan3A_37, %mul3A_58 : i32
      %add3A_60 = arith.constant 1 : i32
      %add3A_61 = arith.addi %mul3A_59, %add3A_60 : i32
      %mul3A_62 = arith.constant 128 : i32
      %mul3A_63 = arith.muli %add3A_61, %mul3A_62 : i32
      %add3A_64 = arith.constant 0 : i32
      %add3A_65 = arith.addi %mul3A_63, %add3A_64 : i32
      %swap3A_66 = arith.index_cast %add3A_65 : i32 to index
      %swap3A_67 = tpu.vector_load %arg8[%swap3A_66] {strides = array<i32>} : memref<2560xi32, #tpu.memory_space<vmem>>, vector<16xi32>,
      %swap3A_68 = vector.shape_cast %swap3A_67 : vector<16xi32> to vector<16xi32>
      %swap3A_69 = vector.shape_cast %add3A_57 : vector<16xi32> to vector<16xi32>
      tpu.vector_store %arg8[%swap3A_66], %swap3A_69 {strides = array<i32>} : memref<2560xi32, #tpu.memory_space<vmem>>, vector<16xi32>,
      %add3A_70 = arith.constant 16384 : i32
      %add3A_71 = vector.broadcast %add3A_70 : i32 to vector<16xi32>
      %add3A_72 = arith.addi %get3A_40, %add3A_71 : vector<16xi32>
      %mul3A_73 = arith.constant 4 : i32
      %mul3A_74 = arith.muli %scan3A_37, %mul3A_73 : i32
      %add3A_75 = arith.constant 2 : i32
      %add3A_76 = arith.addi %mul3A_74, %add3A_75 : i32
      %mul3A_77 = arith.constant 128 : i32
      %mul3A_78 = arith.muli %add3A_76, %mul3A_77 : i32
      %add3A_79 = arith.constant 0 : i32
      %add3A_80 = arith.addi %mul3A_78, %add3A_79 : i32
      %swap3A_81 = arith.index_cast %add3A_80 : i32 to index
      %swap3A_82 = tpu.vector_load %arg8[%swap3A_81] {strides = array<i32>} : memref<2560xi32, #tpu.memory_space<vmem>>, vector<16xi32>,
      %swap3A_83 = vector.shape_cast %swap3A_82 : vector<16xi32> to vector<16xi32>
      %swap3A_84 = vector.shape_cast %add3A_72 : vector<16xi32> to vector<16xi32>
      tpu.vector_store %arg8[%swap3A_81], %swap3A_84 {strides = array<i32>} : memref<2560xi32, #tpu.memory_space<vmem>>, vector<16xi32>,
      %add3A_85 = arith.constant 16512 : i32
      %add3A_86 = vector.broadcast %add3A_85 : i32 to vector<16xi32>
      %add3A_87 = arith.addi %get3A_40, %add3A_86 : vector<16xi32>
      %mul3A_88 = arith.constant 4 : i32
      %mul3A_89 = arith.muli %scan3A_37, %mul3A_88 : i32
      %add3A_90 = arith.constant 3 : i32
      %add3A_91 = arith.addi %mul3A_89, %add3A_90 : i32
      %mul3A_92 = arith.constant 128 : i32
      %mul3A_93 = arith.muli %add3A_91, %mul3A_92 : i32
      %add3A_94 = arith.constant 0 : i32
      %add3A_95 = arith.addi %mul3A_93, %add3A_94 : i32
      %swap3A_96 = arith.index_cast %add3A_95 : i32 to index
      %swap3A_97 = tpu.vector_load %arg8[%swap3A_96] {strides = array<i32>} : memref<2560xi32, #tpu.memory_space<vmem>>, vector<16xi32>,
      %swap3A_98 = vector.shape_cast %swap3A_97 : vector<16xi32> to vector<16xi32>
      %swap3A_99 = vector.shape_cast %add3A_87 : vector<16xi32> to vector<16xi32>
      tpu.vector_store %arg8[%swap3A_96], %swap3A_99 {strides = array<i32>} : memref<2560xi32, #tpu.memory_space<vmem>>, vector<16xi32>,
      %get3A_100 = arith.index_cast %scan3A_37 : i32 to index
      %get3A_101 = arith.constant 16 : index
      %get3A_102 = tpu.vector_load %arg6[%get3A_100, %get3A_101] {strides = array<i32>} : memref<5x128xi32, #tpu.memory_space<vmem>>, vector<1x16xi32>,
      %get3A_103 = vector.shape_cast %get3A_102 : vector<1x16xi32> to vector<16xi32>
      %add3A_104 = arith.constant 0 : i32
      %add3A_105 = vector.broadcast %add3A_104 : i32 to vector<16xi32>
      %add3A_106 = arith.addi %get3A_103, %add3A_105 : vector<16xi32>
      %mul3A_107 = arith.constant 4 : i32
      %mul3A_108 = arith.muli %scan3A_37, %mul3A_107 : i32
      %add3A_109 = arith.constant 0 : i32
      %add3A_110 = arith.addi %mul3A_108, %add3A_109 : i32
      %mul3A_111 = arith.constant 128 : i32
      %mul3A_112 = arith.muli %add3A_110, %mul3A_111 : i32
      %add3A_113 = arith.constant 16 : i32
      %add3A_114 = arith.addi %mul3A_112, %add3A_113 : i32
      %swap3A_115 = arith.index_cast %add3A_114 : i32 to index
      %swap3A_116 = tpu.vector_load %arg8[%swap3A_115] {strides = array<i32>} : memref<2560xi32, #tpu.memory_space<vmem>>, vector<16xi32>,
      %swap3A_117 = vector.shape_cast %swap3A_116 : vector<16xi32> to vector<16xi32>
      %swap3A_118 = vector.shape_cast %add3A_106 : vector<16xi32> to vector<16xi32>
      tpu.vector_store %arg8[%swap3A_115], %swap3A_118 {strides = array<i32>} : memref<2560xi32, #tpu.memory_space<vmem>>, vector<16xi32>,
      %add3A_119 = arith.constant 128 : i32
      %add3A_120 = vector.broadcast %add3A_119 : i32 to vector<16xi32>
      %add3A_121 = arith.addi %get3A_103, %add3A_120 : vector<16xi32>
      %mul3A_122 = arith.constant 4 : i32
      %mul3A_123 = arith.muli %scan3A_37, %mul3A_122 : i32
      %add3A_124 = arith.constant 1 : i32
      %add3A_125 = arith.addi %mul3A_123, %add3A_124 : i32
      %mul3A_126 = arith.constant 128 : i32
      %mul3A_127 = arith.muli %add3A_125, %mul3A_126 : i32
      %add3A_128 = arith.constant 16 : i32
      %add3A_129 = arith.addi %mul3A_127, %add3A_128 : i32
      %swap3A_130 = arith.index_cast %add3A_129 : i32 to index
      %swap3A_131 = tpu.vector_load %arg8[%swap3A_130] {strides = array<i32>} : memref<2560xi32, #tpu.memory_space<vmem>>, vector<16xi32>,
      %swap3A_132 = vector.shape_cast %swap3A_131 : vector<16xi32> to vector<16xi32>
      %swap3A_133 = vector.shape_cast %add3A_121 : vector<16xi32> to vector<16xi32>
      tpu.vector_store %arg8[%swap3A_130], %swap3A_133 {strides = array<i32>} : memref<2560xi32, #tpu.memory_space<vmem>>, vector<16xi32>,
      %add3A_134 = arith.constant 16384 : i32
      %add3A_135 = vector.broadcast %add3A_134 : i32 to vector<16xi32>
      %add3A_136 = arith.addi %get3A_103, %add3A_135 : vector<16xi32>
      %mul3A_137 = arith.constant 4 : i32
      %mul3A_138 = arith.muli %scan3A_37, %mul3A_137 : i32
      %add3A_139 = arith.constant 2 : i32
      %add3A_140 = arith.addi %mul3A_138, %add3A_139 : i32
      %mul3A_141 = arith.constant 128 : i32
      %mul3A_142 = arith.muli %add3A_140, %mul3A_141 : i32
      %add3A_143 = arith.constant 16 : i32
      %add3A_144 = arith.addi %mul3A_142, %add3A_143 : i32
      %swap3A_145 = arith.index_cast %add3A_144 : i32 to index
      %swap3A_146 = tpu.vector_load %arg8[%swap3A_145] {strides = array<i32>} : memref<2560xi32, #tpu.memory_space<vmem>>, vector<16xi32>,
      %swap3A_147 = vector.shape_cast %swap3A_146 : vector<16xi32> to vector<16xi32>
      %swap3A_148 = vector.shape_cast %add3A_136 : vector<16xi32> to vector<16xi32>
      tpu.vector_store %arg8[%swap3A_145], %swap3A_148 {strides = array<i32>} : memref<2560xi32, #tpu.memory_space<vmem>>, vector<16xi32>,
      %add3A_149 = arith.constant 16512 : i32
      %add3A_150 = vector.broadcast %add3A_149 : i32 to vector<16xi32>
      %add3A_151 = arith.addi %get3A_103, %add3A_150 : vector<16xi32>
      %mul3A_152 = arith.constant 4 : i32
      %mul3A_153 = arith.muli %scan3A_37, %mul3A_152 : i32
      %add3A_154 = arith.constant 3 : i32
      %add3A_155 = arith.addi %mul3A_153, %add3A_154 : i32
      %mul3A_156 = arith.constant 128 : i32
      %mul3A_157 = arith.muli %add3A_155, %mul3A_156 : i32
      %add3A_158 = arith.constant 16 : i32
      %add3A_159 = arith.addi %mul3A_157, %add3A_158 : i32
      %swap3A_160 = arith.index_cast %add3A_159 : i32 to index
      %swap3A_161 = tpu.vector_load %arg8[%swap3A_160] {strides = array<i32>} : memref<2560xi32, #tpu.memory_space<vmem>>, vector<16xi32>,
      %swap3A_162 = vector.shape_cast %swap3A_161 : vector<16xi32> to vector<16xi32>
      %swap3A_163 = vector.shape_cast %add3A_151 : vector<16xi32> to vector<16xi32>
      tpu.vector_store %arg8[%swap3A_160], %swap3A_163 {strides = array<i32>} : memref<2560xi32, #tpu.memory_space<vmem>>, vector<16xi32>,
      %get3A_164 = arith.index_cast %scan3A_37 : i32 to index
      %get3A_165 = arith.constant 32 : index
      %get3A_166 = tpu.vector_load %arg6[%get3A_164, %get3A_165] {strides = array<i32>} : memref<5x128xi32, #tpu.memory_space<vmem>>, vector<1x16xi32>,
      %get3A_167 = vector.shape_cast %get3A_166 : vector<1x16xi32> to vector<16xi32>
      %add3A_168 = arith.constant 0 : i32
      %add3A_169 = vector.broadcast %add3A_168 : i32 to vector<16xi32>
      %add3A_170 = arith.addi %get3A_167, %add3A_169 : vector<16xi32>
      %mul3A_171 = arith.constant 4 : i32
      %mul3A_172 = arith.muli %scan3A_37, %mul3A_171 : i32
      %add3A_173 = arith.constant 0 : i32
      %add3A_174 = arith.addi %mul3A_172, %add3A_173 : i32
      %mul3A_175 = arith.constant 128 : i32
      %mul3A_176 = arith.muli %add3A_174, %mul3A_175 : i32
      %add3A_177 = arith.constant 32 : i32
      %add3A_178 = arith.addi %mul3A_176, %add3A_177 : i32
      %swap3A_179 = arith.index_cast %add3A_178 : i32 to index
      %swap3A_180 = tpu.vector_load %arg8[%swap3A_179] {strides = array<i32>} : memref<2560xi32, #tpu.memory_space<vmem>>, vector<16xi32>,
      %swap3A_181 = vector.shape_cast %swap3A_180 : vector<16xi32> to vector<16xi32>
      %swap3A_182 = vector.shape_cast %add3A_170 : vector<16xi32> to vector<16xi32>
      tpu.vector_store %arg8[%swap3A_179], %swap3A_182 {strides = array<i32>} : memref<2560xi32, #tpu.memory_space<vmem>>, vector<16xi32>,
      %add3A_183 = arith.constant 128 : i32
      %add3A_184 = vector.broadcast %add3A_183 : i32 to vector<16xi32>
      %add3A_185 = arith.addi %get3A_167, %add3A_184 : vector<16xi32>
      %mul3A_186 = arith.constant 4 : i32
      %mul3A_187 = arith.muli %scan3A_37, %mul3A_186 : i32
      %add3A_188 = arith.constant 1 : i32
      %add3A_189 = arith.addi %mul3A_187, %add3A_188 : i32
      %mul3A_190 = arith.constant 128 : i32
      %mul3A_191 = arith.muli %add3A_189, %mul3A_190 : i32
      %add3A_192 = arith.constant 32 : i32
      %add3A_193 = arith.addi %mul3A_191, %add3A_192 : i32
      %swap3A_194 = arith.index_cast %add3A_193 : i32 to index
      %swap3A_195 = tpu.vector_load %arg8[%swap3A_194] {strides = array<i32>} : memref<2560xi32, #tpu.memory_space<vmem>>, vector<16xi32>,
      %swap3A_196 = vector.shape_cast %swap3A_195 : vector<16xi32> to vector<16xi32>
      %swap3A_197 = vector.shape_cast %add3A_185 : vector<16xi32> to vector<16xi32>
      tpu.vector_store %arg8[%swap3A_194], %swap3A_197 {strides = array<i32>} : memref<2560xi32, #tpu.memory_space<vmem>>, vector<16xi32>,
      %add3A_198 = arith.constant 16384 : i32
      %add3A_199 = vector.broadcast %add3A_198 : i32 to vector<16xi32>
      %add3A_200 = arith.addi %get3A_167, %add3A_199 : vector<16xi32>
      %mul3A_201 = arith.constant 4 : i32
      %mul3A_202 = arith.muli %scan3A_37, %mul3A_201 : i32
      %add3A_203 = arith.constant 2 : i32
      %add3A_204 = arith.addi %mul3A_202, %add3A_203 : i32
      %mul3A_205 = arith.constant 128 : i32
      %mul3A_206 = arith.muli %add3A_204, %mul3A_205 : i32
      %add3A_207 = arith.constant 32 : i32
      %add3A_208 = arith.addi %mul3A_206, %add3A_207 : i32
      %swap3A_209 = arith.index_cast %add3A_208 : i32 to index
      %swap3A_210 = tpu.vector_load %arg8[%swap3A_209] {strides = array<i32>} : memref<2560xi32, #tpu.memory_space<vmem>>, vector<16xi32>,
      %swap3A_211 = vector.shape_cast %swap3A_210 : vector<16xi32> to vector<16xi32>
      %swap3A_212 = vector.shape_cast %add3A_200 : vector<16xi32> to vector<16xi32>
      tpu.vector_store %arg8[%swap3A_209], %swap3A_212 {strides = array<i32>} : memref<2560xi32, #tpu.memory_space<vmem>>, vector<16xi32>,
      %add3A_213 = arith.constant 16512 : i32
      %add3A_214 = vector.broadcast %add3A_213 : i32 to vector<16xi32>
      %add3A_215 = arith.addi %get3A_167, %add3A_214 : vector<16xi32>
      %mul3A_216 = arith.constant 4 : i32
      %mul3A_217 = arith.muli %scan3A_37, %mul3A_216 : i32
      %add3A_218 = arith.constant 3 : i32
      %add3A_219 = arith.addi %mul3A_217, %add3A_218 : i32
      %mul3A_220 = arith.constant 128 : i32
      %mul3A_221 = arith.muli %add3A_219, %mul3A_220 : i32
      %add3A_222 = arith.constant 32 : i32
      %add3A_223 = arith.addi %mul3A_221, %add3A_222 : i32
      %swap3A_224 = arith.index_cast %add3A_223 : i32 to index
      %swap3A_225 = tpu.vector_load %arg8[%swap3A_224] {strides = array<i32>} : memref<2560xi32, #tpu.memory_space<vmem>>, vector<16xi32>,
      %swap3A_226 = vector.shape_cast %swap3A_225 : vector<16xi32> to vector<16xi32>
      %swap3A_227 = vector.shape_cast %add3A_215 : vector<16xi32> to vector<16xi32>
      tpu.vector_store %arg8[%swap3A_224], %swap3A_227 {strides = array<i32>} : memref<2560xi32, #tpu.memory_space<vmem>>, vector<16xi32>,
      %get3A_228 = arith.index_cast %scan3A_37 : i32 to index
      %get3A_229 = arith.constant 48 : index
      %get3A_230 = tpu.vector_load %arg6[%get3A_228, %get3A_229] {strides = array<i32>} : memref<5x128xi32, #tpu.memory_space<vmem>>, vector<1x16xi32>,
      %get3A_231 = vector.shape_cast %get3A_230 : vector<1x16xi32> to vector<16xi32>
      %add3A_232 = arith.constant 0 : i32
      %add3A_233 = vector.broadcast %add3A_232 : i32 to vector<16xi32>
      %add3A_234 = arith.addi %get3A_231, %add3A_233 : vector<16xi32>
      %mul3A_235 = arith.constant 4 : i32
      %mul3A_236 = arith.muli %scan3A_37, %mul3A_235 : i32
      %add3A_237 = arith.constant 0 : i32
      %add3A_238 = arith.addi %mul3A_236, %add3A_237 : i32
      %mul3A_239 = arith.constant 128 : i32
      %mul3A_240 = arith.muli %add3A_238, %mul3A_239 : i32
      %add3A_241 = arith.constant 48 : i32
      %add3A_242 = arith.addi %mul3A_240, %add3A_241 : i32
      %swap3A_243 = arith.index_cast %add3A_242 : i32 to index
      %swap3A_244 = tpu.vector_load %arg8[%swap3A_243] {strides = array<i32>} : memref<2560xi32, #tpu.memory_space<vmem>>, vector<16xi32>,
      %swap3A_245 = vector.shape_cast %swap3A_244 : vector<16xi32> to vector<16xi32>
      %swap3A_246 = vector.shape_cast %add3A_234 : vector<16xi32> to vector<16xi32>
      tpu.vector_store %arg8[%swap3A_243], %swap3A_246 {strides = array<i32>} : memref<2560xi32, #tpu.memory_space<vmem>>, vector<16xi32>,
      %add3A_247 = arith.constant 128 : i32
      %add3A_248 = vector.broadcast %add3A_247 : i32 to vector<16xi32>
      %add3A_249 = arith.addi %get3A_231, %add3A_248 : vector<16xi32>
      %mul3A_250 = arith.constant 4 : i32
      %mul3A_251 = arith.muli %scan3A_37, %mul3A_250 : i32
      %add3A_252 = arith.constant 1 : i32
      %add3A_253 = arith.addi %mul3A_251, %add3A_252 : i32
      %mul3A_254 = arith.constant 128 : i32
      %mul3A_255 = arith.muli %add3A_253, %mul3A_254 : i32
      %add3A_256 = arith.constant 48 : i32
      %add3A_257 = arith.addi %mul3A_255, %add3A_256 : i32
      %swap3A_258 = arith.index_cast %add3A_257 : i32 to index
      %swap3A_259 = tpu.vector_load %arg8[%swap3A_258] {strides = array<i32>} : memref<2560xi32, #tpu.memory_space<vmem>>, vector<16xi32>,
      %swap3A_260 = vector.shape_cast %swap3A_259 : vector<16xi32> to vector<16xi32>
      %swap3A_261 = vector.shape_cast %add3A_249 : vector<16xi32> to vector<16xi32>
      tpu.vector_store %arg8[%swap3A_258], %swap3A_261 {strides = array<i32>} : memref<2560xi32, #tpu.memory_space<vmem>>, vector<16xi32>,
      %add3A_262 = arith.constant 16384 : i32
      %add3A_263 = vector.broadcast %add3A_262 : i32 to vector<16xi32>
      %add3A_264 = arith.addi %get3A_231, %add3A_263 : vector<16xi32>
      %mul3A_265 = arith.constant 4 : i32
      %mul3A_266 = arith.muli %scan3A_37, %mul3A_265 : i32
      %add3A_267 = arith.constant 2 : i32
      %add3A_268 = arith.addi %mul3A_266, %add3A_267 : i32
      %mul3A_269 = arith.constant 128 : i32
      %mul3A_270 = arith.muli %add3A_268, %mul3A_269 : i32
      %add3A_271 = arith.constant 48 : i32
      %add3A_272 = arith.addi %mul3A_270, %add3A_271 : i32
      %swap3A_273 = arith.index_cast %add3A_272 : i32 to index
      %swap3A_274 = tpu.vector_load %arg8[%swap3A_273] {strides = array<i32>} : memref<2560xi32, #tpu.memory_space<vmem>>, vector<16xi32>,
      %swap3A_275 = vector.shape_cast %swap3A_274 : vector<16xi32> to vector<16xi32>
      %swap3A_276 = vector.shape_cast %add3A_264 : vector<16xi32> to vector<16xi32>
      tpu.vector_store %arg8[%swap3A_273], %swap3A_276 {strides = array<i32>} : memref<2560xi32, #tpu.memory_space<vmem>>, vector<16xi32>,
      %add3A_277 = arith.constant 16512 : i32
      %add3A_278 = vector.broadcast %add3A_277 : i32 to vector<16xi32>
      %add3A_279 = arith.addi %get3A_231, %add3A_278 : vector<16xi32>
      %mul3A_280 = arith.constant 4 : i32
      %mul3A_281 = arith.muli %scan3A_37, %mul3A_280 : i32
      %add3A_282 = arith.constant 3 : i32
      %add3A_283 = arith.addi %mul3A_281, %add3A_282 : i32
      %mul3A_284 = arith.constant 128 : i32
      %mul3A_285 = arith.muli %add3A_283, %mul3A_284 : i32
      %add3A_286 = arith.constant 48 : i32
      %add3A_287 = arith.addi %mul3A_285, %add3A_286 : i32
      %swap3A_288 = arith.index_cast %add3A_287 : i32 to index
      %swap3A_289 = tpu.vector_load %arg8[%swap3A_288] {strides = array<i32>} : memref<2560xi32, #tpu.memory_space<vmem>>, vector<16xi32>,
      %swap3A_290 = vector.shape_cast %swap3A_289 : vector<16xi32> to vector<16xi32>
      %swap3A_291 = vector.shape_cast %add3A_279 : vector<16xi32> to vector<16xi32>
      tpu.vector_store %arg8[%swap3A_288], %swap3A_291 {strides = array<i32>} : memref<2560xi32, #tpu.memory_space<vmem>>, vector<16xi32>,
      %get3A_292 = arith.index_cast %scan3A_37 : i32 to index
      %get3A_293 = arith.constant 64 : index
      %get3A_294 = tpu.vector_load %arg6[%get3A_292, %get3A_293] {strides = array<i32>} : memref<5x128xi32, #tpu.memory_space<vmem>>, vector<1x16xi32>,
      %get3A_295 = vector.shape_cast %get3A_294 : vector<1x16xi32> to vector<16xi32>
      %add3A_296 = arith.constant 0 : i32
      %add3A_297 = vector.broadcast %add3A_296 : i32 to vector<16xi32>
      %add3A_298 = arith.addi %get3A_295, %add3A_297 : vector<16xi32>
      %mul3A_299 = arith.constant 4 : i32
      %mul3A_300 = arith.muli %scan3A_37, %mul3A_299 : i32
      %add3A_301 = arith.constant 0 : i32
      %add3A_302 = arith.addi %mul3A_300, %add3A_301 : i32
      %mul3A_303 = arith.constant 128 : i32
      %mul3A_304 = arith.muli %add3A_302, %mul3A_303 : i32
      %add3A_305 = arith.constant 64 : i32
      %add3A_306 = arith.addi %mul3A_304, %add3A_305 : i32
      %swap3A_307 = arith.index_cast %add3A_306 : i32 to index
      %swap3A_308 = tpu.vector_load %arg8[%swap3A_307] {strides = array<i32>} : memref<2560xi32, #tpu.memory_space<vmem>>, vector<16xi32>,
      %swap3A_309 = vector.shape_cast %swap3A_308 : vector<16xi32> to vector<16xi32>
      %swap3A_310 = vector.shape_cast %add3A_298 : vector<16xi32> to vector<16xi32>
      tpu.vector_store %arg8[%swap3A_307], %swap3A_310 {strides = array<i32>} : memref<2560xi32, #tpu.memory_space<vmem>>, vector<16xi32>,
      %add3A_311 = arith.constant 128 : i32
      %add3A_312 = vector.broadcast %add3A_311 : i32 to vector<16xi32>
      %add3A_313 = arith.addi %get3A_295, %add3A_312 : vector<16xi32>
      %mul3A_314 = arith.constant 4 : i32
      %mul3A_315 = arith.muli %scan3A_37, %mul3A_314 : i32
      %add3A_316 = arith.constant 1 : i32
      %add3A_317 = arith.addi %mul3A_315, %add3A_316 : i32
      %mul3A_318 = arith.constant 128 : i32
      %mul3A_319 = arith.muli %add3A_317, %mul3A_318 : i32
      %add3A_320 = arith.constant 64 : i32
      %add3A_321 = arith.addi %mul3A_319, %add3A_320 : i32
      %swap3A_322 = arith.index_cast %add3A_321 : i32 to index
      %swap3A_323 = tpu.vector_load %arg8[%swap3A_322] {strides = array<i32>} : memref<2560xi32, #tpu.memory_space<vmem>>, vector<16xi32>,
      %swap3A_324 = vector.shape_cast %swap3A_323 : vector<16xi32> to vector<16xi32>
      %swap3A_325 = vector.shape_cast %add3A_313 : vector<16xi32> to vector<16xi32>
      tpu.vector_store %arg8[%swap3A_322], %swap3A_325 {strides = array<i32>} : memref<2560xi32, #tpu.memory_space<vmem>>, vector<16xi32>,
      %add3A_326 = arith.constant 16384 : i32
      %add3A_327 = vector.broadcast %add3A_326 : i32 to vector<16xi32>
      %add3A_328 = arith.addi %get3A_295, %add3A_327 : vector<16xi32>
      %mul3A_329 = arith.constant 4 : i32
      %mul3A_330 = arith.muli %scan3A_37, %mul3A_329 : i32
      %add3A_331 = arith.constant 2 : i32
      %add3A_332 = arith.addi %mul3A_330, %add3A_331 : i32
      %mul3A_333 = arith.constant 128 : i32
      %mul3A_334 = arith.muli %add3A_332, %mul3A_333 : i32
      %add3A_335 = arith.constant 64 : i32
      %add3A_336 = arith.addi %mul3A_334, %add3A_335 : i32
      %swap3A_337 = arith.index_cast %add3A_336 : i32 to index
      %swap3A_338 = tpu.vector_load %arg8[%swap3A_337] {strides = array<i32>} : memref<2560xi32, #tpu.memory_space<vmem>>, vector<16xi32>,
      %swap3A_339 = vector.shape_cast %swap3A_338 : vector<16xi32> to vector<16xi32>
      %swap3A_340 = vector.shape_cast %add3A_328 : vector<16xi32> to vector<16xi32>
      tpu.vector_store %arg8[%swap3A_337], %swap3A_340 {strides = array<i32>} : memref<2560xi32, #tpu.memory_space<vmem>>, vector<16xi32>,
      %add3A_341 = arith.constant 16512 : i32
      %add3A_342 = vector.broadcast %add3A_341 : i32 to vector<16xi32>
      %add3A_343 = arith.addi %get3A_295, %add3A_342 : vector<16xi32>
      %mul3A_344 = arith.constant 4 : i32
      %mul3A_345 = arith.muli %scan3A_37, %mul3A_344 : i32
      %add3A_346 = arith.constant 3 : i32
      %add3A_347 = arith.addi %mul3A_345, %add3A_346 : i32
      %mul3A_348 = arith.constant 128 : i32
      %mul3A_349 = arith.muli %add3A_347, %mul3A_348 : i32
      %add3A_350 = arith.constant 64 : i32
      %add3A_351 = arith.addi %mul3A_349, %add3A_350 : i32
      %swap3A_352 = arith.index_cast %add3A_351 : i32 to index
      %swap3A_353 = tpu.vector_load %arg8[%swap3A_352] {strides = array<i32>} : memref<2560xi32, #tpu.memory_space<vmem>>, vector<16xi32>,
      %swap3A_354 = vector.shape_cast %swap3A_353 : vector<16xi32> to vector<16xi32>
      %swap3A_355 = vector.shape_cast %add3A_343 : vector<16xi32> to vector<16xi32>
      tpu.vector_store %arg8[%swap3A_352], %swap3A_355 {strides = array<i32>} : memref<2560xi32, #tpu.memory_space<vmem>>, vector<16xi32>,
      %get3A_356 = arith.index_cast %scan3A_37 : i32 to index
      %get3A_357 = arith.constant 80 : index
      %get3A_358 = tpu.vector_load %arg6[%get3A_356, %get3A_357] {strides = array<i32>} : memref<5x128xi32, #tpu.memory_space<vmem>>, vector<1x16xi32>,
      %get3A_359 = vector.shape_cast %get3A_358 : vector<1x16xi32> to vector<16xi32>
      %add3A_360 = arith.constant 0 : i32
      %add3A_361 = vector.broadcast %add3A_360 : i32 to vector<16xi32>
      %add3A_362 = arith.addi %get3A_359, %add3A_361 : vector<16xi32>
      %mul3A_363 = arith.constant 4 : i32
      %mul3A_364 = arith.muli %scan3A_37, %mul3A_363 : i32
      %add3A_365 = arith.constant 0 : i32
      %add3A_366 = arith.addi %mul3A_364, %add3A_365 : i32
      %mul3A_367 = arith.constant 128 : i32
      %mul3A_368 = arith.muli %add3A_366, %mul3A_367 : i32
      %add3A_369 = arith.constant 80 : i32
      %add3A_370 = arith.addi %mul3A_368, %add3A_369 : i32
      %swap3A_371 = arith.index_cast %add3A_370 : i32 to index
      %swap3A_372 = tpu.vector_load %arg8[%swap3A_371] {strides = array<i32>} : memref<2560xi32, #tpu.memory_space<vmem>>, vector<16xi32>,
      %swap3A_373 = vector.shape_cast %swap3A_372 : vector<16xi32> to vector<16xi32>
      %swap3A_374 = vector.shape_cast %add3A_362 : vector<16xi32> to vector<16xi32>
      tpu.vector_store %arg8[%swap3A_371], %swap3A_374 {strides = array<i32>} : memref<2560xi32, #tpu.memory_space<vmem>>, vector<16xi32>,
      %add3A_375 = arith.constant 128 : i32
      %add3A_376 = vector.broadcast %add3A_375 : i32 to vector<16xi32>
      %add3A_377 = arith.addi %get3A_359, %add3A_376 : vector<16xi32>
      %mul3A_378 = arith.constant 4 : i32
      %mul3A_379 = arith.muli %scan3A_37, %mul3A_378 : i32
      %add3A_380 = arith.constant 1 : i32
      %add3A_381 = arith.addi %mul3A_379, %add3A_380 : i32
      %mul3A_382 = arith.constant 128 : i32
      %mul3A_383 = arith.muli %add3A_381, %mul3A_382 : i32
      %add3A_384 = arith.constant 80 : i32
      %add3A_385 = arith.addi %mul3A_383, %add3A_384 : i32
      %swap3A_386 = arith.index_cast %add3A_385 : i32 to index
      %swap3A_387 = tpu.vector_load %arg8[%swap3A_386] {strides = array<i32>} : memref<2560xi32, #tpu.memory_space<vmem>>, vector<16xi32>,
      %swap3A_388 = vector.shape_cast %swap3A_387 : vector<16xi32> to vector<16xi32>
      %swap3A_389 = vector.shape_cast %add3A_377 : vector<16xi32> to vector<16xi32>
      tpu.vector_store %arg8[%swap3A_386], %swap3A_389 {strides = array<i32>} : memref<2560xi32, #tpu.memory_space<vmem>>, vector<16xi32>,
      %add3A_390 = arith.constant 16384 : i32
      %add3A_391 = vector.broadcast %add3A_390 : i32 to vector<16xi32>
      %add3A_392 = arith.addi %get3A_359, %add3A_391 : vector<16xi32>
      %mul3A_393 = arith.constant 4 : i32
      %mul3A_394 = arith.muli %scan3A_37, %mul3A_393 : i32
      %add3A_395 = arith.constant 2 : i32
      %add3A_396 = arith.addi %mul3A_394, %add3A_395 : i32
      %mul3A_397 = arith.constant 128 : i32
      %mul3A_398 = arith.muli %add3A_396, %mul3A_397 : i32
      %add3A_399 = arith.constant 80 : i32
      %add3A_400 = arith.addi %mul3A_398, %add3A_399 : i32
      %swap3A_401 = arith.index_cast %add3A_400 : i32 to index
      %swap3A_402 = tpu.vector_load %arg8[%swap3A_401] {strides = array<i32>} : memref<2560xi32, #tpu.memory_space<vmem>>, vector<16xi32>,
      %swap3A_403 = vector.shape_cast %swap3A_402 : vector<16xi32> to vector<16xi32>
      %swap3A_404 = vector.shape_cast %add3A_392 : vector<16xi32> to vector<16xi32>
      tpu.vector_store %arg8[%swap3A_401], %swap3A_404 {strides = array<i32>} : memref<2560xi32, #tpu.memory_space<vmem>>, vector<16xi32>,
      %add3A_405 = arith.constant 16512 : i32
      %add3A_406 = vector.broadcast %add3A_405 : i32 to vector<16xi32>
      %add3A_407 = arith.addi %get3A_359, %add3A_406 : vector<16xi32>
      %mul3A_408 = arith.constant 4 : i32
      %mul3A_409 = arith.muli %scan3A_37, %mul3A_408 : i32
      %add3A_410 = arith.constant 3 : i32
      %add3A_411 = arith.addi %mul3A_409, %add3A_410 : i32
      %mul3A_412 = arith.constant 128 : i32
      %mul3A_413 = arith.muli %add3A_411, %mul3A_412 : i32
      %add3A_414 = arith.constant 80 : i32
      %add3A_415 = arith.addi %mul3A_413, %add3A_414 : i32
      %swap3A_416 = arith.index_cast %add3A_415 : i32 to index
      %swap3A_417 = tpu.vector_load %arg8[%swap3A_416] {strides = array<i32>} : memref<2560xi32, #tpu.memory_space<vmem>>, vector<16xi32>,
      %swap3A_418 = vector.shape_cast %swap3A_417 : vector<16xi32> to vector<16xi32>
      %swap3A_419 = vector.shape_cast %add3A_407 : vector<16xi32> to vector<16xi32>
      tpu.vector_store %arg8[%swap3A_416], %swap3A_419 {strides = array<i32>} : memref<2560xi32, #tpu.memory_space<vmem>>, vector<16xi32>,
      %get3A_420 = arith.index_cast %scan3A_37 : i32 to index
      %get3A_421 = arith.constant 96 : index
      %get3A_422 = tpu.vector_load %arg6[%get3A_420, %get3A_421] {strides = array<i32>} : memref<5x128xi32, #tpu.memory_space<vmem>>, vector<1x16xi32>,
      %get3A_423 = vector.shape_cast %get3A_422 : vector<1x16xi32> to vector<16xi32>
      %add3A_424 = arith.constant 0 : i32
      %add3A_425 = vector.broadcast %add3A_424 : i32 to vector<16xi32>
      %add3A_426 = arith.addi %get3A_423, %add3A_425 : vector<16xi32>
      %mul3A_427 = arith.constant 4 : i32
      %mul3A_428 = arith.muli %scan3A_37, %mul3A_427 : i32
      %add3A_429 = arith.constant 0 : i32
      %add3A_430 = arith.addi %mul3A_428, %add3A_429 : i32
      %mul3A_431 = arith.constant 128 : i32
      %mul3A_432 = arith.muli %add3A_430, %mul3A_431 : i32
      %add3A_433 = arith.constant 96 : i32
      %add3A_434 = arith.addi %mul3A_432, %add3A_433 : i32
      %swap3A_435 = arith.index_cast %add3A_434 : i32 to index
      %swap3A_436 = tpu.vector_load %arg8[%swap3A_435] {strides = array<i32>} : memref<2560xi32, #tpu.memory_space<vmem>>, vector<16xi32>,
      %swap3A_437 = vector.shape_cast %swap3A_436 : vector<16xi32> to vector<16xi32>
      %swap3A_438 = vector.shape_cast %add3A_426 : vector<16xi32> to vector<16xi32>
      tpu.vector_store %arg8[%swap3A_435], %swap3A_438 {strides = array<i32>} : memref<2560xi32, #tpu.memory_space<vmem>>, vector<16xi32>,
      %add3A_439 = arith.constant 128 : i32
      %add3A_440 = vector.broadcast %add3A_439 : i32 to vector<16xi32>
      %add3A_441 = arith.addi %get3A_423, %add3A_440 : vector<16xi32>
      %mul3A_442 = arith.constant 4 : i32
      %mul3A_443 = arith.muli %scan3A_37, %mul3A_442 : i32
      %add3A_444 = arith.constant 1 : i32
      %add3A_445 = arith.addi %mul3A_443, %add3A_444 : i32
      %mul3A_446 = arith.constant 128 : i32
      %mul3A_447 = arith.muli %add3A_445, %mul3A_446 : i32
      %add3A_448 = arith.constant 96 : i32
      %add3A_449 = arith.addi %mul3A_447, %add3A_448 : i32
      %swap3A_450 = arith.index_cast %add3A_449 : i32 to index
      %swap3A_451 = tpu.vector_load %arg8[%swap3A_450] {strides = array<i32>} : memref<2560xi32, #tpu.memory_space<vmem>>, vector<16xi32>,
      %swap3A_452 = vector.shape_cast %swap3A_451 : vector<16xi32> to vector<16xi32>
      %swap3A_453 = vector.shape_cast %add3A_441 : vector<16xi32> to vector<16xi32>
      tpu.vector_store %arg8[%swap3A_450], %swap3A_453 {strides = array<i32>} : memref<2560xi32, #tpu.memory_space<vmem>>, vector<16xi32>,
      %add3A_454 = arith.constant 16384 : i32
      %add3A_455 = vector.broadcast %add3A_454 : i32 to vector<16xi32>
      %add3A_456 = arith.addi %get3A_423, %add3A_455 : vector<16xi32>
      %mul3A_457 = arith.constant 4 : i32
      %mul3A_458 = arith.muli %scan3A_37, %mul3A_457 : i32
      %add3A_459 = arith.constant 2 : i32
      %add3A_460 = arith.addi %mul3A_458, %add3A_459 : i32
      %mul3A_461 = arith.constant 128 : i32
      %mul3A_462 = arith.muli %add3A_460, %mul3A_461 : i32
      %add3A_463 = arith.constant 96 : i32
      %add3A_464 = arith.addi %mul3A_462, %add3A_463 : i32
      %swap3A_465 = arith.index_cast %add3A_464 : i32 to index
      %swap3A_466 = tpu.vector_load %arg8[%swap3A_465] {strides = array<i32>} : memref<2560xi32, #tpu.memory_space<vmem>>, vector<16xi32>,
      %swap3A_467 = vector.shape_cast %swap3A_466 : vector<16xi32> to vector<16xi32>
      %swap3A_468 = vector.shape_cast %add3A_456 : vector<16xi32> to vector<16xi32>
      tpu.vector_store %arg8[%swap3A_465], %swap3A_468 {strides = array<i32>} : memref<2560xi32, #tpu.memory_space<vmem>>, vector<16xi32>,
      %add3A_469 = arith.constant 16512 : i32
      %add3A_470 = vector.broadcast %add3A_469 : i32 to vector<16xi32>
      %add3A_471 = arith.addi %get3A_423, %add3A_470 : vector<16xi32>
      %mul3A_472 = arith.constant 4 : i32
      %mul3A_473 = arith.muli %scan3A_37, %mul3A_472 : i32
      %add3A_474 = arith.constant 3 : i32
      %add3A_475 = arith.addi %mul3A_473, %add3A_474 : i32
      %mul3A_476 = arith.constant 128 : i32
      %mul3A_477 = arith.muli %add3A_475, %mul3A_476 : i32
      %add3A_478 = arith.constant 96 : i32
      %add3A_479 = arith.addi %mul3A_477, %add3A_478 : i32
      %swap3A_480 = arith.index_cast %add3A_479 : i32 to index
      %swap3A_481 = tpu.vector_load %arg8[%swap3A_480] {strides = array<i32>} : memref<2560xi32, #tpu.memory_space<vmem>>, vector<16xi32>,
      %swap3A_482 = vector.shape_cast %swap3A_481 : vector<16xi32> to vector<16xi32>
      %swap3A_483 = vector.shape_cast %add3A_471 : vector<16xi32> to vector<16xi32>
      tpu.vector_store %arg8[%swap3A_480], %swap3A_483 {strides = array<i32>} : memref<2560xi32, #tpu.memory_space<vmem>>, vector<16xi32>,
      %get3A_484 = arith.index_cast %scan3A_37 : i32 to index
      %get3A_485 = arith.constant 112 : index
      %get3A_486 = tpu.vector_load %arg6[%get3A_484, %get3A_485] {strides = array<i32>} : memref<5x128xi32, #tpu.memory_space<vmem>>, vector<1x16xi32>,
      %get3A_487 = vector.shape_cast %get3A_486 : vector<1x16xi32> to vector<16xi32>
      %add3A_488 = arith.constant 0 : i32
      %add3A_489 = vector.broadcast %add3A_488 : i32 to vector<16xi32>
      %add3A_490 = arith.addi %get3A_487, %add3A_489 : vector<16xi32>
      %mul3A_491 = arith.constant 4 : i32
      %mul3A_492 = arith.muli %scan3A_37, %mul3A_491 : i32
      %add3A_493 = arith.constant 0 : i32
      %add3A_494 = arith.addi %mul3A_492, %add3A_493 : i32
      %mul3A_495 = arith.constant 128 : i32
      %mul3A_496 = arith.muli %add3A_494, %mul3A_495 : i32
      %add3A_497 = arith.constant 112 : i32
      %add3A_498 = arith.addi %mul3A_496, %add3A_497 : i32
      %swap3A_499 = arith.index_cast %add3A_498 : i32 to index
      %swap3A_500 = tpu.vector_load %arg8[%swap3A_499] {strides = array<i32>} : memref<2560xi32, #tpu.memory_space<vmem>>, vector<16xi32>,
      %swap3A_501 = vector.shape_cast %swap3A_500 : vector<16xi32> to vector<16xi32>
      %swap3A_502 = vector.shape_cast %add3A_490 : vector<16xi32> to vector<16xi32>
      tpu.vector_store %arg8[%swap3A_499], %swap3A_502 {strides = array<i32>} : memref<2560xi32, #tpu.memory_space<vmem>>, vector<16xi32>,
      %add3A_503 = arith.constant 128 : i32
      %add3A_504 = vector.broadcast %add3A_503 : i32 to vector<16xi32>
      %add3A_505 = arith.addi %get3A_487, %add3A_504 : vector<16xi32>
      %mul3A_506 = arith.constant 4 : i32
      %mul3A_507 = arith.muli %scan3A_37, %mul3A_506 : i32
      %add3A_508 = arith.constant 1 : i32
      %add3A_509 = arith.addi %mul3A_507, %add3A_508 : i32
      %mul3A_510 = arith.constant 128 : i32
      %mul3A_511 = arith.muli %add3A_509, %mul3A_510 : i32
      %add3A_512 = arith.constant 112 : i32
      %add3A_513 = arith.addi %mul3A_511, %add3A_512 : i32
      %swap3A_514 = arith.index_cast %add3A_513 : i32 to index
      %swap3A_515 = tpu.vector_load %arg8[%swap3A_514] {strides = array<i32>} : memref<2560xi32, #tpu.memory_space<vmem>>, vector<16xi32>,
      %swap3A_516 = vector.shape_cast %swap3A_515 : vector<16xi32> to vector<16xi32>
      %swap3A_517 = vector.shape_cast %add3A_505 : vector<16xi32> to vector<16xi32>
      tpu.vector_store %arg8[%swap3A_514], %swap3A_517 {strides = array<i32>} : memref<2560xi32, #tpu.memory_space<vmem>>, vector<16xi32>,
      %add3A_518 = arith.constant 16384 : i32
      %add3A_519 = vector.broadcast %add3A_518 : i32 to vector<16xi32>
      %add3A_520 = arith.addi %get3A_487, %add3A_519 : vector<16xi32>
      %mul3A_521 = arith.constant 4 : i32
      %mul3A_522 = arith.muli %scan3A_37, %mul3A_521 : i32
      %add3A_523 = arith.constant 2 : i32
      %add3A_524 = arith.addi %mul3A_522, %add3A_523 : i32
      %mul3A_525 = arith.constant 128 : i32
      %mul3A_526 = arith.muli %add3A_524, %mul3A_525 : i32
      %add3A_527 = arith.constant 112 : i32
      %add3A_528 = arith.addi %mul3A_526, %add3A_527 : i32
      %swap3A_529 = arith.index_cast %add3A_528 : i32 to index
      %swap3A_530 = tpu.vector_load %arg8[%swap3A_529] {strides = array<i32>} : memref<2560xi32, #tpu.memory_space<vmem>>, vector<16xi32>,
      %swap3A_531 = vector.shape_cast %swap3A_530 : vector<16xi32> to vector<16xi32>
      %swap3A_532 = vector.shape_cast %add3A_520 : vector<16xi32> to vector<16xi32>
      tpu.vector_store %arg8[%swap3A_529], %swap3A_532 {strides = array<i32>} : memref<2560xi32, #tpu.memory_space<vmem>>, vector<16xi32>,
      %add3A_533 = arith.constant 16512 : i32
      %add3A_534 = vector.broadcast %add3A_533 : i32 to vector<16xi32>
      %add3A_535 = arith.addi %get3A_487, %add3A_534 : vector<16xi32>
      %mul3A_536 = arith.constant 4 : i32
      %mul3A_537 = arith.muli %scan3A_37, %mul3A_536 : i32
      %add3A_538 = arith.constant 3 : i32
      %add3A_539 = arith.addi %mul3A_537, %add3A_538 : i32
      %mul3A_540 = arith.constant 128 : i32
      %mul3A_541 = arith.muli %add3A_539, %mul3A_540 : i32
      %add3A_542 = arith.constant 112 : i32
      %add3A_543 = arith.addi %mul3A_541, %add3A_542 : i32
      %swap3A_544 = arith.index_cast %add3A_543 : i32 to index
      %swap3A_545 = tpu.vector_load %arg8[%swap3A_544] {strides = array<i32>} : memref<2560xi32, #tpu.memory_space<vmem>>, vector<16xi32>,
      %swap3A_546 = vector.shape_cast %swap3A_545 : vector<16xi32> to vector<16xi32>
      %swap3A_547 = vector.shape_cast %add3A_535 : vector<16xi32> to vector<16xi32>
      tpu.vector_store %arg8[%swap3A_544], %swap3A_547 {strides = array<i32>} : memref<2560xi32, #tpu.memory_space<vmem>>, vector<16xi32>,
    }
    %scan3A_7 = arith.constant 5 : i32
    %dma_start3A = arith.constant 0 : i32
    %dma_start3A_8 = tpu.memref_slice %arg9[%dma_start3A] : memref<2560xi32, #tpu.memory_space<vmem>> -> memref<640xi32, #tpu.memory_space<vmem>>
    %dma_start3A_9 = arith.constant 0 : i32
    %dma_start3A_10 = tpu.memref_slice %arg8[%dma_start3A_9] : memref<2560xi32, #tpu.memory_space<vmem>> -> memref<640xi32, #tpu.memory_space<vmem>>
    %dma_start3A_11 = arith.constant 0 : i32
    %dma_start3A_12 = tpu.memref_slice %arg2[%dma_start3A_11] : memref<2097152xi32, #tpu.memory_space<hbm>> -> memref<2097152xi32, #tpu.memory_space<hbm>>
    tpu.enqueue_indirect_dma source(%dma_start3A_12 : memref<2097152xi32, #tpu.memory_space<hbm>>) target(%dma_start3A_8 : memref<640xi32, #tpu.memory_space<vmem>>) offsets(%dma_start3A_10 : memref<640xi32, #tpu.memory_space<vmem>>) semaphore(%arg15 : memref<!tpu.dma_semaphore, #tpu.memory_space<semaphore_mem>>)
    %dma_start3A_13 = arith.constant 640 : i32
    %dma_start3A_14 = tpu.memref_slice %arg9[%dma_start3A_13] : memref<2560xi32, #tpu.memory_space<vmem>> -> memref<640xi32, #tpu.memory_space<vmem>>
    %dma_start3A_15 = arith.constant 640 : i32
    %dma_start3A_16 = tpu.memref_slice %arg8[%dma_start3A_15] : memref<2560xi32, #tpu.memory_space<vmem>> -> memref<640xi32, #tpu.memory_space<vmem>>
    %dma_start3A_17 = arith.constant 0 : i32
    %dma_start3A_18 = tpu.memref_slice %arg2[%dma_start3A_17] : memref<2097152xi32, #tpu.memory_space<hbm>> -> memref<2097152xi32, #tpu.memory_space<hbm>>
    tpu.enqueue_indirect_dma source(%dma_start3A_18 : memref<2097152xi32, #tpu.memory_space<hbm>>) target(%dma_start3A_14 : memref<640xi32, #tpu.memory_space<vmem>>) offsets(%dma_start3A_16 : memref<640xi32, #tpu.memory_space<vmem>>) semaphore(%arg16 : memref<!tpu.dma_semaphore, #tpu.memory_space<semaphore_mem>>)
    %dma_start3A_19 = arith.constant 1280 : i32
    %dma_start3A_20 = tpu.memref_slice %arg9[%dma_start3A_19] : memref<2560xi32, #tpu.memory_space<vmem>> -> memref<640xi32, #tpu.memory_space<vmem>>
    %dma_start3A_21 = arith.constant 1280 : i32
    %dma_start3A_22 = tpu.memref_slice %arg8[%dma_start3A_21] : memref<2560xi32, #tpu.memory_space<vmem>> -> memref<640xi32, #tpu.memory_space<vmem>>
    %dma_start3A_23 = arith.constant 0 : i32
    %dma_start3A_24 = tpu.memref_slice %arg2[%dma_start3A_23] : memref<2097152xi32, #tpu.memory_space<hbm>> -> memref<2097152xi32, #tpu.memory_space<hbm>>
    tpu.enqueue_indirect_dma source(%dma_start3A_24 : memref<2097152xi32, #tpu.memory_space<hbm>>) target(%dma_start3A_20 : memref<640xi32, #tpu.memory_space<vmem>>) offsets(%dma_start3A_22 : memref<640xi32, #tpu.memory_space<vmem>>) semaphore(%arg17 : memref<!tpu.dma_semaphore, #tpu.memory_space<semaphore_mem>>)
    %dma_start3A_25 = arith.constant 1920 : i32
    %dma_start3A_26 = tpu.memref_slice %arg9[%dma_start3A_25] : memref<2560xi32, #tpu.memory_space<vmem>> -> memref<640xi32, #tpu.memory_space<vmem>>
    %dma_start3A_27 = arith.constant 1920 : i32
    %dma_start3A_28 = tpu.memref_slice %arg8[%dma_start3A_27] : memref<2560xi32, #tpu.memory_space<vmem>> -> memref<640xi32, #tpu.memory_space<vmem>>
    %dma_start3A_29 = arith.constant 0 : i32
    %dma_start3A_30 = tpu.memref_slice %arg2[%dma_start3A_29] : memref<2097152xi32, #tpu.memory_space<hbm>> -> memref<2097152xi32, #tpu.memory_space<hbm>>
    tpu.enqueue_indirect_dma source(%dma_start3A_30 : memref<2097152xi32, #tpu.memory_space<hbm>>) target(%dma_start3A_26 : memref<640xi32, #tpu.memory_space<vmem>>) offsets(%dma_start3A_28 : memref<640xi32, #tpu.memory_space<vmem>>) semaphore(%arg18 : memref<!tpu.dma_semaphore, #tpu.memory_space<semaphore_mem>>)
    %scan3A_31 = arith.constant 0 : i32
    %scan3A_32 = arith.constant 0 : i32
    %scan3A_33 = arith.constant 16 : i32
    %scan3A_34 = arith.addi %scan3A_32, %scan3A_33 : i32
    %scan3A_35 = arith.constant 1 : i32
    scf.for %scan3A_37 = %scan3A_32 to %scan3A_34 step %scan3A_35  : i32 {
      %mul3A_38 = arith.constant 2 : i32
      %mul3A_39 = arith.muli %mul3A_38, %scan3A_37 : i32
      %add3A_40 = arith.addi %mul3A_2, %mul3A_39 : i32
      %add3A_41 = arith.constant 1 : i32
      %add3A_42 = arith.addi %add3A_40, %add3A_41 : i32
      "tpu.region"() ({
        %run_scoped3A = tpu.sem_alloc : memref<!tpu.dma_semaphore, #tpu.memory_space<semaphore_mem>>
        %dma_start3A_314 = arith.constant 0 : i32
        %dma_start3A_315 = arith.constant 0 : i32
        %dma_start3A_316 = tpu.memref_slice %arg3[%add3A_42, %dma_start3A_314, %dma_start3A_315] : memref<1024x5x128xi32, #tpu.memory_space<hbm>> -> memref<1x5x128xi32, #tpu.memory_space<hbm>>
        %dma_start3A_317 = tpu.memref_squeeze %dma_start3A_316 : memref<1x5x128xi32, #tpu.memory_space<hbm>> -> memref<5x128xi32, #tpu.memory_space<hbm>>
        %dma_start3A_318 = arith.constant 0 : i32
        %dma_start3A_319 = arith.constant 0 : i32
        %dma_start3A_320 = tpu.memref_slice %arg3[%add3A_42, %dma_start3A_318, %dma_start3A_319] : memref<1024x5x128xi32, #tpu.memory_space<hbm>> -> memref<1x5x128xi32, #tpu.memory_space<hbm>>
        %dma_start3A_321 = tpu.memref_squeeze %dma_start3A_320 : memref<1x5x128xi32, #tpu.memory_space<hbm>> -> memref<5x128xi32, #tpu.memory_space<hbm>>
        tpu.enqueue_dma source(%dma_start3A_321 : memref<5x128xi32, #tpu.memory_space<hbm>>) target(%arg10 : memref<5x128xi32, #tpu.memory_space<vmem>>) target_semaphore(%run_scoped3A : memref<!tpu.dma_semaphore, #tpu.memory_space<semaphore_mem>>)
        %dma_wait3A_322 = arith.constant 0 : i32
        %dma_wait3A_323 = arith.constant 0 : i32
        %dma_wait3A_324 = tpu.memref_slice %arg3[%add3A_42, %dma_wait3A_322, %dma_wait3A_323] : memref<1024x5x128xi32, #tpu.memory_space<hbm>> -> memref<1x5x128xi32, #tpu.memory_space<hbm>>
        %dma_wait3A_325 = tpu.memref_squeeze %dma_wait3A_324 : memref<1x5x128xi32, #tpu.memory_space<hbm>> -> memref<5x128xi32, #tpu.memory_space<hbm>>
        %dma_wait3A_326 = arith.constant 0 : i32
        %dma_wait3A_327 = arith.constant 0 : i32
        %dma_wait3A_328 = tpu.memref_slice %arg3[%add3A_42, %dma_wait3A_326, %dma_wait3A_327] : memref<1024x5x128xi32, #tpu.memory_space<hbm>> -> memref<1x5x128xi32, #tpu.memory_space<hbm>>
        %dma_wait3A_329 = tpu.memref_squeeze %dma_wait3A_328 : memref<1x5x128xi32, #tpu.memory_space<hbm>> -> memref<5x128xi32, #tpu.memory_space<hbm>>
        tpu.wait_dma2 semaphore(%run_scoped3A : memref<!tpu.dma_semaphore, #tpu.memory_space<semaphore_mem>>) src(%dma_wait3A_329 : memref<5x128xi32, #tpu.memory_space<hbm>>) dst(%arg10 : memref<5x128xi32, #tpu.memory_space<vmem>>)
        tpu.yield
      }) : () -> ()
      "tpu.region"() ({
        %run_scoped3A = tpu.sem_alloc : memref<!tpu.dma_semaphore, #tpu.memory_space<semaphore_mem>>
        %dma_start3A_314 = arith.constant 0 : i32
        %dma_start3A_315 = arith.constant 0 : i32
        %dma_start3A_316 = arith.constant 0 : i32
        %dma_start3A_317 = tpu.memref_slice %arg4[%add3A_42, %dma_start3A_314, %dma_start3A_315, %dma_start3A_316] : memref<1024x5x6x128xf32, #tpu.memory_space<hbm>> -> memref<1x5x6x128xf32, #tpu.memory_space<hbm>>
        %dma_start3A_318 = tpu.memref_squeeze %dma_start3A_317 : memref<1x5x6x128xf32, #tpu.memory_space<hbm>> -> memref<5x6x128xf32, #tpu.memory_space<hbm>>
        %dma_start3A_319 = arith.constant 0 : i32
        %dma_start3A_320 = arith.constant 0 : i32
        %dma_start3A_321 = arith.constant 0 : i32
        %dma_start3A_322 = tpu.memref_slice %arg4[%add3A_42, %dma_start3A_319, %dma_start3A_320, %dma_start3A_321] : memref<1024x5x6x128xf32, #tpu.memory_space<hbm>> -> memref<1x5x6x128xf32, #tpu.memory_space<hbm>>
        %dma_start3A_323 = tpu.memref_squeeze %dma_start3A_322 : memref<1x5x6x128xf32, #tpu.memory_space<hbm>> -> memref<5x6x128xf32, #tpu.memory_space<hbm>>
        tpu.enqueue_dma source(%dma_start3A_323 : memref<5x6x128xf32, #tpu.memory_space<hbm>>) target(%arg11 : memref<5x6x128xf32, #tpu.memory_space<vmem>>) target_semaphore(%run_scoped3A : memref<!tpu.dma_semaphore, #tpu.memory_space<semaphore_mem>>)
        %dma_wait3A_324 = arith.constant 0 : i32
        %dma_wait3A_325 = arith.constant 0 : i32
        %dma_wait3A_326 = arith.constant 0 : i32
        %dma_wait3A_327 = tpu.memref_slice %arg4[%add3A_42, %dma_wait3A_324, %dma_wait3A_325, %dma_wait3A_326] : memref<1024x5x6x128xf32, #tpu.memory_space<hbm>> -> memref<1x5x6x128xf32, #tpu.memory_space<hbm>>
        %dma_wait3A_328 = tpu.memref_squeeze %dma_wait3A_327 : memref<1x5x6x128xf32, #tpu.memory_space<hbm>> -> memref<5x6x128xf32, #tpu.memory_space<hbm>>
        %dma_wait3A_329 = arith.constant 0 : i32
        %dma_wait3A_330 = arith.constant 0 : i32
        %dma_wait3A_331 = arith.constant 0 : i32
        %dma_wait3A_332 = tpu.memref_slice %arg4[%add3A_42, %dma_wait3A_329, %dma_wait3A_330, %dma_wait3A_331] : memref<1024x5x6x128xf32, #tpu.memory_space<hbm>> -> memref<1x5x6x128xf32, #tpu.memory_space<hbm>>
        %dma_wait3A_333 = tpu.memref_squeeze %dma_wait3A_332 : memref<1x5x6x128xf32, #tpu.memory_space<hbm>> -> memref<5x6x128xf32, #tpu.memory_space<hbm>>
        tpu.wait_dma2 semaphore(%run_scoped3A : memref<!tpu.dma_semaphore, #tpu.memory_space<semaphore_mem>>) src(%dma_wait3A_333 : memref<5x6x128xf32, #tpu.memory_space<hbm>>) dst(%arg11 : memref<5x6x128xf32, #tpu.memory_space<vmem>>)
        tpu.yield
      }) : () -> ()
      %scan3A_43 = arith.constant 0 : i32
      %scan3A_44 = arith.constant 0 : i32
      %scan3A_45 = arith.constant 5 : i32
      %scan3A_46 = arith.addi %scan3A_44, %scan3A_45 : i32
      %scan3A_47 = arith.constant 1 : i32
      scf.for %scan3A_314 = %scan3A_44 to %scan3A_46 step %scan3A_47  : i32 {
        %get3A = arith.index_cast %scan3A_314 : i32 to index
        %get3A_315 = arith.constant 0 : index
        %get3A_316 = tpu.vector_load %arg10[%get3A, %get3A_315] {strides = array<i32>} : memref<5x128xi32, #tpu.memory_space<vmem>>, vector<1x16xi32>,
        %get3A_317 = vector.shape_cast %get3A_316 : vector<1x16xi32> to vector<16xi32>
        %add3A_318 = arith.constant 0 : i32
        %add3A_319 = vector.broadcast %add3A_318 : i32 to vector<16xi32>
        %add3A_320 = arith.addi %get3A_317, %add3A_319 : vector<16xi32>
        %mul3A_321 = arith.constant 4 : i32
        %mul3A_322 = arith.muli %scan3A_314, %mul3A_321 : i32
        %add3A_323 = arith.constant 0 : i32
        %add3A_324 = arith.addi %mul3A_322, %add3A_323 : i32
        %mul3A_325 = arith.constant 128 : i32
        %mul3A_326 = arith.muli %add3A_324, %mul3A_325 : i32
        %add3A_327 = arith.constant 0 : i32
        %add3A_328 = arith.addi %mul3A_326, %add3A_327 : i32
        %swap3A_329 = arith.index_cast %add3A_328 : i32 to index
        %swap3A_330 = tpu.vector_load %arg12[%swap3A_329] {strides = array<i32>} : memref<2560xi32, #tpu.memory_space<vmem>>, vector<16xi32>,
        %swap3A_331 = vector.shape_cast %swap3A_330 : vector<16xi32> to vector<16xi32>
        %swap3A_332 = vector.shape_cast %add3A_320 : vector<16xi32> to vector<16xi32>
        tpu.vector_store %arg12[%swap3A_329], %swap3A_332 {strides = array<i32>} : memref<2560xi32, #tpu.memory_space<vmem>>, vector<16xi32>,
        %add3A_333 = arith.constant 128 : i32
        %add3A_334 = vector.broadcast %add3A_333 : i32 to vector<16xi32>
        %add3A_335 = arith.addi %get3A_317, %add3A_334 : vector<16xi32>
        %mul3A_336 = arith.constant 4 : i32
        %mul3A_337 = arith.muli %scan3A_314, %mul3A_336 : i32
        %add3A_338 = arith.constant 1 : i32
        %add3A_339 = arith.addi %mul3A_337, %add3A_338 : i32
        %mul3A_340 = arith.constant 128 : i32
        %mul3A_341 = arith.muli %add3A_339, %mul3A_340 : i32
        %add3A_342 = arith.constant 0 : i32
        %add3A_343 = arith.addi %mul3A_341, %add3A_342 : i32
        %swap3A_344 = arith.index_cast %add3A_343 : i32 to index
        %swap3A_345 = tpu.vector_load %arg12[%swap3A_344] {strides = array<i32>} : memref<2560xi32, #tpu.memory_space<vmem>>, vector<16xi32>,
        %swap3A_346 = vector.shape_cast %swap3A_345 : vector<16xi32> to vector<16xi32>
        %swap3A_347 = vector.shape_cast %add3A_335 : vector<16xi32> to vector<16xi32>
        tpu.vector_store %arg12[%swap3A_344], %swap3A_347 {strides = array<i32>} : memref<2560xi32, #tpu.memory_space<vmem>>, vector<16xi32>,
        %add3A_348 = arith.constant 16384 : i32
        %add3A_349 = vector.broadcast %add3A_348 : i32 to vector<16xi32>
        %add3A_350 = arith.addi %get3A_317, %add3A_349 : vector<16xi32>
        %mul3A_351 = arith.constant 4 : i32
        %mul3A_352 = arith.muli %scan3A_314, %mul3A_351 : i32
        %add3A_353 = arith.constant 2 : i32
        %add3A_354 = arith.addi %mul3A_352, %add3A_353 : i32
        %mul3A_355 = arith.constant 128 : i32
        %mul3A_356 = arith.muli %add3A_354, %mul3A_355 : i32
        %add3A_357 = arith.constant 0 : i32
        %add3A_358 = arith.addi %mul3A_356, %add3A_357 : i32
        %swap3A_359 = arith.index_cast %add3A_358 : i32 to index
        %swap3A_360 = tpu.vector_load %arg12[%swap3A_359] {strides = array<i32>} : memref<2560xi32, #tpu.memory_space<vmem>>, vector<16xi32>,
        %swap3A_361 = vector.shape_cast %swap3A_360 : vector<16xi32> to vector<16xi32>
        %swap3A_362 = vector.shape_cast %add3A_350 : vector<16xi32> to vector<16xi32>
        tpu.vector_store %arg12[%swap3A_359], %swap3A_362 {strides = array<i32>} : memref<2560xi32, #tpu.memory_space<vmem>>, vector<16xi32>,
        %add3A_363 = arith.constant 16512 : i32
        %add3A_364 = vector.broadcast %add3A_363 : i32 to vector<16xi32>
        %add3A_365 = arith.addi %get3A_317, %add3A_364 : vector<16xi32>
        %mul3A_366 = arith.constant 4 : i32
        %mul3A_367 = arith.muli %scan3A_314, %mul3A_366 : i32
        %add3A_368 = arith.constant 3 : i32
        %add3A_369 = arith.addi %mul3A_367, %add3A_368 : i32
        %mul3A_370 = arith.constant 128 : i32
        %mul3A_371 = arith.muli %add3A_369, %mul3A_370 : i32
        %add3A_372 = arith.constant 0 : i32
        %add3A_373 = arith.addi %mul3A_371, %add3A_372 : i32
        %swap3A_374 = arith.index_cast %add3A_373 : i32 to index
        %swap3A_375 = tpu.vector_load %arg12[%swap3A_374] {strides = array<i32>} : memref<2560xi32, #tpu.memory_space<vmem>>, vector<16xi32>,
        %swap3A_376 = vector.shape_cast %swap3A_375 : vector<16xi32> to vector<16xi32>
        %swap3A_377 = vector.shape_cast %add3A_365 : vector<16xi32> to vector<16xi32>
        tpu.vector_store %arg12[%swap3A_374], %swap3A_377 {strides = array<i32>} : memref<2560xi32, #tpu.memory_space<vmem>>, vector<16xi32>,
        %get3A_378 = arith.index_cast %scan3A_314 : i32 to index
        %get3A_379 = arith.constant 16 : index
        %get3A_380 = tpu.vector_load %arg10[%get3A_378, %get3A_379] {strides = array<i32>} : memref<5x128xi32, #tpu.memory_space<vmem>>, vector<1x16xi32>,
        %get3A_381 = vector.shape_cast %get3A_380 : vector<1x16xi32> to vector<16xi32>
        %add3A_382 = arith.constant 0 : i32
        %add3A_383 = vector.broadcast %add3A_382 : i32 to vector<16xi32>
        %add3A_384 = arith.addi %get3A_381, %add3A_383 : vector<16xi32>
        %mul3A_385 = arith.constant 4 : i32
        %mul3A_386 = arith.muli %scan3A_314, %mul3A_385 : i32
        %add3A_387 = arith.constant 0 : i32
        %add3A_388 = arith.addi %mul3A_386, %add3A_387 : i32
        %mul3A_389 = arith.constant 128 : i32
        %mul3A_390 = arith.muli %add3A_388, %mul3A_389 : i32
        %add3A_391 = arith.constant 16 : i32
        %add3A_392 = arith.addi %mul3A_390, %add3A_391 : i32
        %swap3A_393 = arith.index_cast %add3A_392 : i32 to index
        %swap3A_394 = tpu.vector_load %arg12[%swap3A_393] {strides = array<i32>} : memref<2560xi32, #tpu.memory_space<vmem>>, vector<16xi32>,
        %swap3A_395 = vector.shape_cast %swap3A_394 : vector<16xi32> to vector<16xi32>
        %swap3A_396 = vector.shape_cast %add3A_384 : vector<16xi32> to vector<16xi32>
        tpu.vector_store %arg12[%swap3A_393], %swap3A_396 {strides = array<i32>} : memref<2560xi32, #tpu.memory_space<vmem>>, vector<16xi32>,
        %add3A_397 = arith.constant 128 : i32
        %add3A_398 = vector.broadcast %add3A_397 : i32 to vector<16xi32>
        %add3A_399 = arith.addi %get3A_381, %add3A_398 : vector<16xi32>
        %mul3A_400 = arith.constant 4 : i32
        %mul3A_401 = arith.muli %scan3A_314, %mul3A_400 : i32
        %add3A_402 = arith.constant 1 : i32
        %add3A_403 = arith.addi %mul3A_401, %add3A_402 : i32
        %mul3A_404 = arith.constant 128 : i32
        %mul3A_405 = arith.muli %add3A_403, %mul3A_404 : i32
        %add3A_406 = arith.constant 16 : i32
        %add3A_407 = arith.addi %mul3A_405, %add3A_406 : i32
        %swap3A_408 = arith.index_cast %add3A_407 : i32 to index
        %swap3A_409 = tpu.vector_load %arg12[%swap3A_408] {strides = array<i32>} : memref<2560xi32, #tpu.memory_space<vmem>>, vector<16xi32>,
        %swap3A_410 = vector.shape_cast %swap3A_409 : vector<16xi32> to vector<16xi32>
        %swap3A_411 = vector.shape_cast %add3A_399 : vector<16xi32> to vector<16xi32>
        tpu.vector_store %arg12[%swap3A_408], %swap3A_411 {strides = array<i32>} : memref<2560xi32, #tpu.memory_space<vmem>>, vector<16xi32>,
        %add3A_412 = arith.constant 16384 : i32
        %add3A_413 = vector.broadcast %add3A_412 : i32 to vector<16xi32>
        %add3A_414 = arith.addi %get3A_381, %add3A_413 : vector<16xi32>
        %mul3A_415 = arith.constant 4 : i32
        %mul3A_416 = arith.muli %scan3A_314, %mul3A_415 : i32
        %add3A_417 = arith.constant 2 : i32
        %add3A_418 = arith.addi %mul3A_416, %add3A_417 : i32
        %mul3A_419 = arith.constant 128 : i32
        %mul3A_420 = arith.muli %add3A_418, %mul3A_419 : i32
        %add3A_421 = arith.constant 16 : i32
        %add3A_422 = arith.addi %mul3A_420, %add3A_421 : i32
        %swap3A_423 = arith.index_cast %add3A_422 : i32 to index
        %swap3A_424 = tpu.vector_load %arg12[%swap3A_423] {strides = array<i32>} : memref<2560xi32, #tpu.memory_space<vmem>>, vector<16xi32>,
        %swap3A_425 = vector.shape_cast %swap3A_424 : vector<16xi32> to vector<16xi32>
        %swap3A_426 = vector.shape_cast %add3A_414 : vector<16xi32> to vector<16xi32>
        tpu.vector_store %arg12[%swap3A_423], %swap3A_426 {strides = array<i32>} : memref<2560xi32, #tpu.memory_space<vmem>>, vector<16xi32>,
        %add3A_427 = arith.constant 16512 : i32
        %add3A_428 = vector.broadcast %add3A_427 : i32 to vector<16xi32>
        %add3A_429 = arith.addi %get3A_381, %add3A_428 : vector<16xi32>
        %mul3A_430 = arith.constant 4 : i32
        %mul3A_431 = arith.muli %scan3A_314, %mul3A_430 : i32
        %add3A_432 = arith.constant 3 : i32
        %add3A_433 = arith.addi %mul3A_431, %add3A_432 : i32
        %mul3A_434 = arith.constant 128 : i32
        %mul3A_435 = arith.muli %add3A_433, %mul3A_434 : i32
        %add3A_436 = arith.constant 16 : i32
        %add3A_437 = arith.addi %mul3A_435, %add3A_436 : i32
        %swap3A_438 = arith.index_cast %add3A_437 : i32 to index
        %swap3A_439 = tpu.vector_load %arg12[%swap3A_438] {strides = array<i32>} : memref<2560xi32, #tpu.memory_space<vmem>>, vector<16xi32>,
        %swap3A_440 = vector.shape_cast %swap3A_439 : vector<16xi32> to vector<16xi32>
        %swap3A_441 = vector.shape_cast %add3A_429 : vector<16xi32> to vector<16xi32>
        tpu.vector_store %arg12[%swap3A_438], %swap3A_441 {strides = array<i32>} : memref<2560xi32, #tpu.memory_space<vmem>>, vector<16xi32>,
        %get3A_442 = arith.index_cast %scan3A_314 : i32 to index
        %get3A_443 = arith.constant 32 : index
        %get3A_444 = tpu.vector_load %arg10[%get3A_442, %get3A_443] {strides = array<i32>} : memref<5x128xi32, #tpu.memory_space<vmem>>, vector<1x16xi32>,
        %get3A_445 = vector.shape_cast %get3A_444 : vector<1x16xi32> to vector<16xi32>
        %add3A_446 = arith.constant 0 : i32
        %add3A_447 = vector.broadcast %add3A_446 : i32 to vector<16xi32>
        %add3A_448 = arith.addi %get3A_445, %add3A_447 : vector<16xi32>
        %mul3A_449 = arith.constant 4 : i32
        %mul3A_450 = arith.muli %scan3A_314, %mul3A_449 : i32
        %add3A_451 = arith.constant 0 : i32
        %add3A_452 = arith.addi %mul3A_450, %add3A_451 : i32
        %mul3A_453 = arith.constant 128 : i32
        %mul3A_454 = arith.muli %add3A_452, %mul3A_453 : i32
        %add3A_455 = arith.constant 32 : i32
        %add3A_456 = arith.addi %mul3A_454, %add3A_455 : i32
        %swap3A_457 = arith.index_cast %add3A_456 : i32 to index
        %swap3A_458 = tpu.vector_load %arg12[%swap3A_457] {strides = array<i32>} : memref<2560xi32, #tpu.memory_space<vmem>>, vector<16xi32>,
        %swap3A_459 = vector.shape_cast %swap3A_458 : vector<16xi32> to vector<16xi32>
        %swap3A_460 = vector.shape_cast %add3A_448 : vector<16xi32> to vector<16xi32>
        tpu.vector_store %arg12[%swap3A_457], %swap3A_460 {strides = array<i32>} : memref<2560xi32, #tpu.memory_space<vmem>>, vector<16xi32>,
        %add3A_461 = arith.constant 128 : i32
        %add3A_462 = vector.broadcast %add3A_461 : i32 to vector<16xi32>
        %add3A_463 = arith.addi %get3A_445, %add3A_462 : vector<16xi32>
        %mul3A_464 = arith.constant 4 : i32
        %mul3A_465 = arith.muli %scan3A_314, %mul3A_464 : i32
        %add3A_466 = arith.constant 1 : i32
        %add3A_467 = arith.addi %mul3A_465, %add3A_466 : i32
        %mul3A_468 = arith.constant 128 : i32
        %mul3A_469 = arith.muli %add3A_467, %mul3A_468 : i32
        %add3A_470 = arith.constant 32 : i32
        %add3A_471 = arith.addi %mul3A_469, %add3A_470 : i32
        %swap3A_472 = arith.index_cast %add3A_471 : i32 to index
        %swap3A_473 = tpu.vector_load %arg12[%swap3A_472] {strides = array<i32>} : memref<2560xi32, #tpu.memory_space<vmem>>, vector<16xi32>,
        %swap3A_474 = vector.shape_cast %swap3A_473 : vector<16xi32> to vector<16xi32>
        %swap3A_475 = vector.shape_cast %add3A_463 : vector<16xi32> to vector<16xi32>
        tpu.vector_store %arg12[%swap3A_472], %swap3A_475 {strides = array<i32>} : memref<2560xi32, #tpu.memory_space<vmem>>, vector<16xi32>,
        %add3A_476 = arith.constant 16384 : i32
        %add3A_477 = vector.broadcast %add3A_476 : i32 to vector<16xi32>
        %add3A_478 = arith.addi %get3A_445, %add3A_477 : vector<16xi32>
        %mul3A_479 = arith.constant 4 : i32
        %mul3A_480 = arith.muli %scan3A_314, %mul3A_479 : i32
        %add3A_481 = arith.constant 2 : i32
        %add3A_482 = arith.addi %mul3A_480, %add3A_481 : i32
        %mul3A_483 = arith.constant 128 : i32
        %mul3A_484 = arith.muli %add3A_482, %mul3A_483 : i32
        %add3A_485 = arith.constant 32 : i32
        %add3A_486 = arith.addi %mul3A_484, %add3A_485 : i32
        %swap3A_487 = arith.index_cast %add3A_486 : i32 to index
        %swap3A_488 = tpu.vector_load %arg12[%swap3A_487] {strides = array<i32>} : memref<2560xi32, #tpu.memory_space<vmem>>, vector<16xi32>,
        %swap3A_489 = vector.shape_cast %swap3A_488 : vector<16xi32> to vector<16xi32>
        %swap3A_490 = vector.shape_cast %add3A_478 : vector<16xi32> to vector<16xi32>
        tpu.vector_store %arg12[%swap3A_487], %swap3A_490 {strides = array<i32>} : memref<2560xi32, #tpu.memory_space<vmem>>, vector<16xi32>,
        %add3A_491 = arith.constant 16512 : i32
        %add3A_492 = vector.broadcast %add3A_491 : i32 to vector<16xi32>
        %add3A_493 = arith.addi %get3A_445, %add3A_492 : vector<16xi32>
        %mul3A_494 = arith.constant 4 : i32
        %mul3A_495 = arith.muli %scan3A_314, %mul3A_494 : i32
        %add3A_496 = arith.constant 3 : i32
        %add3A_497 = arith.addi %mul3A_495, %add3A_496 : i32
        %mul3A_498 = arith.constant 128 : i32
        %mul3A_499 = arith.muli %add3A_497, %mul3A_498 : i32
        %add3A_500 = arith.constant 32 : i32
        %add3A_501 = arith.addi %mul3A_499, %add3A_500 : i32
        %swap3A_502 = arith.index_cast %add3A_501 : i32 to index
        %swap3A_503 = tpu.vector_load %arg12[%swap3A_502] {strides = array<i32>} : memref<2560xi32, #tpu.memory_space<vmem>>, vector<16xi32>,
        %swap3A_504 = vector.shape_cast %swap3A_503 : vector<16xi32> to vector<16xi32>
        %swap3A_505 = vector.shape_cast %add3A_493 : vector<16xi32> to vector<16xi32>
        tpu.vector_store %arg12[%swap3A_502], %swap3A_505 {strides = array<i32>} : memref<2560xi32, #tpu.memory_space<vmem>>, vector<16xi32>,
        %get3A_506 = arith.index_cast %scan3A_314 : i32 to index
        %get3A_507 = arith.constant 48 : index
        %get3A_508 = tpu.vector_load %arg10[%get3A_506, %get3A_507] {strides = array<i32>} : memref<5x128xi32, #tpu.memory_space<vmem>>, vector<1x16xi32>,
        %get3A_509 = vector.shape_cast %get3A_508 : vector<1x16xi32> to vector<16xi32>
        %add3A_510 = arith.constant 0 : i32
        %add3A_511 = vector.broadcast %add3A_510 : i32 to vector<16xi32>
        %add3A_512 = arith.addi %get3A_509, %add3A_511 : vector<16xi32>
        %mul3A_513 = arith.constant 4 : i32
        %mul3A_514 = arith.muli %scan3A_314, %mul3A_513 : i32
        %add3A_515 = arith.constant 0 : i32
        %add3A_516 = arith.addi %mul3A_514, %add3A_515 : i32
        %mul3A_517 = arith.constant 128 : i32
        %mul3A_518 = arith.muli %add3A_516, %mul3A_517 : i32
        %add3A_519 = arith.constant 48 : i32
        %add3A_520 = arith.addi %mul3A_518, %add3A_519 : i32
        %swap3A_521 = arith.index_cast %add3A_520 : i32 to index
        %swap3A_522 = tpu.vector_load %arg12[%swap3A_521] {strides = array<i32>} : memref<2560xi32, #tpu.memory_space<vmem>>, vector<16xi32>,
        %swap3A_523 = vector.shape_cast %swap3A_522 : vector<16xi32> to vector<16xi32>
        %swap3A_524 = vector.shape_cast %add3A_512 : vector<16xi32> to vector<16xi32>
        tpu.vector_store %arg12[%swap3A_521], %swap3A_524 {strides = array<i32>} : memref<2560xi32, #tpu.memory_space<vmem>>, vector<16xi32>,
        %add3A_525 = arith.constant 128 : i32
        %add3A_526 = vector.broadcast %add3A_525 : i32 to vector<16xi32>
        %add3A_527 = arith.addi %get3A_509, %add3A_526 : vector<16xi32>
        %mul3A_528 = arith.constant 4 : i32
        %mul3A_529 = arith.muli %scan3A_314, %mul3A_528 : i32
        %add3A_530 = arith.constant 1 : i32
        %add3A_531 = arith.addi %mul3A_529, %add3A_530 : i32
        %mul3A_532 = arith.constant 128 : i32
        %mul3A_533 = arith.muli %add3A_531, %mul3A_532 : i32
        %add3A_534 = arith.constant 48 : i32
        %add3A_535 = arith.addi %mul3A_533, %add3A_534 : i32
        %swap3A_536 = arith.index_cast %add3A_535 : i32 to index
        %swap3A_537 = tpu.vector_load %arg12[%swap3A_536] {strides = array<i32>} : memref<2560xi32, #tpu.memory_space<vmem>>, vector<16xi32>,
        %swap3A_538 = vector.shape_cast %swap3A_537 : vector<16xi32> to vector<16xi32>
        %swap3A_539 = vector.shape_cast %add3A_527 : vector<16xi32> to vector<16xi32>
        tpu.vector_store %arg12[%swap3A_536], %swap3A_539 {strides = array<i32>} : memref<2560xi32, #tpu.memory_space<vmem>>, vector<16xi32>,
        %add3A_540 = arith.constant 16384 : i32
        %add3A_541 = vector.broadcast %add3A_540 : i32 to vector<16xi32>
        %add3A_542 = arith.addi %get3A_509, %add3A_541 : vector<16xi32>
        %mul3A_543 = arith.constant 4 : i32
        %mul3A_544 = arith.muli %scan3A_314, %mul3A_543 : i32
        %add3A_545 = arith.constant 2 : i32
        %add3A_546 = arith.addi %mul3A_544, %add3A_545 : i32
        %mul3A_547 = arith.constant 128 : i32
        %mul3A_548 = arith.muli %add3A_546, %mul3A_547 : i32
        %add3A_549 = arith.constant 48 : i32
        %add3A_550 = arith.addi %mul3A_548, %add3A_549 : i32
        %swap3A_551 = arith.index_cast %add3A_550 : i32 to index
        %swap3A_552 = tpu.vector_load %arg12[%swap3A_551] {strides = array<i32>} : memref<2560xi32, #tpu.memory_space<vmem>>, vector<16xi32>,
        %swap3A_553 = vector.shape_cast %swap3A_552 : vector<16xi32> to vector<16xi32>
        %swap3A_554 = vector.shape_cast %add3A_542 : vector<16xi32> to vector<16xi32>
        tpu.vector_store %arg12[%swap3A_551], %swap3A_554 {strides = array<i32>} : memref<2560xi32, #tpu.memory_space<vmem>>, vector<16xi32>,
        %add3A_555 = arith.constant 16512 : i32
        %add3A_556 = vector.broadcast %add3A_555 : i32 to vector<16xi32>
        %add3A_557 = arith.addi %get3A_509, %add3A_556 : vector<16xi32>
        %mul3A_558 = arith.constant 4 : i32
        %mul3A_559 = arith.muli %scan3A_314, %mul3A_558 : i32
        %add3A_560 = arith.constant 3 : i32
        %add3A_561 = arith.addi %mul3A_559, %add3A_560 : i32
        %mul3A_562 = arith.constant 128 : i32
        %mul3A_563 = arith.muli %add3A_561, %mul3A_562 : i32
        %add3A_564 = arith.constant 48 : i32
        %add3A_565 = arith.addi %mul3A_563, %add3A_564 : i32
        %swap3A_566 = arith.index_cast %add3A_565 : i32 to index
        %swap3A_567 = tpu.vector_load %arg12[%swap3A_566] {strides = array<i32>} : memref<2560xi32, #tpu.memory_space<vmem>>, vector<16xi32>,
        %swap3A_568 = vector.shape_cast %swap3A_567 : vector<16xi32> to vector<16xi32>
        %swap3A_569 = vector.shape_cast %add3A_557 : vector<16xi32> to vector<16xi32>
        tpu.vector_store %arg12[%swap3A_566], %swap3A_569 {strides = array<i32>} : memref<2560xi32, #tpu.memory_space<vmem>>, vector<16xi32>,
        %get3A_570 = arith.index_cast %scan3A_314 : i32 to index
        %get3A_571 = arith.constant 64 : index
        %get3A_572 = tpu.vector_load %arg10[%get3A_570, %get3A_571] {strides = array<i32>} : memref<5x128xi32, #tpu.memory_space<vmem>>, vector<1x16xi32>,
        %get3A_573 = vector.shape_cast %get3A_572 : vector<1x16xi32> to vector<16xi32>
        %add3A_574 = arith.constant 0 : i32
        %add3A_575 = vector.broadcast %add3A_574 : i32 to vector<16xi32>
        %add3A_576 = arith.addi %get3A_573, %add3A_575 : vector<16xi32>
        %mul3A_577 = arith.constant 4 : i32
        %mul3A_578 = arith.muli %scan3A_314, %mul3A_577 : i32
        %add3A_579 = arith.constant 0 : i32
        %add3A_580 = arith.addi %mul3A_578, %add3A_579 : i32
        %mul3A_581 = arith.constant 128 : i32
        %mul3A_582 = arith.muli %add3A_580, %mul3A_581 : i32
        %add3A_583 = arith.constant 64 : i32
        %add3A_584 = arith.addi %mul3A_582, %add3A_583 : i32
        %swap3A_585 = arith.index_cast %add3A_584 : i32 to index
        %swap3A_586 = tpu.vector_load %arg12[%swap3A_585] {strides = array<i32>} : memref<2560xi32, #tpu.memory_space<vmem>>, vector<16xi32>,
        %swap3A_587 = vector.shape_cast %swap3A_586 : vector<16xi32> to vector<16xi32>
        %swap3A_588 = vector.shape_cast %add3A_576 : vector<16xi32> to vector<16xi32>
        tpu.vector_store %arg12[%swap3A_585], %swap3A_588 {strides = array<i32>} : memref<2560xi32, #tpu.memory_space<vmem>>, vector<16xi32>,
        %add3A_589 = arith.constant 128 : i32
        %add3A_590 = vector.broadcast %add3A_589 : i32 to vector<16xi32>
        %add3A_591 = arith.addi %get3A_573, %add3A_590 : vector<16xi32>
        %mul3A_592 = arith.constant 4 : i32
        %mul3A_593 = arith.muli %scan3A_314, %mul3A_592 : i32
        %add3A_594 = arith.constant 1 : i32
        %add3A_595 = arith.addi %mul3A_593, %add3A_594 : i32
        %mul3A_596 = arith.constant 128 : i32
        %mul3A_597 = arith.muli %add3A_595, %mul3A_596 : i32
        %add3A_598 = arith.constant 64 : i32
        %add3A_599 = arith.addi %mul3A_597, %add3A_598 : i32
        %swap3A_600 = arith.index_cast %add3A_599 : i32 to index
        %swap3A_601 = tpu.vector_load %arg12[%swap3A_600] {strides = array<i32>} : memref<2560xi32, #tpu.memory_space<vmem>>, vector<16xi32>,
        %swap3A_602 = vector.shape_cast %swap3A_601 : vector<16xi32> to vector<16xi32>
        %swap3A_603 = vector.shape_cast %add3A_591 : vector<16xi32> to vector<16xi32>
        tpu.vector_store %arg12[%swap3A_600], %swap3A_603 {strides = array<i32>} : memref<2560xi32, #tpu.memory_space<vmem>>, vector<16xi32>,
        %add3A_604 = arith.constant 16384 : i32
        %add3A_605 = vector.broadcast %add3A_604 : i32 to vector<16xi32>
        %add3A_606 = arith.addi %get3A_573, %add3A_605 : vector<16xi32>
        %mul3A_607 = arith.constant 4 : i32
        %mul3A_608 = arith.muli %scan3A_314, %mul3A_607 : i32
        %add3A_609 = arith.constant 2 : i32
        %add3A_610 = arith.addi %mul3A_608, %add3A_609 : i32
        %mul3A_611 = arith.constant 128 : i32
        %mul3A_612 = arith.muli %add3A_610, %mul3A_611 : i32
        %add3A_613 = arith.constant 64 : i32
        %add3A_614 = arith.addi %mul3A_612, %add3A_613 : i32
        %swap3A_615 = arith.index_cast %add3A_614 : i32 to index
        %swap3A_616 = tpu.vector_load %arg12[%swap3A_615] {strides = array<i32>} : memref<2560xi32, #tpu.memory_space<vmem>>, vector<16xi32>,
        %swap3A_617 = vector.shape_cast %swap3A_616 : vector<16xi32> to vector<16xi32>
        %swap3A_618 = vector.shape_cast %add3A_606 : vector<16xi32> to vector<16xi32>
        tpu.vector_store %arg12[%swap3A_615], %swap3A_618 {strides = array<i32>} : memref<2560xi32, #tpu.memory_space<vmem>>, vector<16xi32>,
        %add3A_619 = arith.constant 16512 : i32
        %add3A_620 = vector.broadcast %add3A_619 : i32 to vector<16xi32>
        %add3A_621 = arith.addi %get3A_573, %add3A_620 : vector<16xi32>
        %mul3A_622 = arith.constant 4 : i32
        %mul3A_623 = arith.muli %scan3A_314, %mul3A_622 : i32
        %add3A_624 = arith.constant 3 : i32
        %add3A_625 = arith.addi %mul3A_623, %add3A_624 : i32
        %mul3A_626 = arith.constant 128 : i32
        %mul3A_627 = arith.muli %add3A_625, %mul3A_626 : i32
        %add3A_628 = arith.constant 64 : i32
        %add3A_629 = arith.addi %mul3A_627, %add3A_628 : i32
        %swap3A_630 = arith.index_cast %add3A_629 : i32 to index
        %swap3A_631 = tpu.vector_load %arg12[%swap3A_630] {strides = array<i32>} : memref<2560xi32, #tpu.memory_space<vmem>>, vector<16xi32>,
        %swap3A_632 = vector.shape_cast %swap3A_631 : vector<16xi32> to vector<16xi32>
        %swap3A_633 = vector.shape_cast %add3A_621 : vector<16xi32> to vector<16xi32>
        tpu.vector_store %arg12[%swap3A_630], %swap3A_633 {strides = array<i32>} : memref<2560xi32, #tpu.memory_space<vmem>>, vector<16xi32>,
        %get3A_634 = arith.index_cast %scan3A_314 : i32 to index
        %get3A_635 = arith.constant 80 : index
        %get3A_636 = tpu.vector_load %arg10[%get3A_634, %get3A_635] {strides = array<i32>} : memref<5x128xi32, #tpu.memory_space<vmem>>, vector<1x16xi32>,
        %get3A_637 = vector.shape_cast %get3A_636 : vector<1x16xi32> to vector<16xi32>
        %add3A_638 = arith.constant 0 : i32
        %add3A_639 = vector.broadcast %add3A_638 : i32 to vector<16xi32>
        %add3A_640 = arith.addi %get3A_637, %add3A_639 : vector<16xi32>
        %mul3A_641 = arith.constant 4 : i32
        %mul3A_642 = arith.muli %scan3A_314, %mul3A_641 : i32
        %add3A_643 = arith.constant 0 : i32
        %add3A_644 = arith.addi %mul3A_642, %add3A_643 : i32
        %mul3A_645 = arith.constant 128 : i32
        %mul3A_646 = arith.muli %add3A_644, %mul3A_645 : i32
        %add3A_647 = arith.constant 80 : i32
        %add3A_648 = arith.addi %mul3A_646, %add3A_647 : i32
        %swap3A_649 = arith.index_cast %add3A_648 : i32 to index
        %swap3A_650 = tpu.vector_load %arg12[%swap3A_649] {strides = array<i32>} : memref<2560xi32, #tpu.memory_space<vmem>>, vector<16xi32>,
        %swap3A_651 = vector.shape_cast %swap3A_650 : vector<16xi32> to vector<16xi32>
        %swap3A_652 = vector.shape_cast %add3A_640 : vector<16xi32> to vector<16xi32>
        tpu.vector_store %arg12[%swap3A_649], %swap3A_652 {strides = array<i32>} : memref<2560xi32, #tpu.memory_space<vmem>>, vector<16xi32>,
        %add3A_653 = arith.constant 128 : i32
        %add3A_654 = vector.broadcast %add3A_653 : i32 to vector<16xi32>
        %add3A_655 = arith.addi %get3A_637, %add3A_654 : vector<16xi32>
        %mul3A_656 = arith.constant 4 : i32
        %mul3A_657 = arith.muli %scan3A_314, %mul3A_656 : i32
        %add3A_658 = arith.constant 1 : i32
        %add3A_659 = arith.addi %mul3A_657, %add3A_658 : i32
        %mul3A_660 = arith.constant 128 : i32
        %mul3A_661 = arith.muli %add3A_659, %mul3A_660 : i32
        %add3A_662 = arith.constant 80 : i32
        %add3A_663 = arith.addi %mul3A_661, %add3A_662 : i32
        %swap3A_664 = arith.index_cast %add3A_663 : i32 to index
        %swap3A_665 = tpu.vector_load %arg12[%swap3A_664] {strides = array<i32>} : memref<2560xi32, #tpu.memory_space<vmem>>, vector<16xi32>,
        %swap3A_666 = vector.shape_cast %swap3A_665 : vector<16xi32> to vector<16xi32>
        %swap3A_667 = vector.shape_cast %add3A_655 : vector<16xi32> to vector<16xi32>
        tpu.vector_store %arg12[%swap3A_664], %swap3A_667 {strides = array<i32>} : memref<2560xi32, #tpu.memory_space<vmem>>, vector<16xi32>,
        %add3A_668 = arith.constant 16384 : i32
        %add3A_669 = vector.broadcast %add3A_668 : i32 to vector<16xi32>
        %add3A_670 = arith.addi %get3A_637, %add3A_669 : vector<16xi32>
        %mul3A_671 = arith.constant 4 : i32
        %mul3A_672 = arith.muli %scan3A_314, %mul3A_671 : i32
        %add3A_673 = arith.constant 2 : i32
        %add3A_674 = arith.addi %mul3A_672, %add3A_673 : i32
        %mul3A_675 = arith.constant 128 : i32
        %mul3A_676 = arith.muli %add3A_674, %mul3A_675 : i32
        %add3A_677 = arith.constant 80 : i32
        %add3A_678 = arith.addi %mul3A_676, %add3A_677 : i32
        %swap3A_679 = arith.index_cast %add3A_678 : i32 to index
        %swap3A_680 = tpu.vector_load %arg12[%swap3A_679] {strides = array<i32>} : memref<2560xi32, #tpu.memory_space<vmem>>, vector<16xi32>,
        %swap3A_681 = vector.shape_cast %swap3A_680 : vector<16xi32> to vector<16xi32>
        %swap3A_682 = vector.shape_cast %add3A_670 : vector<16xi32> to vector<16xi32>
        tpu.vector_store %arg12[%swap3A_679], %swap3A_682 {strides = array<i32>} : memref<2560xi32, #tpu.memory_space<vmem>>, vector<16xi32>,
        %add3A_683 = arith.constant 16512 : i32
        %add3A_684 = vector.broadcast %add3A_683 : i32 to vector<16xi32>
        %add3A_685 = arith.addi %get3A_637, %add3A_684 : vector<16xi32>
        %mul3A_686 = arith.constant 4 : i32
        %mul3A_687 = arith.muli %scan3A_314, %mul3A_686 : i32
        %add3A_688 = arith.constant 3 : i32
        %add3A_689 = arith.addi %mul3A_687, %add3A_688 : i32
        %mul3A_690 = arith.constant 128 : i32
        %mul3A_691 = arith.muli %add3A_689, %mul3A_690 : i32
        %add3A_692 = arith.constant 80 : i32
        %add3A_693 = arith.addi %mul3A_691, %add3A_692 : i32
        %swap3A_694 = arith.index_cast %add3A_693 : i32 to index
        %swap3A_695 = tpu.vector_load %arg12[%swap3A_694] {strides = array<i32>} : memref<2560xi32, #tpu.memory_space<vmem>>, vector<16xi32>,
        %swap3A_696 = vector.shape_cast %swap3A_695 : vector<16xi32> to vector<16xi32>
        %swap3A_697 = vector.shape_cast %add3A_685 : vector<16xi32> to vector<16xi32>
        tpu.vector_store %arg12[%swap3A_694], %swap3A_697 {strides = array<i32>} : memref<2560xi32, #tpu.memory_space<vmem>>, vector<16xi32>,
        %get3A_698 = arith.index_cast %scan3A_314 : i32 to index
        %get3A_699 = arith.constant 96 : index
        %get3A_700 = tpu.vector_load %arg10[%get3A_698, %get3A_699] {strides = array<i32>} : memref<5x128xi32, #tpu.memory_space<vmem>>, vector<1x16xi32>,
        %get3A_701 = vector.shape_cast %get3A_700 : vector<1x16xi32> to vector<16xi32>
        %add3A_702 = arith.constant 0 : i32
        %add3A_703 = vector.broadcast %add3A_702 : i32 to vector<16xi32>
        %add3A_704 = arith.addi %get3A_701, %add3A_703 : vector<16xi32>
        %mul3A_705 = arith.constant 4 : i32
        %mul3A_706 = arith.muli %scan3A_314, %mul3A_705 : i32
        %add3A_707 = arith.constant 0 : i32
        %add3A_708 = arith.addi %mul3A_706, %add3A_707 : i32
        %mul3A_709 = arith.constant 128 : i32
        %mul3A_710 = arith.muli %add3A_708, %mul3A_709 : i32
        %add3A_711 = arith.constant 96 : i32
        %add3A_712 = arith.addi %mul3A_710, %add3A_711 : i32
        %swap3A_713 = arith.index_cast %add3A_712 : i32 to index
        %swap3A_714 = tpu.vector_load %arg12[%swap3A_713] {strides = array<i32>} : memref<2560xi32, #tpu.memory_space<vmem>>, vector<16xi32>,
        %swap3A_715 = vector.shape_cast %swap3A_714 : vector<16xi32> to vector<16xi32>
        %swap3A_716 = vector.shape_cast %add3A_704 : vector<16xi32> to vector<16xi32>
        tpu.vector_store %arg12[%swap3A_713], %swap3A_716 {strides = array<i32>} : memref<2560xi32, #tpu.memory_space<vmem>>, vector<16xi32>,
        %add3A_717 = arith.constant 128 : i32
        %add3A_718 = vector.broadcast %add3A_717 : i32 to vector<16xi32>
        %add3A_719 = arith.addi %get3A_701, %add3A_718 : vector<16xi32>
        %mul3A_720 = arith.constant 4 : i32
        %mul3A_721 = arith.muli %scan3A_314, %mul3A_720 : i32
        %add3A_722 = arith.constant 1 : i32
        %add3A_723 = arith.addi %mul3A_721, %add3A_722 : i32
        %mul3A_724 = arith.constant 128 : i32
        %mul3A_725 = arith.muli %add3A_723, %mul3A_724 : i32
        %add3A_726 = arith.constant 96 : i32
        %add3A_727 = arith.addi %mul3A_725, %add3A_726 : i32
        %swap3A_728 = arith.index_cast %add3A_727 : i32 to index
        %swap3A_729 = tpu.vector_load %arg12[%swap3A_728] {strides = array<i32>} : memref<2560xi32, #tpu.memory_space<vmem>>, vector<16xi32>,
        %swap3A_730 = vector.shape_cast %swap3A_729 : vector<16xi32> to vector<16xi32>
        %swap3A_731 = vector.shape_cast %add3A_719 : vector<16xi32> to vector<16xi32>
        tpu.vector_store %arg12[%swap3A_728], %swap3A_731 {strides = array<i32>} : memref<2560xi32, #tpu.memory_space<vmem>>, vector<16xi32>,
        %add3A_732 = arith.constant 16384 : i32
        %add3A_733 = vector.broadcast %add3A_732 : i32 to vector<16xi32>
        %add3A_734 = arith.addi %get3A_701, %add3A_733 : vector<16xi32>
        %mul3A_735 = arith.constant 4 : i32
        %mul3A_736 = arith.muli %scan3A_314, %mul3A_735 : i32
        %add3A_737 = arith.constant 2 : i32
        %add3A_738 = arith.addi %mul3A_736, %add3A_737 : i32
        %mul3A_739 = arith.constant 128 : i32
        %mul3A_740 = arith.muli %add3A_738, %mul3A_739 : i32
        %add3A_741 = arith.constant 96 : i32
        %add3A_742 = arith.addi %mul3A_740, %add3A_741 : i32
        %swap3A_743 = arith.index_cast %add3A_742 : i32 to index
        %swap3A_744 = tpu.vector_load %arg12[%swap3A_743] {strides = array<i32>} : memref<2560xi32, #tpu.memory_space<vmem>>, vector<16xi32>,
        %swap3A_745 = vector.shape_cast %swap3A_744 : vector<16xi32> to vector<16xi32>
        %swap3A_746 = vector.shape_cast %add3A_734 : vector<16xi32> to vector<16xi32>
        tpu.vector_store %arg12[%swap3A_743], %swap3A_746 {strides = array<i32>} : memref<2560xi32, #tpu.memory_space<vmem>>, vector<16xi32>,
        %add3A_747 = arith.constant 16512 : i32
        %add3A_748 = vector.broadcast %add3A_747 : i32 to vector<16xi32>
        %add3A_749 = arith.addi %get3A_701, %add3A_748 : vector<16xi32>
        %mul3A_750 = arith.constant 4 : i32
        %mul3A_751 = arith.muli %scan3A_314, %mul3A_750 : i32
        %add3A_752 = arith.constant 3 : i32
        %add3A_753 = arith.addi %mul3A_751, %add3A_752 : i32
        %mul3A_754 = arith.constant 128 : i32
        %mul3A_755 = arith.muli %add3A_753, %mul3A_754 : i32
        %add3A_756 = arith.constant 96 : i32
        %add3A_757 = arith.addi %mul3A_755, %add3A_756 : i32
        %swap3A_758 = arith.index_cast %add3A_757 : i32 to index
        %swap3A_759 = tpu.vector_load %arg12[%swap3A_758] {strides = array<i32>} : memref<2560xi32, #tpu.memory_space<vmem>>, vector<16xi32>,
        %swap3A_760 = vector.shape_cast %swap3A_759 : vector<16xi32> to vector<16xi32>
        %swap3A_761 = vector.shape_cast %add3A_749 : vector<16xi32> to vector<16xi32>
        tpu.vector_store %arg12[%swap3A_758], %swap3A_761 {strides = array<i32>} : memref<2560xi32, #tpu.memory_space<vmem>>, vector<16xi32>,
        %get3A_762 = arith.index_cast %scan3A_314 : i32 to index
        %get3A_763 = arith.constant 112 : index
        %get3A_764 = tpu.vector_load %arg10[%get3A_762, %get3A_763] {strides = array<i32>} : memref<5x128xi32, #tpu.memory_space<vmem>>, vector<1x16xi32>,
        %get3A_765 = vector.shape_cast %get3A_764 : vector<1x16xi32> to vector<16xi32>
        %add3A_766 = arith.constant 0 : i32
        %add3A_767 = vector.broadcast %add3A_766 : i32 to vector<16xi32>
        %add3A_768 = arith.addi %get3A_765, %add3A_767 : vector<16xi32>
        %mul3A_769 = arith.constant 4 : i32
        %mul3A_770 = arith.muli %scan3A_314, %mul3A_769 : i32
        %add3A_771 = arith.constant 0 : i32
        %add3A_772 = arith.addi %mul3A_770, %add3A_771 : i32
        %mul3A_773 = arith.constant 128 : i32
        %mul3A_774 = arith.muli %add3A_772, %mul3A_773 : i32
        %add3A_775 = arith.constant 112 : i32
        %add3A_776 = arith.addi %mul3A_774, %add3A_775 : i32
        %swap3A_777 = arith.index_cast %add3A_776 : i32 to index
        %swap3A_778 = tpu.vector_load %arg12[%swap3A_777] {strides = array<i32>} : memref<2560xi32, #tpu.memory_space<vmem>>, vector<16xi32>,
        %swap3A_779 = vector.shape_cast %swap3A_778 : vector<16xi32> to vector<16xi32>
        %swap3A_780 = vector.shape_cast %add3A_768 : vector<16xi32> to vector<16xi32>
        tpu.vector_store %arg12[%swap3A_777], %swap3A_780 {strides = array<i32>} : memref<2560xi32, #tpu.memory_space<vmem>>, vector<16xi32>,
        %add3A_781 = arith.constant 128 : i32
        %add3A_782 = vector.broadcast %add3A_781 : i32 to vector<16xi32>
        %add3A_783 = arith.addi %get3A_765, %add3A_782 : vector<16xi32>
        %mul3A_784 = arith.constant 4 : i32
        %mul3A_785 = arith.muli %scan3A_314, %mul3A_784 : i32
        %add3A_786 = arith.constant 1 : i32
        %add3A_787 = arith.addi %mul3A_785, %add3A_786 : i32
        %mul3A_788 = arith.constant 128 : i32
        %mul3A_789 = arith.muli %add3A_787, %mul3A_788 : i32
        %add3A_790 = arith.constant 112 : i32
        %add3A_791 = arith.addi %mul3A_789, %add3A_790 : i32
        %swap3A_792 = arith.index_cast %add3A_791 : i32 to index
        %swap3A_793 = tpu.vector_load %arg12[%swap3A_792] {strides = array<i32>} : memref<2560xi32, #tpu.memory_space<vmem>>, vector<16xi32>,
        %swap3A_794 = vector.shape_cast %swap3A_793 : vector<16xi32> to vector<16xi32>
        %swap3A_795 = vector.shape_cast %add3A_783 : vector<16xi32> to vector<16xi32>
        tpu.vector_store %arg12[%swap3A_792], %swap3A_795 {strides = array<i32>} : memref<2560xi32, #tpu.memory_space<vmem>>, vector<16xi32>,
        %add3A_796 = arith.constant 16384 : i32
        %add3A_797 = vector.broadcast %add3A_796 : i32 to vector<16xi32>
        %add3A_798 = arith.addi %get3A_765, %add3A_797 : vector<16xi32>
        %mul3A_799 = arith.constant 4 : i32
        %mul3A_800 = arith.muli %scan3A_314, %mul3A_799 : i32
        %add3A_801 = arith.constant 2 : i32
        %add3A_802 = arith.addi %mul3A_800, %add3A_801 : i32
        %mul3A_803 = arith.constant 128 : i32
        %mul3A_804 = arith.muli %add3A_802, %mul3A_803 : i32
        %add3A_805 = arith.constant 112 : i32
        %add3A_806 = arith.addi %mul3A_804, %add3A_805 : i32
        %swap3A_807 = arith.index_cast %add3A_806 : i32 to index
        %swap3A_808 = tpu.vector_load %arg12[%swap3A_807] {strides = array<i32>} : memref<2560xi32, #tpu.memory_space<vmem>>, vector<16xi32>,
        %swap3A_809 = vector.shape_cast %swap3A_808 : vector<16xi32> to vector<16xi32>
        %swap3A_810 = vector.shape_cast %add3A_798 : vector<16xi32> to vector<16xi32>
        tpu.vector_store %arg12[%swap3A_807], %swap3A_810 {strides = array<i32>} : memref<2560xi32, #tpu.memory_space<vmem>>, vector<16xi32>,
        %add3A_811 = arith.constant 16512 : i32
        %add3A_812 = vector.broadcast %add3A_811 : i32 to vector<16xi32>
        %add3A_813 = arith.addi %get3A_765, %add3A_812 : vector<16xi32>
        %mul3A_814 = arith.constant 4 : i32
        %mul3A_815 = arith.muli %scan3A_314, %mul3A_814 : i32
        %add3A_816 = arith.constant 3 : i32
        %add3A_817 = arith.addi %mul3A_815, %add3A_816 : i32
        %mul3A_818 = arith.constant 128 : i32
        %mul3A_819 = arith.muli %add3A_817, %mul3A_818 : i32
        %add3A_820 = arith.constant 112 : i32
        %add3A_821 = arith.addi %mul3A_819, %add3A_820 : i32
        %swap3A_822 = arith.index_cast %add3A_821 : i32 to index
        %swap3A_823 = tpu.vector_load %arg12[%swap3A_822] {strides = array<i32>} : memref<2560xi32, #tpu.memory_space<vmem>>, vector<16xi32>,
        %swap3A_824 = vector.shape_cast %swap3A_823 : vector<16xi32> to vector<16xi32>
        %swap3A_825 = vector.shape_cast %add3A_813 : vector<16xi32> to vector<16xi32>
        tpu.vector_store %arg12[%swap3A_822], %swap3A_825 {strides = array<i32>} : memref<2560xi32, #tpu.memory_space<vmem>>, vector<16xi32>,
      }
      %scan3A_48 = arith.constant 5 : i32
      %dma_start3A_49 = arith.constant 0 : i32
      %dma_start3A_50 = tpu.memref_slice %arg13[%dma_start3A_49] : memref<2560xi32, #tpu.memory_space<vmem>> -> memref<640xi32, #tpu.memory_space<vmem>>
      %dma_start3A_51 = arith.constant 0 : i32
      %dma_start3A_52 = tpu.memref_slice %arg12[%dma_start3A_51] : memref<2560xi32, #tpu.memory_space<vmem>> -> memref<640xi32, #tpu.memory_space<vmem>>
      %dma_start3A_53 = arith.constant 0 : i32
      %dma_start3A_54 = tpu.memref_slice %arg2[%dma_start3A_53] : memref<2097152xi32, #tpu.memory_space<hbm>> -> memref<2097152xi32, #tpu.memory_space<hbm>>
      tpu.enqueue_indirect_dma source(%dma_start3A_54 : memref<2097152xi32, #tpu.memory_space<hbm>>) target(%dma_start3A_50 : memref<640xi32, #tpu.memory_space<vmem>>) offsets(%dma_start3A_52 : memref<640xi32, #tpu.memory_space<vmem>>) semaphore(%arg19 : memref<!tpu.dma_semaphore, #tpu.memory_space<semaphore_mem>>)
      %dma_start3A_55 = arith.constant 640 : i32
      %dma_start3A_56 = tpu.memref_slice %arg13[%dma_start3A_55] : memref<2560xi32, #tpu.memory_space<vmem>> -> memref<640xi32, #tpu.memory_space<vmem>>
      %dma_start3A_57 = arith.constant 640 : i32
      %dma_start3A_58 = tpu.memref_slice %arg12[%dma_start3A_57] : memref<2560xi32, #tpu.memory_space<vmem>> -> memref<640xi32, #tpu.memory_space<vmem>>
      %dma_start3A_59 = arith.constant 0 : i32
      %dma_start3A_60 = tpu.memref_slice %arg2[%dma_start3A_59] : memref<2097152xi32, #tpu.memory_space<hbm>> -> memref<2097152xi32, #tpu.memory_space<hbm>>
      tpu.enqueue_indirect_dma source(%dma_start3A_60 : memref<2097152xi32, #tpu.memory_space<hbm>>) target(%dma_start3A_56 : memref<640xi32, #tpu.memory_space<vmem>>) offsets(%dma_start3A_58 : memref<640xi32, #tpu.memory_space<vmem>>) semaphore(%arg20 : memref<!tpu.dma_semaphore, #tpu.memory_space<semaphore_mem>>)
      %dma_start3A_61 = arith.constant 1280 : i32
      %dma_start3A_62 = tpu.memref_slice %arg13[%dma_start3A_61] : memref<2560xi32, #tpu.memory_space<vmem>> -> memref<640xi32, #tpu.memory_space<vmem>>
      %dma_start3A_63 = arith.constant 1280 : i32
      %dma_start3A_64 = tpu.memref_slice %arg12[%dma_start3A_63] : memref<2560xi32, #tpu.memory_space<vmem>> -> memref<640xi32, #tpu.memory_space<vmem>>
      %dma_start3A_65 = arith.constant 0 : i32
      %dma_start3A_66 = tpu.memref_slice %arg2[%dma_start3A_65] : memref<2097152xi32, #tpu.memory_space<hbm>> -> memref<2097152xi32, #tpu.memory_space<hbm>>
      tpu.enqueue_indirect_dma source(%dma_start3A_66 : memref<2097152xi32, #tpu.memory_space<hbm>>) target(%dma_start3A_62 : memref<640xi32, #tpu.memory_space<vmem>>) offsets(%dma_start3A_64 : memref<640xi32, #tpu.memory_space<vmem>>) semaphore(%arg21 : memref<!tpu.dma_semaphore, #tpu.memory_space<semaphore_mem>>)
      %dma_start3A_67 = arith.constant 1920 : i32
      %dma_start3A_68 = tpu.memref_slice %arg13[%dma_start3A_67] : memref<2560xi32, #tpu.memory_space<vmem>> -> memref<640xi32, #tpu.memory_space<vmem>>
      %dma_start3A_69 = arith.constant 1920 : i32
      %dma_start3A_70 = tpu.memref_slice %arg12[%dma_start3A_69] : memref<2560xi32, #tpu.memory_space<vmem>> -> memref<640xi32, #tpu.memory_space<vmem>>
      %dma_start3A_71 = arith.constant 0 : i32
      %dma_start3A_72 = tpu.memref_slice %arg2[%dma_start3A_71] : memref<2097152xi32, #tpu.memory_space<hbm>> -> memref<2097152xi32, #tpu.memory_space<hbm>>
      tpu.enqueue_indirect_dma source(%dma_start3A_72 : memref<2097152xi32, #tpu.memory_space<hbm>>) target(%dma_start3A_68 : memref<640xi32, #tpu.memory_space<vmem>>) offsets(%dma_start3A_70 : memref<640xi32, #tpu.memory_space<vmem>>) semaphore(%arg22 : memref<!tpu.dma_semaphore, #tpu.memory_space<semaphore_mem>>)
      %dma_wait3A = arith.constant 0 : i32
      %dma_wait3A_73 = tpu.memref_slice %arg9[%dma_wait3A] : memref<2560xi32, #tpu.memory_space<vmem>> -> memref<640xi32, #tpu.memory_space<vmem>>
      %dma_wait3A_74 = arith.constant 0 : i32
      %dma_wait3A_75 = tpu.memref_slice %arg8[%dma_wait3A_74] : memref<2560xi32, #tpu.memory_space<vmem>> -> memref<640xi32, #tpu.memory_space<vmem>>
      %dma_wait3A_76 = arith.constant 0 : i32
      %dma_wait3A_77 = tpu.memref_slice %arg2[%dma_wait3A_76] : memref<2097152xi32, #tpu.memory_space<hbm>> -> memref<2097152xi32, #tpu.memory_space<hbm>>
      tpu.wait_indirect_dma semaphore(%arg15 : memref<!tpu.dma_semaphore, #tpu.memory_space<semaphore_mem>>) src(%dma_wait3A_77 : memref<2097152xi32, #tpu.memory_space<hbm>>) dst(%dma_wait3A_73 : memref<640xi32, #tpu.memory_space<vmem>>)
      %dma_wait3A_78 = arith.constant 640 : i32
      %dma_wait3A_79 = tpu.memref_slice %arg9[%dma_wait3A_78] : memref<2560xi32, #tpu.memory_space<vmem>> -> memref<640xi32, #tpu.memory_space<vmem>>
      %dma_wait3A_80 = arith.constant 640 : i32
      %dma_wait3A_81 = tpu.memref_slice %arg8[%dma_wait3A_80] : memref<2560xi32, #tpu.memory_space<vmem>> -> memref<640xi32, #tpu.memory_space<vmem>>
      %dma_wait3A_82 = arith.constant 0 : i32
      %dma_wait3A_83 = tpu.memref_slice %arg2[%dma_wait3A_82] : memref<2097152xi32, #tpu.memory_space<hbm>> -> memref<2097152xi32, #tpu.memory_space<hbm>>
      tpu.wait_indirect_dma semaphore(%arg16 : memref<!tpu.dma_semaphore, #tpu.memory_space<semaphore_mem>>) src(%dma_wait3A_83 : memref<2097152xi32, #tpu.memory_space<hbm>>) dst(%dma_wait3A_79 : memref<640xi32, #tpu.memory_space<vmem>>)
      %dma_wait3A_84 = arith.constant 1280 : i32
      %dma_wait3A_85 = tpu.memref_slice %arg9[%dma_wait3A_84] : memref<2560xi32, #tpu.memory_space<vmem>> -> memref<640xi32, #tpu.memory_space<vmem>>
      %dma_wait3A_86 = arith.constant 1280 : i32
      %dma_wait3A_87 = tpu.memref_slice %arg8[%dma_wait3A_86] : memref<2560xi32, #tpu.memory_space<vmem>> -> memref<640xi32, #tpu.memory_space<vmem>>
      %dma_wait3A_88 = arith.constant 0 : i32
      %dma_wait3A_89 = tpu.memref_slice %arg2[%dma_wait3A_88] : memref<2097152xi32, #tpu.memory_space<hbm>> -> memref<2097152xi32, #tpu.memory_space<hbm>>
      tpu.wait_indirect_dma semaphore(%arg17 : memref<!tpu.dma_semaphore, #tpu.memory_space<semaphore_mem>>) src(%dma_wait3A_89 : memref<2097152xi32, #tpu.memory_space<hbm>>) dst(%dma_wait3A_85 : memref<640xi32, #tpu.memory_space<vmem>>)
      %dma_wait3A_90 = arith.constant 1920 : i32
      %dma_wait3A_91 = tpu.memref_slice %arg9[%dma_wait3A_90] : memref<2560xi32, #tpu.memory_space<vmem>> -> memref<640xi32, #tpu.memory_space<vmem>>
      %dma_wait3A_92 = arith.constant 1920 : i32
      %dma_wait3A_93 = tpu.memref_slice %arg8[%dma_wait3A_92] : memref<2560xi32, #tpu.memory_space<vmem>> -> memref<640xi32, #tpu.memory_space<vmem>>
      %dma_wait3A_94 = arith.constant 0 : i32
      %dma_wait3A_95 = tpu.memref_slice %arg2[%dma_wait3A_94] : memref<2097152xi32, #tpu.memory_space<hbm>> -> memref<2097152xi32, #tpu.memory_space<hbm>>
      tpu.wait_indirect_dma semaphore(%arg18 : memref<!tpu.dma_semaphore, #tpu.memory_space<semaphore_mem>>) src(%dma_wait3A_95 : memref<2097152xi32, #tpu.memory_space<hbm>>) dst(%dma_wait3A_91 : memref<640xi32, #tpu.memory_space<vmem>>)
      %broadcast_in_dim3A = arith.constant 0.000000e+00 : f32
      %broadcast_in_dim3A_96 = vector.broadcast %broadcast_in_dim3A : f32 to vector<16xf32>
      %scan3A_97 = arith.constant 0 : i32
      %scan3A_98 = arith.constant 5 : i32
      %scan3A_99 = arith.addi %scan3A_97, %scan3A_98 : i32
      %scan3A_100 = arith.constant 1 : i32
      %scan3A_101 = scf.for %scan3A_314 = %scan3A_97 to %scan3A_99 step %scan3A_100 iter_args(%scan3A_315 = %broadcast_in_dim3A_96) -> (vector<16xf32>)  : i32 {
        %get3A = arith.constant 0 : i32
        %get3A_316 = arith.index_cast %scan3A_314 : i32 to index
        %get3A_317 = arith.index_cast %get3A : i32 to index
        %get3A_318 = arith.constant 0 : index
        %get3A_319 = tpu.vector_load %arg7[%get3A_316, %get3A_317, %get3A_318] {strides = array<i32>} : memref<5x6x128xf32, #tpu.memory_space<vmem>>, vector<1x1x16xf32>,
        %get3A_320 = vector.shape_cast %get3A_319 : vector<1x1x16xf32> to vector<16xf32>
        %get3A_321 = arith.constant 1 : i32
        %get3A_322 = arith.index_cast %scan3A_314 : i32 to index
        %get3A_323 = arith.index_cast %get3A_321 : i32 to index
        %get3A_324 = arith.constant 0 : index
        %get3A_325 = tpu.vector_load %arg7[%get3A_322, %get3A_323, %get3A_324] {strides = array<i32>} : memref<5x6x128xf32, #tpu.memory_space<vmem>>, vector<1x1x16xf32>,
        %get3A_326 = vector.shape_cast %get3A_325 : vector<1x1x16xf32> to vector<16xf32>
        %get3A_327 = arith.constant 2 : i32
        %get3A_328 = arith.index_cast %scan3A_314 : i32 to index
        %get3A_329 = arith.index_cast %get3A_327 : i32 to index
        %get3A_330 = arith.constant 0 : index
        %get3A_331 = tpu.vector_load %arg7[%get3A_328, %get3A_329, %get3A_330] {strides = array<i32>} : memref<5x6x128xf32, #tpu.memory_space<vmem>>, vector<1x1x16xf32>,
        %get3A_332 = vector.shape_cast %get3A_331 : vector<1x1x16xf32> to vector<16xf32>
        %get3A_333 = arith.constant 3 : i32
        %get3A_334 = arith.index_cast %scan3A_314 : i32 to index
        %get3A_335 = arith.index_cast %get3A_333 : i32 to index
        %get3A_336 = arith.constant 0 : index
        %get3A_337 = tpu.vector_load %arg7[%get3A_334, %get3A_335, %get3A_336] {strides = array<i32>} : memref<5x6x128xf32, #tpu.memory_space<vmem>>, vector<1x1x16xf32>,
        %get3A_338 = vector.shape_cast %get3A_337 : vector<1x1x16xf32> to vector<16xf32>
        %get3A_339 = arith.constant 4 : i32
        %get3A_340 = arith.index_cast %scan3A_314 : i32 to index
        %get3A_341 = arith.index_cast %get3A_339 : i32 to index
        %get3A_342 = arith.constant 0 : index
        %get3A_343 = tpu.vector_load %arg7[%get3A_340, %get3A_341, %get3A_342] {strides = array<i32>} : memref<5x6x128xf32, #tpu.memory_space<vmem>>, vector<1x1x16xf32>,
        %get3A_344 = vector.shape_cast %get3A_343 : vector<1x1x16xf32> to vector<16xf32>
        %get3A_345 = arith.constant 5 : i32
        %get3A_346 = arith.index_cast %scan3A_314 : i32 to index
        %get3A_347 = arith.index_cast %get3A_345 : i32 to index
        %get3A_348 = arith.constant 0 : index
        %get3A_349 = tpu.vector_load %arg7[%get3A_346, %get3A_347, %get3A_348] {strides = array<i32>} : memref<5x6x128xf32, #tpu.memory_space<vmem>>, vector<1x1x16xf32>,
        %get3A_350 = vector.shape_cast %get3A_349 : vector<1x1x16xf32> to vector<16xf32>
        %mul3A_351 = arith.constant 4 : i32
        %mul3A_352 = arith.muli %scan3A_314, %mul3A_351 : i32
        %add3A_353 = arith.constant 0 : i32
        %add3A_354 = arith.addi %mul3A_352, %add3A_353 : i32
        %mul3A_355 = arith.constant 128 : i32
        %mul3A_356 = arith.muli %add3A_354, %mul3A_355 : i32
        %add3A_357 = arith.constant 0 : i32
        %add3A_358 = arith.addi %mul3A_356, %add3A_357 : i32
        %get3A_359 = arith.index_cast %add3A_358 : i32 to index
        %get3A_360 = tpu.vector_load %arg9[%get3A_359] {strides = array<i32>} : memref<2560xi32, #tpu.memory_space<vmem>>, vector<16xi32>,
        %get3A_361 = vector.shape_cast %get3A_360 : vector<16xi32> to vector<16xi32>
        %add3A_362 = arith.constant 1 : i32
        %add3A_363 = arith.addi %mul3A_352, %add3A_362 : i32
        %mul3A_364 = arith.constant 128 : i32
        %mul3A_365 = arith.muli %add3A_363, %mul3A_364 : i32
        %add3A_366 = arith.constant 0 : i32
        %add3A_367 = arith.addi %mul3A_365, %add3A_366 : i32
        %get3A_368 = arith.index_cast %add3A_367 : i32 to index
        %get3A_369 = tpu.vector_load %arg9[%get3A_368] {strides = array<i32>} : memref<2560xi32, #tpu.memory_space<vmem>>, vector<16xi32>,
        %get3A_370 = vector.shape_cast %get3A_369 : vector<16xi32> to vector<16xi32>
        %add3A_371 = arith.constant 2 : i32
        %add3A_372 = arith.addi %mul3A_352, %add3A_371 : i32
        %mul3A_373 = arith.constant 128 : i32
        %mul3A_374 = arith.muli %add3A_372, %mul3A_373 : i32
        %add3A_375 = arith.constant 0 : i32
        %add3A_376 = arith.addi %mul3A_374, %add3A_375 : i32
        %get3A_377 = arith.index_cast %add3A_376 : i32 to index
        %get3A_378 = tpu.vector_load %arg9[%get3A_377] {strides = array<i32>} : memref<2560xi32, #tpu.memory_space<vmem>>, vector<16xi32>,
        %get3A_379 = vector.shape_cast %get3A_378 : vector<16xi32> to vector<16xi32>
        %add3A_380 = arith.constant 3 : i32
        %add3A_381 = arith.addi %mul3A_352, %add3A_380 : i32
        %mul3A_382 = arith.constant 128 : i32
        %mul3A_383 = arith.muli %add3A_381, %mul3A_382 : i32
        %add3A_384 = arith.constant 0 : i32
        %add3A_385 = arith.addi %mul3A_383, %add3A_384 : i32
        %get3A_386 = arith.index_cast %add3A_385 : i32 to index
        %get3A_387 = tpu.vector_load %arg9[%get3A_386] {strides = array<i32>} : memref<2560xi32, #tpu.memory_space<vmem>>, vector<16xi32>,
        %get3A_388 = vector.shape_cast %get3A_387 : vector<16xi32> to vector<16xi32>
        %shift_left3A = arith.constant 16 : i32
        %shift_left3A_389 = vector.broadcast %shift_left3A : i32 to vector<16xi32>
        %shift_left3A_390 = arith.shli %get3A_361, %shift_left3A_389 : vector<16xi32>
        %bitcast_convert_type3A = tpu.bitcast %shift_left3A_390 : vector<16xi32> -> vector<16xf32>
        %mul3A_391 = arith.mulf %get3A_332, %bitcast_convert_type3A : vector<16xf32>
        %and3A = arith.constant -65536 : i32
        %and3A_392 = vector.broadcast %and3A : i32 to vector<16xi32>
        %and3A_393 = arith.andi %get3A_361, %and3A_392 : vector<16xi32>
        %bitcast_convert_type3A_394 = tpu.bitcast %and3A_393 : vector<16xi32> -> vector<16xf32>
        %mul3A_395 = arith.mulf %get3A_338, %bitcast_convert_type3A_394 : vector<16xf32>
        %add3A_396 = arith.addf %mul3A_391, %mul3A_395 : vector<16xf32>
        %shift_left3A_397 = arith.constant 16 : i32
        %shift_left3A_398 = vector.broadcast %shift_left3A_397 : i32 to vector<16xi32>
        %shift_left3A_399 = arith.shli %get3A_370, %shift_left3A_398 : vector<16xi32>
        %bitcast_convert_type3A_400 = tpu.bitcast %shift_left3A_399 : vector<16xi32> -> vector<16xf32>
        %mul3A_401 = arith.mulf %get3A_344, %bitcast_convert_type3A_400 : vector<16xf32>
        %add3A_402 = arith.addf %add3A_396, %mul3A_401 : vector<16xf32>
        %and3A_403 = arith.constant -65536 : i32
        %and3A_404 = vector.broadcast %and3A_403 : i32 to vector<16xi32>
        %and3A_405 = arith.andi %get3A_370, %and3A_404 : vector<16xi32>
        %bitcast_convert_type3A_406 = tpu.bitcast %and3A_405 : vector<16xi32> -> vector<16xf32>
        %mul3A_407 = arith.mulf %get3A_350, %bitcast_convert_type3A_406 : vector<16xf32>
        %add3A_408 = arith.addf %add3A_402, %mul3A_407 : vector<16xf32>
        %shift_left3A_409 = arith.constant 16 : i32
        %shift_left3A_410 = vector.broadcast %shift_left3A_409 : i32 to vector<16xi32>
        %shift_left3A_411 = arith.shli %get3A_379, %shift_left3A_410 : vector<16xi32>
        %bitcast_convert_type3A_412 = tpu.bitcast %shift_left3A_411 : vector<16xi32> -> vector<16xf32>
        %mul3A_413 = arith.mulf %get3A_332, %bitcast_convert_type3A_412 : vector<16xf32>
        %and3A_414 = arith.constant -65536 : i32
        %and3A_415 = vector.broadcast %and3A_414 : i32 to vector<16xi32>
        %and3A_416 = arith.andi %get3A_379, %and3A_415 : vector<16xi32>
        %bitcast_convert_type3A_417 = tpu.bitcast %and3A_416 : vector<16xi32> -> vector<16xf32>
        %mul3A_418 = arith.mulf %get3A_338, %bitcast_convert_type3A_417 : vector<16xf32>
        %add3A_419 = arith.addf %mul3A_413, %mul3A_418 : vector<16xf32>
        %shift_left3A_420 = arith.constant 16 : i32
        %shift_left3A_421 = vector.broadcast %shift_left3A_420 : i32 to vector<16xi32>
        %shift_left3A_422 = arith.shli %get3A_388, %shift_left3A_421 : vector<16xi32>
        %bitcast_convert_type3A_423 = tpu.bitcast %shift_left3A_422 : vector<16xi32> -> vector<16xf32>
        %mul3A_424 = arith.mulf %get3A_344, %bitcast_convert_type3A_423 : vector<16xf32>
        %add3A_425 = arith.addf %add3A_419, %mul3A_424 : vector<16xf32>
        %and3A_426 = arith.constant -65536 : i32
        %and3A_427 = vector.broadcast %and3A_426 : i32 to vector<16xi32>
        %and3A_428 = arith.andi %get3A_388, %and3A_427 : vector<16xi32>
        %bitcast_convert_type3A_429 = tpu.bitcast %and3A_428 : vector<16xi32> -> vector<16xf32>
        %mul3A_430 = arith.mulf %get3A_350, %bitcast_convert_type3A_429 : vector<16xf32>
        %add3A_431 = arith.addf %add3A_425, %mul3A_430 : vector<16xf32>
        %mul3A_432 = arith.mulf %get3A_320, %add3A_408 : vector<16xf32>
        %add3A_433 = arith.addf %scan3A_315, %mul3A_432 : vector<16xf32>
        %mul3A_434 = arith.mulf %get3A_326, %add3A_431 : vector<16xf32>
        %add3A_435 = arith.addf %add3A_433, %mul3A_434 : vector<16xf32>
        scf.yield %add3A_435 : vector<16xf32>
      }
      %scan3A_102 = arith.constant 5 : i32
      %swap3A = arith.constant 0 : index
      %swap3A_103 = tpu.vector_load %arg14[%swap3A] {strides = array<i32>} : memref<128xf32, #tpu.memory_space<vmem>>, vector<16xf32>,
      %swap3A_104 = vector.shape_cast %swap3A_103 : vector<16xf32> to vector<16xf32>
      %swap3A_105 = vector.shape_cast %scan3A_101 : vector<16xf32> to vector<16xf32>
      tpu.vector_store %arg14[%swap3A], %swap3A_105 {strides = array<i32>} : memref<128xf32, #tpu.memory_space<vmem>>, vector<16xf32>,
      %broadcast_in_dim3A_106 = arith.constant 0.000000e+00 : f32
      %broadcast_in_dim3A_107 = vector.broadcast %broadcast_in_dim3A_106 : f32 to vector<16xf32>
      %scan3A_108 = arith.constant 0 : i32
      %scan3A_109 = arith.constant 5 : i32
      %scan3A_110 = arith.addi %scan3A_108, %scan3A_109 : i32
      %scan3A_111 = arith.constant 1 : i32
      %scan3A_112 = scf.for %scan3A_314 = %scan3A_108 to %scan3A_110 step %scan3A_111 iter_args(%scan3A_315 = %broadcast_in_dim3A_107) -> (vector<16xf32>)  : i32 {
        %get3A = arith.constant 0 : i32
        %get3A_316 = arith.index_cast %scan3A_314 : i32 to index
        %get3A_317 = arith.index_cast %get3A : i32 to index
        %get3A_318 = arith.constant 16 : index
        %get3A_319 = tpu.vector_load %arg7[%get3A_316, %get3A_317, %get3A_318] {strides = array<i32>} : memref<5x6x128xf32, #tpu.memory_space<vmem>>, vector<1x1x16xf32>,
        %get3A_320 = vector.shape_cast %get3A_319 : vector<1x1x16xf32> to vector<16xf32>
        %get3A_321 = arith.constant 1 : i32
        %get3A_322 = arith.index_cast %scan3A_314 : i32 to index
        %get3A_323 = arith.index_cast %get3A_321 : i32 to index
        %get3A_324 = arith.constant 16 : index
        %get3A_325 = tpu.vector_load %arg7[%get3A_322, %get3A_323, %get3A_324] {strides = array<i32>} : memref<5x6x128xf32, #tpu.memory_space<vmem>>, vector<1x1x16xf32>,
        %get3A_326 = vector.shape_cast %get3A_325 : vector<1x1x16xf32> to vector<16xf32>
        %get3A_327 = arith.constant 2 : i32
        %get3A_328 = arith.index_cast %scan3A_314 : i32 to index
        %get3A_329 = arith.index_cast %get3A_327 : i32 to index
        %get3A_330 = arith.constant 16 : index
        %get3A_331 = tpu.vector_load %arg7[%get3A_328, %get3A_329, %get3A_330] {strides = array<i32>} : memref<5x6x128xf32, #tpu.memory_space<vmem>>, vector<1x1x16xf32>,
        %get3A_332 = vector.shape_cast %get3A_331 : vector<1x1x16xf32> to vector<16xf32>
        %get3A_333 = arith.constant 3 : i32
        %get3A_334 = arith.index_cast %scan3A_314 : i32 to index
        %get3A_335 = arith.index_cast %get3A_333 : i32 to index
        %get3A_336 = arith.constant 16 : index
        %get3A_337 = tpu.vector_load %arg7[%get3A_334, %get3A_335, %get3A_336] {strides = array<i32>} : memref<5x6x128xf32, #tpu.memory_space<vmem>>, vector<1x1x16xf32>,
        %get3A_338 = vector.shape_cast %get3A_337 : vector<1x1x16xf32> to vector<16xf32>
        %get3A_339 = arith.constant 4 : i32
        %get3A_340 = arith.index_cast %scan3A_314 : i32 to index
        %get3A_341 = arith.index_cast %get3A_339 : i32 to index
        %get3A_342 = arith.constant 16 : index
        %get3A_343 = tpu.vector_load %arg7[%get3A_340, %get3A_341, %get3A_342] {strides = array<i32>} : memref<5x6x128xf32, #tpu.memory_space<vmem>>, vector<1x1x16xf32>,
        %get3A_344 = vector.shape_cast %get3A_343 : vector<1x1x16xf32> to vector<16xf32>
        %get3A_345 = arith.constant 5 : i32
        %get3A_346 = arith.index_cast %scan3A_314 : i32 to index
        %get3A_347 = arith.index_cast %get3A_345 : i32 to index
        %get3A_348 = arith.constant 16 : index
        %get3A_349 = tpu.vector_load %arg7[%get3A_346, %get3A_347, %get3A_348] {strides = array<i32>} : memref<5x6x128xf32, #tpu.memory_space<vmem>>, vector<1x1x16xf32>,
        %get3A_350 = vector.shape_cast %get3A_349 : vector<1x1x16xf32> to vector<16xf32>
        %mul3A_351 = arith.constant 4 : i32
        %mul3A_352 = arith.muli %scan3A_314, %mul3A_351 : i32
        %add3A_353 = arith.constant 0 : i32
        %add3A_354 = arith.addi %mul3A_352, %add3A_353 : i32
        %mul3A_355 = arith.constant 128 : i32
        %mul3A_356 = arith.muli %add3A_354, %mul3A_355 : i32
        %add3A_357 = arith.constant 16 : i32
        %add3A_358 = arith.addi %mul3A_356, %add3A_357 : i32
        %get3A_359 = arith.index_cast %add3A_358 : i32 to index
        %get3A_360 = tpu.vector_load %arg9[%get3A_359] {strides = array<i32>} : memref<2560xi32, #tpu.memory_space<vmem>>, vector<16xi32>,
        %get3A_361 = vector.shape_cast %get3A_360 : vector<16xi32> to vector<16xi32>
        %add3A_362 = arith.constant 1 : i32
        %add3A_363 = arith.addi %mul3A_352, %add3A_362 : i32
        %mul3A_364 = arith.constant 128 : i32
        %mul3A_365 = arith.muli %add3A_363, %mul3A_364 : i32
        %add3A_366 = arith.constant 16 : i32
        %add3A_367 = arith.addi %mul3A_365, %add3A_366 : i32
        %get3A_368 = arith.index_cast %add3A_367 : i32 to index
        %get3A_369 = tpu.vector_load %arg9[%get3A_368] {strides = array<i32>} : memref<2560xi32, #tpu.memory_space<vmem>>, vector<16xi32>,
        %get3A_370 = vector.shape_cast %get3A_369 : vector<16xi32> to vector<16xi32>
        %add3A_371 = arith.constant 2 : i32
        %add3A_372 = arith.addi %mul3A_352, %add3A_371 : i32
        %mul3A_373 = arith.constant 128 : i32
        %mul3A_374 = arith.muli %add3A_372, %mul3A_373 : i32
        %add3A_375 = arith.constant 16 : i32
        %add3A_376 = arith.addi %mul3A_374, %add3A_375 : i32
        %get3A_377 = arith.index_cast %add3A_376 : i32 to index
        %get3A_378 = tpu.vector_load %arg9[%get3A_377] {strides = array<i32>} : memref<2560xi32, #tpu.memory_space<vmem>>, vector<16xi32>,
        %get3A_379 = vector.shape_cast %get3A_378 : vector<16xi32> to vector<16xi32>
        %add3A_380 = arith.constant 3 : i32
        %add3A_381 = arith.addi %mul3A_352, %add3A_380 : i32
        %mul3A_382 = arith.constant 128 : i32
        %mul3A_383 = arith.muli %add3A_381, %mul3A_382 : i32
        %add3A_384 = arith.constant 16 : i32
        %add3A_385 = arith.addi %mul3A_383, %add3A_384 : i32
        %get3A_386 = arith.index_cast %add3A_385 : i32 to index
        %get3A_387 = tpu.vector_load %arg9[%get3A_386] {strides = array<i32>} : memref<2560xi32, #tpu.memory_space<vmem>>, vector<16xi32>,
        %get3A_388 = vector.shape_cast %get3A_387 : vector<16xi32> to vector<16xi32>
        %shift_left3A = arith.constant 16 : i32
        %shift_left3A_389 = vector.broadcast %shift_left3A : i32 to vector<16xi32>
        %shift_left3A_390 = arith.shli %get3A_361, %shift_left3A_389 : vector<16xi32>
        %bitcast_convert_type3A = tpu.bitcast %shift_left3A_390 : vector<16xi32> -> vector<16xf32>
        %mul3A_391 = arith.mulf %get3A_332, %bitcast_convert_type3A : vector<16xf32>
        %and3A = arith.constant -65536 : i32
        %and3A_392 = vector.broadcast %and3A : i32 to vector<16xi32>
        %and3A_393 = arith.andi %get3A_361, %and3A_392 : vector<16xi32>
        %bitcast_convert_type3A_394 = tpu.bitcast %and3A_393 : vector<16xi32> -> vector<16xf32>
        %mul3A_395 = arith.mulf %get3A_338, %bitcast_convert_type3A_394 : vector<16xf32>
        %add3A_396 = arith.addf %mul3A_391, %mul3A_395 : vector<16xf32>
        %shift_left3A_397 = arith.constant 16 : i32
        %shift_left3A_398 = vector.broadcast %shift_left3A_397 : i32 to vector<16xi32>
        %shift_left3A_399 = arith.shli %get3A_370, %shift_left3A_398 : vector<16xi32>
        %bitcast_convert_type3A_400 = tpu.bitcast %shift_left3A_399 : vector<16xi32> -> vector<16xf32>
        %mul3A_401 = arith.mulf %get3A_344, %bitcast_convert_type3A_400 : vector<16xf32>
        %add3A_402 = arith.addf %add3A_396, %mul3A_401 : vector<16xf32>
        %and3A_403 = arith.constant -65536 : i32
        %and3A_404 = vector.broadcast %and3A_403 : i32 to vector<16xi32>
        %and3A_405 = arith.andi %get3A_370, %and3A_404 : vector<16xi32>
        %bitcast_convert_type3A_406 = tpu.bitcast %and3A_405 : vector<16xi32> -> vector<16xf32>
        %mul3A_407 = arith.mulf %get3A_350, %bitcast_convert_type3A_406 : vector<16xf32>
        %add3A_408 = arith.addf %add3A_402, %mul3A_407 : vector<16xf32>
        %shift_left3A_409 = arith.constant 16 : i32
        %shift_left3A_410 = vector.broadcast %shift_left3A_409 : i32 to vector<16xi32>
        %shift_left3A_411 = arith.shli %get3A_379, %shift_left3A_410 : vector<16xi32>
        %bitcast_convert_type3A_412 = tpu.bitcast %shift_left3A_411 : vector<16xi32> -> vector<16xf32>
        %mul3A_413 = arith.mulf %get3A_332, %bitcast_convert_type3A_412 : vector<16xf32>
        %and3A_414 = arith.constant -65536 : i32
        %and3A_415 = vector.broadcast %and3A_414 : i32 to vector<16xi32>
        %and3A_416 = arith.andi %get3A_379, %and3A_415 : vector<16xi32>
        %bitcast_convert_type3A_417 = tpu.bitcast %and3A_416 : vector<16xi32> -> vector<16xf32>
        %mul3A_418 = arith.mulf %get3A_338, %bitcast_convert_type3A_417 : vector<16xf32>
        %add3A_419 = arith.addf %mul3A_413, %mul3A_418 : vector<16xf32>
        %shift_left3A_420 = arith.constant 16 : i32
        %shift_left3A_421 = vector.broadcast %shift_left3A_420 : i32 to vector<16xi32>
        %shift_left3A_422 = arith.shli %get3A_388, %shift_left3A_421 : vector<16xi32>
        %bitcast_convert_type3A_423 = tpu.bitcast %shift_left3A_422 : vector<16xi32> -> vector<16xf32>
        %mul3A_424 = arith.mulf %get3A_344, %bitcast_convert_type3A_423 : vector<16xf32>
        %add3A_425 = arith.addf %add3A_419, %mul3A_424 : vector<16xf32>
        %and3A_426 = arith.constant -65536 : i32
        %and3A_427 = vector.broadcast %and3A_426 : i32 to vector<16xi32>
        %and3A_428 = arith.andi %get3A_388, %and3A_427 : vector<16xi32>
        %bitcast_convert_type3A_429 = tpu.bitcast %and3A_428 : vector<16xi32> -> vector<16xf32>
        %mul3A_430 = arith.mulf %get3A_350, %bitcast_convert_type3A_429 : vector<16xf32>
        %add3A_431 = arith.addf %add3A_425, %mul3A_430 : vector<16xf32>
        %mul3A_432 = arith.mulf %get3A_320, %add3A_408 : vector<16xf32>
        %add3A_433 = arith.addf %scan3A_315, %mul3A_432 : vector<16xf32>
        %mul3A_434 = arith.mulf %get3A_326, %add3A_431 : vector<16xf32>
        %add3A_435 = arith.addf %add3A_433, %mul3A_434 : vector<16xf32>
        scf.yield %add3A_435 : vector<16xf32>
      }
      %scan3A_113 = arith.constant 5 : i32
      %swap3A_114 = arith.constant 16 : index
      %swap3A_115 = tpu.vector_load %arg14[%swap3A_114] {strides = array<i32>} : memref<128xf32, #tpu.memory_space<vmem>>, vector<16xf32>,
      %swap3A_116 = vector.shape_cast %swap3A_115 : vector<16xf32> to vector<16xf32>
      %swap3A_117 = vector.shape_cast %scan3A_112 : vector<16xf32> to vector<16xf32>
      tpu.vector_store %arg14[%swap3A_114], %swap3A_117 {strides = array<i32>} : memref<128xf32, #tpu.memory_space<vmem>>, vector<16xf32>,
      %broadcast_in_dim3A_118 = arith.constant 0.000000e+00 : f32
      %broadcast_in_dim3A_119 = vector.broadcast %broadcast_in_dim3A_118 : f32 to vector<16xf32>
      %scan3A_120 = arith.constant 0 : i32
      %scan3A_121 = arith.constant 5 : i32
      %scan3A_122 = arith.addi %scan3A_120, %scan3A_121 : i32
      %scan3A_123 = arith.constant 1 : i32
      %scan3A_124 = scf.for %scan3A_314 = %scan3A_120 to %scan3A_122 step %scan3A_123 iter_args(%scan3A_315 = %broadcast_in_dim3A_119) -> (vector<16xf32>)  : i32 {
        %get3A = arith.constant 0 : i32
        %get3A_316 = arith.index_cast %scan3A_314 : i32 to index
        %get3A_317 = arith.index_cast %get3A : i32 to index
        %get3A_318 = arith.constant 32 : index
        %get3A_319 = tpu.vector_load %arg7[%get3A_316, %get3A_317, %get3A_318] {strides = array<i32>} : memref<5x6x128xf32, #tpu.memory_space<vmem>>, vector<1x1x16xf32>,
        %get3A_320 = vector.shape_cast %get3A_319 : vector<1x1x16xf32> to vector<16xf32>
        %get3A_321 = arith.constant 1 : i32
        %get3A_322 = arith.index_cast %scan3A_314 : i32 to index
        %get3A_323 = arith.index_cast %get3A_321 : i32 to index
        %get3A_324 = arith.constant 32 : index
        %get3A_325 = tpu.vector_load %arg7[%get3A_322, %get3A_323, %get3A_324] {strides = array<i32>} : memref<5x6x128xf32, #tpu.memory_space<vmem>>, vector<1x1x16xf32>,
        %get3A_326 = vector.shape_cast %get3A_325 : vector<1x1x16xf32> to vector<16xf32>
        %get3A_327 = arith.constant 2 : i32
        %get3A_328 = arith.index_cast %scan3A_314 : i32 to index
        %get3A_329 = arith.index_cast %get3A_327 : i32 to index
        %get3A_330 = arith.constant 32 : index
        %get3A_331 = tpu.vector_load %arg7[%get3A_328, %get3A_329, %get3A_330] {strides = array<i32>} : memref<5x6x128xf32, #tpu.memory_space<vmem>>, vector<1x1x16xf32>,
        %get3A_332 = vector.shape_cast %get3A_331 : vector<1x1x16xf32> to vector<16xf32>
        %get3A_333 = arith.constant 3 : i32
        %get3A_334 = arith.index_cast %scan3A_314 : i32 to index
        %get3A_335 = arith.index_cast %get3A_333 : i32 to index
        %get3A_336 = arith.constant 32 : index
        %get3A_337 = tpu.vector_load %arg7[%get3A_334, %get3A_335, %get3A_336] {strides = array<i32>} : memref<5x6x128xf32, #tpu.memory_space<vmem>>, vector<1x1x16xf32>,
        %get3A_338 = vector.shape_cast %get3A_337 : vector<1x1x16xf32> to vector<16xf32>
        %get3A_339 = arith.constant 4 : i32
        %get3A_340 = arith.index_cast %scan3A_314 : i32 to index
        %get3A_341 = arith.index_cast %get3A_339 : i32 to index
        %get3A_342 = arith.constant 32 : index
        %get3A_343 = tpu.vector_load %arg7[%get3A_340, %get3A_341, %get3A_342] {strides = array<i32>} : memref<5x6x128xf32, #tpu.memory_space<vmem>>, vector<1x1x16xf32>,
        %get3A_344 = vector.shape_cast %get3A_343 : vector<1x1x16xf32> to vector<16xf32>
        %get3A_345 = arith.constant 5 : i32
        %get3A_346 = arith.index_cast %scan3A_314 : i32 to index
        %get3A_347 = arith.index_cast %get3A_345 : i32 to index
        %get3A_348 = arith.constant 32 : index
        %get3A_349 = tpu.vector_load %arg7[%get3A_346, %get3A_347, %get3A_348] {strides = array<i32>} : memref<5x6x128xf32, #tpu.memory_space<vmem>>, vector<1x1x16xf32>,
        %get3A_350 = vector.shape_cast %get3A_349 : vector<1x1x16xf32> to vector<16xf32>
        %mul3A_351 = arith.constant 4 : i32
        %mul3A_352 = arith.muli %scan3A_314, %mul3A_351 : i32
        %add3A_353 = arith.constant 0 : i32
        %add3A_354 = arith.addi %mul3A_352, %add3A_353 : i32
        %mul3A_355 = arith.constant 128 : i32
        %mul3A_356 = arith.muli %add3A_354, %mul3A_355 : i32
        %add3A_357 = arith.constant 32 : i32
        %add3A_358 = arith.addi %mul3A_356, %add3A_357 : i32
        %get3A_359 = arith.index_cast %add3A_358 : i32 to index
        %get3A_360 = tpu.vector_load %arg9[%get3A_359] {strides = array<i32>} : memref<2560xi32, #tpu.memory_space<vmem>>, vector<16xi32>,
        %get3A_361 = vector.shape_cast %get3A_360 : vector<16xi32> to vector<16xi32>
        %add3A_362 = arith.constant 1 : i32
        %add3A_363 = arith.addi %mul3A_352, %add3A_362 : i32
        %mul3A_364 = arith.constant 128 : i32
        %mul3A_365 = arith.muli %add3A_363, %mul3A_364 : i32
        %add3A_366 = arith.constant 32 : i32
        %add3A_367 = arith.addi %mul3A_365, %add3A_366 : i32
        %get3A_368 = arith.index_cast %add3A_367 : i32 to index
        %get3A_369 = tpu.vector_load %arg9[%get3A_368] {strides = array<i32>} : memref<2560xi32, #tpu.memory_space<vmem>>, vector<16xi32>,
        %get3A_370 = vector.shape_cast %get3A_369 : vector<16xi32> to vector<16xi32>
        %add3A_371 = arith.constant 2 : i32
        %add3A_372 = arith.addi %mul3A_352, %add3A_371 : i32
        %mul3A_373 = arith.constant 128 : i32
        %mul3A_374 = arith.muli %add3A_372, %mul3A_373 : i32
        %add3A_375 = arith.constant 32 : i32
        %add3A_376 = arith.addi %mul3A_374, %add3A_375 : i32
        %get3A_377 = arith.index_cast %add3A_376 : i32 to index
        %get3A_378 = tpu.vector_load %arg9[%get3A_377] {strides = array<i32>} : memref<2560xi32, #tpu.memory_space<vmem>>, vector<16xi32>,
        %get3A_379 = vector.shape_cast %get3A_378 : vector<16xi32> to vector<16xi32>
        %add3A_380 = arith.constant 3 : i32
        %add3A_381 = arith.addi %mul3A_352, %add3A_380 : i32
        %mul3A_382 = arith.constant 128 : i32
        %mul3A_383 = arith.muli %add3A_381, %mul3A_382 : i32
        %add3A_384 = arith.constant 32 : i32
        %add3A_385 = arith.addi %mul3A_383, %add3A_384 : i32
        %get3A_386 = arith.index_cast %add3A_385 : i32 to index
        %get3A_387 = tpu.vector_load %arg9[%get3A_386] {strides = array<i32>} : memref<2560xi32, #tpu.memory_space<vmem>>, vector<16xi32>,
        %get3A_388 = vector.shape_cast %get3A_387 : vector<16xi32> to vector<16xi32>
        %shift_left3A = arith.constant 16 : i32
        %shift_left3A_389 = vector.broadcast %shift_left3A : i32 to vector<16xi32>
        %shift_left3A_390 = arith.shli %get3A_361, %shift_left3A_389 : vector<16xi32>
        %bitcast_convert_type3A = tpu.bitcast %shift_left3A_390 : vector<16xi32> -> vector<16xf32>
        %mul3A_391 = arith.mulf %get3A_332, %bitcast_convert_type3A : vector<16xf32>
        %and3A = arith.constant -65536 : i32
        %and3A_392 = vector.broadcast %and3A : i32 to vector<16xi32>
        %and3A_393 = arith.andi %get3A_361, %and3A_392 : vector<16xi32>
        %bitcast_convert_type3A_394 = tpu.bitcast %and3A_393 : vector<16xi32> -> vector<16xf32>
        %mul3A_395 = arith.mulf %get3A_338, %bitcast_convert_type3A_394 : vector<16xf32>
        %add3A_396 = arith.addf %mul3A_391, %mul3A_395 : vector<16xf32>
        %shift_left3A_397 = arith.constant 16 : i32
        %shift_left3A_398 = vector.broadcast %shift_left3A_397 : i32 to vector<16xi32>
        %shift_left3A_399 = arith.shli %get3A_370, %shift_left3A_398 : vector<16xi32>
        %bitcast_convert_type3A_400 = tpu.bitcast %shift_left3A_399 : vector<16xi32> -> vector<16xf32>
        %mul3A_401 = arith.mulf %get3A_344, %bitcast_convert_type3A_400 : vector<16xf32>
        %add3A_402 = arith.addf %add3A_396, %mul3A_401 : vector<16xf32>
        %and3A_403 = arith.constant -65536 : i32
        %and3A_404 = vector.broadcast %and3A_403 : i32 to vector<16xi32>
        %and3A_405 = arith.andi %get3A_370, %and3A_404 : vector<16xi32>
        %bitcast_convert_type3A_406 = tpu.bitcast %and3A_405 : vector<16xi32> -> vector<16xf32>
        %mul3A_407 = arith.mulf %get3A_350, %bitcast_convert_type3A_406 : vector<16xf32>
        %add3A_408 = arith.addf %add3A_402, %mul3A_407 : vector<16xf32>
        %shift_left3A_409 = arith.constant 16 : i32
        %shift_left3A_410 = vector.broadcast %shift_left3A_409 : i32 to vector<16xi32>
        %shift_left3A_411 = arith.shli %get3A_379, %shift_left3A_410 : vector<16xi32>
        %bitcast_convert_type3A_412 = tpu.bitcast %shift_left3A_411 : vector<16xi32> -> vector<16xf32>
        %mul3A_413 = arith.mulf %get3A_332, %bitcast_convert_type3A_412 : vector<16xf32>
        %and3A_414 = arith.constant -65536 : i32
        %and3A_415 = vector.broadcast %and3A_414 : i32 to vector<16xi32>
        %and3A_416 = arith.andi %get3A_379, %and3A_415 : vector<16xi32>
        %bitcast_convert_type3A_417 = tpu.bitcast %and3A_416 : vector<16xi32> -> vector<16xf32>
        %mul3A_418 = arith.mulf %get3A_338, %bitcast_convert_type3A_417 : vector<16xf32>
        %add3A_419 = arith.addf %mul3A_413, %mul3A_418 : vector<16xf32>
        %shift_left3A_420 = arith.constant 16 : i32
        %shift_left3A_421 = vector.broadcast %shift_left3A_420 : i32 to vector<16xi32>
        %shift_left3A_422 = arith.shli %get3A_388, %shift_left3A_421 : vector<16xi32>
        %bitcast_convert_type3A_423 = tpu.bitcast %shift_left3A_422 : vector<16xi32> -> vector<16xf32>
        %mul3A_424 = arith.mulf %get3A_344, %bitcast_convert_type3A_423 : vector<16xf32>
        %add3A_425 = arith.addf %add3A_419, %mul3A_424 : vector<16xf32>
        %and3A_426 = arith.constant -65536 : i32
        %and3A_427 = vector.broadcast %and3A_426 : i32 to vector<16xi32>
        %and3A_428 = arith.andi %get3A_388, %and3A_427 : vector<16xi32>
        %bitcast_convert_type3A_429 = tpu.bitcast %and3A_428 : vector<16xi32> -> vector<16xf32>
        %mul3A_430 = arith.mulf %get3A_350, %bitcast_convert_type3A_429 : vector<16xf32>
        %add3A_431 = arith.addf %add3A_425, %mul3A_430 : vector<16xf32>
        %mul3A_432 = arith.mulf %get3A_320, %add3A_408 : vector<16xf32>
        %add3A_433 = arith.addf %scan3A_315, %mul3A_432 : vector<16xf32>
        %mul3A_434 = arith.mulf %get3A_326, %add3A_431 : vector<16xf32>
        %add3A_435 = arith.addf %add3A_433, %mul3A_434 : vector<16xf32>
        scf.yield %add3A_435 : vector<16xf32>
      }
      %scan3A_125 = arith.constant 5 : i32
      %swap3A_126 = arith.constant 32 : index
      %swap3A_127 = tpu.vector_load %arg14[%swap3A_126] {strides = array<i32>} : memref<128xf32, #tpu.memory_space<vmem>>, vector<16xf32>,
      %swap3A_128 = vector.shape_cast %swap3A_127 : vector<16xf32> to vector<16xf32>
      %swap3A_129 = vector.shape_cast %scan3A_124 : vector<16xf32> to vector<16xf32>
      tpu.vector_store %arg14[%swap3A_126], %swap3A_129 {strides = array<i32>} : memref<128xf32, #tpu.memory_space<vmem>>, vector<16xf32>,
      %broadcast_in_dim3A_130 = arith.constant 0.000000e+00 : f32
      %broadcast_in_dim3A_131 = vector.broadcast %broadcast_in_dim3A_130 : f32 to vector<16xf32>
      %scan3A_132 = arith.constant 0 : i32
      %scan3A_133 = arith.constant 5 : i32
      %scan3A_134 = arith.addi %scan3A_132, %scan3A_133 : i32
      %scan3A_135 = arith.constant 1 : i32
      %scan3A_136 = scf.for %scan3A_314 = %scan3A_132 to %scan3A_134 step %scan3A_135 iter_args(%scan3A_315 = %broadcast_in_dim3A_131) -> (vector<16xf32>)  : i32 {
        %get3A = arith.constant 0 : i32
        %get3A_316 = arith.index_cast %scan3A_314 : i32 to index
        %get3A_317 = arith.index_cast %get3A : i32 to index
        %get3A_318 = arith.constant 48 : index
        %get3A_319 = tpu.vector_load %arg7[%get3A_316, %get3A_317, %get3A_318] {strides = array<i32>} : memref<5x6x128xf32, #tpu.memory_space<vmem>>, vector<1x1x16xf32>,
        %get3A_320 = vector.shape_cast %get3A_319 : vector<1x1x16xf32> to vector<16xf32>
        %get3A_321 = arith.constant 1 : i32
        %get3A_322 = arith.index_cast %scan3A_314 : i32 to index
        %get3A_323 = arith.index_cast %get3A_321 : i32 to index
        %get3A_324 = arith.constant 48 : index
        %get3A_325 = tpu.vector_load %arg7[%get3A_322, %get3A_323, %get3A_324] {strides = array<i32>} : memref<5x6x128xf32, #tpu.memory_space<vmem>>, vector<1x1x16xf32>,
        %get3A_326 = vector.shape_cast %get3A_325 : vector<1x1x16xf32> to vector<16xf32>
        %get3A_327 = arith.constant 2 : i32
        %get3A_328 = arith.index_cast %scan3A_314 : i32 to index
        %get3A_329 = arith.index_cast %get3A_327 : i32 to index
        %get3A_330 = arith.constant 48 : index
        %get3A_331 = tpu.vector_load %arg7[%get3A_328, %get3A_329, %get3A_330] {strides = array<i32>} : memref<5x6x128xf32, #tpu.memory_space<vmem>>, vector<1x1x16xf32>,
        %get3A_332 = vector.shape_cast %get3A_331 : vector<1x1x16xf32> to vector<16xf32>
        %get3A_333 = arith.constant 3 : i32
        %get3A_334 = arith.index_cast %scan3A_314 : i32 to index
        %get3A_335 = arith.index_cast %get3A_333 : i32 to index
        %get3A_336 = arith.constant 48 : index
        %get3A_337 = tpu.vector_load %arg7[%get3A_334, %get3A_335, %get3A_336] {strides = array<i32>} : memref<5x6x128xf32, #tpu.memory_space<vmem>>, vector<1x1x16xf32>,
        %get3A_338 = vector.shape_cast %get3A_337 : vector<1x1x16xf32> to vector<16xf32>
        %get3A_339 = arith.constant 4 : i32
        %get3A_340 = arith.index_cast %scan3A_314 : i32 to index
        %get3A_341 = arith.index_cast %get3A_339 : i32 to index
        %get3A_342 = arith.constant 48 : index
        %get3A_343 = tpu.vector_load %arg7[%get3A_340, %get3A_341, %get3A_342] {strides = array<i32>} : memref<5x6x128xf32, #tpu.memory_space<vmem>>, vector<1x1x16xf32>,
        %get3A_344 = vector.shape_cast %get3A_343 : vector<1x1x16xf32> to vector<16xf32>
        %get3A_345 = arith.constant 5 : i32
        %get3A_346 = arith.index_cast %scan3A_314 : i32 to index
        %get3A_347 = arith.index_cast %get3A_345 : i32 to index
        %get3A_348 = arith.constant 48 : index
        %get3A_349 = tpu.vector_load %arg7[%get3A_346, %get3A_347, %get3A_348] {strides = array<i32>} : memref<5x6x128xf32, #tpu.memory_space<vmem>>, vector<1x1x16xf32>,
        %get3A_350 = vector.shape_cast %get3A_349 : vector<1x1x16xf32> to vector<16xf32>
        %mul3A_351 = arith.constant 4 : i32
        %mul3A_352 = arith.muli %scan3A_314, %mul3A_351 : i32
        %add3A_353 = arith.constant 0 : i32
        %add3A_354 = arith.addi %mul3A_352, %add3A_353 : i32
        %mul3A_355 = arith.constant 128 : i32
        %mul3A_356 = arith.muli %add3A_354, %mul3A_355 : i32
        %add3A_357 = arith.constant 48 : i32
        %add3A_358 = arith.addi %mul3A_356, %add3A_357 : i32
        %get3A_359 = arith.index_cast %add3A_358 : i32 to index
        %get3A_360 = tpu.vector_load %arg9[%get3A_359] {strides = array<i32>} : memref<2560xi32, #tpu.memory_space<vmem>>, vector<16xi32>,
        %get3A_361 = vector.shape_cast %get3A_360 : vector<16xi32> to vector<16xi32>
        %add3A_362 = arith.constant 1 : i32
        %add3A_363 = arith.addi %mul3A_352, %add3A_362 : i32
        %mul3A_364 = arith.constant 128 : i32
        %mul3A_365 = arith.muli %add3A_363, %mul3A_364 : i32
        %add3A_366 = arith.constant 48 : i32
        %add3A_367 = arith.addi %mul3A_365, %add3A_366 : i32
        %get3A_368 = arith.index_cast %add3A_367 : i32 to index
        %get3A_369 = tpu.vector_load %arg9[%get3A_368] {strides = array<i32>} : memref<2560xi32, #tpu.memory_space<vmem>>, vector<16xi32>,
        %get3A_370 = vector.shape_cast %get3A_369 : vector<16xi32> to vector<16xi32>
        %add3A_371 = arith.constant 2 : i32
        %add3A_372 = arith.addi %mul3A_352, %add3A_371 : i32
        %mul3A_373 = arith.constant 128 : i32
        %mul3A_374 = arith.muli %add3A_372, %mul3A_373 : i32
        %add3A_375 = arith.constant 48 : i32
        %add3A_376 = arith.addi %mul3A_374, %add3A_375 : i32
        %get3A_377 = arith.index_cast %add3A_376 : i32 to index
        %get3A_378 = tpu.vector_load %arg9[%get3A_377] {strides = array<i32>} : memref<2560xi32, #tpu.memory_space<vmem>>, vector<16xi32>,
        %get3A_379 = vector.shape_cast %get3A_378 : vector<16xi32> to vector<16xi32>
        %add3A_380 = arith.constant 3 : i32
        %add3A_381 = arith.addi %mul3A_352, %add3A_380 : i32
        %mul3A_382 = arith.constant 128 : i32
        %mul3A_383 = arith.muli %add3A_381, %mul3A_382 : i32
        %add3A_384 = arith.constant 48 : i32
        %add3A_385 = arith.addi %mul3A_383, %add3A_384 : i32
        %get3A_386 = arith.index_cast %add3A_385 : i32 to index
        %get3A_387 = tpu.vector_load %arg9[%get3A_386] {strides = array<i32>} : memref<2560xi32, #tpu.memory_space<vmem>>, vector<16xi32>,
        %get3A_388 = vector.shape_cast %get3A_387 : vector<16xi32> to vector<16xi32>
        %shift_left3A = arith.constant 16 : i32
        %shift_left3A_389 = vector.broadcast %shift_left3A : i32 to vector<16xi32>
        %shift_left3A_390 = arith.shli %get3A_361, %shift_left3A_389 : vector<16xi32>
        %bitcast_convert_type3A = tpu.bitcast %shift_left3A_390 : vector<16xi32> -> vector<16xf32>
        %mul3A_391 = arith.mulf %get3A_332, %bitcast_convert_type3A : vector<16xf32>
        %and3A = arith.constant -65536 : i32
        %and3A_392 = vector.broadcast %and3A : i32 to vector<16xi32>
        %and3A_393 = arith.andi %get3A_361, %and3A_392 : vector<16xi32>
        %bitcast_convert_type3A_394 = tpu.bitcast %and3A_393 : vector<16xi32> -> vector<16xf32>
        %mul3A_395 = arith.mulf %get3A_338, %bitcast_convert_type3A_394 : vector<16xf32>
        %add3A_396 = arith.addf %mul3A_391, %mul3A_395 : vector<16xf32>
        %shift_left3A_397 = arith.constant 16 : i32
        %shift_left3A_398 = vector.broadcast %shift_left3A_397 : i32 to vector<16xi32>
        %shift_left3A_399 = arith.shli %get3A_370, %shift_left3A_398 : vector<16xi32>
        %bitcast_convert_type3A_400 = tpu.bitcast %shift_left3A_399 : vector<16xi32> -> vector<16xf32>
        %mul3A_401 = arith.mulf %get3A_344, %bitcast_convert_type3A_400 : vector<16xf32>
        %add3A_402 = arith.addf %add3A_396, %mul3A_401 : vector<16xf32>
        %and3A_403 = arith.constant -65536 : i32
        %and3A_404 = vector.broadcast %and3A_403 : i32 to vector<16xi32>
        %and3A_405 = arith.andi %get3A_370, %and3A_404 : vector<16xi32>
        %bitcast_convert_type3A_406 = tpu.bitcast %and3A_405 : vector<16xi32> -> vector<16xf32>
        %mul3A_407 = arith.mulf %get3A_350, %bitcast_convert_type3A_406 : vector<16xf32>
        %add3A_408 = arith.addf %add3A_402, %mul3A_407 : vector<16xf32>
        %shift_left3A_409 = arith.constant 16 : i32
        %shift_left3A_410 = vector.broadcast %shift_left3A_409 : i32 to vector<16xi32>
        %shift_left3A_411 = arith.shli %get3A_379, %shift_left3A_410 : vector<16xi32>
        %bitcast_convert_type3A_412 = tpu.bitcast %shift_left3A_411 : vector<16xi32> -> vector<16xf32>
        %mul3A_413 = arith.mulf %get3A_332, %bitcast_convert_type3A_412 : vector<16xf32>
        %and3A_414 = arith.constant -65536 : i32
        %and3A_415 = vector.broadcast %and3A_414 : i32 to vector<16xi32>
        %and3A_416 = arith.andi %get3A_379, %and3A_415 : vector<16xi32>
        %bitcast_convert_type3A_417 = tpu.bitcast %and3A_416 : vector<16xi32> -> vector<16xf32>
        %mul3A_418 = arith.mulf %get3A_338, %bitcast_convert_type3A_417 : vector<16xf32>
        %add3A_419 = arith.addf %mul3A_413, %mul3A_418 : vector<16xf32>
        %shift_left3A_420 = arith.constant 16 : i32
        %shift_left3A_421 = vector.broadcast %shift_left3A_420 : i32 to vector<16xi32>
        %shift_left3A_422 = arith.shli %get3A_388, %shift_left3A_421 : vector<16xi32>
        %bitcast_convert_type3A_423 = tpu.bitcast %shift_left3A_422 : vector<16xi32> -> vector<16xf32>
        %mul3A_424 = arith.mulf %get3A_344, %bitcast_convert_type3A_423 : vector<16xf32>
        %add3A_425 = arith.addf %add3A_419, %mul3A_424 : vector<16xf32>
        %and3A_426 = arith.constant -65536 : i32
        %and3A_427 = vector.broadcast %and3A_426 : i32 to vector<16xi32>
        %and3A_428 = arith.andi %get3A_388, %and3A_427 : vector<16xi32>
        %bitcast_convert_type3A_429 = tpu.bitcast %and3A_428 : vector<16xi32> -> vector<16xf32>
        %mul3A_430 = arith.mulf %get3A_350, %bitcast_convert_type3A_429 : vector<16xf32>
        %add3A_431 = arith.addf %add3A_425, %mul3A_430 : vector<16xf32>
        %mul3A_432 = arith.mulf %get3A_320, %add3A_408 : vector<16xf32>
        %add3A_433 = arith.addf %scan3A_315, %mul3A_432 : vector<16xf32>
        %mul3A_434 = arith.mulf %get3A_326, %add3A_431 : vector<16xf32>
        %add3A_435 = arith.addf %add3A_433, %mul3A_434 : vector<16xf32>
        scf.yield %add3A_435 : vector<16xf32>
      }
      %scan3A_137 = arith.constant 5 : i32
      %swap3A_138 = arith.constant 48 : index
      %swap3A_139 = tpu.vector_load %arg14[%swap3A_138] {strides = array<i32>} : memref<128xf32, #tpu.memory_space<vmem>>, vector<16xf32>,
      %swap3A_140 = vector.shape_cast %swap3A_139 : vector<16xf32> to vector<16xf32>
      %swap3A_141 = vector.shape_cast %scan3A_136 : vector<16xf32> to vector<16xf32>
      tpu.vector_store %arg14[%swap3A_138], %swap3A_141 {strides = array<i32>} : memref<128xf32, #tpu.memory_space<vmem>>, vector<16xf32>,
      %broadcast_in_dim3A_142 = arith.constant 0.000000e+00 : f32
      %broadcast_in_dim3A_143 = vector.broadcast %broadcast_in_dim3A_142 : f32 to vector<16xf32>
      %scan3A_144 = arith.constant 0 : i32
      %scan3A_145 = arith.constant 5 : i32
      %scan3A_146 = arith.addi %scan3A_144, %scan3A_145 : i32
      %scan3A_147 = arith.constant 1 : i32
      %scan3A_148 = scf.for %scan3A_314 = %scan3A_144 to %scan3A_146 step %scan3A_147 iter_args(%scan3A_315 = %broadcast_in_dim3A_143) -> (vector<16xf32>)  : i32 {
        %get3A = arith.constant 0 : i32
        %get3A_316 = arith.index_cast %scan3A_314 : i32 to index
        %get3A_317 = arith.index_cast %get3A : i32 to index
        %get3A_318 = arith.constant 64 : index
        %get3A_319 = tpu.vector_load %arg7[%get3A_316, %get3A_317, %get3A_318] {strides = array<i32>} : memref<5x6x128xf32, #tpu.memory_space<vmem>>, vector<1x1x16xf32>,
        %get3A_320 = vector.shape_cast %get3A_319 : vector<1x1x16xf32> to vector<16xf32>
        %get3A_321 = arith.constant 1 : i32
        %get3A_322 = arith.index_cast %scan3A_314 : i32 to index
        %get3A_323 = arith.index_cast %get3A_321 : i32 to index
        %get3A_324 = arith.constant 64 : index
        %get3A_325 = tpu.vector_load %arg7[%get3A_322, %get3A_323, %get3A_324] {strides = array<i32>} : memref<5x6x128xf32, #tpu.memory_space<vmem>>, vector<1x1x16xf32>,
        %get3A_326 = vector.shape_cast %get3A_325 : vector<1x1x16xf32> to vector<16xf32>
        %get3A_327 = arith.constant 2 : i32
        %get3A_328 = arith.index_cast %scan3A_314 : i32 to index
        %get3A_329 = arith.index_cast %get3A_327 : i32 to index
        %get3A_330 = arith.constant 64 : index
        %get3A_331 = tpu.vector_load %arg7[%get3A_328, %get3A_329, %get3A_330] {strides = array<i32>} : memref<5x6x128xf32, #tpu.memory_space<vmem>>, vector<1x1x16xf32>,
        %get3A_332 = vector.shape_cast %get3A_331 : vector<1x1x16xf32> to vector<16xf32>
        %get3A_333 = arith.constant 3 : i32
        %get3A_334 = arith.index_cast %scan3A_314 : i32 to index
        %get3A_335 = arith.index_cast %get3A_333 : i32 to index
        %get3A_336 = arith.constant 64 : index
        %get3A_337 = tpu.vector_load %arg7[%get3A_334, %get3A_335, %get3A_336] {strides = array<i32>} : memref<5x6x128xf32, #tpu.memory_space<vmem>>, vector<1x1x16xf32>,
        %get3A_338 = vector.shape_cast %get3A_337 : vector<1x1x16xf32> to vector<16xf32>
        %get3A_339 = arith.constant 4 : i32
        %get3A_340 = arith.index_cast %scan3A_314 : i32 to index
        %get3A_341 = arith.index_cast %get3A_339 : i32 to index
        %get3A_342 = arith.constant 64 : index
        %get3A_343 = tpu.vector_load %arg7[%get3A_340, %get3A_341, %get3A_342] {strides = array<i32>} : memref<5x6x128xf32, #tpu.memory_space<vmem>>, vector<1x1x16xf32>,
        %get3A_344 = vector.shape_cast %get3A_343 : vector<1x1x16xf32> to vector<16xf32>
        %get3A_345 = arith.constant 5 : i32
        %get3A_346 = arith.index_cast %scan3A_314 : i32 to index
        %get3A_347 = arith.index_cast %get3A_345 : i32 to index
        %get3A_348 = arith.constant 64 : index
        %get3A_349 = tpu.vector_load %arg7[%get3A_346, %get3A_347, %get3A_348] {strides = array<i32>} : memref<5x6x128xf32, #tpu.memory_space<vmem>>, vector<1x1x16xf32>,
        %get3A_350 = vector.shape_cast %get3A_349 : vector<1x1x16xf32> to vector<16xf32>
        %mul3A_351 = arith.constant 4 : i32
        %mul3A_352 = arith.muli %scan3A_314, %mul3A_351 : i32
        %add3A_353 = arith.constant 0 : i32
        %add3A_354 = arith.addi %mul3A_352, %add3A_353 : i32
        %mul3A_355 = arith.constant 128 : i32
        %mul3A_356 = arith.muli %add3A_354, %mul3A_355 : i32
        %add3A_357 = arith.constant 64 : i32
        %add3A_358 = arith.addi %mul3A_356, %add3A_357 : i32
        %get3A_359 = arith.index_cast %add3A_358 : i32 to index
        %get3A_360 = tpu.vector_load %arg9[%get3A_359] {strides = array<i32>} : memref<2560xi32, #tpu.memory_space<vmem>>, vector<16xi32>,
        %get3A_361 = vector.shape_cast %get3A_360 : vector<16xi32> to vector<16xi32>
        %add3A_362 = arith.constant 1 : i32
        %add3A_363 = arith.addi %mul3A_352, %add3A_362 : i32
        %mul3A_364 = arith.constant 128 : i32
        %mul3A_365 = arith.muli %add3A_363, %mul3A_364 : i32
        %add3A_366 = arith.constant 64 : i32
        %add3A_367 = arith.addi %mul3A_365, %add3A_366 : i32
        %get3A_368 = arith.index_cast %add3A_367 : i32 to index
        %get3A_369 = tpu.vector_load %arg9[%get3A_368] {strides = array<i32>} : memref<2560xi32, #tpu.memory_space<vmem>>, vector<16xi32>,
        %get3A_370 = vector.shape_cast %get3A_369 : vector<16xi32> to vector<16xi32>
        %add3A_371 = arith.constant 2 : i32
        %add3A_372 = arith.addi %mul3A_352, %add3A_371 : i32
        %mul3A_373 = arith.constant 128 : i32
        %mul3A_374 = arith.muli %add3A_372, %mul3A_373 : i32
        %add3A_375 = arith.constant 64 : i32
        %add3A_376 = arith.addi %mul3A_374, %add3A_375 : i32
        %get3A_377 = arith.index_cast %add3A_376 : i32 to index
        %get3A_378 = tpu.vector_load %arg9[%get3A_377] {strides = array<i32>} : memref<2560xi32, #tpu.memory_space<vmem>>, vector<16xi32>,
        %get3A_379 = vector.shape_cast %get3A_378 : vector<16xi32> to vector<16xi32>
        %add3A_380 = arith.constant 3 : i32
        %add3A_381 = arith.addi %mul3A_352, %add3A_380 : i32
        %mul3A_382 = arith.constant 128 : i32
        %mul3A_383 = arith.muli %add3A_381, %mul3A_382 : i32
        %add3A_384 = arith.constant 64 : i32
        %add3A_385 = arith.addi %mul3A_383, %add3A_384 : i32
        %get3A_386 = arith.index_cast %add3A_385 : i32 to index
        %get3A_387 = tpu.vector_load %arg9[%get3A_386] {strides = array<i32>} : memref<2560xi32, #tpu.memory_space<vmem>>, vector<16xi32>,
        %get3A_388 = vector.shape_cast %get3A_387 : vector<16xi32> to vector<16xi32>
        %shift_left3A = arith.constant 16 : i32
        %shift_left3A_389 = vector.broadcast %shift_left3A : i32 to vector<16xi32>
        %shift_left3A_390 = arith.shli %get3A_361, %shift_left3A_389 : vector<16xi32>
        %bitcast_convert_type3A = tpu.bitcast %shift_left3A_390 : vector<16xi32> -> vector<16xf32>
        %mul3A_391 = arith.mulf %get3A_332, %bitcast_convert_type3A : vector<16xf32>
        %and3A = arith.constant -65536 : i32
        %and3A_392 = vector.broadcast %and3A : i32 to vector<16xi32>
        %and3A_393 = arith.andi %get3A_361, %and3A_392 : vector<16xi32>
        %bitcast_convert_type3A_394 = tpu.bitcast %and3A_393 : vector<16xi32> -> vector<16xf32>
        %mul3A_395 = arith.mulf %get3A_338, %bitcast_convert_type3A_394 : vector<16xf32>
        %add3A_396 = arith.addf %mul3A_391, %mul3A_395 : vector<16xf32>
        %shift_left3A_397 = arith.constant 16 : i32
        %shift_left3A_398 = vector.broadcast %shift_left3A_397 : i32 to vector<16xi32>
        %shift_left3A_399 = arith.shli %get3A_370, %shift_left3A_398 : vector<16xi32>
        %bitcast_convert_type3A_400 = tpu.bitcast %shift_left3A_399 : vector<16xi32> -> vector<16xf32>
        %mul3A_401 = arith.mulf %get3A_344, %bitcast_convert_type3A_400 : vector<16xf32>
        %add3A_402 = arith.addf %add3A_396, %mul3A_401 : vector<16xf32>
        %and3A_403 = arith.constant -65536 : i32
        %and3A_404 = vector.broadcast %and3A_403 : i32 to vector<16xi32>
        %and3A_405 = arith.andi %get3A_370, %and3A_404 : vector<16xi32>
        %bitcast_convert_type3A_406 = tpu.bitcast %and3A_405 : vector<16xi32> -> vector<16xf32>
        %mul3A_407 = arith.mulf %get3A_350, %bitcast_convert_type3A_406 : vector<16xf32>
        %add3A_408 = arith.addf %add3A_402, %mul3A_407 : vector<16xf32>
        %shift_left3A_409 = arith.constant 16 : i32
        %shift_left3A_410 = vector.broadcast %shift_left3A_409 : i32 to vector<16xi32>
        %shift_left3A_411 = arith.shli %get3A_379, %shift_left3A_410 : vector<16xi32>
        %bitcast_convert_type3A_412 = tpu.bitcast %shift_left3A_411 : vector<16xi32> -> vector<16xf32>
        %mul3A_413 = arith.mulf %get3A_332, %bitcast_convert_type3A_412 : vector<16xf32>
        %and3A_414 = arith.constant -65536 : i32
        %and3A_415 = vector.broadcast %and3A_414 : i32 to vector<16xi32>
        %and3A_416 = arith.andi %get3A_379, %and3A_415 : vector<16xi32>
        %bitcast_convert_type3A_417 = tpu.bitcast %and3A_416 : vector<16xi32> -> vector<16xf32>
        %mul3A_418 = arith.mulf %get3A_338, %bitcast_convert_type3A_417 : vector<16xf32>
        %add3A_419 = arith.addf %mul3A_413, %mul3A_418 : vector<16xf32>
        %shift_left3A_420 = arith.constant 16 : i32
        %shift_left3A_421 = vector.broadcast %shift_left3A_420 : i32 to vector<16xi32>
        %shift_left3A_422 = arith.shli %get3A_388, %shift_left3A_421 : vector<16xi32>
        %bitcast_convert_type3A_423 = tpu.bitcast %shift_left3A_422 : vector<16xi32> -> vector<16xf32>
        %mul3A_424 = arith.mulf %get3A_344, %bitcast_convert_type3A_423 : vector<16xf32>
        %add3A_425 = arith.addf %add3A_419, %mul3A_424 : vector<16xf32>
        %and3A_426 = arith.constant -65536 : i32
        %and3A_427 = vector.broadcast %and3A_426 : i32 to vector<16xi32>
        %and3A_428 = arith.andi %get3A_388, %and3A_427 : vector<16xi32>
        %bitcast_convert_type3A_429 = tpu.bitcast %and3A_428 : vector<16xi32> -> vector<16xf32>
        %mul3A_430 = arith.mulf %get3A_350, %bitcast_convert_type3A_429 : vector<16xf32>
        %add3A_431 = arith.addf %add3A_425, %mul3A_430 : vector<16xf32>
        %mul3A_432 = arith.mulf %get3A_320, %add3A_408 : vector<16xf32>
        %add3A_433 = arith.addf %scan3A_315, %mul3A_432 : vector<16xf32>
        %mul3A_434 = arith.mulf %get3A_326, %add3A_431 : vector<16xf32>
        %add3A_435 = arith.addf %add3A_433, %mul3A_434 : vector<16xf32>
        scf.yield %add3A_435 : vector<16xf32>
      }
      %scan3A_149 = arith.constant 5 : i32
      %swap3A_150 = arith.constant 64 : index
      %swap3A_151 = tpu.vector_load %arg14[%swap3A_150] {strides = array<i32>} : memref<128xf32, #tpu.memory_space<vmem>>, vector<16xf32>,
      %swap3A_152 = vector.shape_cast %swap3A_151 : vector<16xf32> to vector<16xf32>
      %swap3A_153 = vector.shape_cast %scan3A_148 : vector<16xf32> to vector<16xf32>
      tpu.vector_store %arg14[%swap3A_150], %swap3A_153 {strides = array<i32>} : memref<128xf32, #tpu.memory_space<vmem>>, vector<16xf32>,
      %broadcast_in_dim3A_154 = arith.constant 0.000000e+00 : f32
      %broadcast_in_dim3A_155 = vector.broadcast %broadcast_in_dim3A_154 : f32 to vector<16xf32>
      %scan3A_156 = arith.constant 0 : i32
      %scan3A_157 = arith.constant 5 : i32
      %scan3A_158 = arith.addi %scan3A_156, %scan3A_157 : i32
      %scan3A_159 = arith.constant 1 : i32
      %scan3A_160 = scf.for %scan3A_314 = %scan3A_156 to %scan3A_158 step %scan3A_159 iter_args(%scan3A_315 = %broadcast_in_dim3A_155) -> (vector<16xf32>)  : i32 {
        %get3A = arith.constant 0 : i32
        %get3A_316 = arith.index_cast %scan3A_314 : i32 to index
        %get3A_317 = arith.index_cast %get3A : i32 to index
        %get3A_318 = arith.constant 80 : index
        %get3A_319 = tpu.vector_load %arg7[%get3A_316, %get3A_317, %get3A_318] {strides = array<i32>} : memref<5x6x128xf32, #tpu.memory_space<vmem>>, vector<1x1x16xf32>,
        %get3A_320 = vector.shape_cast %get3A_319 : vector<1x1x16xf32> to vector<16xf32>
        %get3A_321 = arith.constant 1 : i32
        %get3A_322 = arith.index_cast %scan3A_314 : i32 to index
        %get3A_323 = arith.index_cast %get3A_321 : i32 to index
        %get3A_324 = arith.constant 80 : index
        %get3A_325 = tpu.vector_load %arg7[%get3A_322, %get3A_323, %get3A_324] {strides = array<i32>} : memref<5x6x128xf32, #tpu.memory_space<vmem>>, vector<1x1x16xf32>,
        %get3A_326 = vector.shape_cast %get3A_325 : vector<1x1x16xf32> to vector<16xf32>
        %get3A_327 = arith.constant 2 : i32
        %get3A_328 = arith.index_cast %scan3A_314 : i32 to index
        %get3A_329 = arith.index_cast %get3A_327 : i32 to index
        %get3A_330 = arith.constant 80 : index
        %get3A_331 = tpu.vector_load %arg7[%get3A_328, %get3A_329, %get3A_330] {strides = array<i32>} : memref<5x6x128xf32, #tpu.memory_space<vmem>>, vector<1x1x16xf32>,
        %get3A_332 = vector.shape_cast %get3A_331 : vector<1x1x16xf32> to vector<16xf32>
        %get3A_333 = arith.constant 3 : i32
        %get3A_334 = arith.index_cast %scan3A_314 : i32 to index
        %get3A_335 = arith.index_cast %get3A_333 : i32 to index
        %get3A_336 = arith.constant 80 : index
        %get3A_337 = tpu.vector_load %arg7[%get3A_334, %get3A_335, %get3A_336] {strides = array<i32>} : memref<5x6x128xf32, #tpu.memory_space<vmem>>, vector<1x1x16xf32>,
        %get3A_338 = vector.shape_cast %get3A_337 : vector<1x1x16xf32> to vector<16xf32>
        %get3A_339 = arith.constant 4 : i32
        %get3A_340 = arith.index_cast %scan3A_314 : i32 to index
        %get3A_341 = arith.index_cast %get3A_339 : i32 to index
        %get3A_342 = arith.constant 80 : index
        %get3A_343 = tpu.vector_load %arg7[%get3A_340, %get3A_341, %get3A_342] {strides = array<i32>} : memref<5x6x128xf32, #tpu.memory_space<vmem>>, vector<1x1x16xf32>,
        %get3A_344 = vector.shape_cast %get3A_343 : vector<1x1x16xf32> to vector<16xf32>
        %get3A_345 = arith.constant 5 : i32
        %get3A_346 = arith.index_cast %scan3A_314 : i32 to index
        %get3A_347 = arith.index_cast %get3A_345 : i32 to index
        %get3A_348 = arith.constant 80 : index
        %get3A_349 = tpu.vector_load %arg7[%get3A_346, %get3A_347, %get3A_348] {strides = array<i32>} : memref<5x6x128xf32, #tpu.memory_space<vmem>>, vector<1x1x16xf32>,
        %get3A_350 = vector.shape_cast %get3A_349 : vector<1x1x16xf32> to vector<16xf32>
        %mul3A_351 = arith.constant 4 : i32
        %mul3A_352 = arith.muli %scan3A_314, %mul3A_351 : i32
        %add3A_353 = arith.constant 0 : i32
        %add3A_354 = arith.addi %mul3A_352, %add3A_353 : i32
        %mul3A_355 = arith.constant 128 : i32
        %mul3A_356 = arith.muli %add3A_354, %mul3A_355 : i32
        %add3A_357 = arith.constant 80 : i32
        %add3A_358 = arith.addi %mul3A_356, %add3A_357 : i32
        %get3A_359 = arith.index_cast %add3A_358 : i32 to index
        %get3A_360 = tpu.vector_load %arg9[%get3A_359] {strides = array<i32>} : memref<2560xi32, #tpu.memory_space<vmem>>, vector<16xi32>,
        %get3A_361 = vector.shape_cast %get3A_360 : vector<16xi32> to vector<16xi32>
        %add3A_362 = arith.constant 1 : i32
        %add3A_363 = arith.addi %mul3A_352, %add3A_362 : i32
        %mul3A_364 = arith.constant 128 : i32
        %mul3A_365 = arith.muli %add3A_363, %mul3A_364 : i32
        %add3A_366 = arith.constant 80 : i32
        %add3A_367 = arith.addi %mul3A_365, %add3A_366 : i32
        %get3A_368 = arith.index_cast %add3A_367 : i32 to index
        %get3A_369 = tpu.vector_load %arg9[%get3A_368] {strides = array<i32>} : memref<2560xi32, #tpu.memory_space<vmem>>, vector<16xi32>,
        %get3A_370 = vector.shape_cast %get3A_369 : vector<16xi32> to vector<16xi32>
        %add3A_371 = arith.constant 2 : i32
        %add3A_372 = arith.addi %mul3A_352, %add3A_371 : i32
        %mul3A_373 = arith.constant 128 : i32
        %mul3A_374 = arith.muli %add3A_372, %mul3A_373 : i32
        %add3A_375 = arith.constant 80 : i32
        %add3A_376 = arith.addi %mul3A_374, %add3A_375 : i32
        %get3A_377 = arith.index_cast %add3A_376 : i32 to index
        %get3A_378 = tpu.vector_load %arg9[%get3A_377] {strides = array<i32>} : memref<2560xi32, #tpu.memory_space<vmem>>, vector<16xi32>,
        %get3A_379 = vector.shape_cast %get3A_378 : vector<16xi32> to vector<16xi32>
        %add3A_380 = arith.constant 3 : i32
        %add3A_381 = arith.addi %mul3A_352, %add3A_380 : i32
        %mul3A_382 = arith.constant 128 : i32
        %mul3A_383 = arith.muli %add3A_381, %mul3A_382 : i32
        %add3A_384 = arith.constant 80 : i32
        %add3A_385 = arith.addi %mul3A_383, %add3A_384 : i32
        %get3A_386 = arith.index_cast %add3A_385 : i32 to index
        %get3A_387 = tpu.vector_load %arg9[%get3A_386] {strides = array<i32>} : memref<2560xi32, #tpu.memory_space<vmem>>, vector<16xi32>,
        %get3A_388 = vector.shape_cast %get3A_387 : vector<16xi32> to vector<16xi32>
        %shift_left3A = arith.constant 16 : i32
        %shift_left3A_389 = vector.broadcast %shift_left3A : i32 to vector<16xi32>
        %shift_left3A_390 = arith.shli %get3A_361, %shift_left3A_389 : vector<16xi32>
        %bitcast_convert_type3A = tpu.bitcast %shift_left3A_390 : vector<16xi32> -> vector<16xf32>
        %mul3A_391 = arith.mulf %get3A_332, %bitcast_convert_type3A : vector<16xf32>
        %and3A = arith.constant -65536 : i32
        %and3A_392 = vector.broadcast %and3A : i32 to vector<16xi32>
        %and3A_393 = arith.andi %get3A_361, %and3A_392 : vector<16xi32>
        %bitcast_convert_type3A_394 = tpu.bitcast %and3A_393 : vector<16xi32> -> vector<16xf32>
        %mul3A_395 = arith.mulf %get3A_338, %bitcast_convert_type3A_394 : vector<16xf32>
        %add3A_396 = arith.addf %mul3A_391, %mul3A_395 : vector<16xf32>
        %shift_left3A_397 = arith.constant 16 : i32
        %shift_left3A_398 = vector.broadcast %shift_left3A_397 : i32 to vector<16xi32>
        %shift_left3A_399 = arith.shli %get3A_370, %shift_left3A_398 : vector<16xi32>
        %bitcast_convert_type3A_400 = tpu.bitcast %shift_left3A_399 : vector<16xi32> -> vector<16xf32>
        %mul3A_401 = arith.mulf %get3A_344, %bitcast_convert_type3A_400 : vector<16xf32>
        %add3A_402 = arith.addf %add3A_396, %mul3A_401 : vector<16xf32>
        %and3A_403 = arith.constant -65536 : i32
        %and3A_404 = vector.broadcast %and3A_403 : i32 to vector<16xi32>
        %and3A_405 = arith.andi %get3A_370, %and3A_404 : vector<16xi32>
        %bitcast_convert_type3A_406 = tpu.bitcast %and3A_405 : vector<16xi32> -> vector<16xf32>
        %mul3A_407 = arith.mulf %get3A_350, %bitcast_convert_type3A_406 : vector<16xf32>
        %add3A_408 = arith.addf %add3A_402, %mul3A_407 : vector<16xf32>
        %shift_left3A_409 = arith.constant 16 : i32
        %shift_left3A_410 = vector.broadcast %shift_left3A_409 : i32 to vector<16xi32>
        %shift_left3A_411 = arith.shli %get3A_379, %shift_left3A_410 : vector<16xi32>
        %bitcast_convert_type3A_412 = tpu.bitcast %shift_left3A_411 : vector<16xi32> -> vector<16xf32>
        %mul3A_413 = arith.mulf %get3A_332, %bitcast_convert_type3A_412 : vector<16xf32>
        %and3A_414 = arith.constant -65536 : i32
        %and3A_415 = vector.broadcast %and3A_414 : i32 to vector<16xi32>
        %and3A_416 = arith.andi %get3A_379, %and3A_415 : vector<16xi32>
        %bitcast_convert_type3A_417 = tpu.bitcast %and3A_416 : vector<16xi32> -> vector<16xf32>
        %mul3A_418 = arith.mulf %get3A_338, %bitcast_convert_type3A_417 : vector<16xf32>
        %add3A_419 = arith.addf %mul3A_413, %mul3A_418 : vector<16xf32>
        %shift_left3A_420 = arith.constant 16 : i32
        %shift_left3A_421 = vector.broadcast %shift_left3A_420 : i32 to vector<16xi32>
        %shift_left3A_422 = arith.shli %get3A_388, %shift_left3A_421 : vector<16xi32>
        %bitcast_convert_type3A_423 = tpu.bitcast %shift_left3A_422 : vector<16xi32> -> vector<16xf32>
        %mul3A_424 = arith.mulf %get3A_344, %bitcast_convert_type3A_423 : vector<16xf32>
        %add3A_425 = arith.addf %add3A_419, %mul3A_424 : vector<16xf32>
        %and3A_426 = arith.constant -65536 : i32
        %and3A_427 = vector.broadcast %and3A_426 : i32 to vector<16xi32>
        %and3A_428 = arith.andi %get3A_388, %and3A_427 : vector<16xi32>
        %bitcast_convert_type3A_429 = tpu.bitcast %and3A_428 : vector<16xi32> -> vector<16xf32>
        %mul3A_430 = arith.mulf %get3A_350, %bitcast_convert_type3A_429 : vector<16xf32>
        %add3A_431 = arith.addf %add3A_425, %mul3A_430 : vector<16xf32>
        %mul3A_432 = arith.mulf %get3A_320, %add3A_408 : vector<16xf32>
        %add3A_433 = arith.addf %scan3A_315, %mul3A_432 : vector<16xf32>
        %mul3A_434 = arith.mulf %get3A_326, %add3A_431 : vector<16xf32>
        %add3A_435 = arith.addf %add3A_433, %mul3A_434 : vector<16xf32>
        scf.yield %add3A_435 : vector<16xf32>
      }
      %scan3A_161 = arith.constant 5 : i32
      %swap3A_162 = arith.constant 80 : index
      %swap3A_163 = tpu.vector_load %arg14[%swap3A_162] {strides = array<i32>} : memref<128xf32, #tpu.memory_space<vmem>>, vector<16xf32>,
      %swap3A_164 = vector.shape_cast %swap3A_163 : vector<16xf32> to vector<16xf32>
      %swap3A_165 = vector.shape_cast %scan3A_160 : vector<16xf32> to vector<16xf32>
      tpu.vector_store %arg14[%swap3A_162], %swap3A_165 {strides = array<i32>} : memref<128xf32, #tpu.memory_space<vmem>>, vector<16xf32>,
      %broadcast_in_dim3A_166 = arith.constant 0.000000e+00 : f32
      %broadcast_in_dim3A_167 = vector.broadcast %broadcast_in_dim3A_166 : f32 to vector<16xf32>
      %scan3A_168 = arith.constant 0 : i32
      %scan3A_169 = arith.constant 5 : i32
      %scan3A_170 = arith.addi %scan3A_168, %scan3A_169 : i32
      %scan3A_171 = arith.constant 1 : i32
      %scan3A_172 = scf.for %scan3A_314 = %scan3A_168 to %scan3A_170 step %scan3A_171 iter_args(%scan3A_315 = %broadcast_in_dim3A_167) -> (vector<16xf32>)  : i32 {
        %get3A = arith.constant 0 : i32
        %get3A_316 = arith.index_cast %scan3A_314 : i32 to index
        %get3A_317 = arith.index_cast %get3A : i32 to index
        %get3A_318 = arith.constant 96 : index
        %get3A_319 = tpu.vector_load %arg7[%get3A_316, %get3A_317, %get3A_318] {strides = array<i32>} : memref<5x6x128xf32, #tpu.memory_space<vmem>>, vector<1x1x16xf32>,
        %get3A_320 = vector.shape_cast %get3A_319 : vector<1x1x16xf32> to vector<16xf32>
        %get3A_321 = arith.constant 1 : i32
        %get3A_322 = arith.index_cast %scan3A_314 : i32 to index
        %get3A_323 = arith.index_cast %get3A_321 : i32 to index
        %get3A_324 = arith.constant 96 : index
        %get3A_325 = tpu.vector_load %arg7[%get3A_322, %get3A_323, %get3A_324] {strides = array<i32>} : memref<5x6x128xf32, #tpu.memory_space<vmem>>, vector<1x1x16xf32>,
        %get3A_326 = vector.shape_cast %get3A_325 : vector<1x1x16xf32> to vector<16xf32>
        %get3A_327 = arith.constant 2 : i32
        %get3A_328 = arith.index_cast %scan3A_314 : i32 to index
        %get3A_329 = arith.index_cast %get3A_327 : i32 to index
        %get3A_330 = arith.constant 96 : index
        %get3A_331 = tpu.vector_load %arg7[%get3A_328, %get3A_329, %get3A_330] {strides = array<i32>} : memref<5x6x128xf32, #tpu.memory_space<vmem>>, vector<1x1x16xf32>,
        %get3A_332 = vector.shape_cast %get3A_331 : vector<1x1x16xf32> to vector<16xf32>
        %get3A_333 = arith.constant 3 : i32
        %get3A_334 = arith.index_cast %scan3A_314 : i32 to index
        %get3A_335 = arith.index_cast %get3A_333 : i32 to index
        %get3A_336 = arith.constant 96 : index
        %get3A_337 = tpu.vector_load %arg7[%get3A_334, %get3A_335, %get3A_336] {strides = array<i32>} : memref<5x6x128xf32, #tpu.memory_space<vmem>>, vector<1x1x16xf32>,
        %get3A_338 = vector.shape_cast %get3A_337 : vector<1x1x16xf32> to vector<16xf32>
        %get3A_339 = arith.constant 4 : i32
        %get3A_340 = arith.index_cast %scan3A_314 : i32 to index
        %get3A_341 = arith.index_cast %get3A_339 : i32 to index
        %get3A_342 = arith.constant 96 : index
        %get3A_343 = tpu.vector_load %arg7[%get3A_340, %get3A_341, %get3A_342] {strides = array<i32>} : memref<5x6x128xf32, #tpu.memory_space<vmem>>, vector<1x1x16xf32>,
        %get3A_344 = vector.shape_cast %get3A_343 : vector<1x1x16xf32> to vector<16xf32>
        %get3A_345 = arith.constant 5 : i32
        %get3A_346 = arith.index_cast %scan3A_314 : i32 to index
        %get3A_347 = arith.index_cast %get3A_345 : i32 to index
        %get3A_348 = arith.constant 96 : index
        %get3A_349 = tpu.vector_load %arg7[%get3A_346, %get3A_347, %get3A_348] {strides = array<i32>} : memref<5x6x128xf32, #tpu.memory_space<vmem>>, vector<1x1x16xf32>,
        %get3A_350 = vector.shape_cast %get3A_349 : vector<1x1x16xf32> to vector<16xf32>
        %mul3A_351 = arith.constant 4 : i32
        %mul3A_352 = arith.muli %scan3A_314, %mul3A_351 : i32
        %add3A_353 = arith.constant 0 : i32
        %add3A_354 = arith.addi %mul3A_352, %add3A_353 : i32
        %mul3A_355 = arith.constant 128 : i32
        %mul3A_356 = arith.muli %add3A_354, %mul3A_355 : i32
        %add3A_357 = arith.constant 96 : i32
        %add3A_358 = arith.addi %mul3A_356, %add3A_357 : i32
        %get3A_359 = arith.index_cast %add3A_358 : i32 to index
        %get3A_360 = tpu.vector_load %arg9[%get3A_359] {strides = array<i32>} : memref<2560xi32, #tpu.memory_space<vmem>>, vector<16xi32>,
        %get3A_361 = vector.shape_cast %get3A_360 : vector<16xi32> to vector<16xi32>
        %add3A_362 = arith.constant 1 : i32
        %add3A_363 = arith.addi %mul3A_352, %add3A_362 : i32
        %mul3A_364 = arith.constant 128 : i32
        %mul3A_365 = arith.muli %add3A_363, %mul3A_364 : i32
        %add3A_366 = arith.constant 96 : i32
        %add3A_367 = arith.addi %mul3A_365, %add3A_366 : i32
        %get3A_368 = arith.index_cast %add3A_367 : i32 to index
        %get3A_369 = tpu.vector_load %arg9[%get3A_368] {strides = array<i32>} : memref<2560xi32, #tpu.memory_space<vmem>>, vector<16xi32>,
        %get3A_370 = vector.shape_cast %get3A_369 : vector<16xi32> to vector<16xi32>
        %add3A_371 = arith.constant 2 : i32
        %add3A_372 = arith.addi %mul3A_352, %add3A_371 : i32
        %mul3A_373 = arith.constant 128 : i32
        %mul3A_374 = arith.muli %add3A_372, %mul3A_373 : i32
        %add3A_375 = arith.constant 96 : i32
        %add3A_376 = arith.addi %mul3A_374, %add3A_375 : i32
        %get3A_377 = arith.index_cast %add3A_376 : i32 to index
        %get3A_378 = tpu.vector_load %arg9[%get3A_377] {strides = array<i32>} : memref<2560xi32, #tpu.memory_space<vmem>>, vector<16xi32>,
        %get3A_379 = vector.shape_cast %get3A_378 : vector<16xi32> to vector<16xi32>
        %add3A_380 = arith.constant 3 : i32
        %add3A_381 = arith.addi %mul3A_352, %add3A_380 : i32
        %mul3A_382 = arith.constant 128 : i32
        %mul3A_383 = arith.muli %add3A_381, %mul3A_382 : i32
        %add3A_384 = arith.constant 96 : i32
        %add3A_385 = arith.addi %mul3A_383, %add3A_384 : i32
        %get3A_386 = arith.index_cast %add3A_385 : i32 to index
        %get3A_387 = tpu.vector_load %arg9[%get3A_386] {strides = array<i32>} : memref<2560xi32, #tpu.memory_space<vmem>>, vector<16xi32>,
        %get3A_388 = vector.shape_cast %get3A_387 : vector<16xi32> to vector<16xi32>
        %shift_left3A = arith.constant 16 : i32
        %shift_left3A_389 = vector.broadcast %shift_left3A : i32 to vector<16xi32>
        %shift_left3A_390 = arith.shli %get3A_361, %shift_left3A_389 : vector<16xi32>
        %bitcast_convert_type3A = tpu.bitcast %shift_left3A_390 : vector<16xi32> -> vector<16xf32>
        %mul3A_391 = arith.mulf %get3A_332, %bitcast_convert_type3A : vector<16xf32>
        %and3A = arith.constant -65536 : i32
        %and3A_392 = vector.broadcast %and3A : i32 to vector<16xi32>
        %and3A_393 = arith.andi %get3A_361, %and3A_392 : vector<16xi32>
        %bitcast_convert_type3A_394 = tpu.bitcast %and3A_393 : vector<16xi32> -> vector<16xf32>
        %mul3A_395 = arith.mulf %get3A_338, %bitcast_convert_type3A_394 : vector<16xf32>
        %add3A_396 = arith.addf %mul3A_391, %mul3A_395 : vector<16xf32>
        %shift_left3A_397 = arith.constant 16 : i32
        %shift_left3A_398 = vector.broadcast %shift_left3A_397 : i32 to vector<16xi32>
        %shift_left3A_399 = arith.shli %get3A_370, %shift_left3A_398 : vector<16xi32>
        %bitcast_convert_type3A_400 = tpu.bitcast %shift_left3A_399 : vector<16xi32> -> vector<16xf32>
        %mul3A_401 = arith.mulf %get3A_344, %bitcast_convert_type3A_400 : vector<16xf32>
        %add3A_402 = arith.addf %add3A_396, %mul3A_401 : vector<16xf32>
        %and3A_403 = arith.constant -65536 : i32
        %and3A_404 = vector.broadcast %and3A_403 : i32 to vector<16xi32>
        %and3A_405 = arith.andi %get3A_370, %and3A_404 : vector<16xi32>
        %bitcast_convert_type3A_406 = tpu.bitcast %and3A_405 : vector<16xi32> -> vector<16xf32>
        %mul3A_407 = arith.mulf %get3A_350, %bitcast_convert_type3A_406 : vector<16xf32>
        %add3A_408 = arith.addf %add3A_402, %mul3A_407 : vector<16xf32>
        %shift_left3A_409 = arith.constant 16 : i32
        %shift_left3A_410 = vector.broadcast %shift_left3A_409 : i32 to vector<16xi32>
        %shift_left3A_411 = arith.shli %get3A_379, %shift_left3A_410 : vector<16xi32>
        %bitcast_convert_type3A_412 = tpu.bitcast %shift_left3A_411 : vector<16xi32> -> vector<16xf32>
        %mul3A_413 = arith.mulf %get3A_332, %bitcast_convert_type3A_412 : vector<16xf32>
        %and3A_414 = arith.constant -65536 : i32
        %and3A_415 = vector.broadcast %and3A_414 : i32 to vector<16xi32>
        %and3A_416 = arith.andi %get3A_379, %and3A_415 : vector<16xi32>
        %bitcast_convert_type3A_417 = tpu.bitcast %and3A_416 : vector<16xi32> -> vector<16xf32>
        %mul3A_418 = arith.mulf %get3A_338, %bitcast_convert_type3A_417 : vector<16xf32>
        %add3A_419 = arith.addf %mul3A_413, %mul3A_418 : vector<16xf32>
        %shift_left3A_420 = arith.constant 16 : i32
        %shift_left3A_421 = vector.broadcast %shift_left3A_420 : i32 to vector<16xi32>
        %shift_left3A_422 = arith.shli %get3A_388, %shift_left3A_421 : vector<16xi32>
        %bitcast_convert_type3A_423 = tpu.bitcast %shift_left3A_422 : vector<16xi32> -> vector<16xf32>
        %mul3A_424 = arith.mulf %get3A_344, %bitcast_convert_type3A_423 : vector<16xf32>
        %add3A_425 = arith.addf %add3A_419, %mul3A_424 : vector<16xf32>
        %and3A_426 = arith.constant -65536 : i32
        %and3A_427 = vector.broadcast %and3A_426 : i32 to vector<16xi32>
        %and3A_428 = arith.andi %get3A_388, %and3A_427 : vector<16xi32>
        %bitcast_convert_type3A_429 = tpu.bitcast %and3A_428 : vector<16xi32> -> vector<16xf32>
        %mul3A_430 = arith.mulf %get3A_350, %bitcast_convert_type3A_429 : vector<16xf32>
        %add3A_431 = arith.addf %add3A_425, %mul3A_430 : vector<16xf32>
        %mul3A_432 = arith.mulf %get3A_320, %add3A_408 : vector<16xf32>
        %add3A_433 = arith.addf %scan3A_315, %mul3A_432 : vector<16xf32>
        %mul3A_434 = arith.mulf %get3A_326, %add3A_431 : vector<16xf32>
        %add3A_435 = arith.addf %add3A_433, %mul3A_434 : vector<16xf32>
        scf.yield %add3A_435 : vector<16xf32>
      }
      %scan3A_173 = arith.constant 5 : i32
      %swap3A_174 = arith.constant 96 : index
      %swap3A_175 = tpu.vector_load %arg14[%swap3A_174] {strides = array<i32>} : memref<128xf32, #tpu.memory_space<vmem>>, vector<16xf32>,
      %swap3A_176 = vector.shape_cast %swap3A_175 : vector<16xf32> to vector<16xf32>
      %swap3A_177 = vector.shape_cast %scan3A_172 : vector<16xf32> to vector<16xf32>
      tpu.vector_store %arg14[%swap3A_174], %swap3A_177 {strides = array<i32>} : memref<128xf32, #tpu.memory_space<vmem>>, vector<16xf32>,
      %broadcast_in_dim3A_178 = arith.constant 0.000000e+00 : f32
      %broadcast_in_dim3A_179 = vector.broadcast %broadcast_in_dim3A_178 : f32 to vector<16xf32>
      %scan3A_180 = arith.constant 0 : i32
      %scan3A_181 = arith.constant 5 : i32
      %scan3A_182 = arith.addi %scan3A_180, %scan3A_181 : i32
      %scan3A_183 = arith.constant 1 : i32
      %scan3A_184 = scf.for %scan3A_314 = %scan3A_180 to %scan3A_182 step %scan3A_183 iter_args(%scan3A_315 = %broadcast_in_dim3A_179) -> (vector<16xf32>)  : i32 {
        %get3A = arith.constant 0 : i32
        %get3A_316 = arith.index_cast %scan3A_314 : i32 to index
        %get3A_317 = arith.index_cast %get3A : i32 to index
        %get3A_318 = arith.constant 112 : index
        %get3A_319 = tpu.vector_load %arg7[%get3A_316, %get3A_317, %get3A_318] {strides = array<i32>} : memref<5x6x128xf32, #tpu.memory_space<vmem>>, vector<1x1x16xf32>,
        %get3A_320 = vector.shape_cast %get3A_319 : vector<1x1x16xf32> to vector<16xf32>
        %get3A_321 = arith.constant 1 : i32
        %get3A_322 = arith.index_cast %scan3A_314 : i32 to index
        %get3A_323 = arith.index_cast %get3A_321 : i32 to index
        %get3A_324 = arith.constant 112 : index
        %get3A_325 = tpu.vector_load %arg7[%get3A_322, %get3A_323, %get3A_324] {strides = array<i32>} : memref<5x6x128xf32, #tpu.memory_space<vmem>>, vector<1x1x16xf32>,
        %get3A_326 = vector.shape_cast %get3A_325 : vector<1x1x16xf32> to vector<16xf32>
        %get3A_327 = arith.constant 2 : i32
        %get3A_328 = arith.index_cast %scan3A_314 : i32 to index
        %get3A_329 = arith.index_cast %get3A_327 : i32 to index
        %get3A_330 = arith.constant 112 : index
        %get3A_331 = tpu.vector_load %arg7[%get3A_328, %get3A_329, %get3A_330] {strides = array<i32>} : memref<5x6x128xf32, #tpu.memory_space<vmem>>, vector<1x1x16xf32>,
        %get3A_332 = vector.shape_cast %get3A_331 : vector<1x1x16xf32> to vector<16xf32>
        %get3A_333 = arith.constant 3 : i32
        %get3A_334 = arith.index_cast %scan3A_314 : i32 to index
        %get3A_335 = arith.index_cast %get3A_333 : i32 to index
        %get3A_336 = arith.constant 112 : index
        %get3A_337 = tpu.vector_load %arg7[%get3A_334, %get3A_335, %get3A_336] {strides = array<i32>} : memref<5x6x128xf32, #tpu.memory_space<vmem>>, vector<1x1x16xf32>,
        %get3A_338 = vector.shape_cast %get3A_337 : vector<1x1x16xf32> to vector<16xf32>
        %get3A_339 = arith.constant 4 : i32
        %get3A_340 = arith.index_cast %scan3A_314 : i32 to index
        %get3A_341 = arith.index_cast %get3A_339 : i32 to index
        %get3A_342 = arith.constant 112 : index
        %get3A_343 = tpu.vector_load %arg7[%get3A_340, %get3A_341, %get3A_342] {strides = array<i32>} : memref<5x6x128xf32, #tpu.memory_space<vmem>>, vector<1x1x16xf32>,
        %get3A_344 = vector.shape_cast %get3A_343 : vector<1x1x16xf32> to vector<16xf32>
        %get3A_345 = arith.constant 5 : i32
        %get3A_346 = arith.index_cast %scan3A_314 : i32 to index
        %get3A_347 = arith.index_cast %get3A_345 : i32 to index
        %get3A_348 = arith.constant 112 : index
        %get3A_349 = tpu.vector_load %arg7[%get3A_346, %get3A_347, %get3A_348] {strides = array<i32>} : memref<5x6x128xf32, #tpu.memory_space<vmem>>, vector<1x1x16xf32>,
        %get3A_350 = vector.shape_cast %get3A_349 : vector<1x1x16xf32> to vector<16xf32>
        %mul3A_351 = arith.constant 4 : i32
        %mul3A_352 = arith.muli %scan3A_314, %mul3A_351 : i32
        %add3A_353 = arith.constant 0 : i32
        %add3A_354 = arith.addi %mul3A_352, %add3A_353 : i32
        %mul3A_355 = arith.constant 128 : i32
        %mul3A_356 = arith.muli %add3A_354, %mul3A_355 : i32
        %add3A_357 = arith.constant 112 : i32
        %add3A_358 = arith.addi %mul3A_356, %add3A_357 : i32
        %get3A_359 = arith.index_cast %add3A_358 : i32 to index
        %get3A_360 = tpu.vector_load %arg9[%get3A_359] {strides = array<i32>} : memref<2560xi32, #tpu.memory_space<vmem>>, vector<16xi32>,
        %get3A_361 = vector.shape_cast %get3A_360 : vector<16xi32> to vector<16xi32>
        %add3A_362 = arith.constant 1 : i32
        %add3A_363 = arith.addi %mul3A_352, %add3A_362 : i32
        %mul3A_364 = arith.constant 128 : i32
        %mul3A_365 = arith.muli %add3A_363, %mul3A_364 : i32
        %add3A_366 = arith.constant 112 : i32
        %add3A_367 = arith.addi %mul3A_365, %add3A_366 : i32
        %get3A_368 = arith.index_cast %add3A_367 : i32 to index
        %get3A_369 = tpu.vector_load %arg9[%get3A_368] {strides = array<i32>} : memref<2560xi32, #tpu.memory_space<vmem>>, vector<16xi32>,
        %get3A_370 = vector.shape_cast %get3A_369 : vector<16xi32> to vector<16xi32>
        %add3A_371 = arith.constant 2 : i32
        %add3A_372 = arith.addi %mul3A_352, %add3A_371 : i32
        %mul3A_373 = arith.constant 128 : i32
        %mul3A_374 = arith.muli %add3A_372, %mul3A_373 : i32
        %add3A_375 = arith.constant 112 : i32
        %add3A_376 = arith.addi %mul3A_374, %add3A_375 : i32
        %get3A_377 = arith.index_cast %add3A_376 : i32 to index
        %get3A_378 = tpu.vector_load %arg9[%get3A_377] {strides = array<i32>} : memref<2560xi32, #tpu.memory_space<vmem>>, vector<16xi32>,
        %get3A_379 = vector.shape_cast %get3A_378 : vector<16xi32> to vector<16xi32>
        %add3A_380 = arith.constant 3 : i32
        %add3A_381 = arith.addi %mul3A_352, %add3A_380 : i32
        %mul3A_382 = arith.constant 128 : i32
        %mul3A_383 = arith.muli %add3A_381, %mul3A_382 : i32
        %add3A_384 = arith.constant 112 : i32
        %add3A_385 = arith.addi %mul3A_383, %add3A_384 : i32
        %get3A_386 = arith.index_cast %add3A_385 : i32 to index
        %get3A_387 = tpu.vector_load %arg9[%get3A_386] {strides = array<i32>} : memref<2560xi32, #tpu.memory_space<vmem>>, vector<16xi32>,
        %get3A_388 = vector.shape_cast %get3A_387 : vector<16xi32> to vector<16xi32>
        %shift_left3A = arith.constant 16 : i32
        %shift_left3A_389 = vector.broadcast %shift_left3A : i32 to vector<16xi32>
        %shift_left3A_390 = arith.shli %get3A_361, %shift_left3A_389 : vector<16xi32>
        %bitcast_convert_type3A = tpu.bitcast %shift_left3A_390 : vector<16xi32> -> vector<16xf32>
        %mul3A_391 = arith.mulf %get3A_332, %bitcast_convert_type3A : vector<16xf32>
        %and3A = arith.constant -65536 : i32
        %and3A_392 = vector.broadcast %and3A : i32 to vector<16xi32>
        %and3A_393 = arith.andi %get3A_361, %and3A_392 : vector<16xi32>
        %bitcast_convert_type3A_394 = tpu.bitcast %and3A_393 : vector<16xi32> -> vector<16xf32>
        %mul3A_395 = arith.mulf %get3A_338, %bitcast_convert_type3A_394 : vector<16xf32>
        %add3A_396 = arith.addf %mul3A_391, %mul3A_395 : vector<16xf32>
        %shift_left3A_397 = arith.constant 16 : i32
        %shift_left3A_398 = vector.broadcast %shift_left3A_397 : i32 to vector<16xi32>
        %shift_left3A_399 = arith.shli %get3A_370, %shift_left3A_398 : vector<16xi32>
        %bitcast_convert_type3A_400 = tpu.bitcast %shift_left3A_399 : vector<16xi32> -> vector<16xf32>
        %mul3A_401 = arith.mulf %get3A_344, %bitcast_convert_type3A_400 : vector<16xf32>
        %add3A_402 = arith.addf %add3A_396, %mul3A_401 : vector<16xf32>
        %and3A_403 = arith.constant -65536 : i32
        %and3A_404 = vector.broadcast %and3A_403 : i32 to vector<16xi32>
        %and3A_405 = arith.andi %get3A_370, %and3A_404 : vector<16xi32>
        %bitcast_convert_type3A_406 = tpu.bitcast %and3A_405 : vector<16xi32> -> vector<16xf32>
        %mul3A_407 = arith.mulf %get3A_350, %bitcast_convert_type3A_406 : vector<16xf32>
        %add3A_408 = arith.addf %add3A_402, %mul3A_407 : vector<16xf32>
        %shift_left3A_409 = arith.constant 16 : i32
        %shift_left3A_410 = vector.broadcast %shift_left3A_409 : i32 to vector<16xi32>
        %shift_left3A_411 = arith.shli %get3A_379, %shift_left3A_410 : vector<16xi32>
        %bitcast_convert_type3A_412 = tpu.bitcast %shift_left3A_411 : vector<16xi32> -> vector<16xf32>
        %mul3A_413 = arith.mulf %get3A_332, %bitcast_convert_type3A_412 : vector<16xf32>
        %and3A_414 = arith.constant -65536 : i32
        %and3A_415 = vector.broadcast %and3A_414 : i32 to vector<16xi32>
        %and3A_416 = arith.andi %get3A_379, %and3A_415 : vector<16xi32>
        %bitcast_convert_type3A_417 = tpu.bitcast %and3A_416 : vector<16xi32> -> vector<16xf32>
        %mul3A_418 = arith.mulf %get3A_338, %bitcast_convert_type3A_417 : vector<16xf32>
        %add3A_419 = arith.addf %mul3A_413, %mul3A_418 : vector<16xf32>
        %shift_left3A_420 = arith.constant 16 : i32
        %shift_left3A_421 = vector.broadcast %shift_left3A_420 : i32 to vector<16xi32>
        %shift_left3A_422 = arith.shli %get3A_388, %shift_left3A_421 : vector<16xi32>
        %bitcast_convert_type3A_423 = tpu.bitcast %shift_left3A_422 : vector<16xi32> -> vector<16xf32>
        %mul3A_424 = arith.mulf %get3A_344, %bitcast_convert_type3A_423 : vector<16xf32>
        %add3A_425 = arith.addf %add3A_419, %mul3A_424 : vector<16xf32>
        %and3A_426 = arith.constant -65536 : i32
        %and3A_427 = vector.broadcast %and3A_426 : i32 to vector<16xi32>
        %and3A_428 = arith.andi %get3A_388, %and3A_427 : vector<16xi32>
        %bitcast_convert_type3A_429 = tpu.bitcast %and3A_428 : vector<16xi32> -> vector<16xf32>
        %mul3A_430 = arith.mulf %get3A_350, %bitcast_convert_type3A_429 : vector<16xf32>
        %add3A_431 = arith.addf %add3A_425, %mul3A_430 : vector<16xf32>
        %mul3A_432 = arith.mulf %get3A_320, %add3A_408 : vector<16xf32>
        %add3A_433 = arith.addf %scan3A_315, %mul3A_432 : vector<16xf32>
        %mul3A_434 = arith.mulf %get3A_326, %add3A_431 : vector<16xf32>
        %add3A_435 = arith.addf %add3A_433, %mul3A_434 : vector<16xf32>
        scf.yield %add3A_435 : vector<16xf32>
      }
      %scan3A_185 = arith.constant 5 : i32
      %swap3A_186 = arith.constant 112 : index
      %swap3A_187 = tpu.vector_load %arg14[%swap3A_186] {strides = array<i32>} : memref<128xf32, #tpu.memory_space<vmem>>, vector<16xf32>,
      %swap3A_188 = vector.shape_cast %swap3A_187 : vector<16xf32> to vector<16xf32>
      %swap3A_189 = vector.shape_cast %scan3A_184 : vector<16xf32> to vector<16xf32>
      tpu.vector_store %arg14[%swap3A_186], %swap3A_189 {strides = array<i32>} : memref<128xf32, #tpu.memory_space<vmem>>, vector<16xf32>,
      "tpu.region"() ({
        %run_scoped3A = tpu.sem_alloc : memref<!tpu.dma_semaphore, #tpu.memory_space<semaphore_mem>>
        %dma_start3A_314 = arith.constant 0 : i32
        %dma_start3A_315 = tpu.memref_slice %arg5[%add3A_40, %dma_start3A_314] : memref<1024x128xf32, #tpu.memory_space<hbm>> -> memref<1x128xf32, #tpu.memory_space<hbm>>
        %dma_start3A_316 = tpu.memref_squeeze %dma_start3A_315 : memref<1x128xf32, #tpu.memory_space<hbm>> -> memref<128xf32, #tpu.memory_space<hbm>>
        %dma_start3A_317 = arith.constant 0 : i32
        %dma_start3A_318 = tpu.memref_slice %arg5[%add3A_40, %dma_start3A_317] : memref<1024x128xf32, #tpu.memory_space<hbm>> -> memref<1x128xf32, #tpu.memory_space<hbm>>
        %dma_start3A_319 = tpu.memref_squeeze %dma_start3A_318 : memref<1x128xf32, #tpu.memory_space<hbm>> -> memref<128xf32, #tpu.memory_space<hbm>>
        tpu.enqueue_dma source(%arg14 : memref<128xf32, #tpu.memory_space<vmem>>) target(%dma_start3A_319 : memref<128xf32, #tpu.memory_space<hbm>>) target_semaphore(%run_scoped3A : memref<!tpu.dma_semaphore, #tpu.memory_space<semaphore_mem>>)
        %dma_wait3A_320 = arith.constant 0 : i32
        %dma_wait3A_321 = tpu.memref_slice %arg5[%add3A_40, %dma_wait3A_320] : memref<1024x128xf32, #tpu.memory_space<hbm>> -> memref<1x128xf32, #tpu.memory_space<hbm>>
        %dma_wait3A_322 = tpu.memref_squeeze %dma_wait3A_321 : memref<1x128xf32, #tpu.memory_space<hbm>> -> memref<128xf32, #tpu.memory_space<hbm>>
        %dma_wait3A_323 = arith.constant 0 : i32
        %dma_wait3A_324 = tpu.memref_slice %arg5[%add3A_40, %dma_wait3A_323] : memref<1024x128xf32, #tpu.memory_space<hbm>> -> memref<1x128xf32, #tpu.memory_space<hbm>>
        %dma_wait3A_325 = tpu.memref_squeeze %dma_wait3A_324 : memref<1x128xf32, #tpu.memory_space<hbm>> -> memref<128xf32, #tpu.memory_space<hbm>>
        tpu.wait_dma2 semaphore(%run_scoped3A : memref<!tpu.dma_semaphore, #tpu.memory_space<semaphore_mem>>) src(%arg14 : memref<128xf32, #tpu.memory_space<vmem>>) dst(%dma_wait3A_325 : memref<128xf32, #tpu.memory_space<hbm>>)
        tpu.yield
      }) : () -> ()
      %lt3A = arith.constant 15 : i32
      %lt3A_190 = arith.cmpi slt, %scan3A_37, %lt3A : i32
      %convert_element_type3A = arith.extui %lt3A_190 : i1 to i32
      %cond3A = arith.constant 0 : i32
      %cond3A_191 = arith.cmpi ne, %convert_element_type3A, %cond3A : i32
      scf.if %cond3A_191 {
        %add3A_314 = arith.constant 2 : i32
        %add3A_315 = arith.addi %add3A_40, %add3A_314 : i32
        "tpu.region"() ({
          %run_scoped3A = tpu.sem_alloc : memref<!tpu.dma_semaphore, #tpu.memory_space<semaphore_mem>>
          %dma_start3A_346 = arith.constant 0 : i32
          %dma_start3A_347 = arith.constant 0 : i32
          %dma_start3A_348 = tpu.memref_slice %arg3[%add3A_315, %dma_start3A_346, %dma_start3A_347] : memref<1024x5x128xi32, #tpu.memory_space<hbm>> -> memref<1x5x128xi32, #tpu.memory_space<hbm>>
          %dma_start3A_349 = tpu.memref_squeeze %dma_start3A_348 : memref<1x5x128xi32, #tpu.memory_space<hbm>> -> memref<5x128xi32, #tpu.memory_space<hbm>>
          %dma_start3A_350 = arith.constant 0 : i32
          %dma_start3A_351 = arith.constant 0 : i32
          %dma_start3A_352 = tpu.memref_slice %arg3[%add3A_315, %dma_start3A_350, %dma_start3A_351] : memref<1024x5x128xi32, #tpu.memory_space<hbm>> -> memref<1x5x128xi32, #tpu.memory_space<hbm>>
          %dma_start3A_353 = tpu.memref_squeeze %dma_start3A_352 : memref<1x5x128xi32, #tpu.memory_space<hbm>> -> memref<5x128xi32, #tpu.memory_space<hbm>>
          tpu.enqueue_dma source(%dma_start3A_353 : memref<5x128xi32, #tpu.memory_space<hbm>>) target(%arg6 : memref<5x128xi32, #tpu.memory_space<vmem>>) target_semaphore(%run_scoped3A : memref<!tpu.dma_semaphore, #tpu.memory_space<semaphore_mem>>)
          %dma_wait3A_354 = arith.constant 0 : i32
          %dma_wait3A_355 = arith.constant 0 : i32
          %dma_wait3A_356 = tpu.memref_slice %arg3[%add3A_315, %dma_wait3A_354, %dma_wait3A_355] : memref<1024x5x128xi32, #tpu.memory_space<hbm>> -> memref<1x5x128xi32, #tpu.memory_space<hbm>>
          %dma_wait3A_357 = tpu.memref_squeeze %dma_wait3A_356 : memref<1x5x128xi32, #tpu.memory_space<hbm>> -> memref<5x128xi32, #tpu.memory_space<hbm>>
          %dma_wait3A_358 = arith.constant 0 : i32
          %dma_wait3A_359 = arith.constant 0 : i32
          %dma_wait3A_360 = tpu.memref_slice %arg3[%add3A_315, %dma_wait3A_358, %dma_wait3A_359] : memref<1024x5x128xi32, #tpu.memory_space<hbm>> -> memref<1x5x128xi32, #tpu.memory_space<hbm>>
          %dma_wait3A_361 = tpu.memref_squeeze %dma_wait3A_360 : memref<1x5x128xi32, #tpu.memory_space<hbm>> -> memref<5x128xi32, #tpu.memory_space<hbm>>
          tpu.wait_dma2 semaphore(%run_scoped3A : memref<!tpu.dma_semaphore, #tpu.memory_space<semaphore_mem>>) src(%dma_wait3A_361 : memref<5x128xi32, #tpu.memory_space<hbm>>) dst(%arg6 : memref<5x128xi32, #tpu.memory_space<vmem>>)
          tpu.yield
        }) : () -> ()
        "tpu.region"() ({
          %run_scoped3A = tpu.sem_alloc : memref<!tpu.dma_semaphore, #tpu.memory_space<semaphore_mem>>
          %dma_start3A_346 = arith.constant 0 : i32
          %dma_start3A_347 = arith.constant 0 : i32
          %dma_start3A_348 = arith.constant 0 : i32
          %dma_start3A_349 = tpu.memref_slice %arg4[%add3A_315, %dma_start3A_346, %dma_start3A_347, %dma_start3A_348] : memref<1024x5x6x128xf32, #tpu.memory_space<hbm>> -> memref<1x5x6x128xf32, #tpu.memory_space<hbm>>
          %dma_start3A_350 = tpu.memref_squeeze %dma_start3A_349 : memref<1x5x6x128xf32, #tpu.memory_space<hbm>> -> memref<5x6x128xf32, #tpu.memory_space<hbm>>
          %dma_start3A_351 = arith.constant 0 : i32
          %dma_start3A_352 = arith.constant 0 : i32
          %dma_start3A_353 = arith.constant 0 : i32
          %dma_start3A_354 = tpu.memref_slice %arg4[%add3A_315, %dma_start3A_351, %dma_start3A_352, %dma_start3A_353] : memref<1024x5x6x128xf32, #tpu.memory_space<hbm>> -> memref<1x5x6x128xf32, #tpu.memory_space<hbm>>
          %dma_start3A_355 = tpu.memref_squeeze %dma_start3A_354 : memref<1x5x6x128xf32, #tpu.memory_space<hbm>> -> memref<5x6x128xf32, #tpu.memory_space<hbm>>
          tpu.enqueue_dma source(%dma_start3A_355 : memref<5x6x128xf32, #tpu.memory_space<hbm>>) target(%arg7 : memref<5x6x128xf32, #tpu.memory_space<vmem>>) target_semaphore(%run_scoped3A : memref<!tpu.dma_semaphore, #tpu.memory_space<semaphore_mem>>)
          %dma_wait3A_356 = arith.constant 0 : i32
          %dma_wait3A_357 = arith.constant 0 : i32
          %dma_wait3A_358 = arith.constant 0 : i32
          %dma_wait3A_359 = tpu.memref_slice %arg4[%add3A_315, %dma_wait3A_356, %dma_wait3A_357, %dma_wait3A_358] : memref<1024x5x6x128xf32, #tpu.memory_space<hbm>> -> memref<1x5x6x128xf32, #tpu.memory_space<hbm>>
          %dma_wait3A_360 = tpu.memref_squeeze %dma_wait3A_359 : memref<1x5x6x128xf32, #tpu.memory_space<hbm>> -> memref<5x6x128xf32, #tpu.memory_space<hbm>>
          %dma_wait3A_361 = arith.constant 0 : i32
          %dma_wait3A_362 = arith.constant 0 : i32
          %dma_wait3A_363 = arith.constant 0 : i32
          %dma_wait3A_364 = tpu.memref_slice %arg4[%add3A_315, %dma_wait3A_361, %dma_wait3A_362, %dma_wait3A_363] : memref<1024x5x6x128xf32, #tpu.memory_space<hbm>> -> memref<1x5x6x128xf32, #tpu.memory_space<hbm>>
          %dma_wait3A_365 = tpu.memref_squeeze %dma_wait3A_364 : memref<1x5x6x128xf32, #tpu.memory_space<hbm>> -> memref<5x6x128xf32, #tpu.memory_space<hbm>>
          tpu.wait_dma2 semaphore(%run_scoped3A : memref<!tpu.dma_semaphore, #tpu.memory_space<semaphore_mem>>) src(%dma_wait3A_365 : memref<5x6x128xf32, #tpu.memory_space<hbm>>) dst(%arg7 : memref<5x6x128xf32, #tpu.memory_space<vmem>>)
          tpu.yield
        }) : () -> ()
        %scan3A_316 = arith.constant 0 : i32
        %scan3A_317 = arith.constant 0 : i32
        %scan3A_318 = arith.constant 5 : i32
        %scan3A_319 = arith.addi %scan3A_317, %scan3A_318 : i32
        %scan3A_320 = arith.constant 1 : i32
        scf.for %scan3A_346 = %scan3A_317 to %scan3A_319 step %scan3A_320  : i32 {
          %get3A = arith.index_cast %scan3A_346 : i32 to index
          %get3A_347 = arith.constant 0 : index
          %get3A_348 = tpu.vector_load %arg6[%get3A, %get3A_347] {strides = array<i32>} : memref<5x128xi32, #tpu.memory_space<vmem>>, vector<1x16xi32>,
          %get3A_349 = vector.shape_cast %get3A_348 : vector<1x16xi32> to vector<16xi32>
          %add3A_350 = arith.constant 0 : i32
          %add3A_351 = vector.broadcast %add3A_350 : i32 to vector<16xi32>
          %add3A_352 = arith.addi %get3A_349, %add3A_351 : vector<16xi32>
          %mul3A_353 = arith.constant 4 : i32
          %mul3A_354 = arith.muli %scan3A_346, %mul3A_353 : i32
          %add3A_355 = arith.constant 0 : i32
          %add3A_356 = arith.addi %mul3A_354, %add3A_355 : i32
          %mul3A_357 = arith.constant 128 : i32
          %mul3A_358 = arith.muli %add3A_356, %mul3A_357 : i32
          %add3A_359 = arith.constant 0 : i32
          %add3A_360 = arith.addi %mul3A_358, %add3A_359 : i32
          %swap3A_361 = arith.index_cast %add3A_360 : i32 to index
          %swap3A_362 = tpu.vector_load %arg8[%swap3A_361] {strides = array<i32>} : memref<2560xi32, #tpu.memory_space<vmem>>, vector<16xi32>,
          %swap3A_363 = vector.shape_cast %swap3A_362 : vector<16xi32> to vector<16xi32>
          %swap3A_364 = vector.shape_cast %add3A_352 : vector<16xi32> to vector<16xi32>
          tpu.vector_store %arg8[%swap3A_361], %swap3A_364 {strides = array<i32>} : memref<2560xi32, #tpu.memory_space<vmem>>, vector<16xi32>,
          %add3A_365 = arith.constant 128 : i32
          %add3A_366 = vector.broadcast %add3A_365 : i32 to vector<16xi32>
          %add3A_367 = arith.addi %get3A_349, %add3A_366 : vector<16xi32>
          %mul3A_368 = arith.constant 4 : i32
          %mul3A_369 = arith.muli %scan3A_346, %mul3A_368 : i32
          %add3A_370 = arith.constant 1 : i32
          %add3A_371 = arith.addi %mul3A_369, %add3A_370 : i32
          %mul3A_372 = arith.constant 128 : i32
          %mul3A_373 = arith.muli %add3A_371, %mul3A_372 : i32
          %add3A_374 = arith.constant 0 : i32
          %add3A_375 = arith.addi %mul3A_373, %add3A_374 : i32
          %swap3A_376 = arith.index_cast %add3A_375 : i32 to index
          %swap3A_377 = tpu.vector_load %arg8[%swap3A_376] {strides = array<i32>} : memref<2560xi32, #tpu.memory_space<vmem>>, vector<16xi32>,
          %swap3A_378 = vector.shape_cast %swap3A_377 : vector<16xi32> to vector<16xi32>
          %swap3A_379 = vector.shape_cast %add3A_367 : vector<16xi32> to vector<16xi32>
          tpu.vector_store %arg8[%swap3A_376], %swap3A_379 {strides = array<i32>} : memref<2560xi32, #tpu.memory_space<vmem>>, vector<16xi32>,
          %add3A_380 = arith.constant 16384 : i32
          %add3A_381 = vector.broadcast %add3A_380 : i32 to vector<16xi32>
          %add3A_382 = arith.addi %get3A_349, %add3A_381 : vector<16xi32>
          %mul3A_383 = arith.constant 4 : i32
          %mul3A_384 = arith.muli %scan3A_346, %mul3A_383 : i32
          %add3A_385 = arith.constant 2 : i32
          %add3A_386 = arith.addi %mul3A_384, %add3A_385 : i32
          %mul3A_387 = arith.constant 128 : i32
          %mul3A_388 = arith.muli %add3A_386, %mul3A_387 : i32
          %add3A_389 = arith.constant 0 : i32
          %add3A_390 = arith.addi %mul3A_388, %add3A_389 : i32
          %swap3A_391 = arith.index_cast %add3A_390 : i32 to index
          %swap3A_392 = tpu.vector_load %arg8[%swap3A_391] {strides = array<i32>} : memref<2560xi32, #tpu.memory_space<vmem>>, vector<16xi32>,
          %swap3A_393 = vector.shape_cast %swap3A_392 : vector<16xi32> to vector<16xi32>
          %swap3A_394 = vector.shape_cast %add3A_382 : vector<16xi32> to vector<16xi32>
          tpu.vector_store %arg8[%swap3A_391], %swap3A_394 {strides = array<i32>} : memref<2560xi32, #tpu.memory_space<vmem>>, vector<16xi32>,
          %add3A_395 = arith.constant 16512 : i32
          %add3A_396 = vector.broadcast %add3A_395 : i32 to vector<16xi32>
          %add3A_397 = arith.addi %get3A_349, %add3A_396 : vector<16xi32>
          %mul3A_398 = arith.constant 4 : i32
          %mul3A_399 = arith.muli %scan3A_346, %mul3A_398 : i32
          %add3A_400 = arith.constant 3 : i32
          %add3A_401 = arith.addi %mul3A_399, %add3A_400 : i32
          %mul3A_402 = arith.constant 128 : i32
          %mul3A_403 = arith.muli %add3A_401, %mul3A_402 : i32
          %add3A_404 = arith.constant 0 : i32
          %add3A_405 = arith.addi %mul3A_403, %add3A_404 : i32
          %swap3A_406 = arith.index_cast %add3A_405 : i32 to index
          %swap3A_407 = tpu.vector_load %arg8[%swap3A_406] {strides = array<i32>} : memref<2560xi32, #tpu.memory_space<vmem>>, vector<16xi32>,
          %swap3A_408 = vector.shape_cast %swap3A_407 : vector<16xi32> to vector<16xi32>
          %swap3A_409 = vector.shape_cast %add3A_397 : vector<16xi32> to vector<16xi32>
          tpu.vector_store %arg8[%swap3A_406], %swap3A_409 {strides = array<i32>} : memref<2560xi32, #tpu.memory_space<vmem>>, vector<16xi32>,
          %get3A_410 = arith.index_cast %scan3A_346 : i32 to index
          %get3A_411 = arith.constant 16 : index
          %get3A_412 = tpu.vector_load %arg6[%get3A_410, %get3A_411] {strides = array<i32>} : memref<5x128xi32, #tpu.memory_space<vmem>>, vector<1x16xi32>,
          %get3A_413 = vector.shape_cast %get3A_412 : vector<1x16xi32> to vector<16xi32>
          %add3A_414 = arith.constant 0 : i32
          %add3A_415 = vector.broadcast %add3A_414 : i32 to vector<16xi32>
          %add3A_416 = arith.addi %get3A_413, %add3A_415 : vector<16xi32>
          %mul3A_417 = arith.constant 4 : i32
          %mul3A_418 = arith.muli %scan3A_346, %mul3A_417 : i32
          %add3A_419 = arith.constant 0 : i32
          %add3A_420 = arith.addi %mul3A_418, %add3A_419 : i32
          %mul3A_421 = arith.constant 128 : i32
          %mul3A_422 = arith.muli %add3A_420, %mul3A_421 : i32
          %add3A_423 = arith.constant 16 : i32
          %add3A_424 = arith.addi %mul3A_422, %add3A_423 : i32
          %swap3A_425 = arith.index_cast %add3A_424 : i32 to index
          %swap3A_426 = tpu.vector_load %arg8[%swap3A_425] {strides = array<i32>} : memref<2560xi32, #tpu.memory_space<vmem>>, vector<16xi32>,
          %swap3A_427 = vector.shape_cast %swap3A_426 : vector<16xi32> to vector<16xi32>
          %swap3A_428 = vector.shape_cast %add3A_416 : vector<16xi32> to vector<16xi32>
          tpu.vector_store %arg8[%swap3A_425], %swap3A_428 {strides = array<i32>} : memref<2560xi32, #tpu.memory_space<vmem>>, vector<16xi32>,
          %add3A_429 = arith.constant 128 : i32
          %add3A_430 = vector.broadcast %add3A_429 : i32 to vector<16xi32>
          %add3A_431 = arith.addi %get3A_413, %add3A_430 : vector<16xi32>
          %mul3A_432 = arith.constant 4 : i32
          %mul3A_433 = arith.muli %scan3A_346, %mul3A_432 : i32
          %add3A_434 = arith.constant 1 : i32
          %add3A_435 = arith.addi %mul3A_433, %add3A_434 : i32
          %mul3A_436 = arith.constant 128 : i32
          %mul3A_437 = arith.muli %add3A_435, %mul3A_436 : i32
          %add3A_438 = arith.constant 16 : i32
          %add3A_439 = arith.addi %mul3A_437, %add3A_438 : i32
          %swap3A_440 = arith.index_cast %add3A_439 : i32 to index
          %swap3A_441 = tpu.vector_load %arg8[%swap3A_440] {strides = array<i32>} : memref<2560xi32, #tpu.memory_space<vmem>>, vector<16xi32>,
          %swap3A_442 = vector.shape_cast %swap3A_441 : vector<16xi32> to vector<16xi32>
          %swap3A_443 = vector.shape_cast %add3A_431 : vector<16xi32> to vector<16xi32>
          tpu.vector_store %arg8[%swap3A_440], %swap3A_443 {strides = array<i32>} : memref<2560xi32, #tpu.memory_space<vmem>>, vector<16xi32>,
          %add3A_444 = arith.constant 16384 : i32
          %add3A_445 = vector.broadcast %add3A_444 : i32 to vector<16xi32>
          %add3A_446 = arith.addi %get3A_413, %add3A_445 : vector<16xi32>
          %mul3A_447 = arith.constant 4 : i32
          %mul3A_448 = arith.muli %scan3A_346, %mul3A_447 : i32
          %add3A_449 = arith.constant 2 : i32
          %add3A_450 = arith.addi %mul3A_448, %add3A_449 : i32
          %mul3A_451 = arith.constant 128 : i32
          %mul3A_452 = arith.muli %add3A_450, %mul3A_451 : i32
          %add3A_453 = arith.constant 16 : i32
          %add3A_454 = arith.addi %mul3A_452, %add3A_453 : i32
          %swap3A_455 = arith.index_cast %add3A_454 : i32 to index
          %swap3A_456 = tpu.vector_load %arg8[%swap3A_455] {strides = array<i32>} : memref<2560xi32, #tpu.memory_space<vmem>>, vector<16xi32>,
          %swap3A_457 = vector.shape_cast %swap3A_456 : vector<16xi32> to vector<16xi32>
          %swap3A_458 = vector.shape_cast %add3A_446 : vector<16xi32> to vector<16xi32>
          tpu.vector_store %arg8[%swap3A_455], %swap3A_458 {strides = array<i32>} : memref<2560xi32, #tpu.memory_space<vmem>>, vector<16xi32>,
          %add3A_459 = arith.constant 16512 : i32
          %add3A_460 = vector.broadcast %add3A_459 : i32 to vector<16xi32>
          %add3A_461 = arith.addi %get3A_413, %add3A_460 : vector<16xi32>
          %mul3A_462 = arith.constant 4 : i32
          %mul3A_463 = arith.muli %scan3A_346, %mul3A_462 : i32
          %add3A_464 = arith.constant 3 : i32
          %add3A_465 = arith.addi %mul3A_463, %add3A_464 : i32
          %mul3A_466 = arith.constant 128 : i32
          %mul3A_467 = arith.muli %add3A_465, %mul3A_466 : i32
          %add3A_468 = arith.constant 16 : i32
          %add3A_469 = arith.addi %mul3A_467, %add3A_468 : i32
          %swap3A_470 = arith.index_cast %add3A_469 : i32 to index
          %swap3A_471 = tpu.vector_load %arg8[%swap3A_470] {strides = array<i32>} : memref<2560xi32, #tpu.memory_space<vmem>>, vector<16xi32>,
          %swap3A_472 = vector.shape_cast %swap3A_471 : vector<16xi32> to vector<16xi32>
          %swap3A_473 = vector.shape_cast %add3A_461 : vector<16xi32> to vector<16xi32>
          tpu.vector_store %arg8[%swap3A_470], %swap3A_473 {strides = array<i32>} : memref<2560xi32, #tpu.memory_space<vmem>>, vector<16xi32>,
          %get3A_474 = arith.index_cast %scan3A_346 : i32 to index
          %get3A_475 = arith.constant 32 : index
          %get3A_476 = tpu.vector_load %arg6[%get3A_474, %get3A_475] {strides = array<i32>} : memref<5x128xi32, #tpu.memory_space<vmem>>, vector<1x16xi32>,
          %get3A_477 = vector.shape_cast %get3A_476 : vector<1x16xi32> to vector<16xi32>
          %add3A_478 = arith.constant 0 : i32
          %add3A_479 = vector.broadcast %add3A_478 : i32 to vector<16xi32>
          %add3A_480 = arith.addi %get3A_477, %add3A_479 : vector<16xi32>
          %mul3A_481 = arith.constant 4 : i32
          %mul3A_482 = arith.muli %scan3A_346, %mul3A_481 : i32
          %add3A_483 = arith.constant 0 : i32
          %add3A_484 = arith.addi %mul3A_482, %add3A_483 : i32
          %mul3A_485 = arith.constant 128 : i32
          %mul3A_486 = arith.muli %add3A_484, %mul3A_485 : i32
          %add3A_487 = arith.constant 32 : i32
          %add3A_488 = arith.addi %mul3A_486, %add3A_487 : i32
          %swap3A_489 = arith.index_cast %add3A_488 : i32 to index
          %swap3A_490 = tpu.vector_load %arg8[%swap3A_489] {strides = array<i32>} : memref<2560xi32, #tpu.memory_space<vmem>>, vector<16xi32>,
          %swap3A_491 = vector.shape_cast %swap3A_490 : vector<16xi32> to vector<16xi32>
          %swap3A_492 = vector.shape_cast %add3A_480 : vector<16xi32> to vector<16xi32>
          tpu.vector_store %arg8[%swap3A_489], %swap3A_492 {strides = array<i32>} : memref<2560xi32, #tpu.memory_space<vmem>>, vector<16xi32>,
          %add3A_493 = arith.constant 128 : i32
          %add3A_494 = vector.broadcast %add3A_493 : i32 to vector<16xi32>
          %add3A_495 = arith.addi %get3A_477, %add3A_494 : vector<16xi32>
          %mul3A_496 = arith.constant 4 : i32
          %mul3A_497 = arith.muli %scan3A_346, %mul3A_496 : i32
          %add3A_498 = arith.constant 1 : i32
          %add3A_499 = arith.addi %mul3A_497, %add3A_498 : i32
          %mul3A_500 = arith.constant 128 : i32
          %mul3A_501 = arith.muli %add3A_499, %mul3A_500 : i32
          %add3A_502 = arith.constant 32 : i32
          %add3A_503 = arith.addi %mul3A_501, %add3A_502 : i32
          %swap3A_504 = arith.index_cast %add3A_503 : i32 to index
          %swap3A_505 = tpu.vector_load %arg8[%swap3A_504] {strides = array<i32>} : memref<2560xi32, #tpu.memory_space<vmem>>, vector<16xi32>,
          %swap3A_506 = vector.shape_cast %swap3A_505 : vector<16xi32> to vector<16xi32>
          %swap3A_507 = vector.shape_cast %add3A_495 : vector<16xi32> to vector<16xi32>
          tpu.vector_store %arg8[%swap3A_504], %swap3A_507 {strides = array<i32>} : memref<2560xi32, #tpu.memory_space<vmem>>, vector<16xi32>,
          %add3A_508 = arith.constant 16384 : i32
          %add3A_509 = vector.broadcast %add3A_508 : i32 to vector<16xi32>
          %add3A_510 = arith.addi %get3A_477, %add3A_509 : vector<16xi32>
          %mul3A_511 = arith.constant 4 : i32
          %mul3A_512 = arith.muli %scan3A_346, %mul3A_511 : i32
          %add3A_513 = arith.constant 2 : i32
          %add3A_514 = arith.addi %mul3A_512, %add3A_513 : i32
          %mul3A_515 = arith.constant 128 : i32
          %mul3A_516 = arith.muli %add3A_514, %mul3A_515 : i32
          %add3A_517 = arith.constant 32 : i32
          %add3A_518 = arith.addi %mul3A_516, %add3A_517 : i32
          %swap3A_519 = arith.index_cast %add3A_518 : i32 to index
          %swap3A_520 = tpu.vector_load %arg8[%swap3A_519] {strides = array<i32>} : memref<2560xi32, #tpu.memory_space<vmem>>, vector<16xi32>,
          %swap3A_521 = vector.shape_cast %swap3A_520 : vector<16xi32> to vector<16xi32>
          %swap3A_522 = vector.shape_cast %add3A_510 : vector<16xi32> to vector<16xi32>
          tpu.vector_store %arg8[%swap3A_519], %swap3A_522 {strides = array<i32>} : memref<2560xi32, #tpu.memory_space<vmem>>, vector<16xi32>,
          %add3A_523 = arith.constant 16512 : i32
          %add3A_524 = vector.broadcast %add3A_523 : i32 to vector<16xi32>
          %add3A_525 = arith.addi %get3A_477, %add3A_524 : vector<16xi32>
          %mul3A_526 = arith.constant 4 : i32
          %mul3A_527 = arith.muli %scan3A_346, %mul3A_526 : i32
          %add3A_528 = arith.constant 3 : i32
          %add3A_529 = arith.addi %mul3A_527, %add3A_528 : i32
          %mul3A_530 = arith.constant 128 : i32
          %mul3A_531 = arith.muli %add3A_529, %mul3A_530 : i32
          %add3A_532 = arith.constant 32 : i32
          %add3A_533 = arith.addi %mul3A_531, %add3A_532 : i32
          %swap3A_534 = arith.index_cast %add3A_533 : i32 to index
          %swap3A_535 = tpu.vector_load %arg8[%swap3A_534] {strides = array<i32>} : memref<2560xi32, #tpu.memory_space<vmem>>, vector<16xi32>,
          %swap3A_536 = vector.shape_cast %swap3A_535 : vector<16xi32> to vector<16xi32>
          %swap3A_537 = vector.shape_cast %add3A_525 : vector<16xi32> to vector<16xi32>
          tpu.vector_store %arg8[%swap3A_534], %swap3A_537 {strides = array<i32>} : memref<2560xi32, #tpu.memory_space<vmem>>, vector<16xi32>,
          %get3A_538 = arith.index_cast %scan3A_346 : i32 to index
          %get3A_539 = arith.constant 48 : index
          %get3A_540 = tpu.vector_load %arg6[%get3A_538, %get3A_539] {strides = array<i32>} : memref<5x128xi32, #tpu.memory_space<vmem>>, vector<1x16xi32>,
          %get3A_541 = vector.shape_cast %get3A_540 : vector<1x16xi32> to vector<16xi32>
          %add3A_542 = arith.constant 0 : i32
          %add3A_543 = vector.broadcast %add3A_542 : i32 to vector<16xi32>
          %add3A_544 = arith.addi %get3A_541, %add3A_543 : vector<16xi32>
          %mul3A_545 = arith.constant 4 : i32
          %mul3A_546 = arith.muli %scan3A_346, %mul3A_545 : i32
          %add3A_547 = arith.constant 0 : i32
          %add3A_548 = arith.addi %mul3A_546, %add3A_547 : i32
          %mul3A_549 = arith.constant 128 : i32
          %mul3A_550 = arith.muli %add3A_548, %mul3A_549 : i32
          %add3A_551 = arith.constant 48 : i32
          %add3A_552 = arith.addi %mul3A_550, %add3A_551 : i32
          %swap3A_553 = arith.index_cast %add3A_552 : i32 to index
          %swap3A_554 = tpu.vector_load %arg8[%swap3A_553] {strides = array<i32>} : memref<2560xi32, #tpu.memory_space<vmem>>, vector<16xi32>,
          %swap3A_555 = vector.shape_cast %swap3A_554 : vector<16xi32> to vector<16xi32>
          %swap3A_556 = vector.shape_cast %add3A_544 : vector<16xi32> to vector<16xi32>
          tpu.vector_store %arg8[%swap3A_553], %swap3A_556 {strides = array<i32>} : memref<2560xi32, #tpu.memory_space<vmem>>, vector<16xi32>,
          %add3A_557 = arith.constant 128 : i32
          %add3A_558 = vector.broadcast %add3A_557 : i32 to vector<16xi32>
          %add3A_559 = arith.addi %get3A_541, %add3A_558 : vector<16xi32>
          %mul3A_560 = arith.constant 4 : i32
          %mul3A_561 = arith.muli %scan3A_346, %mul3A_560 : i32
          %add3A_562 = arith.constant 1 : i32
          %add3A_563 = arith.addi %mul3A_561, %add3A_562 : i32
          %mul3A_564 = arith.constant 128 : i32
          %mul3A_565 = arith.muli %add3A_563, %mul3A_564 : i32
          %add3A_566 = arith.constant 48 : i32
          %add3A_567 = arith.addi %mul3A_565, %add3A_566 : i32
          %swap3A_568 = arith.index_cast %add3A_567 : i32 to index
          %swap3A_569 = tpu.vector_load %arg8[%swap3A_568] {strides = array<i32>} : memref<2560xi32, #tpu.memory_space<vmem>>, vector<16xi32>,
          %swap3A_570 = vector.shape_cast %swap3A_569 : vector<16xi32> to vector<16xi32>
          %swap3A_571 = vector.shape_cast %add3A_559 : vector<16xi32> to vector<16xi32>
          tpu.vector_store %arg8[%swap3A_568], %swap3A_571 {strides = array<i32>} : memref<2560xi32, #tpu.memory_space<vmem>>, vector<16xi32>,
          %add3A_572 = arith.constant 16384 : i32
          %add3A_573 = vector.broadcast %add3A_572 : i32 to vector<16xi32>
          %add3A_574 = arith.addi %get3A_541, %add3A_573 : vector<16xi32>
          %mul3A_575 = arith.constant 4 : i32
          %mul3A_576 = arith.muli %scan3A_346, %mul3A_575 : i32
          %add3A_577 = arith.constant 2 : i32
          %add3A_578 = arith.addi %mul3A_576, %add3A_577 : i32
          %mul3A_579 = arith.constant 128 : i32
          %mul3A_580 = arith.muli %add3A_578, %mul3A_579 : i32
          %add3A_581 = arith.constant 48 : i32
          %add3A_582 = arith.addi %mul3A_580, %add3A_581 : i32
          %swap3A_583 = arith.index_cast %add3A_582 : i32 to index
          %swap3A_584 = tpu.vector_load %arg8[%swap3A_583] {strides = array<i32>} : memref<2560xi32, #tpu.memory_space<vmem>>, vector<16xi32>,
          %swap3A_585 = vector.shape_cast %swap3A_584 : vector<16xi32> to vector<16xi32>
          %swap3A_586 = vector.shape_cast %add3A_574 : vector<16xi32> to vector<16xi32>
          tpu.vector_store %arg8[%swap3A_583], %swap3A_586 {strides = array<i32>} : memref<2560xi32, #tpu.memory_space<vmem>>, vector<16xi32>,
          %add3A_587 = arith.constant 16512 : i32
          %add3A_588 = vector.broadcast %add3A_587 : i32 to vector<16xi32>
          %add3A_589 = arith.addi %get3A_541, %add3A_588 : vector<16xi32>
          %mul3A_590 = arith.constant 4 : i32
          %mul3A_591 = arith.muli %scan3A_346, %mul3A_590 : i32
          %add3A_592 = arith.constant 3 : i32
          %add3A_593 = arith.addi %mul3A_591, %add3A_592 : i32
          %mul3A_594 = arith.constant 128 : i32
          %mul3A_595 = arith.muli %add3A_593, %mul3A_594 : i32
          %add3A_596 = arith.constant 48 : i32
          %add3A_597 = arith.addi %mul3A_595, %add3A_596 : i32
          %swap3A_598 = arith.index_cast %add3A_597 : i32 to index
          %swap3A_599 = tpu.vector_load %arg8[%swap3A_598] {strides = array<i32>} : memref<2560xi32, #tpu.memory_space<vmem>>, vector<16xi32>,
          %swap3A_600 = vector.shape_cast %swap3A_599 : vector<16xi32> to vector<16xi32>
          %swap3A_601 = vector.shape_cast %add3A_589 : vector<16xi32> to vector<16xi32>
          tpu.vector_store %arg8[%swap3A_598], %swap3A_601 {strides = array<i32>} : memref<2560xi32, #tpu.memory_space<vmem>>, vector<16xi32>,
          %get3A_602 = arith.index_cast %scan3A_346 : i32 to index
          %get3A_603 = arith.constant 64 : index
          %get3A_604 = tpu.vector_load %arg6[%get3A_602, %get3A_603] {strides = array<i32>} : memref<5x128xi32, #tpu.memory_space<vmem>>, vector<1x16xi32>,
          %get3A_605 = vector.shape_cast %get3A_604 : vector<1x16xi32> to vector<16xi32>
          %add3A_606 = arith.constant 0 : i32
          %add3A_607 = vector.broadcast %add3A_606 : i32 to vector<16xi32>
          %add3A_608 = arith.addi %get3A_605, %add3A_607 : vector<16xi32>
          %mul3A_609 = arith.constant 4 : i32
          %mul3A_610 = arith.muli %scan3A_346, %mul3A_609 : i32
          %add3A_611 = arith.constant 0 : i32
          %add3A_612 = arith.addi %mul3A_610, %add3A_611 : i32
          %mul3A_613 = arith.constant 128 : i32
          %mul3A_614 = arith.muli %add3A_612, %mul3A_613 : i32
          %add3A_615 = arith.constant 64 : i32
          %add3A_616 = arith.addi %mul3A_614, %add3A_615 : i32
          %swap3A_617 = arith.index_cast %add3A_616 : i32 to index
          %swap3A_618 = tpu.vector_load %arg8[%swap3A_617] {strides = array<i32>} : memref<2560xi32, #tpu.memory_space<vmem>>, vector<16xi32>,
          %swap3A_619 = vector.shape_cast %swap3A_618 : vector<16xi32> to vector<16xi32>
          %swap3A_620 = vector.shape_cast %add3A_608 : vector<16xi32> to vector<16xi32>
          tpu.vector_store %arg8[%swap3A_617], %swap3A_620 {strides = array<i32>} : memref<2560xi32, #tpu.memory_space<vmem>>, vector<16xi32>,
          %add3A_621 = arith.constant 128 : i32
          %add3A_622 = vector.broadcast %add3A_621 : i32 to vector<16xi32>
          %add3A_623 = arith.addi %get3A_605, %add3A_622 : vector<16xi32>
          %mul3A_624 = arith.constant 4 : i32
          %mul3A_625 = arith.muli %scan3A_346, %mul3A_624 : i32
          %add3A_626 = arith.constant 1 : i32
          %add3A_627 = arith.addi %mul3A_625, %add3A_626 : i32
          %mul3A_628 = arith.constant 128 : i32
          %mul3A_629 = arith.muli %add3A_627, %mul3A_628 : i32
          %add3A_630 = arith.constant 64 : i32
          %add3A_631 = arith.addi %mul3A_629, %add3A_630 : i32
          %swap3A_632 = arith.index_cast %add3A_631 : i32 to index
          %swap3A_633 = tpu.vector_load %arg8[%swap3A_632] {strides = array<i32>} : memref<2560xi32, #tpu.memory_space<vmem>>, vector<16xi32>,
          %swap3A_634 = vector.shape_cast %swap3A_633 : vector<16xi32> to vector<16xi32>
          %swap3A_635 = vector.shape_cast %add3A_623 : vector<16xi32> to vector<16xi32>
          tpu.vector_store %arg8[%swap3A_632], %swap3A_635 {strides = array<i32>} : memref<2560xi32, #tpu.memory_space<vmem>>, vector<16xi32>,
          %add3A_636 = arith.constant 16384 : i32
          %add3A_637 = vector.broadcast %add3A_636 : i32 to vector<16xi32>
          %add3A_638 = arith.addi %get3A_605, %add3A_637 : vector<16xi32>
          %mul3A_639 = arith.constant 4 : i32
          %mul3A_640 = arith.muli %scan3A_346, %mul3A_639 : i32
          %add3A_641 = arith.constant 2 : i32
          %add3A_642 = arith.addi %mul3A_640, %add3A_641 : i32
          %mul3A_643 = arith.constant 128 : i32
          %mul3A_644 = arith.muli %add3A_642, %mul3A_643 : i32
          %add3A_645 = arith.constant 64 : i32
          %add3A_646 = arith.addi %mul3A_644, %add3A_645 : i32
          %swap3A_647 = arith.index_cast %add3A_646 : i32 to index
          %swap3A_648 = tpu.vector_load %arg8[%swap3A_647] {strides = array<i32>} : memref<2560xi32, #tpu.memory_space<vmem>>, vector<16xi32>,
          %swap3A_649 = vector.shape_cast %swap3A_648 : vector<16xi32> to vector<16xi32>
          %swap3A_650 = vector.shape_cast %add3A_638 : vector<16xi32> to vector<16xi32>
          tpu.vector_store %arg8[%swap3A_647], %swap3A_650 {strides = array<i32>} : memref<2560xi32, #tpu.memory_space<vmem>>, vector<16xi32>,
          %add3A_651 = arith.constant 16512 : i32
          %add3A_652 = vector.broadcast %add3A_651 : i32 to vector<16xi32>
          %add3A_653 = arith.addi %get3A_605, %add3A_652 : vector<16xi32>
          %mul3A_654 = arith.constant 4 : i32
          %mul3A_655 = arith.muli %scan3A_346, %mul3A_654 : i32
          %add3A_656 = arith.constant 3 : i32
          %add3A_657 = arith.addi %mul3A_655, %add3A_656 : i32
          %mul3A_658 = arith.constant 128 : i32
          %mul3A_659 = arith.muli %add3A_657, %mul3A_658 : i32
          %add3A_660 = arith.constant 64 : i32
          %add3A_661 = arith.addi %mul3A_659, %add3A_660 : i32
          %swap3A_662 = arith.index_cast %add3A_661 : i32 to index
          %swap3A_663 = tpu.vector_load %arg8[%swap3A_662] {strides = array<i32>} : memref<2560xi32, #tpu.memory_space<vmem>>, vector<16xi32>,
          %swap3A_664 = vector.shape_cast %swap3A_663 : vector<16xi32> to vector<16xi32>
          %swap3A_665 = vector.shape_cast %add3A_653 : vector<16xi32> to vector<16xi32>
          tpu.vector_store %arg8[%swap3A_662], %swap3A_665 {strides = array<i32>} : memref<2560xi32, #tpu.memory_space<vmem>>, vector<16xi32>,
          %get3A_666 = arith.index_cast %scan3A_346 : i32 to index
          %get3A_667 = arith.constant 80 : index
          %get3A_668 = tpu.vector_load %arg6[%get3A_666, %get3A_667] {strides = array<i32>} : memref<5x128xi32, #tpu.memory_space<vmem>>, vector<1x16xi32>,
          %get3A_669 = vector.shape_cast %get3A_668 : vector<1x16xi32> to vector<16xi32>
          %add3A_670 = arith.constant 0 : i32
          %add3A_671 = vector.broadcast %add3A_670 : i32 to vector<16xi32>
          %add3A_672 = arith.addi %get3A_669, %add3A_671 : vector<16xi32>
          %mul3A_673 = arith.constant 4 : i32
          %mul3A_674 = arith.muli %scan3A_346, %mul3A_673 : i32
          %add3A_675 = arith.constant 0 : i32
          %add3A_676 = arith.addi %mul3A_674, %add3A_675 : i32
          %mul3A_677 = arith.constant 128 : i32
          %mul3A_678 = arith.muli %add3A_676, %mul3A_677 : i32
          %add3A_679 = arith.constant 80 : i32
          %add3A_680 = arith.addi %mul3A_678, %add3A_679 : i32
          %swap3A_681 = arith.index_cast %add3A_680 : i32 to index
          %swap3A_682 = tpu.vector_load %arg8[%swap3A_681] {strides = array<i32>} : memref<2560xi32, #tpu.memory_space<vmem>>, vector<16xi32>,
          %swap3A_683 = vector.shape_cast %swap3A_682 : vector<16xi32> to vector<16xi32>
          %swap3A_684 = vector.shape_cast %add3A_672 : vector<16xi32> to vector<16xi32>
          tpu.vector_store %arg8[%swap3A_681], %swap3A_684 {strides = array<i32>} : memref<2560xi32, #tpu.memory_space<vmem>>, vector<16xi32>,
          %add3A_685 = arith.constant 128 : i32
          %add3A_686 = vector.broadcast %add3A_685 : i32 to vector<16xi32>
          %add3A_687 = arith.addi %get3A_669, %add3A_686 : vector<16xi32>
          %mul3A_688 = arith.constant 4 : i32
          %mul3A_689 = arith.muli %scan3A_346, %mul3A_688 : i32
          %add3A_690 = arith.constant 1 : i32
          %add3A_691 = arith.addi %mul3A_689, %add3A_690 : i32
          %mul3A_692 = arith.constant 128 : i32
          %mul3A_693 = arith.muli %add3A_691, %mul3A_692 : i32
          %add3A_694 = arith.constant 80 : i32
          %add3A_695 = arith.addi %mul3A_693, %add3A_694 : i32
          %swap3A_696 = arith.index_cast %add3A_695 : i32 to index
          %swap3A_697 = tpu.vector_load %arg8[%swap3A_696] {strides = array<i32>} : memref<2560xi32, #tpu.memory_space<vmem>>, vector<16xi32>,
          %swap3A_698 = vector.shape_cast %swap3A_697 : vector<16xi32> to vector<16xi32>
          %swap3A_699 = vector.shape_cast %add3A_687 : vector<16xi32> to vector<16xi32>
          tpu.vector_store %arg8[%swap3A_696], %swap3A_699 {strides = array<i32>} : memref<2560xi32, #tpu.memory_space<vmem>>, vector<16xi32>,
          %add3A_700 = arith.constant 16384 : i32
          %add3A_701 = vector.broadcast %add3A_700 : i32 to vector<16xi32>
          %add3A_702 = arith.addi %get3A_669, %add3A_701 : vector<16xi32>
          %mul3A_703 = arith.constant 4 : i32
          %mul3A_704 = arith.muli %scan3A_346, %mul3A_703 : i32
          %add3A_705 = arith.constant 2 : i32
          %add3A_706 = arith.addi %mul3A_704, %add3A_705 : i32
          %mul3A_707 = arith.constant 128 : i32
          %mul3A_708 = arith.muli %add3A_706, %mul3A_707 : i32
          %add3A_709 = arith.constant 80 : i32
          %add3A_710 = arith.addi %mul3A_708, %add3A_709 : i32
          %swap3A_711 = arith.index_cast %add3A_710 : i32 to index
          %swap3A_712 = tpu.vector_load %arg8[%swap3A_711] {strides = array<i32>} : memref<2560xi32, #tpu.memory_space<vmem>>, vector<16xi32>,
          %swap3A_713 = vector.shape_cast %swap3A_712 : vector<16xi32> to vector<16xi32>
          %swap3A_714 = vector.shape_cast %add3A_702 : vector<16xi32> to vector<16xi32>
          tpu.vector_store %arg8[%swap3A_711], %swap3A_714 {strides = array<i32>} : memref<2560xi32, #tpu.memory_space<vmem>>, vector<16xi32>,
          %add3A_715 = arith.constant 16512 : i32
          %add3A_716 = vector.broadcast %add3A_715 : i32 to vector<16xi32>
          %add3A_717 = arith.addi %get3A_669, %add3A_716 : vector<16xi32>
          %mul3A_718 = arith.constant 4 : i32
          %mul3A_719 = arith.muli %scan3A_346, %mul3A_718 : i32
          %add3A_720 = arith.constant 3 : i32
          %add3A_721 = arith.addi %mul3A_719, %add3A_720 : i32
          %mul3A_722 = arith.constant 128 : i32
          %mul3A_723 = arith.muli %add3A_721, %mul3A_722 : i32
          %add3A_724 = arith.constant 80 : i32
          %add3A_725 = arith.addi %mul3A_723, %add3A_724 : i32
          %swap3A_726 = arith.index_cast %add3A_725 : i32 to index
          %swap3A_727 = tpu.vector_load %arg8[%swap3A_726] {strides = array<i32>} : memref<2560xi32, #tpu.memory_space<vmem>>, vector<16xi32>,
          %swap3A_728 = vector.shape_cast %swap3A_727 : vector<16xi32> to vector<16xi32>
          %swap3A_729 = vector.shape_cast %add3A_717 : vector<16xi32> to vector<16xi32>
          tpu.vector_store %arg8[%swap3A_726], %swap3A_729 {strides = array<i32>} : memref<2560xi32, #tpu.memory_space<vmem>>, vector<16xi32>,
          %get3A_730 = arith.index_cast %scan3A_346 : i32 to index
          %get3A_731 = arith.constant 96 : index
          %get3A_732 = tpu.vector_load %arg6[%get3A_730, %get3A_731] {strides = array<i32>} : memref<5x128xi32, #tpu.memory_space<vmem>>, vector<1x16xi32>,
          %get3A_733 = vector.shape_cast %get3A_732 : vector<1x16xi32> to vector<16xi32>
          %add3A_734 = arith.constant 0 : i32
          %add3A_735 = vector.broadcast %add3A_734 : i32 to vector<16xi32>
          %add3A_736 = arith.addi %get3A_733, %add3A_735 : vector<16xi32>
          %mul3A_737 = arith.constant 4 : i32
          %mul3A_738 = arith.muli %scan3A_346, %mul3A_737 : i32
          %add3A_739 = arith.constant 0 : i32
          %add3A_740 = arith.addi %mul3A_738, %add3A_739 : i32
          %mul3A_741 = arith.constant 128 : i32
          %mul3A_742 = arith.muli %add3A_740, %mul3A_741 : i32
          %add3A_743 = arith.constant 96 : i32
          %add3A_744 = arith.addi %mul3A_742, %add3A_743 : i32
          %swap3A_745 = arith.index_cast %add3A_744 : i32 to index
          %swap3A_746 = tpu.vector_load %arg8[%swap3A_745] {strides = array<i32>} : memref<2560xi32, #tpu.memory_space<vmem>>, vector<16xi32>,
          %swap3A_747 = vector.shape_cast %swap3A_746 : vector<16xi32> to vector<16xi32>
          %swap3A_748 = vector.shape_cast %add3A_736 : vector<16xi32> to vector<16xi32>
          tpu.vector_store %arg8[%swap3A_745], %swap3A_748 {strides = array<i32>} : memref<2560xi32, #tpu.memory_space<vmem>>, vector<16xi32>,
          %add3A_749 = arith.constant 128 : i32
          %add3A_750 = vector.broadcast %add3A_749 : i32 to vector<16xi32>
          %add3A_751 = arith.addi %get3A_733, %add3A_750 : vector<16xi32>
          %mul3A_752 = arith.constant 4 : i32
          %mul3A_753 = arith.muli %scan3A_346, %mul3A_752 : i32
          %add3A_754 = arith.constant 1 : i32
          %add3A_755 = arith.addi %mul3A_753, %add3A_754 : i32
          %mul3A_756 = arith.constant 128 : i32
          %mul3A_757 = arith.muli %add3A_755, %mul3A_756 : i32
          %add3A_758 = arith.constant 96 : i32
          %add3A_759 = arith.addi %mul3A_757, %add3A_758 : i32
          %swap3A_760 = arith.index_cast %add3A_759 : i32 to index
          %swap3A_761 = tpu.vector_load %arg8[%swap3A_760] {strides = array<i32>} : memref<2560xi32, #tpu.memory_space<vmem>>, vector<16xi32>,
          %swap3A_762 = vector.shape_cast %swap3A_761 : vector<16xi32> to vector<16xi32>
          %swap3A_763 = vector.shape_cast %add3A_751 : vector<16xi32> to vector<16xi32>
          tpu.vector_store %arg8[%swap3A_760], %swap3A_763 {strides = array<i32>} : memref<2560xi32, #tpu.memory_space<vmem>>, vector<16xi32>,
          %add3A_764 = arith.constant 16384 : i32
          %add3A_765 = vector.broadcast %add3A_764 : i32 to vector<16xi32>
          %add3A_766 = arith.addi %get3A_733, %add3A_765 : vector<16xi32>
          %mul3A_767 = arith.constant 4 : i32
          %mul3A_768 = arith.muli %scan3A_346, %mul3A_767 : i32
          %add3A_769 = arith.constant 2 : i32
          %add3A_770 = arith.addi %mul3A_768, %add3A_769 : i32
          %mul3A_771 = arith.constant 128 : i32
          %mul3A_772 = arith.muli %add3A_770, %mul3A_771 : i32
          %add3A_773 = arith.constant 96 : i32
          %add3A_774 = arith.addi %mul3A_772, %add3A_773 : i32
          %swap3A_775 = arith.index_cast %add3A_774 : i32 to index
          %swap3A_776 = tpu.vector_load %arg8[%swap3A_775] {strides = array<i32>} : memref<2560xi32, #tpu.memory_space<vmem>>, vector<16xi32>,
          %swap3A_777 = vector.shape_cast %swap3A_776 : vector<16xi32> to vector<16xi32>
          %swap3A_778 = vector.shape_cast %add3A_766 : vector<16xi32> to vector<16xi32>
          tpu.vector_store %arg8[%swap3A_775], %swap3A_778 {strides = array<i32>} : memref<2560xi32, #tpu.memory_space<vmem>>, vector<16xi32>,
          %add3A_779 = arith.constant 16512 : i32
          %add3A_780 = vector.broadcast %add3A_779 : i32 to vector<16xi32>
          %add3A_781 = arith.addi %get3A_733, %add3A_780 : vector<16xi32>
          %mul3A_782 = arith.constant 4 : i32
          %mul3A_783 = arith.muli %scan3A_346, %mul3A_782 : i32
          %add3A_784 = arith.constant 3 : i32
          %add3A_785 = arith.addi %mul3A_783, %add3A_784 : i32
          %mul3A_786 = arith.constant 128 : i32
          %mul3A_787 = arith.muli %add3A_785, %mul3A_786 : i32
          %add3A_788 = arith.constant 96 : i32
          %add3A_789 = arith.addi %mul3A_787, %add3A_788 : i32
          %swap3A_790 = arith.index_cast %add3A_789 : i32 to index
          %swap3A_791 = tpu.vector_load %arg8[%swap3A_790] {strides = array<i32>} : memref<2560xi32, #tpu.memory_space<vmem>>, vector<16xi32>,
          %swap3A_792 = vector.shape_cast %swap3A_791 : vector<16xi32> to vector<16xi32>
          %swap3A_793 = vector.shape_cast %add3A_781 : vector<16xi32> to vector<16xi32>
          tpu.vector_store %arg8[%swap3A_790], %swap3A_793 {strides = array<i32>} : memref<2560xi32, #tpu.memory_space<vmem>>, vector<16xi32>,
          %get3A_794 = arith.index_cast %scan3A_346 : i32 to index
          %get3A_795 = arith.constant 112 : index
          %get3A_796 = tpu.vector_load %arg6[%get3A_794, %get3A_795] {strides = array<i32>} : memref<5x128xi32, #tpu.memory_space<vmem>>, vector<1x16xi32>,
          %get3A_797 = vector.shape_cast %get3A_796 : vector<1x16xi32> to vector<16xi32>
          %add3A_798 = arith.constant 0 : i32
          %add3A_799 = vector.broadcast %add3A_798 : i32 to vector<16xi32>
          %add3A_800 = arith.addi %get3A_797, %add3A_799 : vector<16xi32>
          %mul3A_801 = arith.constant 4 : i32
          %mul3A_802 = arith.muli %scan3A_346, %mul3A_801 : i32
          %add3A_803 = arith.constant 0 : i32
          %add3A_804 = arith.addi %mul3A_802, %add3A_803 : i32
          %mul3A_805 = arith.constant 128 : i32
          %mul3A_806 = arith.muli %add3A_804, %mul3A_805 : i32
          %add3A_807 = arith.constant 112 : i32
          %add3A_808 = arith.addi %mul3A_806, %add3A_807 : i32
          %swap3A_809 = arith.index_cast %add3A_808 : i32 to index
          %swap3A_810 = tpu.vector_load %arg8[%swap3A_809] {strides = array<i32>} : memref<2560xi32, #tpu.memory_space<vmem>>, vector<16xi32>,
          %swap3A_811 = vector.shape_cast %swap3A_810 : vector<16xi32> to vector<16xi32>
          %swap3A_812 = vector.shape_cast %add3A_800 : vector<16xi32> to vector<16xi32>
          tpu.vector_store %arg8[%swap3A_809], %swap3A_812 {strides = array<i32>} : memref<2560xi32, #tpu.memory_space<vmem>>, vector<16xi32>,
          %add3A_813 = arith.constant 128 : i32
          %add3A_814 = vector.broadcast %add3A_813 : i32 to vector<16xi32>
          %add3A_815 = arith.addi %get3A_797, %add3A_814 : vector<16xi32>
          %mul3A_816 = arith.constant 4 : i32
          %mul3A_817 = arith.muli %scan3A_346, %mul3A_816 : i32
          %add3A_818 = arith.constant 1 : i32
          %add3A_819 = arith.addi %mul3A_817, %add3A_818 : i32
          %mul3A_820 = arith.constant 128 : i32
          %mul3A_821 = arith.muli %add3A_819, %mul3A_820 : i32
          %add3A_822 = arith.constant 112 : i32
          %add3A_823 = arith.addi %mul3A_821, %add3A_822 : i32
          %swap3A_824 = arith.index_cast %add3A_823 : i32 to index
          %swap3A_825 = tpu.vector_load %arg8[%swap3A_824] {strides = array<i32>} : memref<2560xi32, #tpu.memory_space<vmem>>, vector<16xi32>,
          %swap3A_826 = vector.shape_cast %swap3A_825 : vector<16xi32> to vector<16xi32>
          %swap3A_827 = vector.shape_cast %add3A_815 : vector<16xi32> to vector<16xi32>
          tpu.vector_store %arg8[%swap3A_824], %swap3A_827 {strides = array<i32>} : memref<2560xi32, #tpu.memory_space<vmem>>, vector<16xi32>,
          %add3A_828 = arith.constant 16384 : i32
          %add3A_829 = vector.broadcast %add3A_828 : i32 to vector<16xi32>
          %add3A_830 = arith.addi %get3A_797, %add3A_829 : vector<16xi32>
          %mul3A_831 = arith.constant 4 : i32
          %mul3A_832 = arith.muli %scan3A_346, %mul3A_831 : i32
          %add3A_833 = arith.constant 2 : i32
          %add3A_834 = arith.addi %mul3A_832, %add3A_833 : i32
          %mul3A_835 = arith.constant 128 : i32
          %mul3A_836 = arith.muli %add3A_834, %mul3A_835 : i32
          %add3A_837 = arith.constant 112 : i32
          %add3A_838 = arith.addi %mul3A_836, %add3A_837 : i32
          %swap3A_839 = arith.index_cast %add3A_838 : i32 to index
          %swap3A_840 = tpu.vector_load %arg8[%swap3A_839] {strides = array<i32>} : memref<2560xi32, #tpu.memory_space<vmem>>, vector<16xi32>,
          %swap3A_841 = vector.shape_cast %swap3A_840 : vector<16xi32> to vector<16xi32>
          %swap3A_842 = vector.shape_cast %add3A_830 : vector<16xi32> to vector<16xi32>
          tpu.vector_store %arg8[%swap3A_839], %swap3A_842 {strides = array<i32>} : memref<2560xi32, #tpu.memory_space<vmem>>, vector<16xi32>,
          %add3A_843 = arith.constant 16512 : i32
          %add3A_844 = vector.broadcast %add3A_843 : i32 to vector<16xi32>
          %add3A_845 = arith.addi %get3A_797, %add3A_844 : vector<16xi32>
          %mul3A_846 = arith.constant 4 : i32
          %mul3A_847 = arith.muli %scan3A_346, %mul3A_846 : i32
          %add3A_848 = arith.constant 3 : i32
          %add3A_849 = arith.addi %mul3A_847, %add3A_848 : i32
          %mul3A_850 = arith.constant 128 : i32
          %mul3A_851 = arith.muli %add3A_849, %mul3A_850 : i32
          %add3A_852 = arith.constant 112 : i32
          %add3A_853 = arith.addi %mul3A_851, %add3A_852 : i32
          %swap3A_854 = arith.index_cast %add3A_853 : i32 to index
          %swap3A_855 = tpu.vector_load %arg8[%swap3A_854] {strides = array<i32>} : memref<2560xi32, #tpu.memory_space<vmem>>, vector<16xi32>,
          %swap3A_856 = vector.shape_cast %swap3A_855 : vector<16xi32> to vector<16xi32>
          %swap3A_857 = vector.shape_cast %add3A_845 : vector<16xi32> to vector<16xi32>
          tpu.vector_store %arg8[%swap3A_854], %swap3A_857 {strides = array<i32>} : memref<2560xi32, #tpu.memory_space<vmem>>, vector<16xi32>,
        }
        %scan3A_321 = arith.constant 5 : i32
        %dma_start3A_322 = arith.constant 0 : i32
        %dma_start3A_323 = tpu.memref_slice %arg9[%dma_start3A_322] : memref<2560xi32, #tpu.memory_space<vmem>> -> memref<640xi32, #tpu.memory_space<vmem>>
        %dma_start3A_324 = arith.constant 0 : i32
        %dma_start3A_325 = tpu.memref_slice %arg8[%dma_start3A_324] : memref<2560xi32, #tpu.memory_space<vmem>> -> memref<640xi32, #tpu.memory_space<vmem>>
        %dma_start3A_326 = arith.constant 0 : i32
        %dma_start3A_327 = tpu.memref_slice %arg2[%dma_start3A_326] : memref<2097152xi32, #tpu.memory_space<hbm>> -> memref<2097152xi32, #tpu.memory_space<hbm>>
        tpu.enqueue_indirect_dma source(%dma_start3A_327 : memref<2097152xi32, #tpu.memory_space<hbm>>) target(%dma_start3A_323 : memref<640xi32, #tpu.memory_space<vmem>>) offsets(%dma_start3A_325 : memref<640xi32, #tpu.memory_space<vmem>>) semaphore(%arg15 : memref<!tpu.dma_semaphore, #tpu.memory_space<semaphore_mem>>)
        %dma_start3A_328 = arith.constant 640 : i32
        %dma_start3A_329 = tpu.memref_slice %arg9[%dma_start3A_328] : memref<2560xi32, #tpu.memory_space<vmem>> -> memref<640xi32, #tpu.memory_space<vmem>>
        %dma_start3A_330 = arith.constant 640 : i32
        %dma_start3A_331 = tpu.memref_slice %arg8[%dma_start3A_330] : memref<2560xi32, #tpu.memory_space<vmem>> -> memref<640xi32, #tpu.memory_space<vmem>>
        %dma_start3A_332 = arith.constant 0 : i32
        %dma_start3A_333 = tpu.memref_slice %arg2[%dma_start3A_332] : memref<2097152xi32, #tpu.memory_space<hbm>> -> memref<2097152xi32, #tpu.memory_space<hbm>>
        tpu.enqueue_indirect_dma source(%dma_start3A_333 : memref<2097152xi32, #tpu.memory_space<hbm>>) target(%dma_start3A_329 : memref<640xi32, #tpu.memory_space<vmem>>) offsets(%dma_start3A_331 : memref<640xi32, #tpu.memory_space<vmem>>) semaphore(%arg16 : memref<!tpu.dma_semaphore, #tpu.memory_space<semaphore_mem>>)
        %dma_start3A_334 = arith.constant 1280 : i32
        %dma_start3A_335 = tpu.memref_slice %arg9[%dma_start3A_334] : memref<2560xi32, #tpu.memory_space<vmem>> -> memref<640xi32, #tpu.memory_space<vmem>>
        %dma_start3A_336 = arith.constant 1280 : i32
        %dma_start3A_337 = tpu.memref_slice %arg8[%dma_start3A_336] : memref<2560xi32, #tpu.memory_space<vmem>> -> memref<640xi32, #tpu.memory_space<vmem>>
        %dma_start3A_338 = arith.constant 0 : i32
        %dma_start3A_339 = tpu.memref_slice %arg2[%dma_start3A_338] : memref<2097152xi32, #tpu.memory_space<hbm>> -> memref<2097152xi32, #tpu.memory_space<hbm>>
        tpu.enqueue_indirect_dma source(%dma_start3A_339 : memref<2097152xi32, #tpu.memory_space<hbm>>) target(%dma_start3A_335 : memref<640xi32, #tpu.memory_space<vmem>>) offsets(%dma_start3A_337 : memref<640xi32, #tpu.memory_space<vmem>>) semaphore(%arg17 : memref<!tpu.dma_semaphore, #tpu.memory_space<semaphore_mem>>)
        %dma_start3A_340 = arith.constant 1920 : i32
        %dma_start3A_341 = tpu.memref_slice %arg9[%dma_start3A_340] : memref<2560xi32, #tpu.memory_space<vmem>> -> memref<640xi32, #tpu.memory_space<vmem>>
        %dma_start3A_342 = arith.constant 1920 : i32
        %dma_start3A_343 = tpu.memref_slice %arg8[%dma_start3A_342] : memref<2560xi32, #tpu.memory_space<vmem>> -> memref<640xi32, #tpu.memory_space<vmem>>
        %dma_start3A_344 = arith.constant 0 : i32
        %dma_start3A_345 = tpu.memref_slice %arg2[%dma_start3A_344] : memref<2097152xi32, #tpu.memory_space<hbm>> -> memref<2097152xi32, #tpu.memory_space<hbm>>
        tpu.enqueue_indirect_dma source(%dma_start3A_345 : memref<2097152xi32, #tpu.memory_space<hbm>>) target(%dma_start3A_341 : memref<640xi32, #tpu.memory_space<vmem>>) offsets(%dma_start3A_343 : memref<640xi32, #tpu.memory_space<vmem>>) semaphore(%arg18 : memref<!tpu.dma_semaphore, #tpu.memory_space<semaphore_mem>>)
      } else {
      }
      %add3A_192 = arith.constant 1 : i32
      %add3A_193 = arith.addi %add3A_40, %add3A_192 : i32
      %dma_wait3A_194 = arith.constant 0 : i32
      %dma_wait3A_195 = tpu.memref_slice %arg13[%dma_wait3A_194] : memref<2560xi32, #tpu.memory_space<vmem>> -> memref<640xi32, #tpu.memory_space<vmem>>
      %dma_wait3A_196 = arith.constant 0 : i32
      %dma_wait3A_197 = tpu.memref_slice %arg12[%dma_wait3A_196] : memref<2560xi32, #tpu.memory_space<vmem>> -> memref<640xi32, #tpu.memory_space<vmem>>
      %dma_wait3A_198 = arith.constant 0 : i32
      %dma_wait3A_199 = tpu.memref_slice %arg2[%dma_wait3A_198] : memref<2097152xi32, #tpu.memory_space<hbm>> -> memref<2097152xi32, #tpu.memory_space<hbm>>
      tpu.wait_indirect_dma semaphore(%arg19 : memref<!tpu.dma_semaphore, #tpu.memory_space<semaphore_mem>>) src(%dma_wait3A_199 : memref<2097152xi32, #tpu.memory_space<hbm>>) dst(%dma_wait3A_195 : memref<640xi32, #tpu.memory_space<vmem>>)
      %dma_wait3A_200 = arith.constant 640 : i32
      %dma_wait3A_201 = tpu.memref_slice %arg13[%dma_wait3A_200] : memref<2560xi32, #tpu.memory_space<vmem>> -> memref<640xi32, #tpu.memory_space<vmem>>
      %dma_wait3A_202 = arith.constant 640 : i32
      %dma_wait3A_203 = tpu.memref_slice %arg12[%dma_wait3A_202] : memref<2560xi32, #tpu.memory_space<vmem>> -> memref<640xi32, #tpu.memory_space<vmem>>
      %dma_wait3A_204 = arith.constant 0 : i32
      %dma_wait3A_205 = tpu.memref_slice %arg2[%dma_wait3A_204] : memref<2097152xi32, #tpu.memory_space<hbm>> -> memref<2097152xi32, #tpu.memory_space<hbm>>
      tpu.wait_indirect_dma semaphore(%arg20 : memref<!tpu.dma_semaphore, #tpu.memory_space<semaphore_mem>>) src(%dma_wait3A_205 : memref<2097152xi32, #tpu.memory_space<hbm>>) dst(%dma_wait3A_201 : memref<640xi32, #tpu.memory_space<vmem>>)
      %dma_wait3A_206 = arith.constant 1280 : i32
      %dma_wait3A_207 = tpu.memref_slice %arg13[%dma_wait3A_206] : memref<2560xi32, #tpu.memory_space<vmem>> -> memref<640xi32, #tpu.memory_space<vmem>>
      %dma_wait3A_208 = arith.constant 1280 : i32
      %dma_wait3A_209 = tpu.memref_slice %arg12[%dma_wait3A_208] : memref<2560xi32, #tpu.memory_space<vmem>> -> memref<640xi32, #tpu.memory_space<vmem>>
      %dma_wait3A_210 = arith.constant 0 : i32
      %dma_wait3A_211 = tpu.memref_slice %arg2[%dma_wait3A_210] : memref<2097152xi32, #tpu.memory_space<hbm>> -> memref<2097152xi32, #tpu.memory_space<hbm>>
      tpu.wait_indirect_dma semaphore(%arg21 : memref<!tpu.dma_semaphore, #tpu.memory_space<semaphore_mem>>) src(%dma_wait3A_211 : memref<2097152xi32, #tpu.memory_space<hbm>>) dst(%dma_wait3A_207 : memref<640xi32, #tpu.memory_space<vmem>>)
      %dma_wait3A_212 = arith.constant 1920 : i32
      %dma_wait3A_213 = tpu.memref_slice %arg13[%dma_wait3A_212] : memref<2560xi32, #tpu.memory_space<vmem>> -> memref<640xi32, #tpu.memory_space<vmem>>
      %dma_wait3A_214 = arith.constant 1920 : i32
      %dma_wait3A_215 = tpu.memref_slice %arg12[%dma_wait3A_214] : memref<2560xi32, #tpu.memory_space<vmem>> -> memref<640xi32, #tpu.memory_space<vmem>>
      %dma_wait3A_216 = arith.constant 0 : i32
      %dma_wait3A_217 = tpu.memref_slice %arg2[%dma_wait3A_216] : memref<2097152xi32, #tpu.memory_space<hbm>> -> memref<2097152xi32, #tpu.memory_space<hbm>>
      tpu.wait_indirect_dma semaphore(%arg22 : memref<!tpu.dma_semaphore, #tpu.memory_space<semaphore_mem>>) src(%dma_wait3A_217 : memref<2097152xi32, #tpu.memory_space<hbm>>) dst(%dma_wait3A_213 : memref<640xi32, #tpu.memory_space<vmem>>)
      %broadcast_in_dim3A_218 = arith.constant 0.000000e+00 : f32
      %broadcast_in_dim3A_219 = vector.broadcast %broadcast_in_dim3A_218 : f32 to vector<16xf32>
      %scan3A_220 = arith.constant 0 : i32
      %scan3A_221 = arith.constant 5 : i32
      %scan3A_222 = arith.addi %scan3A_220, %scan3A_221 : i32
      %scan3A_223 = arith.constant 1 : i32
      %scan3A_224 = scf.for %scan3A_314 = %scan3A_220 to %scan3A_222 step %scan3A_223 iter_args(%scan3A_315 = %broadcast_in_dim3A_219) -> (vector<16xf32>)  : i32 {
        %get3A = arith.constant 0 : i32
        %get3A_316 = arith.index_cast %scan3A_314 : i32 to index
        %get3A_317 = arith.index_cast %get3A : i32 to index
        %get3A_318 = arith.constant 0 : index
        %get3A_319 = tpu.vector_load %arg11[%get3A_316, %get3A_317, %get3A_318] {strides = array<i32>} : memref<5x6x128xf32, #tpu.memory_space<vmem>>, vector<1x1x16xf32>,
        %get3A_320 = vector.shape_cast %get3A_319 : vector<1x1x16xf32> to vector<16xf32>
        %get3A_321 = arith.constant 1 : i32
        %get3A_322 = arith.index_cast %scan3A_314 : i32 to index
        %get3A_323 = arith.index_cast %get3A_321 : i32 to index
        %get3A_324 = arith.constant 0 : index
        %get3A_325 = tpu.vector_load %arg11[%get3A_322, %get3A_323, %get3A_324] {strides = array<i32>} : memref<5x6x128xf32, #tpu.memory_space<vmem>>, vector<1x1x16xf32>,
        %get3A_326 = vector.shape_cast %get3A_325 : vector<1x1x16xf32> to vector<16xf32>
        %get3A_327 = arith.constant 2 : i32
        %get3A_328 = arith.index_cast %scan3A_314 : i32 to index
        %get3A_329 = arith.index_cast %get3A_327 : i32 to index
        %get3A_330 = arith.constant 0 : index
        %get3A_331 = tpu.vector_load %arg11[%get3A_328, %get3A_329, %get3A_330] {strides = array<i32>} : memref<5x6x128xf32, #tpu.memory_space<vmem>>, vector<1x1x16xf32>,
        %get3A_332 = vector.shape_cast %get3A_331 : vector<1x1x16xf32> to vector<16xf32>
        %get3A_333 = arith.constant 3 : i32
        %get3A_334 = arith.index_cast %scan3A_314 : i32 to index
        %get3A_335 = arith.index_cast %get3A_333 : i32 to index
        %get3A_336 = arith.constant 0 : index
        %get3A_337 = tpu.vector_load %arg11[%get3A_334, %get3A_335, %get3A_336] {strides = array<i32>} : memref<5x6x128xf32, #tpu.memory_space<vmem>>, vector<1x1x16xf32>,
        %get3A_338 = vector.shape_cast %get3A_337 : vector<1x1x16xf32> to vector<16xf32>
        %get3A_339 = arith.constant 4 : i32
        %get3A_340 = arith.index_cast %scan3A_314 : i32 to index
        %get3A_341 = arith.index_cast %get3A_339 : i32 to index
        %get3A_342 = arith.constant 0 : index
        %get3A_343 = tpu.vector_load %arg11[%get3A_340, %get3A_341, %get3A_342] {strides = array<i32>} : memref<5x6x128xf32, #tpu.memory_space<vmem>>, vector<1x1x16xf32>,
        %get3A_344 = vector.shape_cast %get3A_343 : vector<1x1x16xf32> to vector<16xf32>
        %get3A_345 = arith.constant 5 : i32
        %get3A_346 = arith.index_cast %scan3A_314 : i32 to index
        %get3A_347 = arith.index_cast %get3A_345 : i32 to index
        %get3A_348 = arith.constant 0 : index
        %get3A_349 = tpu.vector_load %arg11[%get3A_346, %get3A_347, %get3A_348] {strides = array<i32>} : memref<5x6x128xf32, #tpu.memory_space<vmem>>, vector<1x1x16xf32>,
        %get3A_350 = vector.shape_cast %get3A_349 : vector<1x1x16xf32> to vector<16xf32>
        %mul3A_351 = arith.constant 4 : i32
        %mul3A_352 = arith.muli %scan3A_314, %mul3A_351 : i32
        %add3A_353 = arith.constant 0 : i32
        %add3A_354 = arith.addi %mul3A_352, %add3A_353 : i32
        %mul3A_355 = arith.constant 128 : i32
        %mul3A_356 = arith.muli %add3A_354, %mul3A_355 : i32
        %add3A_357 = arith.constant 0 : i32
        %add3A_358 = arith.addi %mul3A_356, %add3A_357 : i32
        %get3A_359 = arith.index_cast %add3A_358 : i32 to index
        %get3A_360 = tpu.vector_load %arg13[%get3A_359] {strides = array<i32>} : memref<2560xi32, #tpu.memory_space<vmem>>, vector<16xi32>,
        %get3A_361 = vector.shape_cast %get3A_360 : vector<16xi32> to vector<16xi32>
        %add3A_362 = arith.constant 1 : i32
        %add3A_363 = arith.addi %mul3A_352, %add3A_362 : i32
        %mul3A_364 = arith.constant 128 : i32
        %mul3A_365 = arith.muli %add3A_363, %mul3A_364 : i32
        %add3A_366 = arith.constant 0 : i32
        %add3A_367 = arith.addi %mul3A_365, %add3A_366 : i32
        %get3A_368 = arith.index_cast %add3A_367 : i32 to index
        %get3A_369 = tpu.vector_load %arg13[%get3A_368] {strides = array<i32>} : memref<2560xi32, #tpu.memory_space<vmem>>, vector<16xi32>,
        %get3A_370 = vector.shape_cast %get3A_369 : vector<16xi32> to vector<16xi32>
        %add3A_371 = arith.constant 2 : i32
        %add3A_372 = arith.addi %mul3A_352, %add3A_371 : i32
        %mul3A_373 = arith.constant 128 : i32
        %mul3A_374 = arith.muli %add3A_372, %mul3A_373 : i32
        %add3A_375 = arith.constant 0 : i32
        %add3A_376 = arith.addi %mul3A_374, %add3A_375 : i32
        %get3A_377 = arith.index_cast %add3A_376 : i32 to index
        %get3A_378 = tpu.vector_load %arg13[%get3A_377] {strides = array<i32>} : memref<2560xi32, #tpu.memory_space<vmem>>, vector<16xi32>,
        %get3A_379 = vector.shape_cast %get3A_378 : vector<16xi32> to vector<16xi32>
        %add3A_380 = arith.constant 3 : i32
        %add3A_381 = arith.addi %mul3A_352, %add3A_380 : i32
        %mul3A_382 = arith.constant 128 : i32
        %mul3A_383 = arith.muli %add3A_381, %mul3A_382 : i32
        %add3A_384 = arith.constant 0 : i32
        %add3A_385 = arith.addi %mul3A_383, %add3A_384 : i32
        %get3A_386 = arith.index_cast %add3A_385 : i32 to index
        %get3A_387 = tpu.vector_load %arg13[%get3A_386] {strides = array<i32>} : memref<2560xi32, #tpu.memory_space<vmem>>, vector<16xi32>,
        %get3A_388 = vector.shape_cast %get3A_387 : vector<16xi32> to vector<16xi32>
        %shift_left3A = arith.constant 16 : i32
        %shift_left3A_389 = vector.broadcast %shift_left3A : i32 to vector<16xi32>
        %shift_left3A_390 = arith.shli %get3A_361, %shift_left3A_389 : vector<16xi32>
        %bitcast_convert_type3A = tpu.bitcast %shift_left3A_390 : vector<16xi32> -> vector<16xf32>
        %mul3A_391 = arith.mulf %get3A_332, %bitcast_convert_type3A : vector<16xf32>
        %and3A = arith.constant -65536 : i32
        %and3A_392 = vector.broadcast %and3A : i32 to vector<16xi32>
        %and3A_393 = arith.andi %get3A_361, %and3A_392 : vector<16xi32>
        %bitcast_convert_type3A_394 = tpu.bitcast %and3A_393 : vector<16xi32> -> vector<16xf32>
        %mul3A_395 = arith.mulf %get3A_338, %bitcast_convert_type3A_394 : vector<16xf32>
        %add3A_396 = arith.addf %mul3A_391, %mul3A_395 : vector<16xf32>
        %shift_left3A_397 = arith.constant 16 : i32
        %shift_left3A_398 = vector.broadcast %shift_left3A_397 : i32 to vector<16xi32>
        %shift_left3A_399 = arith.shli %get3A_370, %shift_left3A_398 : vector<16xi32>
        %bitcast_convert_type3A_400 = tpu.bitcast %shift_left3A_399 : vector<16xi32> -> vector<16xf32>
        %mul3A_401 = arith.mulf %get3A_344, %bitcast_convert_type3A_400 : vector<16xf32>
        %add3A_402 = arith.addf %add3A_396, %mul3A_401 : vector<16xf32>
        %and3A_403 = arith.constant -65536 : i32
        %and3A_404 = vector.broadcast %and3A_403 : i32 to vector<16xi32>
        %and3A_405 = arith.andi %get3A_370, %and3A_404 : vector<16xi32>
        %bitcast_convert_type3A_406 = tpu.bitcast %and3A_405 : vector<16xi32> -> vector<16xf32>
        %mul3A_407 = arith.mulf %get3A_350, %bitcast_convert_type3A_406 : vector<16xf32>
        %add3A_408 = arith.addf %add3A_402, %mul3A_407 : vector<16xf32>
        %shift_left3A_409 = arith.constant 16 : i32
        %shift_left3A_410 = vector.broadcast %shift_left3A_409 : i32 to vector<16xi32>
        %shift_left3A_411 = arith.shli %get3A_379, %shift_left3A_410 : vector<16xi32>
        %bitcast_convert_type3A_412 = tpu.bitcast %shift_left3A_411 : vector<16xi32> -> vector<16xf32>
        %mul3A_413 = arith.mulf %get3A_332, %bitcast_convert_type3A_412 : vector<16xf32>
        %and3A_414 = arith.constant -65536 : i32
        %and3A_415 = vector.broadcast %and3A_414 : i32 to vector<16xi32>
        %and3A_416 = arith.andi %get3A_379, %and3A_415 : vector<16xi32>
        %bitcast_convert_type3A_417 = tpu.bitcast %and3A_416 : vector<16xi32> -> vector<16xf32>
        %mul3A_418 = arith.mulf %get3A_338, %bitcast_convert_type3A_417 : vector<16xf32>
        %add3A_419 = arith.addf %mul3A_413, %mul3A_418 : vector<16xf32>
        %shift_left3A_420 = arith.constant 16 : i32
        %shift_left3A_421 = vector.broadcast %shift_left3A_420 : i32 to vector<16xi32>
        %shift_left3A_422 = arith.shli %get3A_388, %shift_left3A_421 : vector<16xi32>
        %bitcast_convert_type3A_423 = tpu.bitcast %shift_left3A_422 : vector<16xi32> -> vector<16xf32>
        %mul3A_424 = arith.mulf %get3A_344, %bitcast_convert_type3A_423 : vector<16xf32>
        %add3A_425 = arith.addf %add3A_419, %mul3A_424 : vector<16xf32>
        %and3A_426 = arith.constant -65536 : i32
        %and3A_427 = vector.broadcast %and3A_426 : i32 to vector<16xi32>
        %and3A_428 = arith.andi %get3A_388, %and3A_427 : vector<16xi32>
        %bitcast_convert_type3A_429 = tpu.bitcast %and3A_428 : vector<16xi32> -> vector<16xf32>
        %mul3A_430 = arith.mulf %get3A_350, %bitcast_convert_type3A_429 : vector<16xf32>
        %add3A_431 = arith.addf %add3A_425, %mul3A_430 : vector<16xf32>
        %mul3A_432 = arith.mulf %get3A_320, %add3A_408 : vector<16xf32>
        %add3A_433 = arith.addf %scan3A_315, %mul3A_432 : vector<16xf32>
        %mul3A_434 = arith.mulf %get3A_326, %add3A_431 : vector<16xf32>
        %add3A_435 = arith.addf %add3A_433, %mul3A_434 : vector<16xf32>
        scf.yield %add3A_435 : vector<16xf32>
      }
      %scan3A_225 = arith.constant 5 : i32
      %swap3A_226 = arith.constant 0 : index
      %swap3A_227 = tpu.vector_load %arg14[%swap3A_226] {strides = array<i32>} : memref<128xf32, #tpu.memory_space<vmem>>, vector<16xf32>,
      %swap3A_228 = vector.shape_cast %swap3A_227 : vector<16xf32> to vector<16xf32>
      %swap3A_229 = vector.shape_cast %scan3A_224 : vector<16xf32> to vector<16xf32>
      tpu.vector_store %arg14[%swap3A_226], %swap3A_229 {strides = array<i32>} : memref<128xf32, #tpu.memory_space<vmem>>, vector<16xf32>,
      %broadcast_in_dim3A_230 = arith.constant 0.000000e+00 : f32
      %broadcast_in_dim3A_231 = vector.broadcast %broadcast_in_dim3A_230 : f32 to vector<16xf32>
      %scan3A_232 = arith.constant 0 : i32
      %scan3A_233 = arith.constant 5 : i32
      %scan3A_234 = arith.addi %scan3A_232, %scan3A_233 : i32
      %scan3A_235 = arith.constant 1 : i32
      %scan3A_236 = scf.for %scan3A_314 = %scan3A_232 to %scan3A_234 step %scan3A_235 iter_args(%scan3A_315 = %broadcast_in_dim3A_231) -> (vector<16xf32>)  : i32 {
        %get3A = arith.constant 0 : i32
        %get3A_316 = arith.index_cast %scan3A_314 : i32 to index
        %get3A_317 = arith.index_cast %get3A : i32 to index
        %get3A_318 = arith.constant 16 : index
        %get3A_319 = tpu.vector_load %arg11[%get3A_316, %get3A_317, %get3A_318] {strides = array<i32>} : memref<5x6x128xf32, #tpu.memory_space<vmem>>, vector<1x1x16xf32>,
        %get3A_320 = vector.shape_cast %get3A_319 : vector<1x1x16xf32> to vector<16xf32>
        %get3A_321 = arith.constant 1 : i32
        %get3A_322 = arith.index_cast %scan3A_314 : i32 to index
        %get3A_323 = arith.index_cast %get3A_321 : i32 to index
        %get3A_324 = arith.constant 16 : index
        %get3A_325 = tpu.vector_load %arg11[%get3A_322, %get3A_323, %get3A_324] {strides = array<i32>} : memref<5x6x128xf32, #tpu.memory_space<vmem>>, vector<1x1x16xf32>,
        %get3A_326 = vector.shape_cast %get3A_325 : vector<1x1x16xf32> to vector<16xf32>
        %get3A_327 = arith.constant 2 : i32
        %get3A_328 = arith.index_cast %scan3A_314 : i32 to index
        %get3A_329 = arith.index_cast %get3A_327 : i32 to index
        %get3A_330 = arith.constant 16 : index
        %get3A_331 = tpu.vector_load %arg11[%get3A_328, %get3A_329, %get3A_330] {strides = array<i32>} : memref<5x6x128xf32, #tpu.memory_space<vmem>>, vector<1x1x16xf32>,
        %get3A_332 = vector.shape_cast %get3A_331 : vector<1x1x16xf32> to vector<16xf32>
        %get3A_333 = arith.constant 3 : i32
        %get3A_334 = arith.index_cast %scan3A_314 : i32 to index
        %get3A_335 = arith.index_cast %get3A_333 : i32 to index
        %get3A_336 = arith.constant 16 : index
        %get3A_337 = tpu.vector_load %arg11[%get3A_334, %get3A_335, %get3A_336] {strides = array<i32>} : memref<5x6x128xf32, #tpu.memory_space<vmem>>, vector<1x1x16xf32>,
        %get3A_338 = vector.shape_cast %get3A_337 : vector<1x1x16xf32> to vector<16xf32>
        %get3A_339 = arith.constant 4 : i32
        %get3A_340 = arith.index_cast %scan3A_314 : i32 to index
        %get3A_341 = arith.index_cast %get3A_339 : i32 to index
        %get3A_342 = arith.constant 16 : index
        %get3A_343 = tpu.vector_load %arg11[%get3A_340, %get3A_341, %get3A_342] {strides = array<i32>} : memref<5x6x128xf32, #tpu.memory_space<vmem>>, vector<1x1x16xf32>,
        %get3A_344 = vector.shape_cast %get3A_343 : vector<1x1x16xf32> to vector<16xf32>
        %get3A_345 = arith.constant 5 : i32
        %get3A_346 = arith.index_cast %scan3A_314 : i32 to index
        %get3A_347 = arith.index_cast %get3A_345 : i32 to index
        %get3A_348 = arith.constant 16 : index
        %get3A_349 = tpu.vector_load %arg11[%get3A_346, %get3A_347, %get3A_348] {strides = array<i32>} : memref<5x6x128xf32, #tpu.memory_space<vmem>>, vector<1x1x16xf32>,
        %get3A_350 = vector.shape_cast %get3A_349 : vector<1x1x16xf32> to vector<16xf32>
        %mul3A_351 = arith.constant 4 : i32
        %mul3A_352 = arith.muli %scan3A_314, %mul3A_351 : i32
        %add3A_353 = arith.constant 0 : i32
        %add3A_354 = arith.addi %mul3A_352, %add3A_353 : i32
        %mul3A_355 = arith.constant 128 : i32
        %mul3A_356 = arith.muli %add3A_354, %mul3A_355 : i32
        %add3A_357 = arith.constant 16 : i32
        %add3A_358 = arith.addi %mul3A_356, %add3A_357 : i32
        %get3A_359 = arith.index_cast %add3A_358 : i32 to index
        %get3A_360 = tpu.vector_load %arg13[%get3A_359] {strides = array<i32>} : memref<2560xi32, #tpu.memory_space<vmem>>, vector<16xi32>,
        %get3A_361 = vector.shape_cast %get3A_360 : vector<16xi32> to vector<16xi32>
        %add3A_362 = arith.constant 1 : i32
        %add3A_363 = arith.addi %mul3A_352, %add3A_362 : i32
        %mul3A_364 = arith.constant 128 : i32
        %mul3A_365 = arith.muli %add3A_363, %mul3A_364 : i32
        %add3A_366 = arith.constant 16 : i32
        %add3A_367 = arith.addi %mul3A_365, %add3A_366 : i32
        %get3A_368 = arith.index_cast %add3A_367 : i32 to index
        %get3A_369 = tpu.vector_load %arg13[%get3A_368] {strides = array<i32>} : memref<2560xi32, #tpu.memory_space<vmem>>, vector<16xi32>,
        %get3A_370 = vector.shape_cast %get3A_369 : vector<16xi32> to vector<16xi32>
        %add3A_371 = arith.constant 2 : i32
        %add3A_372 = arith.addi %mul3A_352, %add3A_371 : i32
        %mul3A_373 = arith.constant 128 : i32
        %mul3A_374 = arith.muli %add3A_372, %mul3A_373 : i32
        %add3A_375 = arith.constant 16 : i32
        %add3A_376 = arith.addi %mul3A_374, %add3A_375 : i32
        %get3A_377 = arith.index_cast %add3A_376 : i32 to index
        %get3A_378 = tpu.vector_load %arg13[%get3A_377] {strides = array<i32>} : memref<2560xi32, #tpu.memory_space<vmem>>, vector<16xi32>,
        %get3A_379 = vector.shape_cast %get3A_378 : vector<16xi32> to vector<16xi32>
        %add3A_380 = arith.constant 3 : i32
        %add3A_381 = arith.addi %mul3A_352, %add3A_380 : i32
        %mul3A_382 = arith.constant 128 : i32
        %mul3A_383 = arith.muli %add3A_381, %mul3A_382 : i32
        %add3A_384 = arith.constant 16 : i32
        %add3A_385 = arith.addi %mul3A_383, %add3A_384 : i32
        %get3A_386 = arith.index_cast %add3A_385 : i32 to index
        %get3A_387 = tpu.vector_load %arg13[%get3A_386] {strides = array<i32>} : memref<2560xi32, #tpu.memory_space<vmem>>, vector<16xi32>,
        %get3A_388 = vector.shape_cast %get3A_387 : vector<16xi32> to vector<16xi32>
        %shift_left3A = arith.constant 16 : i32
        %shift_left3A_389 = vector.broadcast %shift_left3A : i32 to vector<16xi32>
        %shift_left3A_390 = arith.shli %get3A_361, %shift_left3A_389 : vector<16xi32>
        %bitcast_convert_type3A = tpu.bitcast %shift_left3A_390 : vector<16xi32> -> vector<16xf32>
        %mul3A_391 = arith.mulf %get3A_332, %bitcast_convert_type3A : vector<16xf32>
        %and3A = arith.constant -65536 : i32
        %and3A_392 = vector.broadcast %and3A : i32 to vector<16xi32>
        %and3A_393 = arith.andi %get3A_361, %and3A_392 : vector<16xi32>
        %bitcast_convert_type3A_394 = tpu.bitcast %and3A_393 : vector<16xi32> -> vector<16xf32>
        %mul3A_395 = arith.mulf %get3A_338, %bitcast_convert_type3A_394 : vector<16xf32>
        %add3A_396 = arith.addf %mul3A_391, %mul3A_395 : vector<16xf32>
        %shift_left3A_397 = arith.constant 16 : i32
        %shift_left3A_398 = vector.broadcast %shift_left3A_397 : i32 to vector<16xi32>
        %shift_left3A_399 = arith.shli %get3A_370, %shift_left3A_398 : vector<16xi32>
        %bitcast_convert_type3A_400 = tpu.bitcast %shift_left3A_399 : vector<16xi32> -> vector<16xf32>
        %mul3A_401 = arith.mulf %get3A_344, %bitcast_convert_type3A_400 : vector<16xf32>
        %add3A_402 = arith.addf %add3A_396, %mul3A_401 : vector<16xf32>
        %and3A_403 = arith.constant -65536 : i32
        %and3A_404 = vector.broadcast %and3A_403 : i32 to vector<16xi32>
        %and3A_405 = arith.andi %get3A_370, %and3A_404 : vector<16xi32>
        %bitcast_convert_type3A_406 = tpu.bitcast %and3A_405 : vector<16xi32> -> vector<16xf32>
        %mul3A_407 = arith.mulf %get3A_350, %bitcast_convert_type3A_406 : vector<16xf32>
        %add3A_408 = arith.addf %add3A_402, %mul3A_407 : vector<16xf32>
        %shift_left3A_409 = arith.constant 16 : i32
        %shift_left3A_410 = vector.broadcast %shift_left3A_409 : i32 to vector<16xi32>
        %shift_left3A_411 = arith.shli %get3A_379, %shift_left3A_410 : vector<16xi32>
        %bitcast_convert_type3A_412 = tpu.bitcast %shift_left3A_411 : vector<16xi32> -> vector<16xf32>
        %mul3A_413 = arith.mulf %get3A_332, %bitcast_convert_type3A_412 : vector<16xf32>
        %and3A_414 = arith.constant -65536 : i32
        %and3A_415 = vector.broadcast %and3A_414 : i32 to vector<16xi32>
        %and3A_416 = arith.andi %get3A_379, %and3A_415 : vector<16xi32>
        %bitcast_convert_type3A_417 = tpu.bitcast %and3A_416 : vector<16xi32> -> vector<16xf32>
        %mul3A_418 = arith.mulf %get3A_338, %bitcast_convert_type3A_417 : vector<16xf32>
        %add3A_419 = arith.addf %mul3A_413, %mul3A_418 : vector<16xf32>
        %shift_left3A_420 = arith.constant 16 : i32
        %shift_left3A_421 = vector.broadcast %shift_left3A_420 : i32 to vector<16xi32>
        %shift_left3A_422 = arith.shli %get3A_388, %shift_left3A_421 : vector<16xi32>
        %bitcast_convert_type3A_423 = tpu.bitcast %shift_left3A_422 : vector<16xi32> -> vector<16xf32>
        %mul3A_424 = arith.mulf %get3A_344, %bitcast_convert_type3A_423 : vector<16xf32>
        %add3A_425 = arith.addf %add3A_419, %mul3A_424 : vector<16xf32>
        %and3A_426 = arith.constant -65536 : i32
        %and3A_427 = vector.broadcast %and3A_426 : i32 to vector<16xi32>
        %and3A_428 = arith.andi %get3A_388, %and3A_427 : vector<16xi32>
        %bitcast_convert_type3A_429 = tpu.bitcast %and3A_428 : vector<16xi32> -> vector<16xf32>
        %mul3A_430 = arith.mulf %get3A_350, %bitcast_convert_type3A_429 : vector<16xf32>
        %add3A_431 = arith.addf %add3A_425, %mul3A_430 : vector<16xf32>
        %mul3A_432 = arith.mulf %get3A_320, %add3A_408 : vector<16xf32>
        %add3A_433 = arith.addf %scan3A_315, %mul3A_432 : vector<16xf32>
        %mul3A_434 = arith.mulf %get3A_326, %add3A_431 : vector<16xf32>
        %add3A_435 = arith.addf %add3A_433, %mul3A_434 : vector<16xf32>
        scf.yield %add3A_435 : vector<16xf32>
      }
      %scan3A_237 = arith.constant 5 : i32
      %swap3A_238 = arith.constant 16 : index
      %swap3A_239 = tpu.vector_load %arg14[%swap3A_238] {strides = array<i32>} : memref<128xf32, #tpu.memory_space<vmem>>, vector<16xf32>,
      %swap3A_240 = vector.shape_cast %swap3A_239 : vector<16xf32> to vector<16xf32>
      %swap3A_241 = vector.shape_cast %scan3A_236 : vector<16xf32> to vector<16xf32>
      tpu.vector_store %arg14[%swap3A_238], %swap3A_241 {strides = array<i32>} : memref<128xf32, #tpu.memory_space<vmem>>, vector<16xf32>,
      %broadcast_in_dim3A_242 = arith.constant 0.000000e+00 : f32
      %broadcast_in_dim3A_243 = vector.broadcast %broadcast_in_dim3A_242 : f32 to vector<16xf32>
      %scan3A_244 = arith.constant 0 : i32
      %scan3A_245 = arith.constant 5 : i32
      %scan3A_246 = arith.addi %scan3A_244, %scan3A_245 : i32
      %scan3A_247 = arith.constant 1 : i32
      %scan3A_248 = scf.for %scan3A_314 = %scan3A_244 to %scan3A_246 step %scan3A_247 iter_args(%scan3A_315 = %broadcast_in_dim3A_243) -> (vector<16xf32>)  : i32 {
        %get3A = arith.constant 0 : i32
        %get3A_316 = arith.index_cast %scan3A_314 : i32 to index
        %get3A_317 = arith.index_cast %get3A : i32 to index
        %get3A_318 = arith.constant 32 : index
        %get3A_319 = tpu.vector_load %arg11[%get3A_316, %get3A_317, %get3A_318] {strides = array<i32>} : memref<5x6x128xf32, #tpu.memory_space<vmem>>, vector<1x1x16xf32>,
        %get3A_320 = vector.shape_cast %get3A_319 : vector<1x1x16xf32> to vector<16xf32>
        %get3A_321 = arith.constant 1 : i32
        %get3A_322 = arith.index_cast %scan3A_314 : i32 to index
        %get3A_323 = arith.index_cast %get3A_321 : i32 to index
        %get3A_324 = arith.constant 32 : index
        %get3A_325 = tpu.vector_load %arg11[%get3A_322, %get3A_323, %get3A_324] {strides = array<i32>} : memref<5x6x128xf32, #tpu.memory_space<vmem>>, vector<1x1x16xf32>,
        %get3A_326 = vector.shape_cast %get3A_325 : vector<1x1x16xf32> to vector<16xf32>
        %get3A_327 = arith.constant 2 : i32
        %get3A_328 = arith.index_cast %scan3A_314 : i32 to index
        %get3A_329 = arith.index_cast %get3A_327 : i32 to index
        %get3A_330 = arith.constant 32 : index
        %get3A_331 = tpu.vector_load %arg11[%get3A_328, %get3A_329, %get3A_330] {strides = array<i32>} : memref<5x6x128xf32, #tpu.memory_space<vmem>>, vector<1x1x16xf32>,
        %get3A_332 = vector.shape_cast %get3A_331 : vector<1x1x16xf32> to vector<16xf32>
        %get3A_333 = arith.constant 3 : i32
        %get3A_334 = arith.index_cast %scan3A_314 : i32 to index
        %get3A_335 = arith.index_cast %get3A_333 : i32 to index
        %get3A_336 = arith.constant 32 : index
        %get3A_337 = tpu.vector_load %arg11[%get3A_334, %get3A_335, %get3A_336] {strides = array<i32>} : memref<5x6x128xf32, #tpu.memory_space<vmem>>, vector<1x1x16xf32>,
        %get3A_338 = vector.shape_cast %get3A_337 : vector<1x1x16xf32> to vector<16xf32>
        %get3A_339 = arith.constant 4 : i32
        %get3A_340 = arith.index_cast %scan3A_314 : i32 to index
        %get3A_341 = arith.index_cast %get3A_339 : i32 to index
        %get3A_342 = arith.constant 32 : index
        %get3A_343 = tpu.vector_load %arg11[%get3A_340, %get3A_341, %get3A_342] {strides = array<i32>} : memref<5x6x128xf32, #tpu.memory_space<vmem>>, vector<1x1x16xf32>,
        %get3A_344 = vector.shape_cast %get3A_343 : vector<1x1x16xf32> to vector<16xf32>
        %get3A_345 = arith.constant 5 : i32
        %get3A_346 = arith.index_cast %scan3A_314 : i32 to index
        %get3A_347 = arith.index_cast %get3A_345 : i32 to index
        %get3A_348 = arith.constant 32 : index
        %get3A_349 = tpu.vector_load %arg11[%get3A_346, %get3A_347, %get3A_348] {strides = array<i32>} : memref<5x6x128xf32, #tpu.memory_space<vmem>>, vector<1x1x16xf32>,
        %get3A_350 = vector.shape_cast %get3A_349 : vector<1x1x16xf32> to vector<16xf32>
        %mul3A_351 = arith.constant 4 : i32
        %mul3A_352 = arith.muli %scan3A_314, %mul3A_351 : i32
        %add3A_353 = arith.constant 0 : i32
        %add3A_354 = arith.addi %mul3A_352, %add3A_353 : i32
        %mul3A_355 = arith.constant 128 : i32
        %mul3A_356 = arith.muli %add3A_354, %mul3A_355 : i32
        %add3A_357 = arith.constant 32 : i32
        %add3A_358 = arith.addi %mul3A_356, %add3A_357 : i32
        %get3A_359 = arith.index_cast %add3A_358 : i32 to index
        %get3A_360 = tpu.vector_load %arg13[%get3A_359] {strides = array<i32>} : memref<2560xi32, #tpu.memory_space<vmem>>, vector<16xi32>,
        %get3A_361 = vector.shape_cast %get3A_360 : vector<16xi32> to vector<16xi32>
        %add3A_362 = arith.constant 1 : i32
        %add3A_363 = arith.addi %mul3A_352, %add3A_362 : i32
        %mul3A_364 = arith.constant 128 : i32
        %mul3A_365 = arith.muli %add3A_363, %mul3A_364 : i32
        %add3A_366 = arith.constant 32 : i32
        %add3A_367 = arith.addi %mul3A_365, %add3A_366 : i32
        %get3A_368 = arith.index_cast %add3A_367 : i32 to index
        %get3A_369 = tpu.vector_load %arg13[%get3A_368] {strides = array<i32>} : memref<2560xi32, #tpu.memory_space<vmem>>, vector<16xi32>,
        %get3A_370 = vector.shape_cast %get3A_369 : vector<16xi32> to vector<16xi32>
        %add3A_371 = arith.constant 2 : i32
        %add3A_372 = arith.addi %mul3A_352, %add3A_371 : i32
        %mul3A_373 = arith.constant 128 : i32
        %mul3A_374 = arith.muli %add3A_372, %mul3A_373 : i32
        %add3A_375 = arith.constant 32 : i32
        %add3A_376 = arith.addi %mul3A_374, %add3A_375 : i32
        %get3A_377 = arith.index_cast %add3A_376 : i32 to index
        %get3A_378 = tpu.vector_load %arg13[%get3A_377] {strides = array<i32>} : memref<2560xi32, #tpu.memory_space<vmem>>, vector<16xi32>,
        %get3A_379 = vector.shape_cast %get3A_378 : vector<16xi32> to vector<16xi32>
        %add3A_380 = arith.constant 3 : i32
        %add3A_381 = arith.addi %mul3A_352, %add3A_380 : i32
        %mul3A_382 = arith.constant 128 : i32
        %mul3A_383 = arith.muli %add3A_381, %mul3A_382 : i32
        %add3A_384 = arith.constant 32 : i32
        %add3A_385 = arith.addi %mul3A_383, %add3A_384 : i32
        %get3A_386 = arith.index_cast %add3A_385 : i32 to index
        %get3A_387 = tpu.vector_load %arg13[%get3A_386] {strides = array<i32>} : memref<2560xi32, #tpu.memory_space<vmem>>, vector<16xi32>,
        %get3A_388 = vector.shape_cast %get3A_387 : vector<16xi32> to vector<16xi32>
        %shift_left3A = arith.constant 16 : i32
        %shift_left3A_389 = vector.broadcast %shift_left3A : i32 to vector<16xi32>
        %shift_left3A_390 = arith.shli %get3A_361, %shift_left3A_389 : vector<16xi32>
        %bitcast_convert_type3A = tpu.bitcast %shift_left3A_390 : vector<16xi32> -> vector<16xf32>
        %mul3A_391 = arith.mulf %get3A_332, %bitcast_convert_type3A : vector<16xf32>
        %and3A = arith.constant -65536 : i32
        %and3A_392 = vector.broadcast %and3A : i32 to vector<16xi32>
        %and3A_393 = arith.andi %get3A_361, %and3A_392 : vector<16xi32>
        %bitcast_convert_type3A_394 = tpu.bitcast %and3A_393 : vector<16xi32> -> vector<16xf32>
        %mul3A_395 = arith.mulf %get3A_338, %bitcast_convert_type3A_394 : vector<16xf32>
        %add3A_396 = arith.addf %mul3A_391, %mul3A_395 : vector<16xf32>
        %shift_left3A_397 = arith.constant 16 : i32
        %shift_left3A_398 = vector.broadcast %shift_left3A_397 : i32 to vector<16xi32>
        %shift_left3A_399 = arith.shli %get3A_370, %shift_left3A_398 : vector<16xi32>
        %bitcast_convert_type3A_400 = tpu.bitcast %shift_left3A_399 : vector<16xi32> -> vector<16xf32>
        %mul3A_401 = arith.mulf %get3A_344, %bitcast_convert_type3A_400 : vector<16xf32>
        %add3A_402 = arith.addf %add3A_396, %mul3A_401 : vector<16xf32>
        %and3A_403 = arith.constant -65536 : i32
        %and3A_404 = vector.broadcast %and3A_403 : i32 to vector<16xi32>
        %and3A_405 = arith.andi %get3A_370, %and3A_404 : vector<16xi32>
        %bitcast_convert_type3A_406 = tpu.bitcast %and3A_405 : vector<16xi32> -> vector<16xf32>
        %mul3A_407 = arith.mulf %get3A_350, %bitcast_convert_type3A_406 : vector<16xf32>
        %add3A_408 = arith.addf %add3A_402, %mul3A_407 : vector<16xf32>
        %shift_left3A_409 = arith.constant 16 : i32
        %shift_left3A_410 = vector.broadcast %shift_left3A_409 : i32 to vector<16xi32>
        %shift_left3A_411 = arith.shli %get3A_379, %shift_left3A_410 : vector<16xi32>
        %bitcast_convert_type3A_412 = tpu.bitcast %shift_left3A_411 : vector<16xi32> -> vector<16xf32>
        %mul3A_413 = arith.mulf %get3A_332, %bitcast_convert_type3A_412 : vector<16xf32>
        %and3A_414 = arith.constant -65536 : i32
        %and3A_415 = vector.broadcast %and3A_414 : i32 to vector<16xi32>
        %and3A_416 = arith.andi %get3A_379, %and3A_415 : vector<16xi32>
        %bitcast_convert_type3A_417 = tpu.bitcast %and3A_416 : vector<16xi32> -> vector<16xf32>
        %mul3A_418 = arith.mulf %get3A_338, %bitcast_convert_type3A_417 : vector<16xf32>
        %add3A_419 = arith.addf %mul3A_413, %mul3A_418 : vector<16xf32>
        %shift_left3A_420 = arith.constant 16 : i32
        %shift_left3A_421 = vector.broadcast %shift_left3A_420 : i32 to vector<16xi32>
        %shift_left3A_422 = arith.shli %get3A_388, %shift_left3A_421 : vector<16xi32>
        %bitcast_convert_type3A_423 = tpu.bitcast %shift_left3A_422 : vector<16xi32> -> vector<16xf32>
        %mul3A_424 = arith.mulf %get3A_344, %bitcast_convert_type3A_423 : vector<16xf32>
        %add3A_425 = arith.addf %add3A_419, %mul3A_424 : vector<16xf32>
        %and3A_426 = arith.constant -65536 : i32
        %and3A_427 = vector.broadcast %and3A_426 : i32 to vector<16xi32>
        %and3A_428 = arith.andi %get3A_388, %and3A_427 : vector<16xi32>
        %bitcast_convert_type3A_429 = tpu.bitcast %and3A_428 : vector<16xi32> -> vector<16xf32>
        %mul3A_430 = arith.mulf %get3A_350, %bitcast_convert_type3A_429 : vector<16xf32>
        %add3A_431 = arith.addf %add3A_425, %mul3A_430 : vector<16xf32>
        %mul3A_432 = arith.mulf %get3A_320, %add3A_408 : vector<16xf32>
        %add3A_433 = arith.addf %scan3A_315, %mul3A_432 : vector<16xf32>
        %mul3A_434 = arith.mulf %get3A_326, %add3A_431 : vector<16xf32>
        %add3A_435 = arith.addf %add3A_433, %mul3A_434 : vector<16xf32>
        scf.yield %add3A_435 : vector<16xf32>
      }
      %scan3A_249 = arith.constant 5 : i32
      %swap3A_250 = arith.constant 32 : index
      %swap3A_251 = tpu.vector_load %arg14[%swap3A_250] {strides = array<i32>} : memref<128xf32, #tpu.memory_space<vmem>>, vector<16xf32>,
      %swap3A_252 = vector.shape_cast %swap3A_251 : vector<16xf32> to vector<16xf32>
      %swap3A_253 = vector.shape_cast %scan3A_248 : vector<16xf32> to vector<16xf32>
      tpu.vector_store %arg14[%swap3A_250], %swap3A_253 {strides = array<i32>} : memref<128xf32, #tpu.memory_space<vmem>>, vector<16xf32>,
      %broadcast_in_dim3A_254 = arith.constant 0.000000e+00 : f32
      %broadcast_in_dim3A_255 = vector.broadcast %broadcast_in_dim3A_254 : f32 to vector<16xf32>
      %scan3A_256 = arith.constant 0 : i32
      %scan3A_257 = arith.constant 5 : i32
      %scan3A_258 = arith.addi %scan3A_256, %scan3A_257 : i32
      %scan3A_259 = arith.constant 1 : i32
      %scan3A_260 = scf.for %scan3A_314 = %scan3A_256 to %scan3A_258 step %scan3A_259 iter_args(%scan3A_315 = %broadcast_in_dim3A_255) -> (vector<16xf32>)  : i32 {
        %get3A = arith.constant 0 : i32
        %get3A_316 = arith.index_cast %scan3A_314 : i32 to index
        %get3A_317 = arith.index_cast %get3A : i32 to index
        %get3A_318 = arith.constant 48 : index
        %get3A_319 = tpu.vector_load %arg11[%get3A_316, %get3A_317, %get3A_318] {strides = array<i32>} : memref<5x6x128xf32, #tpu.memory_space<vmem>>, vector<1x1x16xf32>,
        %get3A_320 = vector.shape_cast %get3A_319 : vector<1x1x16xf32> to vector<16xf32>
        %get3A_321 = arith.constant 1 : i32
        %get3A_322 = arith.index_cast %scan3A_314 : i32 to index
        %get3A_323 = arith.index_cast %get3A_321 : i32 to index
        %get3A_324 = arith.constant 48 : index
        %get3A_325 = tpu.vector_load %arg11[%get3A_322, %get3A_323, %get3A_324] {strides = array<i32>} : memref<5x6x128xf32, #tpu.memory_space<vmem>>, vector<1x1x16xf32>,
        %get3A_326 = vector.shape_cast %get3A_325 : vector<1x1x16xf32> to vector<16xf32>
        %get3A_327 = arith.constant 2 : i32
        %get3A_328 = arith.index_cast %scan3A_314 : i32 to index
        %get3A_329 = arith.index_cast %get3A_327 : i32 to index
        %get3A_330 = arith.constant 48 : index
        %get3A_331 = tpu.vector_load %arg11[%get3A_328, %get3A_329, %get3A_330] {strides = array<i32>} : memref<5x6x128xf32, #tpu.memory_space<vmem>>, vector<1x1x16xf32>,
        %get3A_332 = vector.shape_cast %get3A_331 : vector<1x1x16xf32> to vector<16xf32>
        %get3A_333 = arith.constant 3 : i32
        %get3A_334 = arith.index_cast %scan3A_314 : i32 to index
        %get3A_335 = arith.index_cast %get3A_333 : i32 to index
        %get3A_336 = arith.constant 48 : index
        %get3A_337 = tpu.vector_load %arg11[%get3A_334, %get3A_335, %get3A_336] {strides = array<i32>} : memref<5x6x128xf32, #tpu.memory_space<vmem>>, vector<1x1x16xf32>,
        %get3A_338 = vector.shape_cast %get3A_337 : vector<1x1x16xf32> to vector<16xf32>
        %get3A_339 = arith.constant 4 : i32
        %get3A_340 = arith.index_cast %scan3A_314 : i32 to index
        %get3A_341 = arith.index_cast %get3A_339 : i32 to index
        %get3A_342 = arith.constant 48 : index
        %get3A_343 = tpu.vector_load %arg11[%get3A_340, %get3A_341, %get3A_342] {strides = array<i32>} : memref<5x6x128xf32, #tpu.memory_space<vmem>>, vector<1x1x16xf32>,
        %get3A_344 = vector.shape_cast %get3A_343 : vector<1x1x16xf32> to vector<16xf32>
        %get3A_345 = arith.constant 5 : i32
        %get3A_346 = arith.index_cast %scan3A_314 : i32 to index
        %get3A_347 = arith.index_cast %get3A_345 : i32 to index
        %get3A_348 = arith.constant 48 : index
        %get3A_349 = tpu.vector_load %arg11[%get3A_346, %get3A_347, %get3A_348] {strides = array<i32>} : memref<5x6x128xf32, #tpu.memory_space<vmem>>, vector<1x1x16xf32>,
        %get3A_350 = vector.shape_cast %get3A_349 : vector<1x1x16xf32> to vector<16xf32>
        %mul3A_351 = arith.constant 4 : i32
        %mul3A_352 = arith.muli %scan3A_314, %mul3A_351 : i32
        %add3A_353 = arith.constant 0 : i32
        %add3A_354 = arith.addi %mul3A_352, %add3A_353 : i32
        %mul3A_355 = arith.constant 128 : i32
        %mul3A_356 = arith.muli %add3A_354, %mul3A_355 : i32
        %add3A_357 = arith.constant 48 : i32
        %add3A_358 = arith.addi %mul3A_356, %add3A_357 : i32
        %get3A_359 = arith.index_cast %add3A_358 : i32 to index
        %get3A_360 = tpu.vector_load %arg13[%get3A_359] {strides = array<i32>} : memref<2560xi32, #tpu.memory_space<vmem>>, vector<16xi32>,
        %get3A_361 = vector.shape_cast %get3A_360 : vector<16xi32> to vector<16xi32>
        %add3A_362 = arith.constant 1 : i32
        %add3A_363 = arith.addi %mul3A_352, %add3A_362 : i32
        %mul3A_364 = arith.constant 128 : i32
        %mul3A_365 = arith.muli %add3A_363, %mul3A_364 : i32
        %add3A_366 = arith.constant 48 : i32
        %add3A_367 = arith.addi %mul3A_365, %add3A_366 : i32
        %get3A_368 = arith.index_cast %add3A_367 : i32 to index
        %get3A_369 = tpu.vector_load %arg13[%get3A_368] {strides = array<i32>} : memref<2560xi32, #tpu.memory_space<vmem>>, vector<16xi32>,
        %get3A_370 = vector.shape_cast %get3A_369 : vector<16xi32> to vector<16xi32>
        %add3A_371 = arith.constant 2 : i32
        %add3A_372 = arith.addi %mul3A_352, %add3A_371 : i32
        %mul3A_373 = arith.constant 128 : i32
        %mul3A_374 = arith.muli %add3A_372, %mul3A_373 : i32
        %add3A_375 = arith.constant 48 : i32
        %add3A_376 = arith.addi %mul3A_374, %add3A_375 : i32
        %get3A_377 = arith.index_cast %add3A_376 : i32 to index
        %get3A_378 = tpu.vector_load %arg13[%get3A_377] {strides = array<i32>} : memref<2560xi32, #tpu.memory_space<vmem>>, vector<16xi32>,
        %get3A_379 = vector.shape_cast %get3A_378 : vector<16xi32> to vector<16xi32>
        %add3A_380 = arith.constant 3 : i32
        %add3A_381 = arith.addi %mul3A_352, %add3A_380 : i32
        %mul3A_382 = arith.constant 128 : i32
        %mul3A_383 = arith.muli %add3A_381, %mul3A_382 : i32
        %add3A_384 = arith.constant 48 : i32
        %add3A_385 = arith.addi %mul3A_383, %add3A_384 : i32
        %get3A_386 = arith.index_cast %add3A_385 : i32 to index
        %get3A_387 = tpu.vector_load %arg13[%get3A_386] {strides = array<i32>} : memref<2560xi32, #tpu.memory_space<vmem>>, vector<16xi32>,
        %get3A_388 = vector.shape_cast %get3A_387 : vector<16xi32> to vector<16xi32>
        %shift_left3A = arith.constant 16 : i32
        %shift_left3A_389 = vector.broadcast %shift_left3A : i32 to vector<16xi32>
        %shift_left3A_390 = arith.shli %get3A_361, %shift_left3A_389 : vector<16xi32>
        %bitcast_convert_type3A = tpu.bitcast %shift_left3A_390 : vector<16xi32> -> vector<16xf32>
        %mul3A_391 = arith.mulf %get3A_332, %bitcast_convert_type3A : vector<16xf32>
        %and3A = arith.constant -65536 : i32
        %and3A_392 = vector.broadcast %and3A : i32 to vector<16xi32>
        %and3A_393 = arith.andi %get3A_361, %and3A_392 : vector<16xi32>
        %bitcast_convert_type3A_394 = tpu.bitcast %and3A_393 : vector<16xi32> -> vector<16xf32>
        %mul3A_395 = arith.mulf %get3A_338, %bitcast_convert_type3A_394 : vector<16xf32>
        %add3A_396 = arith.addf %mul3A_391, %mul3A_395 : vector<16xf32>
        %shift_left3A_397 = arith.constant 16 : i32
        %shift_left3A_398 = vector.broadcast %shift_left3A_397 : i32 to vector<16xi32>
        %shift_left3A_399 = arith.shli %get3A_370, %shift_left3A_398 : vector<16xi32>
        %bitcast_convert_type3A_400 = tpu.bitcast %shift_left3A_399 : vector<16xi32> -> vector<16xf32>
        %mul3A_401 = arith.mulf %get3A_344, %bitcast_convert_type3A_400 : vector<16xf32>
        %add3A_402 = arith.addf %add3A_396, %mul3A_401 : vector<16xf32>
        %and3A_403 = arith.constant -65536 : i32
        %and3A_404 = vector.broadcast %and3A_403 : i32 to vector<16xi32>
        %and3A_405 = arith.andi %get3A_370, %and3A_404 : vector<16xi32>
        %bitcast_convert_type3A_406 = tpu.bitcast %and3A_405 : vector<16xi32> -> vector<16xf32>
        %mul3A_407 = arith.mulf %get3A_350, %bitcast_convert_type3A_406 : vector<16xf32>
        %add3A_408 = arith.addf %add3A_402, %mul3A_407 : vector<16xf32>
        %shift_left3A_409 = arith.constant 16 : i32
        %shift_left3A_410 = vector.broadcast %shift_left3A_409 : i32 to vector<16xi32>
        %shift_left3A_411 = arith.shli %get3A_379, %shift_left3A_410 : vector<16xi32>
        %bitcast_convert_type3A_412 = tpu.bitcast %shift_left3A_411 : vector<16xi32> -> vector<16xf32>
        %mul3A_413 = arith.mulf %get3A_332, %bitcast_convert_type3A_412 : vector<16xf32>
        %and3A_414 = arith.constant -65536 : i32
        %and3A_415 = vector.broadcast %and3A_414 : i32 to vector<16xi32>
        %and3A_416 = arith.andi %get3A_379, %and3A_415 : vector<16xi32>
        %bitcast_convert_type3A_417 = tpu.bitcast %and3A_416 : vector<16xi32> -> vector<16xf32>
        %mul3A_418 = arith.mulf %get3A_338, %bitcast_convert_type3A_417 : vector<16xf32>
        %add3A_419 = arith.addf %mul3A_413, %mul3A_418 : vector<16xf32>
        %shift_left3A_420 = arith.constant 16 : i32
        %shift_left3A_421 = vector.broadcast %shift_left3A_420 : i32 to vector<16xi32>
        %shift_left3A_422 = arith.shli %get3A_388, %shift_left3A_421 : vector<16xi32>
        %bitcast_convert_type3A_423 = tpu.bitcast %shift_left3A_422 : vector<16xi32> -> vector<16xf32>
        %mul3A_424 = arith.mulf %get3A_344, %bitcast_convert_type3A_423 : vector<16xf32>
        %add3A_425 = arith.addf %add3A_419, %mul3A_424 : vector<16xf32>
        %and3A_426 = arith.constant -65536 : i32
        %and3A_427 = vector.broadcast %and3A_426 : i32 to vector<16xi32>
        %and3A_428 = arith.andi %get3A_388, %and3A_427 : vector<16xi32>
        %bitcast_convert_type3A_429 = tpu.bitcast %and3A_428 : vector<16xi32> -> vector<16xf32>
        %mul3A_430 = arith.mulf %get3A_350, %bitcast_convert_type3A_429 : vector<16xf32>
        %add3A_431 = arith.addf %add3A_425, %mul3A_430 : vector<16xf32>
        %mul3A_432 = arith.mulf %get3A_320, %add3A_408 : vector<16xf32>
        %add3A_433 = arith.addf %scan3A_315, %mul3A_432 : vector<16xf32>
        %mul3A_434 = arith.mulf %get3A_326, %add3A_431 : vector<16xf32>
        %add3A_435 = arith.addf %add3A_433, %mul3A_434 : vector<16xf32>
        scf.yield %add3A_435 : vector<16xf32>
      }
      %scan3A_261 = arith.constant 5 : i32
      %swap3A_262 = arith.constant 48 : index
      %swap3A_263 = tpu.vector_load %arg14[%swap3A_262] {strides = array<i32>} : memref<128xf32, #tpu.memory_space<vmem>>, vector<16xf32>,
      %swap3A_264 = vector.shape_cast %swap3A_263 : vector<16xf32> to vector<16xf32>
      %swap3A_265 = vector.shape_cast %scan3A_260 : vector<16xf32> to vector<16xf32>
      tpu.vector_store %arg14[%swap3A_262], %swap3A_265 {strides = array<i32>} : memref<128xf32, #tpu.memory_space<vmem>>, vector<16xf32>,
      %broadcast_in_dim3A_266 = arith.constant 0.000000e+00 : f32
      %broadcast_in_dim3A_267 = vector.broadcast %broadcast_in_dim3A_266 : f32 to vector<16xf32>
      %scan3A_268 = arith.constant 0 : i32
      %scan3A_269 = arith.constant 5 : i32
      %scan3A_270 = arith.addi %scan3A_268, %scan3A_269 : i32
      %scan3A_271 = arith.constant 1 : i32
      %scan3A_272 = scf.for %scan3A_314 = %scan3A_268 to %scan3A_270 step %scan3A_271 iter_args(%scan3A_315 = %broadcast_in_dim3A_267) -> (vector<16xf32>)  : i32 {
        %get3A = arith.constant 0 : i32
        %get3A_316 = arith.index_cast %scan3A_314 : i32 to index
        %get3A_317 = arith.index_cast %get3A : i32 to index
        %get3A_318 = arith.constant 64 : index
        %get3A_319 = tpu.vector_load %arg11[%get3A_316, %get3A_317, %get3A_318] {strides = array<i32>} : memref<5x6x128xf32, #tpu.memory_space<vmem>>, vector<1x1x16xf32>,
        %get3A_320 = vector.shape_cast %get3A_319 : vector<1x1x16xf32> to vector<16xf32>
        %get3A_321 = arith.constant 1 : i32
        %get3A_322 = arith.index_cast %scan3A_314 : i32 to index
        %get3A_323 = arith.index_cast %get3A_321 : i32 to index
        %get3A_324 = arith.constant 64 : index
        %get3A_325 = tpu.vector_load %arg11[%get3A_322, %get3A_323, %get3A_324] {strides = array<i32>} : memref<5x6x128xf32, #tpu.memory_space<vmem>>, vector<1x1x16xf32>,
        %get3A_326 = vector.shape_cast %get3A_325 : vector<1x1x16xf32> to vector<16xf32>
        %get3A_327 = arith.constant 2 : i32
        %get3A_328 = arith.index_cast %scan3A_314 : i32 to index
        %get3A_329 = arith.index_cast %get3A_327 : i32 to index
        %get3A_330 = arith.constant 64 : index
        %get3A_331 = tpu.vector_load %arg11[%get3A_328, %get3A_329, %get3A_330] {strides = array<i32>} : memref<5x6x128xf32, #tpu.memory_space<vmem>>, vector<1x1x16xf32>,
        %get3A_332 = vector.shape_cast %get3A_331 : vector<1x1x16xf32> to vector<16xf32>
        %get3A_333 = arith.constant 3 : i32
        %get3A_334 = arith.index_cast %scan3A_314 : i32 to index
        %get3A_335 = arith.index_cast %get3A_333 : i32 to index
        %get3A_336 = arith.constant 64 : index
        %get3A_337 = tpu.vector_load %arg11[%get3A_334, %get3A_335, %get3A_336] {strides = array<i32>} : memref<5x6x128xf32, #tpu.memory_space<vmem>>, vector<1x1x16xf32>,
        %get3A_338 = vector.shape_cast %get3A_337 : vector<1x1x16xf32> to vector<16xf32>
        %get3A_339 = arith.constant 4 : i32
        %get3A_340 = arith.index_cast %scan3A_314 : i32 to index
        %get3A_341 = arith.index_cast %get3A_339 : i32 to index
        %get3A_342 = arith.constant 64 : index
        %get3A_343 = tpu.vector_load %arg11[%get3A_340, %get3A_341, %get3A_342] {strides = array<i32>} : memref<5x6x128xf32, #tpu.memory_space<vmem>>, vector<1x1x16xf32>,
        %get3A_344 = vector.shape_cast %get3A_343 : vector<1x1x16xf32> to vector<16xf32>
        %get3A_345 = arith.constant 5 : i32
        %get3A_346 = arith.index_cast %scan3A_314 : i32 to index
        %get3A_347 = arith.index_cast %get3A_345 : i32 to index
        %get3A_348 = arith.constant 64 : index
        %get3A_349 = tpu.vector_load %arg11[%get3A_346, %get3A_347, %get3A_348] {strides = array<i32>} : memref<5x6x128xf32, #tpu.memory_space<vmem>>, vector<1x1x16xf32>,
        %get3A_350 = vector.shape_cast %get3A_349 : vector<1x1x16xf32> to vector<16xf32>
        %mul3A_351 = arith.constant 4 : i32
        %mul3A_352 = arith.muli %scan3A_314, %mul3A_351 : i32
        %add3A_353 = arith.constant 0 : i32
        %add3A_354 = arith.addi %mul3A_352, %add3A_353 : i32
        %mul3A_355 = arith.constant 128 : i32
        %mul3A_356 = arith.muli %add3A_354, %mul3A_355 : i32
        %add3A_357 = arith.constant 64 : i32
        %add3A_358 = arith.addi %mul3A_356, %add3A_357 : i32
        %get3A_359 = arith.index_cast %add3A_358 : i32 to index
        %get3A_360 = tpu.vector_load %arg13[%get3A_359] {strides = array<i32>} : memref<2560xi32, #tpu.memory_space<vmem>>, vector<16xi32>,
        %get3A_361 = vector.shape_cast %get3A_360 : vector<16xi32> to vector<16xi32>
        %add3A_362 = arith.constant 1 : i32
        %add3A_363 = arith.addi %mul3A_352, %add3A_362 : i32
        %mul3A_364 = arith.constant 128 : i32
        %mul3A_365 = arith.muli %add3A_363, %mul3A_364 : i32
        %add3A_366 = arith.constant 64 : i32
        %add3A_367 = arith.addi %mul3A_365, %add3A_366 : i32
        %get3A_368 = arith.index_cast %add3A_367 : i32 to index
        %get3A_369 = tpu.vector_load %arg13[%get3A_368] {strides = array<i32>} : memref<2560xi32, #tpu.memory_space<vmem>>, vector<16xi32>,
        %get3A_370 = vector.shape_cast %get3A_369 : vector<16xi32> to vector<16xi32>
        %add3A_371 = arith.constant 2 : i32
        %add3A_372 = arith.addi %mul3A_352, %add3A_371 : i32
        %mul3A_373 = arith.constant 128 : i32
        %mul3A_374 = arith.muli %add3A_372, %mul3A_373 : i32
        %add3A_375 = arith.constant 64 : i32
        %add3A_376 = arith.addi %mul3A_374, %add3A_375 : i32
        %get3A_377 = arith.index_cast %add3A_376 : i32 to index
        %get3A_378 = tpu.vector_load %arg13[%get3A_377] {strides = array<i32>} : memref<2560xi32, #tpu.memory_space<vmem>>, vector<16xi32>,
        %get3A_379 = vector.shape_cast %get3A_378 : vector<16xi32> to vector<16xi32>
        %add3A_380 = arith.constant 3 : i32
        %add3A_381 = arith.addi %mul3A_352, %add3A_380 : i32
        %mul3A_382 = arith.constant 128 : i32
        %mul3A_383 = arith.muli %add3A_381, %mul3A_382 : i32
        %add3A_384 = arith.constant 64 : i32
        %add3A_385 = arith.addi %mul3A_383, %add3A_384 : i32
        %get3A_386 = arith.index_cast %add3A_385 : i32 to index
        %get3A_387 = tpu.vector_load %arg13[%get3A_386] {strides = array<i32>} : memref<2560xi32, #tpu.memory_space<vmem>>, vector<16xi32>,
        %get3A_388 = vector.shape_cast %get3A_387 : vector<16xi32> to vector<16xi32>
        %shift_left3A = arith.constant 16 : i32
        %shift_left3A_389 = vector.broadcast %shift_left3A : i32 to vector<16xi32>
        %shift_left3A_390 = arith.shli %get3A_361, %shift_left3A_389 : vector<16xi32>
        %bitcast_convert_type3A = tpu.bitcast %shift_left3A_390 : vector<16xi32> -> vector<16xf32>
        %mul3A_391 = arith.mulf %get3A_332, %bitcast_convert_type3A : vector<16xf32>
        %and3A = arith.constant -65536 : i32
        %and3A_392 = vector.broadcast %and3A : i32 to vector<16xi32>
        %and3A_393 = arith.andi %get3A_361, %and3A_392 : vector<16xi32>
        %bitcast_convert_type3A_394 = tpu.bitcast %and3A_393 : vector<16xi32> -> vector<16xf32>
        %mul3A_395 = arith.mulf %get3A_338, %bitcast_convert_type3A_394 : vector<16xf32>
        %add3A_396 = arith.addf %mul3A_391, %mul3A_395 : vector<16xf32>
        %shift_left3A_397 = arith.constant 16 : i32
        %shift_left3A_398 = vector.broadcast %shift_left3A_397 : i32 to vector<16xi32>
        %shift_left3A_399 = arith.shli %get3A_370, %shift_left3A_398 : vector<16xi32>
        %bitcast_convert_type3A_400 = tpu.bitcast %shift_left3A_399 : vector<16xi32> -> vector<16xf32>
        %mul3A_401 = arith.mulf %get3A_344, %bitcast_convert_type3A_400 : vector<16xf32>
        %add3A_402 = arith.addf %add3A_396, %mul3A_401 : vector<16xf32>
        %and3A_403 = arith.constant -65536 : i32
        %and3A_404 = vector.broadcast %and3A_403 : i32 to vector<16xi32>
        %and3A_405 = arith.andi %get3A_370, %and3A_404 : vector<16xi32>
        %bitcast_convert_type3A_406 = tpu.bitcast %and3A_405 : vector<16xi32> -> vector<16xf32>
        %mul3A_407 = arith.mulf %get3A_350, %bitcast_convert_type3A_406 : vector<16xf32>
        %add3A_408 = arith.addf %add3A_402, %mul3A_407 : vector<16xf32>
        %shift_left3A_409 = arith.constant 16 : i32
        %shift_left3A_410 = vector.broadcast %shift_left3A_409 : i32 to vector<16xi32>
        %shift_left3A_411 = arith.shli %get3A_379, %shift_left3A_410 : vector<16xi32>
        %bitcast_convert_type3A_412 = tpu.bitcast %shift_left3A_411 : vector<16xi32> -> vector<16xf32>
        %mul3A_413 = arith.mulf %get3A_332, %bitcast_convert_type3A_412 : vector<16xf32>
        %and3A_414 = arith.constant -65536 : i32
        %and3A_415 = vector.broadcast %and3A_414 : i32 to vector<16xi32>
        %and3A_416 = arith.andi %get3A_379, %and3A_415 : vector<16xi32>
        %bitcast_convert_type3A_417 = tpu.bitcast %and3A_416 : vector<16xi32> -> vector<16xf32>
        %mul3A_418 = arith.mulf %get3A_338, %bitcast_convert_type3A_417 : vector<16xf32>
        %add3A_419 = arith.addf %mul3A_413, %mul3A_418 : vector<16xf32>
        %shift_left3A_420 = arith.constant 16 : i32
        %shift_left3A_421 = vector.broadcast %shift_left3A_420 : i32 to vector<16xi32>
        %shift_left3A_422 = arith.shli %get3A_388, %shift_left3A_421 : vector<16xi32>
        %bitcast_convert_type3A_423 = tpu.bitcast %shift_left3A_422 : vector<16xi32> -> vector<16xf32>
        %mul3A_424 = arith.mulf %get3A_344, %bitcast_convert_type3A_423 : vector<16xf32>
        %add3A_425 = arith.addf %add3A_419, %mul3A_424 : vector<16xf32>
        %and3A_426 = arith.constant -65536 : i32
        %and3A_427 = vector.broadcast %and3A_426 : i32 to vector<16xi32>
        %and3A_428 = arith.andi %get3A_388, %and3A_427 : vector<16xi32>
        %bitcast_convert_type3A_429 = tpu.bitcast %and3A_428 : vector<16xi32> -> vector<16xf32>
        %mul3A_430 = arith.mulf %get3A_350, %bitcast_convert_type3A_429 : vector<16xf32>
        %add3A_431 = arith.addf %add3A_425, %mul3A_430 : vector<16xf32>
        %mul3A_432 = arith.mulf %get3A_320, %add3A_408 : vector<16xf32>
        %add3A_433 = arith.addf %scan3A_315, %mul3A_432 : vector<16xf32>
        %mul3A_434 = arith.mulf %get3A_326, %add3A_431 : vector<16xf32>
        %add3A_435 = arith.addf %add3A_433, %mul3A_434 : vector<16xf32>
        scf.yield %add3A_435 : vector<16xf32>
      }
      %scan3A_273 = arith.constant 5 : i32
      %swap3A_274 = arith.constant 64 : index
      %swap3A_275 = tpu.vector_load %arg14[%swap3A_274] {strides = array<i32>} : memref<128xf32, #tpu.memory_space<vmem>>, vector<16xf32>,
      %swap3A_276 = vector.shape_cast %swap3A_275 : vector<16xf32> to vector<16xf32>
      %swap3A_277 = vector.shape_cast %scan3A_272 : vector<16xf32> to vector<16xf32>
      tpu.vector_store %arg14[%swap3A_274], %swap3A_277 {strides = array<i32>} : memref<128xf32, #tpu.memory_space<vmem>>, vector<16xf32>,
      %broadcast_in_dim3A_278 = arith.constant 0.000000e+00 : f32
      %broadcast_in_dim3A_279 = vector.broadcast %broadcast_in_dim3A_278 : f32 to vector<16xf32>
      %scan3A_280 = arith.constant 0 : i32
      %scan3A_281 = arith.constant 5 : i32
      %scan3A_282 = arith.addi %scan3A_280, %scan3A_281 : i32
      %scan3A_283 = arith.constant 1 : i32
      %scan3A_284 = scf.for %scan3A_314 = %scan3A_280 to %scan3A_282 step %scan3A_283 iter_args(%scan3A_315 = %broadcast_in_dim3A_279) -> (vector<16xf32>)  : i32 {
        %get3A = arith.constant 0 : i32
        %get3A_316 = arith.index_cast %scan3A_314 : i32 to index
        %get3A_317 = arith.index_cast %get3A : i32 to index
        %get3A_318 = arith.constant 80 : index
        %get3A_319 = tpu.vector_load %arg11[%get3A_316, %get3A_317, %get3A_318] {strides = array<i32>} : memref<5x6x128xf32, #tpu.memory_space<vmem>>, vector<1x1x16xf32>,
        %get3A_320 = vector.shape_cast %get3A_319 : vector<1x1x16xf32> to vector<16xf32>
        %get3A_321 = arith.constant 1 : i32
        %get3A_322 = arith.index_cast %scan3A_314 : i32 to index
        %get3A_323 = arith.index_cast %get3A_321 : i32 to index
        %get3A_324 = arith.constant 80 : index
        %get3A_325 = tpu.vector_load %arg11[%get3A_322, %get3A_323, %get3A_324] {strides = array<i32>} : memref<5x6x128xf32, #tpu.memory_space<vmem>>, vector<1x1x16xf32>,
        %get3A_326 = vector.shape_cast %get3A_325 : vector<1x1x16xf32> to vector<16xf32>
        %get3A_327 = arith.constant 2 : i32
        %get3A_328 = arith.index_cast %scan3A_314 : i32 to index
        %get3A_329 = arith.index_cast %get3A_327 : i32 to index
        %get3A_330 = arith.constant 80 : index
        %get3A_331 = tpu.vector_load %arg11[%get3A_328, %get3A_329, %get3A_330] {strides = array<i32>} : memref<5x6x128xf32, #tpu.memory_space<vmem>>, vector<1x1x16xf32>,
        %get3A_332 = vector.shape_cast %get3A_331 : vector<1x1x16xf32> to vector<16xf32>
        %get3A_333 = arith.constant 3 : i32
        %get3A_334 = arith.index_cast %scan3A_314 : i32 to index
        %get3A_335 = arith.index_cast %get3A_333 : i32 to index
        %get3A_336 = arith.constant 80 : index
        %get3A_337 = tpu.vector_load %arg11[%get3A_334, %get3A_335, %get3A_336] {strides = array<i32>} : memref<5x6x128xf32, #tpu.memory_space<vmem>>, vector<1x1x16xf32>,
        %get3A_338 = vector.shape_cast %get3A_337 : vector<1x1x16xf32> to vector<16xf32>
        %get3A_339 = arith.constant 4 : i32
        %get3A_340 = arith.index_cast %scan3A_314 : i32 to index
        %get3A_341 = arith.index_cast %get3A_339 : i32 to index
        %get3A_342 = arith.constant 80 : index
        %get3A_343 = tpu.vector_load %arg11[%get3A_340, %get3A_341, %get3A_342] {strides = array<i32>} : memref<5x6x128xf32, #tpu.memory_space<vmem>>, vector<1x1x16xf32>,
        %get3A_344 = vector.shape_cast %get3A_343 : vector<1x1x16xf32> to vector<16xf32>
        %get3A_345 = arith.constant 5 : i32
        %get3A_346 = arith.index_cast %scan3A_314 : i32 to index
        %get3A_347 = arith.index_cast %get3A_345 : i32 to index
        %get3A_348 = arith.constant 80 : index
        %get3A_349 = tpu.vector_load %arg11[%get3A_346, %get3A_347, %get3A_348] {strides = array<i32>} : memref<5x6x128xf32, #tpu.memory_space<vmem>>, vector<1x1x16xf32>,
        %get3A_350 = vector.shape_cast %get3A_349 : vector<1x1x16xf32> to vector<16xf32>
        %mul3A_351 = arith.constant 4 : i32
        %mul3A_352 = arith.muli %scan3A_314, %mul3A_351 : i32
        %add3A_353 = arith.constant 0 : i32
        %add3A_354 = arith.addi %mul3A_352, %add3A_353 : i32
        %mul3A_355 = arith.constant 128 : i32
        %mul3A_356 = arith.muli %add3A_354, %mul3A_355 : i32
        %add3A_357 = arith.constant 80 : i32
        %add3A_358 = arith.addi %mul3A_356, %add3A_357 : i32
        %get3A_359 = arith.index_cast %add3A_358 : i32 to index
        %get3A_360 = tpu.vector_load %arg13[%get3A_359] {strides = array<i32>} : memref<2560xi32, #tpu.memory_space<vmem>>, vector<16xi32>,
        %get3A_361 = vector.shape_cast %get3A_360 : vector<16xi32> to vector<16xi32>
        %add3A_362 = arith.constant 1 : i32
        %add3A_363 = arith.addi %mul3A_352, %add3A_362 : i32
        %mul3A_364 = arith.constant 128 : i32
        %mul3A_365 = arith.muli %add3A_363, %mul3A_364 : i32
        %add3A_366 = arith.constant 80 : i32
        %add3A_367 = arith.addi %mul3A_365, %add3A_366 : i32
        %get3A_368 = arith.index_cast %add3A_367 : i32 to index
        %get3A_369 = tpu.vector_load %arg13[%get3A_368] {strides = array<i32>} : memref<2560xi32, #tpu.memory_space<vmem>>, vector<16xi32>,
        %get3A_370 = vector.shape_cast %get3A_369 : vector<16xi32> to vector<16xi32>
        %add3A_371 = arith.constant 2 : i32
        %add3A_372 = arith.addi %mul3A_352, %add3A_371 : i32
        %mul3A_373 = arith.constant 128 : i32
        %mul3A_374 = arith.muli %add3A_372, %mul3A_373 : i32
        %add3A_375 = arith.constant 80 : i32
        %add3A_376 = arith.addi %mul3A_374, %add3A_375 : i32
        %get3A_377 = arith.index_cast %add3A_376 : i32 to index
        %get3A_378 = tpu.vector_load %arg13[%get3A_377] {strides = array<i32>} : memref<2560xi32, #tpu.memory_space<vmem>>, vector<16xi32>,
        %get3A_379 = vector.shape_cast %get3A_378 : vector<16xi32> to vector<16xi32>
        %add3A_380 = arith.constant 3 : i32
        %add3A_381 = arith.addi %mul3A_352, %add3A_380 : i32
        %mul3A_382 = arith.constant 128 : i32
        %mul3A_383 = arith.muli %add3A_381, %mul3A_382 : i32
        %add3A_384 = arith.constant 80 : i32
        %add3A_385 = arith.addi %mul3A_383, %add3A_384 : i32
        %get3A_386 = arith.index_cast %add3A_385 : i32 to index
        %get3A_387 = tpu.vector_load %arg13[%get3A_386] {strides = array<i32>} : memref<2560xi32, #tpu.memory_space<vmem>>, vector<16xi32>,
        %get3A_388 = vector.shape_cast %get3A_387 : vector<16xi32> to vector<16xi32>
        %shift_left3A = arith.constant 16 : i32
        %shift_left3A_389 = vector.broadcast %shift_left3A : i32 to vector<16xi32>
        %shift_left3A_390 = arith.shli %get3A_361, %shift_left3A_389 : vector<16xi32>
        %bitcast_convert_type3A = tpu.bitcast %shift_left3A_390 : vector<16xi32> -> vector<16xf32>
        %mul3A_391 = arith.mulf %get3A_332, %bitcast_convert_type3A : vector<16xf32>
        %and3A = arith.constant -65536 : i32
        %and3A_392 = vector.broadcast %and3A : i32 to vector<16xi32>
        %and3A_393 = arith.andi %get3A_361, %and3A_392 : vector<16xi32>
        %bitcast_convert_type3A_394 = tpu.bitcast %and3A_393 : vector<16xi32> -> vector<16xf32>
        %mul3A_395 = arith.mulf %get3A_338, %bitcast_convert_type3A_394 : vector<16xf32>
        %add3A_396 = arith.addf %mul3A_391, %mul3A_395 : vector<16xf32>
        %shift_left3A_397 = arith.constant 16 : i32
        %shift_left3A_398 = vector.broadcast %shift_left3A_397 : i32 to vector<16xi32>
        %shift_left3A_399 = arith.shli %get3A_370, %shift_left3A_398 : vector<16xi32>
        %bitcast_convert_type3A_400 = tpu.bitcast %shift_left3A_399 : vector<16xi32> -> vector<16xf32>
        %mul3A_401 = arith.mulf %get3A_344, %bitcast_convert_type3A_400 : vector<16xf32>
        %add3A_402 = arith.addf %add3A_396, %mul3A_401 : vector<16xf32>
        %and3A_403 = arith.constant -65536 : i32
        %and3A_404 = vector.broadcast %and3A_403 : i32 to vector<16xi32>
        %and3A_405 = arith.andi %get3A_370, %and3A_404 : vector<16xi32>
        %bitcast_convert_type3A_406 = tpu.bitcast %and3A_405 : vector<16xi32> -> vector<16xf32>
        %mul3A_407 = arith.mulf %get3A_350, %bitcast_convert_type3A_406 : vector<16xf32>
        %add3A_408 = arith.addf %add3A_402, %mul3A_407 : vector<16xf32>
        %shift_left3A_409 = arith.constant 16 : i32
        %shift_left3A_410 = vector.broadcast %shift_left3A_409 : i32 to vector<16xi32>
        %shift_left3A_411 = arith.shli %get3A_379, %shift_left3A_410 : vector<16xi32>
        %bitcast_convert_type3A_412 = tpu.bitcast %shift_left3A_411 : vector<16xi32> -> vector<16xf32>
        %mul3A_413 = arith.mulf %get3A_332, %bitcast_convert_type3A_412 : vector<16xf32>
        %and3A_414 = arith.constant -65536 : i32
        %and3A_415 = vector.broadcast %and3A_414 : i32 to vector<16xi32>
        %and3A_416 = arith.andi %get3A_379, %and3A_415 : vector<16xi32>
        %bitcast_convert_type3A_417 = tpu.bitcast %and3A_416 : vector<16xi32> -> vector<16xf32>
        %mul3A_418 = arith.mulf %get3A_338, %bitcast_convert_type3A_417 : vector<16xf32>
        %add3A_419 = arith.addf %mul3A_413, %mul3A_418 : vector<16xf32>
        %shift_left3A_420 = arith.constant 16 : i32
        %shift_left3A_421 = vector.broadcast %shift_left3A_420 : i32 to vector<16xi32>
        %shift_left3A_422 = arith.shli %get3A_388, %shift_left3A_421 : vector<16xi32>
        %bitcast_convert_type3A_423 = tpu.bitcast %shift_left3A_422 : vector<16xi32> -> vector<16xf32>
        %mul3A_424 = arith.mulf %get3A_344, %bitcast_convert_type3A_423 : vector<16xf32>
        %add3A_425 = arith.addf %add3A_419, %mul3A_424 : vector<16xf32>
        %and3A_426 = arith.constant -65536 : i32
        %and3A_427 = vector.broadcast %and3A_426 : i32 to vector<16xi32>
        %and3A_428 = arith.andi %get3A_388, %and3A_427 : vector<16xi32>
        %bitcast_convert_type3A_429 = tpu.bitcast %and3A_428 : vector<16xi32> -> vector<16xf32>
        %mul3A_430 = arith.mulf %get3A_350, %bitcast_convert_type3A_429 : vector<16xf32>
        %add3A_431 = arith.addf %add3A_425, %mul3A_430 : vector<16xf32>
        %mul3A_432 = arith.mulf %get3A_320, %add3A_408 : vector<16xf32>
        %add3A_433 = arith.addf %scan3A_315, %mul3A_432 : vector<16xf32>
        %mul3A_434 = arith.mulf %get3A_326, %add3A_431 : vector<16xf32>
        %add3A_435 = arith.addf %add3A_433, %mul3A_434 : vector<16xf32>
        scf.yield %add3A_435 : vector<16xf32>
      }
      %scan3A_285 = arith.constant 5 : i32
      %swap3A_286 = arith.constant 80 : index
      %swap3A_287 = tpu.vector_load %arg14[%swap3A_286] {strides = array<i32>} : memref<128xf32, #tpu.memory_space<vmem>>, vector<16xf32>,
      %swap3A_288 = vector.shape_cast %swap3A_287 : vector<16xf32> to vector<16xf32>
      %swap3A_289 = vector.shape_cast %scan3A_284 : vector<16xf32> to vector<16xf32>
      tpu.vector_store %arg14[%swap3A_286], %swap3A_289 {strides = array<i32>} : memref<128xf32, #tpu.memory_space<vmem>>, vector<16xf32>,
      %broadcast_in_dim3A_290 = arith.constant 0.000000e+00 : f32
      %broadcast_in_dim3A_291 = vector.broadcast %broadcast_in_dim3A_290 : f32 to vector<16xf32>
      %scan3A_292 = arith.constant 0 : i32
      %scan3A_293 = arith.constant 5 : i32
      %scan3A_294 = arith.addi %scan3A_292, %scan3A_293 : i32
      %scan3A_295 = arith.constant 1 : i32
      %scan3A_296 = scf.for %scan3A_314 = %scan3A_292 to %scan3A_294 step %scan3A_295 iter_args(%scan3A_315 = %broadcast_in_dim3A_291) -> (vector<16xf32>)  : i32 {
        %get3A = arith.constant 0 : i32
        %get3A_316 = arith.index_cast %scan3A_314 : i32 to index
        %get3A_317 = arith.index_cast %get3A : i32 to index
        %get3A_318 = arith.constant 96 : index
        %get3A_319 = tpu.vector_load %arg11[%get3A_316, %get3A_317, %get3A_318] {strides = array<i32>} : memref<5x6x128xf32, #tpu.memory_space<vmem>>, vector<1x1x16xf32>,
        %get3A_320 = vector.shape_cast %get3A_319 : vector<1x1x16xf32> to vector<16xf32>
        %get3A_321 = arith.constant 1 : i32
        %get3A_322 = arith.index_cast %scan3A_314 : i32 to index
        %get3A_323 = arith.index_cast %get3A_321 : i32 to index
        %get3A_324 = arith.constant 96 : index
        %get3A_325 = tpu.vector_load %arg11[%get3A_322, %get3A_323, %get3A_324] {strides = array<i32>} : memref<5x6x128xf32, #tpu.memory_space<vmem>>, vector<1x1x16xf32>,
        %get3A_326 = vector.shape_cast %get3A_325 : vector<1x1x16xf32> to vector<16xf32>
        %get3A_327 = arith.constant 2 : i32
        %get3A_328 = arith.index_cast %scan3A_314 : i32 to index
        %get3A_329 = arith.index_cast %get3A_327 : i32 to index
        %get3A_330 = arith.constant 96 : index
        %get3A_331 = tpu.vector_load %arg11[%get3A_328, %get3A_329, %get3A_330] {strides = array<i32>} : memref<5x6x128xf32, #tpu.memory_space<vmem>>, vector<1x1x16xf32>,
        %get3A_332 = vector.shape_cast %get3A_331 : vector<1x1x16xf32> to vector<16xf32>
        %get3A_333 = arith.constant 3 : i32
        %get3A_334 = arith.index_cast %scan3A_314 : i32 to index
        %get3A_335 = arith.index_cast %get3A_333 : i32 to index
        %get3A_336 = arith.constant 96 : index
        %get3A_337 = tpu.vector_load %arg11[%get3A_334, %get3A_335, %get3A_336] {strides = array<i32>} : memref<5x6x128xf32, #tpu.memory_space<vmem>>, vector<1x1x16xf32>,
        %get3A_338 = vector.shape_cast %get3A_337 : vector<1x1x16xf32> to vector<16xf32>
        %get3A_339 = arith.constant 4 : i32
        %get3A_340 = arith.index_cast %scan3A_314 : i32 to index
        %get3A_341 = arith.index_cast %get3A_339 : i32 to index
        %get3A_342 = arith.constant 96 : index
        %get3A_343 = tpu.vector_load %arg11[%get3A_340, %get3A_341, %get3A_342] {strides = array<i32>} : memref<5x6x128xf32, #tpu.memory_space<vmem>>, vector<1x1x16xf32>,
        %get3A_344 = vector.shape_cast %get3A_343 : vector<1x1x16xf32> to vector<16xf32>
        %get3A_345 = arith.constant 5 : i32
        %get3A_346 = arith.index_cast %scan3A_314 : i32 to index
        %get3A_347 = arith.index_cast %get3A_345 : i32 to index
        %get3A_348 = arith.constant 96 : index
        %get3A_349 = tpu.vector_load %arg11[%get3A_346, %get3A_347, %get3A_348] {strides = array<i32>} : memref<5x6x128xf32, #tpu.memory_space<vmem>>, vector<1x1x16xf32>,
        %get3A_350 = vector.shape_cast %get3A_349 : vector<1x1x16xf32> to vector<16xf32>
        %mul3A_351 = arith.constant 4 : i32
        %mul3A_352 = arith.muli %scan3A_314, %mul3A_351 : i32
        %add3A_353 = arith.constant 0 : i32
        %add3A_354 = arith.addi %mul3A_352, %add3A_353 : i32
        %mul3A_355 = arith.constant 128 : i32
        %mul3A_356 = arith.muli %add3A_354, %mul3A_355 : i32
        %add3A_357 = arith.constant 96 : i32
        %add3A_358 = arith.addi %mul3A_356, %add3A_357 : i32
        %get3A_359 = arith.index_cast %add3A_358 : i32 to index
        %get3A_360 = tpu.vector_load %arg13[%get3A_359] {strides = array<i32>} : memref<2560xi32, #tpu.memory_space<vmem>>, vector<16xi32>,
        %get3A_361 = vector.shape_cast %get3A_360 : vector<16xi32> to vector<16xi32>
        %add3A_362 = arith.constant 1 : i32
        %add3A_363 = arith.addi %mul3A_352, %add3A_362 : i32
        %mul3A_364 = arith.constant 128 : i32
        %mul3A_365 = arith.muli %add3A_363, %mul3A_364 : i32
        %add3A_366 = arith.constant 96 : i32
        %add3A_367 = arith.addi %mul3A_365, %add3A_366 : i32
        %get3A_368 = arith.index_cast %add3A_367 : i32 to index
        %get3A_369 = tpu.vector_load %arg13[%get3A_368] {strides = array<i32>} : memref<2560xi32, #tpu.memory_space<vmem>>, vector<16xi32>,
        %get3A_370 = vector.shape_cast %get3A_369 : vector<16xi32> to vector<16xi32>
        %add3A_371 = arith.constant 2 : i32
        %add3A_372 = arith.addi %mul3A_352, %add3A_371 : i32
        %mul3A_373 = arith.constant 128 : i32
        %mul3A_374 = arith.muli %add3A_372, %mul3A_373 : i32
        %add3A_375 = arith.constant 96 : i32
        %add3A_376 = arith.addi %mul3A_374, %add3A_375 : i32
        %get3A_377 = arith.index_cast %add3A_376 : i32 to index
        %get3A_378 = tpu.vector_load %arg13[%get3A_377] {strides = array<i32>} : memref<2560xi32, #tpu.memory_space<vmem>>, vector<16xi32>,
        %get3A_379 = vector.shape_cast %get3A_378 : vector<16xi32> to vector<16xi32>
        %add3A_380 = arith.constant 3 : i32
        %add3A_381 = arith.addi %mul3A_352, %add3A_380 : i32
        %mul3A_382 = arith.constant 128 : i32
        %mul3A_383 = arith.muli %add3A_381, %mul3A_382 : i32
        %add3A_384 = arith.constant 96 : i32
        %add3A_385 = arith.addi %mul3A_383, %add3A_384 : i32
        %get3A_386 = arith.index_cast %add3A_385 : i32 to index
        %get3A_387 = tpu.vector_load %arg13[%get3A_386] {strides = array<i32>} : memref<2560xi32, #tpu.memory_space<vmem>>, vector<16xi32>,
        %get3A_388 = vector.shape_cast %get3A_387 : vector<16xi32> to vector<16xi32>
        %shift_left3A = arith.constant 16 : i32
        %shift_left3A_389 = vector.broadcast %shift_left3A : i32 to vector<16xi32>
        %shift_left3A_390 = arith.shli %get3A_361, %shift_left3A_389 : vector<16xi32>
        %bitcast_convert_type3A = tpu.bitcast %shift_left3A_390 : vector<16xi32> -> vector<16xf32>
        %mul3A_391 = arith.mulf %get3A_332, %bitcast_convert_type3A : vector<16xf32>
        %and3A = arith.constant -65536 : i32
        %and3A_392 = vector.broadcast %and3A : i32 to vector<16xi32>
        %and3A_393 = arith.andi %get3A_361, %and3A_392 : vector<16xi32>
        %bitcast_convert_type3A_394 = tpu.bitcast %and3A_393 : vector<16xi32> -> vector<16xf32>
        %mul3A_395 = arith.mulf %get3A_338, %bitcast_convert_type3A_394 : vector<16xf32>
        %add3A_396 = arith.addf %mul3A_391, %mul3A_395 : vector<16xf32>
        %shift_left3A_397 = arith.constant 16 : i32
        %shift_left3A_398 = vector.broadcast %shift_left3A_397 : i32 to vector<16xi32>
        %shift_left3A_399 = arith.shli %get3A_370, %shift_left3A_398 : vector<16xi32>
        %bitcast_convert_type3A_400 = tpu.bitcast %shift_left3A_399 : vector<16xi32> -> vector<16xf32>
        %mul3A_401 = arith.mulf %get3A_344, %bitcast_convert_type3A_400 : vector<16xf32>
        %add3A_402 = arith.addf %add3A_396, %mul3A_401 : vector<16xf32>
        %and3A_403 = arith.constant -65536 : i32
        %and3A_404 = vector.broadcast %and3A_403 : i32 to vector<16xi32>
        %and3A_405 = arith.andi %get3A_370, %and3A_404 : vector<16xi32>
        %bitcast_convert_type3A_406 = tpu.bitcast %and3A_405 : vector<16xi32> -> vector<16xf32>
        %mul3A_407 = arith.mulf %get3A_350, %bitcast_convert_type3A_406 : vector<16xf32>
        %add3A_408 = arith.addf %add3A_402, %mul3A_407 : vector<16xf32>
        %shift_left3A_409 = arith.constant 16 : i32
        %shift_left3A_410 = vector.broadcast %shift_left3A_409 : i32 to vector<16xi32>
        %shift_left3A_411 = arith.shli %get3A_379, %shift_left3A_410 : vector<16xi32>
        %bitcast_convert_type3A_412 = tpu.bitcast %shift_left3A_411 : vector<16xi32> -> vector<16xf32>
        %mul3A_413 = arith.mulf %get3A_332, %bitcast_convert_type3A_412 : vector<16xf32>
        %and3A_414 = arith.constant -65536 : i32
        %and3A_415 = vector.broadcast %and3A_414 : i32 to vector<16xi32>
        %and3A_416 = arith.andi %get3A_379, %and3A_415 : vector<16xi32>
        %bitcast_convert_type3A_417 = tpu.bitcast %and3A_416 : vector<16xi32> -> vector<16xf32>
        %mul3A_418 = arith.mulf %get3A_338, %bitcast_convert_type3A_417 : vector<16xf32>
        %add3A_419 = arith.addf %mul3A_413, %mul3A_418 : vector<16xf32>
        %shift_left3A_420 = arith.constant 16 : i32
        %shift_left3A_421 = vector.broadcast %shift_left3A_420 : i32 to vector<16xi32>
        %shift_left3A_422 = arith.shli %get3A_388, %shift_left3A_421 : vector<16xi32>
        %bitcast_convert_type3A_423 = tpu.bitcast %shift_left3A_422 : vector<16xi32> -> vector<16xf32>
        %mul3A_424 = arith.mulf %get3A_344, %bitcast_convert_type3A_423 : vector<16xf32>
        %add3A_425 = arith.addf %add3A_419, %mul3A_424 : vector<16xf32>
        %and3A_426 = arith.constant -65536 : i32
        %and3A_427 = vector.broadcast %and3A_426 : i32 to vector<16xi32>
        %and3A_428 = arith.andi %get3A_388, %and3A_427 : vector<16xi32>
        %bitcast_convert_type3A_429 = tpu.bitcast %and3A_428 : vector<16xi32> -> vector<16xf32>
        %mul3A_430 = arith.mulf %get3A_350, %bitcast_convert_type3A_429 : vector<16xf32>
        %add3A_431 = arith.addf %add3A_425, %mul3A_430 : vector<16xf32>
        %mul3A_432 = arith.mulf %get3A_320, %add3A_408 : vector<16xf32>
        %add3A_433 = arith.addf %scan3A_315, %mul3A_432 : vector<16xf32>
        %mul3A_434 = arith.mulf %get3A_326, %add3A_431 : vector<16xf32>
        %add3A_435 = arith.addf %add3A_433, %mul3A_434 : vector<16xf32>
        scf.yield %add3A_435 : vector<16xf32>
      }
      %scan3A_297 = arith.constant 5 : i32
      %swap3A_298 = arith.constant 96 : index
      %swap3A_299 = tpu.vector_load %arg14[%swap3A_298] {strides = array<i32>} : memref<128xf32, #tpu.memory_space<vmem>>, vector<16xf32>,
      %swap3A_300 = vector.shape_cast %swap3A_299 : vector<16xf32> to vector<16xf32>
      %swap3A_301 = vector.shape_cast %scan3A_296 : vector<16xf32> to vector<16xf32>
      tpu.vector_store %arg14[%swap3A_298], %swap3A_301 {strides = array<i32>} : memref<128xf32, #tpu.memory_space<vmem>>, vector<16xf32>,
      %broadcast_in_dim3A_302 = arith.constant 0.000000e+00 : f32
      %broadcast_in_dim3A_303 = vector.broadcast %broadcast_in_dim3A_302 : f32 to vector<16xf32>
      %scan3A_304 = arith.constant 0 : i32
      %scan3A_305 = arith.constant 5 : i32
      %scan3A_306 = arith.addi %scan3A_304, %scan3A_305 : i32
      %scan3A_307 = arith.constant 1 : i32
      %scan3A_308 = scf.for %scan3A_314 = %scan3A_304 to %scan3A_306 step %scan3A_307 iter_args(%scan3A_315 = %broadcast_in_dim3A_303) -> (vector<16xf32>)  : i32 {
        %get3A = arith.constant 0 : i32
        %get3A_316 = arith.index_cast %scan3A_314 : i32 to index
        %get3A_317 = arith.index_cast %get3A : i32 to index
        %get3A_318 = arith.constant 112 : index
        %get3A_319 = tpu.vector_load %arg11[%get3A_316, %get3A_317, %get3A_318] {strides = array<i32>} : memref<5x6x128xf32, #tpu.memory_space<vmem>>, vector<1x1x16xf32>,
        %get3A_320 = vector.shape_cast %get3A_319 : vector<1x1x16xf32> to vector<16xf32>
        %get3A_321 = arith.constant 1 : i32
        %get3A_322 = arith.index_cast %scan3A_314 : i32 to index
        %get3A_323 = arith.index_cast %get3A_321 : i32 to index
        %get3A_324 = arith.constant 112 : index
        %get3A_325 = tpu.vector_load %arg11[%get3A_322, %get3A_323, %get3A_324] {strides = array<i32>} : memref<5x6x128xf32, #tpu.memory_space<vmem>>, vector<1x1x16xf32>,
        %get3A_326 = vector.shape_cast %get3A_325 : vector<1x1x16xf32> to vector<16xf32>
        %get3A_327 = arith.constant 2 : i32
        %get3A_328 = arith.index_cast %scan3A_314 : i32 to index
        %get3A_329 = arith.index_cast %get3A_327 : i32 to index
        %get3A_330 = arith.constant 112 : index
        %get3A_331 = tpu.vector_load %arg11[%get3A_328, %get3A_329, %get3A_330] {strides = array<i32>} : memref<5x6x128xf32, #tpu.memory_space<vmem>>, vector<1x1x16xf32>,
        %get3A_332 = vector.shape_cast %get3A_331 : vector<1x1x16xf32> to vector<16xf32>
        %get3A_333 = arith.constant 3 : i32
        %get3A_334 = arith.index_cast %scan3A_314 : i32 to index
        %get3A_335 = arith.index_cast %get3A_333 : i32 to index
        %get3A_336 = arith.constant 112 : index
        %get3A_337 = tpu.vector_load %arg11[%get3A_334, %get3A_335, %get3A_336] {strides = array<i32>} : memref<5x6x128xf32, #tpu.memory_space<vmem>>, vector<1x1x16xf32>,
        %get3A_338 = vector.shape_cast %get3A_337 : vector<1x1x16xf32> to vector<16xf32>
        %get3A_339 = arith.constant 4 : i32
        %get3A_340 = arith.index_cast %scan3A_314 : i32 to index
        %get3A_341 = arith.index_cast %get3A_339 : i32 to index
        %get3A_342 = arith.constant 112 : index
        %get3A_343 = tpu.vector_load %arg11[%get3A_340, %get3A_341, %get3A_342] {strides = array<i32>} : memref<5x6x128xf32, #tpu.memory_space<vmem>>, vector<1x1x16xf32>,
        %get3A_344 = vector.shape_cast %get3A_343 : vector<1x1x16xf32> to vector<16xf32>
        %get3A_345 = arith.constant 5 : i32
        %get3A_346 = arith.index_cast %scan3A_314 : i32 to index
        %get3A_347 = arith.index_cast %get3A_345 : i32 to index
        %get3A_348 = arith.constant 112 : index
        %get3A_349 = tpu.vector_load %arg11[%get3A_346, %get3A_347, %get3A_348] {strides = array<i32>} : memref<5x6x128xf32, #tpu.memory_space<vmem>>, vector<1x1x16xf32>,
        %get3A_350 = vector.shape_cast %get3A_349 : vector<1x1x16xf32> to vector<16xf32>
        %mul3A_351 = arith.constant 4 : i32
        %mul3A_352 = arith.muli %scan3A_314, %mul3A_351 : i32
        %add3A_353 = arith.constant 0 : i32
        %add3A_354 = arith.addi %mul3A_352, %add3A_353 : i32
        %mul3A_355 = arith.constant 128 : i32
        %mul3A_356 = arith.muli %add3A_354, %mul3A_355 : i32
        %add3A_357 = arith.constant 112 : i32
        %add3A_358 = arith.addi %mul3A_356, %add3A_357 : i32
        %get3A_359 = arith.index_cast %add3A_358 : i32 to index
        %get3A_360 = tpu.vector_load %arg13[%get3A_359] {strides = array<i32>} : memref<2560xi32, #tpu.memory_space<vmem>>, vector<16xi32>,
        %get3A_361 = vector.shape_cast %get3A_360 : vector<16xi32> to vector<16xi32>
        %add3A_362 = arith.constant 1 : i32
        %add3A_363 = arith.addi %mul3A_352, %add3A_362 : i32
        %mul3A_364 = arith.constant 128 : i32
        %mul3A_365 = arith.muli %add3A_363, %mul3A_364 : i32
        %add3A_366 = arith.constant 112 : i32
        %add3A_367 = arith.addi %mul3A_365, %add3A_366 : i32
        %get3A_368 = arith.index_cast %add3A_367 : i32 to index
        %get3A_369 = tpu.vector_load %arg13[%get3A_368] {strides = array<i32>} : memref<2560xi32, #tpu.memory_space<vmem>>, vector<16xi32>,
        %get3A_370 = vector.shape_cast %get3A_369 : vector<16xi32> to vector<16xi32>
        %add3A_371 = arith.constant 2 : i32
        %add3A_372 = arith.addi %mul3A_352, %add3A_371 : i32
        %mul3A_373 = arith.constant 128 : i32
        %mul3A_374 = arith.muli %add3A_372, %mul3A_373 : i32
        %add3A_375 = arith.constant 112 : i32
        %add3A_376 = arith.addi %mul3A_374, %add3A_375 : i32
        %get3A_377 = arith.index_cast %add3A_376 : i32 to index
        %get3A_378 = tpu.vector_load %arg13[%get3A_377] {strides = array<i32>} : memref<2560xi32, #tpu.memory_space<vmem>>, vector<16xi32>,
        %get3A_379 = vector.shape_cast %get3A_378 : vector<16xi32> to vector<16xi32>
        %add3A_380 = arith.constant 3 : i32
        %add3A_381 = arith.addi %mul3A_352, %add3A_380 : i32
        %mul3A_382 = arith.constant 128 : i32
        %mul3A_383 = arith.muli %add3A_381, %mul3A_382 : i32
        %add3A_384 = arith.constant 112 : i32
        %add3A_385 = arith.addi %mul3A_383, %add3A_384 : i32
        %get3A_386 = arith.index_cast %add3A_385 : i32 to index
        %get3A_387 = tpu.vector_load %arg13[%get3A_386] {strides = array<i32>} : memref<2560xi32, #tpu.memory_space<vmem>>, vector<16xi32>,
        %get3A_388 = vector.shape_cast %get3A_387 : vector<16xi32> to vector<16xi32>
        %shift_left3A = arith.constant 16 : i32
        %shift_left3A_389 = vector.broadcast %shift_left3A : i32 to vector<16xi32>
        %shift_left3A_390 = arith.shli %get3A_361, %shift_left3A_389 : vector<16xi32>
        %bitcast_convert_type3A = tpu.bitcast %shift_left3A_390 : vector<16xi32> -> vector<16xf32>
        %mul3A_391 = arith.mulf %get3A_332, %bitcast_convert_type3A : vector<16xf32>
        %and3A = arith.constant -65536 : i32
        %and3A_392 = vector.broadcast %and3A : i32 to vector<16xi32>
        %and3A_393 = arith.andi %get3A_361, %and3A_392 : vector<16xi32>
        %bitcast_convert_type3A_394 = tpu.bitcast %and3A_393 : vector<16xi32> -> vector<16xf32>
        %mul3A_395 = arith.mulf %get3A_338, %bitcast_convert_type3A_394 : vector<16xf32>
        %add3A_396 = arith.addf %mul3A_391, %mul3A_395 : vector<16xf32>
        %shift_left3A_397 = arith.constant 16 : i32
        %shift_left3A_398 = vector.broadcast %shift_left3A_397 : i32 to vector<16xi32>
        %shift_left3A_399 = arith.shli %get3A_370, %shift_left3A_398 : vector<16xi32>
        %bitcast_convert_type3A_400 = tpu.bitcast %shift_left3A_399 : vector<16xi32> -> vector<16xf32>
        %mul3A_401 = arith.mulf %get3A_344, %bitcast_convert_type3A_400 : vector<16xf32>
        %add3A_402 = arith.addf %add3A_396, %mul3A_401 : vector<16xf32>
        %and3A_403 = arith.constant -65536 : i32
        %and3A_404 = vector.broadcast %and3A_403 : i32 to vector<16xi32>
        %and3A_405 = arith.andi %get3A_370, %and3A_404 : vector<16xi32>
        %bitcast_convert_type3A_406 = tpu.bitcast %and3A_405 : vector<16xi32> -> vector<16xf32>
        %mul3A_407 = arith.mulf %get3A_350, %bitcast_convert_type3A_406 : vector<16xf32>
        %add3A_408 = arith.addf %add3A_402, %mul3A_407 : vector<16xf32>
        %shift_left3A_409 = arith.constant 16 : i32
        %shift_left3A_410 = vector.broadcast %shift_left3A_409 : i32 to vector<16xi32>
        %shift_left3A_411 = arith.shli %get3A_379, %shift_left3A_410 : vector<16xi32>
        %bitcast_convert_type3A_412 = tpu.bitcast %shift_left3A_411 : vector<16xi32> -> vector<16xf32>
        %mul3A_413 = arith.mulf %get3A_332, %bitcast_convert_type3A_412 : vector<16xf32>
        %and3A_414 = arith.constant -65536 : i32
        %and3A_415 = vector.broadcast %and3A_414 : i32 to vector<16xi32>
        %and3A_416 = arith.andi %get3A_379, %and3A_415 : vector<16xi32>
        %bitcast_convert_type3A_417 = tpu.bitcast %and3A_416 : vector<16xi32> -> vector<16xf32>
        %mul3A_418 = arith.mulf %get3A_338, %bitcast_convert_type3A_417 : vector<16xf32>
        %add3A_419 = arith.addf %mul3A_413, %mul3A_418 : vector<16xf32>
        %shift_left3A_420 = arith.constant 16 : i32
        %shift_left3A_421 = vector.broadcast %shift_left3A_420 : i32 to vector<16xi32>
        %shift_left3A_422 = arith.shli %get3A_388, %shift_left3A_421 : vector<16xi32>
        %bitcast_convert_type3A_423 = tpu.bitcast %shift_left3A_422 : vector<16xi32> -> vector<16xf32>
        %mul3A_424 = arith.mulf %get3A_344, %bitcast_convert_type3A_423 : vector<16xf32>
        %add3A_425 = arith.addf %add3A_419, %mul3A_424 : vector<16xf32>
        %and3A_426 = arith.constant -65536 : i32
        %and3A_427 = vector.broadcast %and3A_426 : i32 to vector<16xi32>
        %and3A_428 = arith.andi %get3A_388, %and3A_427 : vector<16xi32>
        %bitcast_convert_type3A_429 = tpu.bitcast %and3A_428 : vector<16xi32> -> vector<16xf32>
        %mul3A_430 = arith.mulf %get3A_350, %bitcast_convert_type3A_429 : vector<16xf32>
        %add3A_431 = arith.addf %add3A_425, %mul3A_430 : vector<16xf32>
        %mul3A_432 = arith.mulf %get3A_320, %add3A_408 : vector<16xf32>
        %add3A_433 = arith.addf %scan3A_315, %mul3A_432 : vector<16xf32>
        %mul3A_434 = arith.mulf %get3A_326, %add3A_431 : vector<16xf32>
        %add3A_435 = arith.addf %add3A_433, %mul3A_434 : vector<16xf32>
        scf.yield %add3A_435 : vector<16xf32>
      }
      %scan3A_309 = arith.constant 5 : i32
      %swap3A_310 = arith.constant 112 : index
      %swap3A_311 = tpu.vector_load %arg14[%swap3A_310] {strides = array<i32>} : memref<128xf32, #tpu.memory_space<vmem>>, vector<16xf32>,
      %swap3A_312 = vector.shape_cast %swap3A_311 : vector<16xf32> to vector<16xf32>
      %swap3A_313 = vector.shape_cast %scan3A_308 : vector<16xf32> to vector<16xf32>
      tpu.vector_store %arg14[%swap3A_310], %swap3A_313 {strides = array<i32>} : memref<128xf32, #tpu.memory_space<vmem>>, vector<16xf32>,
      "tpu.region"() ({
        %run_scoped3A = tpu.sem_alloc : memref<!tpu.dma_semaphore, #tpu.memory_space<semaphore_mem>>
        %dma_start3A_314 = arith.constant 0 : i32
        %dma_start3A_315 = tpu.memref_slice %arg5[%add3A_193, %dma_start3A_314] : memref<1024x128xf32, #tpu.memory_space<hbm>> -> memref<1x128xf32, #tpu.memory_space<hbm>>
        %dma_start3A_316 = tpu.memref_squeeze %dma_start3A_315 : memref<1x128xf32, #tpu.memory_space<hbm>> -> memref<128xf32, #tpu.memory_space<hbm>>
        %dma_start3A_317 = arith.constant 0 : i32
        %dma_start3A_318 = tpu.memref_slice %arg5[%add3A_193, %dma_start3A_317] : memref<1024x128xf32, #tpu.memory_space<hbm>> -> memref<1x128xf32, #tpu.memory_space<hbm>>
        %dma_start3A_319 = tpu.memref_squeeze %dma_start3A_318 : memref<1x128xf32, #tpu.memory_space<hbm>> -> memref<128xf32, #tpu.memory_space<hbm>>
        tpu.enqueue_dma source(%arg14 : memref<128xf32, #tpu.memory_space<vmem>>) target(%dma_start3A_319 : memref<128xf32, #tpu.memory_space<hbm>>) target_semaphore(%run_scoped3A : memref<!tpu.dma_semaphore, #tpu.memory_space<semaphore_mem>>)
        %dma_wait3A_320 = arith.constant 0 : i32
        %dma_wait3A_321 = tpu.memref_slice %arg5[%add3A_193, %dma_wait3A_320] : memref<1024x128xf32, #tpu.memory_space<hbm>> -> memref<1x128xf32, #tpu.memory_space<hbm>>
        %dma_wait3A_322 = tpu.memref_squeeze %dma_wait3A_321 : memref<1x128xf32, #tpu.memory_space<hbm>> -> memref<128xf32, #tpu.memory_space<hbm>>
        %dma_wait3A_323 = arith.constant 0 : i32
        %dma_wait3A_324 = tpu.memref_slice %arg5[%add3A_193, %dma_wait3A_323] : memref<1024x128xf32, #tpu.memory_space<hbm>> -> memref<1x128xf32, #tpu.memory_space<hbm>>
        %dma_wait3A_325 = tpu.memref_squeeze %dma_wait3A_324 : memref<1x128xf32, #tpu.memory_space<hbm>> -> memref<128xf32, #tpu.memory_space<hbm>>
        tpu.wait_dma2 semaphore(%run_scoped3A : memref<!tpu.dma_semaphore, #tpu.memory_space<semaphore_mem>>) src(%arg14 : memref<128xf32, #tpu.memory_space<vmem>>) dst(%dma_wait3A_325 : memref<128xf32, #tpu.memory_space<hbm>>)
        tpu.yield
      }) : () -> ()
    }
    %scan3A_36 = arith.constant 16 : i32
    return
  }
}

</mosaic_0001>

<sc_bundles>
// kernel: _project.3.cloned.1.call-start
scs
__scs_entry_jumppad:
0x0: {  	(pc) =	sbr.rel $0x88, $3  }
0x1: {  	(tag) =	ssettag $0x0;
	lr =	simm.s32 $0x1  }
0x2: {  	[smem:$0x3F9E] =	sst lr;
	_ =	strace $0xD0000000  }
0x3: {  	_ = 	snop  }
0x4: {  	_ = 	snop  }
0x5: {  	_ = 	snop  }
0x6: {  	_ = 	snop  }
0x7: {  	_ = 	snop  }
__scs_overlays_trampoline_lowered:
0x8: {  	[smem:$0x3FAD] =	sst s0  }
0x9: {  	[smem:$0x3FAE] =	sst s1  }
0xa: {  	[smem:$0x3FAF] =	sst s2  }
0xb: {  	[smem:$0x3FB0] =	sst s3  }
0xc: {  	[smem:$0x3FB1] =	sst s4  }
0xd: {  	[smem:$0x3FB2] =	sst s5  }
0xe: {  	[smem:$0x3FB3] =	sst s6  }
0xf: {  	[smem:$0x3FB4] =	sst s7  }
0x10: {  	[smem:$0x3FB5] =	sst s8  }
0x11: {  	[smem:$0x3FB6] =	sst s9;
	s0 =	simm.s32 @!p0 $0x0  }
0x12: {  	s1 =	sld [smem:$0x3F9C];
	s0 =	simm.s32 @p0 $0x1  }
0x13: {  	[smem:$0x3FB7] =	sst s0;
	s0 =	simm.s32 @!p1 $0x0  }
0x14: {  	s2 =	sld [smem:$0x3F9B];
	s0 =	simm.s32 @p1 $0x1  }
0x15: {  	[smem:$0x3FB8] =	sst s0;
	s0 =	simm.s32 @!p2 $0x0  }
0x16: {  	s3 =	sld [smem:$0x3FDB];
	s0 =	simm.s32 @p2 $0x1  }
0x17: {  	s4 =	simm.s32 $0x1BF5;
	[smem:$0x3FBA] =	sst s0  }
0x18: {  	s0 =	sld [smem:$0x3F9D];
	_ =	swait.ge [sflag:s4], $0x0  }
0x19: {  	s7 =	sld [smem:$0x3F9E]  }
0x1a: {  	s8 =	sadd.s32 $0xFFFFE003, lr  }
0x1b: {  	s9 =	sadd.s32 $0xFFFFFEF7, lr;
	s5 =	simm.s32 $0xFFFFFFFF;
	p2 =	slt.u32 s8, $0xFFFFF086  }
0x1c: {  	p1 =	slt.u32 s9, $0xF7A;
	s5 =	simm.s32 @!p2 $0x0  }
0x1d: {  	s5 =	simm.s32 @p1 $0x1;
	p0 =	seq.s32 s7, s2  }
0x1e: {  	s7 =	smul.u32 @!p0 $0xF7A, s2;
	p2 =	seq.s32 @!p0 s5, $0x0  }
0x1f: {  	s9 =	smul.u32 $0xF7A, s1;
	s8 =	simm.s32 @!p0 $0x1BF5;
	p2 =	por !p2, p0  }
0x20: {  	[sflag:s8] =	ssyncset.s32 @!p0 $0xFFFFF086;
	s6 =	sadd.s32 @!p0 s3, s7;
	s7 =	simm.s32 @!p0 $0x108  }
0x21: {  	s3 =	sadd.s32 s3, s9;
	s6 =	sadd.s32 @!p0 $0x88, s6;
	s7 =	simm.s32 @p2 $0x1082  }
0x22: {  	[simem:s7], [sflag:s8] =	dma.local @!p0 [hbm:s6], $0xF7A  }
0x23: {  	s9 =	sor.u32 $0xD0000000, s2;
	s6 =	simm.s32 $0x108;
	_ =	swait.ge @!p0 [sflag:s8], $0x0  }
0x24: {  	s3 =	sadd.s32 $0x88, s3;
	s6 =	simm.s32 @!p1 $0x1082;
	[sflag:s4] =	ssyncset.s32 $0xFFFFF086  }
0x25: {  	[simem:s6], [sflag:s4] =	dma.local [hbm:s3], $0xF7A  }
0x26: {  	[smem:$0x3F9E] =	sst s1;
	(tag) =	ssettag s2;
	_ =	strace s9  }
0x27: {  	s1 =	sld [smem:$0x3FAE]  }
0x28: {  	s2 =	sld [smem:$0x3FAF]  }
0x29: {  	s4 =	sld [smem:$0x3FB1]  }
0x2a: {  	p0 =	seq.s32 s5, $0x0;
	s5 =	sld [smem:$0x3FB2]  }
0x2b: {  	s6 =	sld [smem:$0x3FB3]  }
0x2c: {  	s7 =	sld [smem:$0x3FB4]  }
0x2d: {  	s3 =	simm.s32 $0x108;
	s8 =	sld [smem:$0x3FB5]  }
0x2e: {  	s3 =	simm.s32 @!p0 $0x1082;
	s9 =	sld [smem:$0x3FB6]  }
0x2f: {  	lr =	sadd.s32 s0, s3;
	s0 =	sld [smem:$0x3FAD]  }
0x30: {  	s3 =	sld [smem:$0x3FB0]  }
0x31: {  	[smem:$0x3FB9] =	sst s10  }
0x32: {  	s10 =	sld [smem:$0x3FB7];
	_ =	sdelay $0x3  }
0x33: {  	p0 =	seq.s32 s10, $0x1;
	s10 =	sld [smem:$0x3FB9];
	_ =	sdelay $0x3  }
0x34: {  	[smem:$0x3FB9] =	sst s10  }
0x35: {  	s10 =	sld [smem:$0x3FB8];
	_ =	sdelay $0x3  }
0x36: {  	p1 =	seq.s32 s10, $0x1;
	s10 =	sld [smem:$0x3FB9];
	_ =	sdelay $0x3  }
0x37: {  	[smem:$0x3FB9] =	sst s10  }
0x38: {  	s10 =	sld [smem:$0x3FBA]  }
0x39: {  	_ = 	snop;
	(pc) =	sbr.ind lr, $3  }
0x3a: {  	_ = 	snop  }
0x3b: {  	_ = 	snop  }
0x3c: {  	p2 =	seq.s32 s10, $0x1;
	s10 =	sld [smem:$0x3FB9]  }
0x3d: {  	_ =	shalt  }
0x3e: {  	_ =	shalt  }
0x3f: {  	_ =	shalt  }
0x40: {  	_ =	shalt  }
0x41: {  	_ =	shalt  }
0x42: {  	_ =	shalt  }
0x43: {  	_ =	shalt  }
0x44: {  	_ =	shalt  }
0x45: {  	_ =	shalt  }
0x46: {  	_ =	shalt  }
0x47: {  	_ =	shalt  }
0x48: {  	_ =	shalt  }
0x49: {  	_ =	shalt  }
0x4a: {  	_ =	shalt  }
0x4b: {  	_ =	shalt  }
0x4c: {  	_ =	shalt  }
0x4d: {  	_ =	shalt  }
0x4e: {  	_ =	shalt  }
0x4f: {  	_ =	shalt  }
0x50: {  	_ =	shalt  }
0x51: {  	_ =	shalt  }
0x52: {  	_ =	shalt  }
0x53: {  	_ =	shalt  }
0x54: {  	_ =	shalt  }
0x55: {  	_ =	shalt  }
0x56: {  	_ =	shalt  }
0x57: {  	_ =	shalt  }
0x58: {  	_ =	shalt  }
0x59: {  	_ =	shalt  }
0x5a: {  	_ =	shalt  }
0x5b: {  	_ =	shalt  }
0x5c: {  	_ =	shalt  }
0x5d: {  	_ =	shalt  }
0x5e: {  	_ =	shalt  }
0x5f: {  	_ =	shalt  }
0x60: {  	_ =	shalt  }
0x61: {  	_ =	shalt  }
0x62: {  	_ =	shalt  }
0x63: {  	_ =	shalt  }
0x64: {  	_ =	shalt  }
0x65: {  	_ =	shalt  }
0x66: {  	_ =	shalt  }
0x67: {  	_ =	shalt  }
0x68: {  	_ =	shalt  }
0x69: {  	_ =	shalt  }
0x6a: {  	_ =	shalt  }
0x6b: {  	_ =	shalt  }
0x6c: {  	_ =	shalt  }
0x6d: {  	_ =	shalt  }
0x6e: {  	_ =	shalt  }
0x6f: {  	_ =	shalt  }
0x70: {  	_ =	shalt  }
0x71: {  	_ =	shalt  }
0x72: {  	_ =	shalt  }
0x73: {  	_ =	shalt  }
0x74: {  	_ =	shalt  }
0x75: {  	_ =	shalt  }
0x76: {  	_ =	shalt  }
0x77: {  	_ =	shalt  }
0x78: {  	_ =	shalt  }
0x79: {  	_ =	shalt  }
0x7a: {  	_ =	shalt  }
0x7b: {  	_ =	shalt  }
0x7c: {  	_ =	shalt  }
0x7d: {  	_ =	shalt  }
0x7e: {  	_ =	shalt  }
0x7f: {  	_ =	shalt  }
0x80: {  	_ =	shalt  }
0x81: {  	_ =	shalt  }
0x82: {  	_ =	shalt  }
0x83: {  	_ =	shalt  }
0x84: {  	_ =	shalt  }
0x85: {  	_ =	shalt  }
0x86: {  	_ =	shalt  }
0x87: {  	_ =	shalt  }
.Lfunc_end0:
.L_simem_size_0:
called_computation_lowered:
.L_overlay_start_0:
0x88: {  	s2 =	sld [smem:$0x3FD9]  }
0x89: {  	s3 =	sld [smem:$0x3FFE];
	_ =	sdelay $0x1  }
0x8a: {  	s1 =	srdreg.scid  }
0x8b: {  	s0 =	sand.u32 $0x1, s1  }
0x8c: {  	s17 =	sshll.u32 s0, $0xA;
	s2 =	sadd.s32 s3, s2  }
0x8d: {  	s2 =	sadd.s32 s2, s17  }
0x8e: {  	[smem:$0x3FC5] =	sst s2  }
0x8f: {  	_ = 	snop  }
0x90: {  	s2 =	sld [smem:$0x3FC9]  }
0x91: {  	s18 =	sld [smem:$0x3FD0];
	(tm) =	ssettm $0x1  }
0x92: {  	s4 =	sld [smem:$0x3FFB];
	_ =	sdelay $0x3  }
0x93: {  	_ =	strace s4  }
0x94: {  	s4 =	sld [smem:$0x3FFC];
	_ =	sdelay $0x3  }
0x95: {  	_ =	strace s4  }
0x96: {  	s4 =	sld [smem:$0x3FFD];
	_ =	sdelay $0x3  }
0x97: {  	_ =	strace s4  }
0x98: {  	_ =	strace $0x8FFFFFFF  }
0x99: {  	s19 =	sld [smem:$0x3FDB];
	_ =	sdelay $0x1  }
0x9a: {  	s5 =	simm.s32 $_scs_section_size  }
0x9b: {  	s6 =	simm.s32 $_size__tile_overlayer_lowered;
	s7 =	simm.s32 $_tile_overlayer_lowered  }
0x9c: {  	s22 =	simm.s32 $0x1BFF;
	s21 =	sshll.u32 s7, $0x1;
	s4 =	sadd.s32 s5, s19  }
0x9d: {  	s8 =	simm.s32 $0x0;
	s20 =	sshll.u32 s6, $0x1;
	s6 =	sadd.s32 s21, s4  }
0x9e: {  	[timem:s8], [sflag:s22] =	dma.local [hbm:s6], s20  }
0x9f: {  	_ =	swait.ge [sflag:s22], s20  }
0xa0: {  	s5 =	ssub.s32 $0x0, s20;
	[sflag:s22] =	ssyncset.done $0x0  }
0xa1: {  	[sflag:s22] =	ssyncadd.s32 s5;
	_ =	sdelay $0x1  }
0xa2: {  	s23 =	simm.s32 $0x1B8B  }
0xa3: {  	_ =	swait.ge [sflag:s23], $0x1  }
0xa4: {  	[sflag:s23] =	ssyncset.done $0x0  }
0xa5: {  	s25 =	simm.s32 $0x1B8E;
	s24 =	sld [smem:$0x3FFE];
	[sflag:s23] =	ssyncadd.s32 $0xFFFFFFFF  }
0xa6: {  	s26 =	simm.s32 $execute0_lowered;
	[smem:$0x3FD2] =	sst s25  }
0xa7: {  	s6 =	sshll.u32 s26, $0x1;
	_ =	strace $0x80000046;
	[dreg:$0x1] =	wrdreg $0xFFFFFFFF  }
0xa8: {  	s28 =	simm.s32 $_size_execute0_lowered;
	s4 =	sadd.s32 s4, s6;
	[dreg:$0x0] =	wrdreg $0x0  }
0xa9: {  	s6 =	sshll.u32 s28, $0x1;
	[dreg:$0x2] =	wrdreg s4  }
0xaa: {  	[dreg:$0x3] =	wrdreg s6  }
0xab: {  	[dreg:$0x4] =	wrdreg $0xC0  }
0xac: {  	_ =	task [dreg:s8], $0x5FFFF  }
0xad: {  	[dreg:$0x1] =	wrdreg $0xFFFFFFFF  }
0xae: {  	[dreg:$0x0] =	wrdreg $0x60  }
0xaf: {  	[dreg:$0x2] =	wrdreg s2  }
0xb0: {  	[dreg:$0x3] =	wrdreg s24  }
0xb1: {  	[dreg:$0x4] =	wrdreg s18  }
0xb2: {  	[dreg:$0x5] =	wrdreg $0x9  }
0xb3: {  	_ =	task.clear_ibuf [dreg:s8], $0x6FFFF;
	_ =	strace $0x90000046  }
0xb4: {  	s29 =	simm.s32 $0x9;
	_ =	strace $0x80000048  }
0xb5: {  	_ =	swait.ge [sflag:s29], $0x1  }
0xb6: {  	[sflag:s29] =	ssyncadd.s32 $0xFFFFFFFF  }
0xb7: {  	_ =	strace $0x90000048  }
0xb8: {  	_ =	sfence  }
0xb9: {  	s30 =	sld [smem:$0x0];
	_ =	sdelay $0x2  }
0xba: {  	s31 =	sshll.u32 s1, $0xD;
	s1 =	sshrl.u32 s1, $0x2  }
0xbb: {  	s3 =	sand.u32 $0x4000, s31;
	s1 =	sadd.s32 s1, s30  }
0xbc: {  	s0 =	sor.u32 s3, s0;
	s1 =	sshll.u32 s1, $0x11  }
0xbd: {  	s0 =	sor.u32 s1, s0  }
0xbe: {  	s0 =	sadd.s32 $0x8F2B, s0  }
0xbf: {  	[sflag:s0] =	ssyncadd.remote.s32 $0x1  }
0xc0: {  	_ =	sfence.sel $0xFFFF  }
0xc1: {  	[dreg:$0x0] =	wrdreg $0xFFFFFFFF;
	(pc) =	sbr.abs _section_cstart, $3  }
0xc2: {  	[dreg:$0x1] =	wrdreg $0xFFFFFFFF  }
0xc3: {  	_ =	task.clear_ibuf [dreg:s8], $0x2FFFF;
	_ =	strace $0x9FFFFFFF  }
0xc4: {  	(tm) =	ssettm $0x7FFFFFFF  }
0xc5: {  	_ =	shalt  }
tec
execute0_lowered:
.L_overlay_start_1:
0x0: {  	(tag) =	ssettag $0x1  }
0x1: {  	s1 =	rddreg [dreg:$0x0]  }
0x2: {  	s0 =	rddreg [dreg:$0x1]  }
0x3: {  	s2 =	rddreg [dreg:$0x2]  }
0x4: {  	s4 =	simm.s32 $0x0;
	s3 =	srdreg.scid;
	s5 =	stileid.u32  }
0x5: {  	s11 =	simm.s32 $0x9;
	s12 =	simm.s32 $0x4900;
	s14 =	simm.s32 $0x5300  }
0x6: {  	s16 =	simm.s32 $0x4B80;
	s18 =	simm.s32 $0x5580;
	s28 =	simm.s32 $0x6  }
0x7: {  	s29 =	simm.s32 $0x7;
	s30 =	simm.s32 $0x8;
	s3 =	sand.u32 $0x1, s3  }
0x8: {  	[smem:$0x7FF] =	sst s4;
	s6 =	sshll.u32 s5, $0x6;
	s7 =	sshll.u32 s3, $0x5  }
0x9: {  	s5 =	sadd.s32 $0x400, s0;
	s3 =	ssub.s32 $0x2, s3;
	s6 =	sor.u32 s7, s6  }
0xa: {  	_ =	strace $0x80000047;
	s8 =	sshrl.u32 s3, $0x1;
	s9 =	sshll.u32 s6, $0x7  }
0xb: {  	s10 =	smul.u32 $0x280, s6;
	s20 =	ssub.s32 s3, s8;
	s21 =	sadd.s32 s5, s9  }
0xc: {  	s7 =	sadd.s32 $0x20400, s0;
	s0 =	smax.u32 s20, $0x1;
	[dreg:$0x4] =	wrdreg s21  }
0xd: {  	s31 =	simm.s32 $0x0;
	s22 =	sadd.s32 s7, s10;
	[dreg:$0x6] =	wrdreg s0  }
0xe: {  	s3 =	simm.s32 $0x0;
	s23 =	sadd.s32 $0x80, s22;
	[dreg:$0x5] =	wrdreg s22  }
0xf: {  	s9 =	simm.s32 $0x5080;
	s24 =	sadd.s32 $0x100, s22;
	[dreg:$0x7] =	wrdreg s23  }
0x10: {  	s20 =	simm.s32 $0x1;
	s25 =	sadd.s32 $0x180, s22;
	[dreg:$0x8] =	wrdreg s24  }
0x11: {  	s21 =	simm.s32 $0x280;
	s26 =	sadd.s32 $0x200, s22;
	[dreg:$0x9] =	wrdreg s25  }
0x12: {  	s22 =	simm.s32 $0x2;
	[dreg:$0xa] =	wrdreg s26;
	s23 =	simm.s32 $0x3  }
0x13: {  	s24 =	simm.s32 $0x4;
	s25 =	simm.s32 $0x5800;
	s26 =	simm.s32 $0x5  }
.LBB2_1:
0x14: {  	[dreg:$0xb] =	wrdreg s3  }
0x15: {  	s0 =	rddreg [dreg:$0x4]  }
0x16: {  	[tilespmem:s4], [sflag:$0x9] =	stream.linear.gather [hbm4b:s0+s4], $0x280, $0x38;
	[tilespmem:$0x5880] =	vst v63  }
0x17: {  	_ =	swait.ge [sflag:s11], $0x280  }
0x18: {  	[sflag:s11] =	ssyncset.done $0x0  }
0x19: {  	s15 =	simm.s32 $0x400;
	s13 =	rddreg [dreg:$0x5];
	[sflag:s11] =	ssyncadd.s32 $0xFFFFFD80  }
0x1a: {  	[tilespmem:s15], [sflag:$0x9] =	stream.linear.gather [hbm4b:s13+s4], $0x300, $0x38;
	[tilespmem:$0x5880] =	vst v63  }
0x1b: {  	s19 =	simm.s32 $0x800;
	s17 =	rddreg [dreg:$0x7]  }
0x1c: {  	[tilespmem:s19], [sflag:$0x9] =	stream.linear.gather [hbm4b:s17+s4], $0x300, $0x38;
	[tilespmem:$0x5880] =	vst v63  }
0x1d: {  	s10 =	simm.s32 $0xC00;
	s8 =	rddreg [dreg:$0x8]  }
0x1e: {  	[tilespmem:s10], [sflag:$0x9] =	stream.linear.gather [hbm4b:s8+s4], $0x300, $0x38;
	[tilespmem:$0x5880] =	vst v63  }
0x1f: {  	s13 =	rddreg [dreg:$0x9];
	s15 =	simm.s32 $0x1000  }
0x20: {  	[tilespmem:s15], [sflag:$0x9] =	stream.linear.gather [hbm4b:s13+s4], $0x300, $0x38;
	[tilespmem:$0x5880] =	vst v63  }
0x21: {  	s17 =	rddreg [dreg:$0xa];
	s19 =	simm.s32 $0x1400  }
0x22: {  	[tilespmem:s19], [sflag:$0x9] =	stream.linear.gather [hbm4b:s17+s4], $0x300, $0x38;
	[tilespmem:$0x5880] =	vst v63  }
0x23: {  	_ =	swait.ge [sflag:s11], $0xF00  }
0x24: {  	[sflag:s11] =	ssyncset.done $0x0  }
0x25: {  	s3 =	simm.s32 $0x0;
	[sflag:s11] =	ssyncadd.s32 $0xFFFFF100  }
0x26: {  	v0 =	vld [tilespmem:s3+$0x0];
	_ =	sdelay $0x3  }
0x27: {  	s0 =	simm.s32 $0x1900  }
0x28: {  	[tilespmem:s0+$0xFFFFFF00] =	vst v0;
	v1 =	vadd.s32 $0x4080, v0  }
0x29: {  	v2 =	vadd.s32 $0x80, v0;
	[tilespmem:s0+$0x80] =	vst v1  }
0x2a: {  	v0 =	vadd.s32 $0x4000, v0;
	[tilespmem:s0+$0xFFFFFF80] =	vst v2  }
0x2b: {  	[tilespmem:s0+$0x0] =	vst v0  }
0x2c: {  	v0 =	vld [tilespmem:s3+$0x10];
	_ =	sdelay $0x4  }
0x2d: {  	[tilespmem:s0+$0xFFFFFF10] =	vst v0;
	v1 =	vadd.s32 $0x80, v0  }
0x2e: {  	v2 =	vadd.s32 $0x4000, v0;
	[tilespmem:s0+$0xFFFFFF90] =	vst v1  }
0x2f: {  	v0 =	vadd.s32 $0x4080, v0;
	[tilespmem:s0+$0x10] =	vst v2  }
0x30: {  	[tilespmem:s0+$0x90] =	vst v0  }
0x31: {  	v0 =	vld [tilespmem:s3+$0x20];
	_ =	sdelay $0x4  }
0x32: {  	[tilespmem:s0+$0xFFFFFF20] =	vst v0;
	v1 =	vadd.s32 $0x4000, v0  }
0x33: {  	v2 =	vadd.s32 $0x80, v0;
	[tilespmem:s0+$0x20] =	vst v1  }
0x34: {  	v0 =	vadd.s32 $0x4080, v0;
	[tilespmem:s0+$0xFFFFFFA0] =	vst v2  }
0x35: {  	[tilespmem:s0+$0xA0] =	vst v0  }
0x36: {  	v0 =	vld [tilespmem:s3+$0x30];
	_ =	sdelay $0x4  }
0x37: {  	[tilespmem:s0+$0xFFFFFF30] =	vst v0;
	v1 =	vadd.s32 $0x4000, v0  }
0x38: {  	v2 =	vadd.s32 $0x80, v0;
	[tilespmem:s0+$0x30] =	vst v1  }
0x39: {  	v0 =	vadd.s32 $0x4080, v0;
	[tilespmem:s0+$0xFFFFFFB0] =	vst v2  }
0x3a: {  	[tilespmem:s0+$0xB0] =	vst v0  }
0x3b: {  	v0 =	vld [tilespmem:s3+$0x40];
	_ =	sdelay $0x4  }
0x3c: {  	[tilespmem:s0+$0xFFFFFF40] =	vst v0;
	v1 =	vadd.s32 $0x4080, v0  }
0x3d: {  	v2 =	vadd.s32 $0x80, v0;
	[tilespmem:s0+$0xC0] =	vst v1  }
0x3e: {  	v0 =	vadd.s32 $0x4000, v0;
	[tilespmem:s0+$0xFFFFFFC0] =	vst v2  }
0x3f: {  	[tilespmem:s0+$0x40] =	vst v0  }
0x40: {  	v0 =	vld [tilespmem:s3+$0x50];
	_ =	sdelay $0x4  }
0x41: {  	[tilespmem:s0+$0xFFFFFF50] =	vst v0;
	v1 =	vadd.s32 $0x80, v0  }
0x42: {  	v2 =	vadd.s32 $0x4000, v0;
	[tilespmem:s0+$0xFFFFFFD0] =	vst v1  }
0x43: {  	v0 =	vadd.s32 $0x4080, v0;
	[tilespmem:s0+$0x50] =	vst v2  }
0x44: {  	[tilespmem:s0+$0xD0] =	vst v0  }
0x45: {  	s10 =	simm.s32 $0x200;
	s8 =	simm.s32 $0x1900;
	v0 =	vld [tilespmem:s3+$0x60]  }
.LBB2_2:
0x46: {  	p0 =	sne.s32 s10, $0x800  }
0x47: {  	s0 =	sadd.s32 $0x200, s0;
	s13 =	smov.u32 s10;
	s10 =	sadd.s32 $0x200, s10  }
0x48: {  	_ =	sdelay $0x2  }
0x49: {  	[tilespmem:s8+$0xFFFFFF60] =	vst v0;
	v1 =	vadd.s32 $0x80, v0;
	v2 =	vadd.s32 $0x4000, v0;
	v0 =	vadd.s32 $0x4080, v0  }
0x4a: {  	[tilespmem:s8+$0xE0] =	vst v0  }
0x4b: {  	[tilespmem:s8+$0xFFFFFFE0] =	vst v1  }
0x4c: {  	[tilespmem:s8+$0x60] =	vst v2  }
0x4d: {  	v0 =	vld [tilespmem:s3+$0x70];
	_ =	sdelay $0x4  }
0x4e: {  	[tilespmem:s8+$0xFFFFFF70] =	vst v0;
	v1 =	vadd.s32 $0x80, v0;
	v2 =	vadd.s32 $0x4000, v0;
	v0 =	vadd.s32 $0x4080, v0  }
0x4f: {  	[tilespmem:s8+$0xFFFFFFF0] =	vst v1  }
0x50: {  	[tilespmem:s8+$0xF0] =	vst v0  }
0x51: {  	s3 =	sshra.s32 s13, $0x2;
	[tilespmem:s8+$0x70] =	vst v2;
	s8 =	smov.u32 s0  }
0x52: {  	v0 =	vld [tilespmem:s3+$0x0];
	_ =	sdelay $0x4  }
0x53: {  	[tilespmem:s0+$0xFFFFFF00] =	vst v0;
	v1 =	vadd.s32 $0x80, v0;
	v2 =	vadd.s32 $0x4000, v0;
	v0 =	vadd.s32 $0x4080, v0  }
0x54: {  	[tilespmem:s0+$0x80] =	vst v0  }
0x55: {  	[tilespmem:s0+$0xFFFFFF80] =	vst v1  }
0x56: {  	[tilespmem:s0+$0x0] =	vst v2  }
0x57: {  	v0 =	vld [tilespmem:s3+$0x10];
	_ =	sdelay $0x4  }
0x58: {  	[tilespmem:s0+$0xFFFFFF10] =	vst v0;
	v1 =	vadd.s32 $0x80, v0;
	v2 =	vadd.s32 $0x4000, v0;
	v0 =	vadd.s32 $0x4080, v0  }
0x59: {  	[tilespmem:s0+$0xFFFFFF90] =	vst v1  }
0x5a: {  	[tilespmem:s0+$0x10] =	vst v2  }
0x5b: {  	[tilespmem:s0+$0x90] =	vst v0  }
0x5c: {  	v0 =	vld [tilespmem:s3+$0x20];
	_ =	sdelay $0x4  }
0x5d: {  	[tilespmem:s0+$0xFFFFFF20] =	vst v0;
	v1 =	vadd.s32 $0x80, v0;
	v2 =	vadd.s32 $0x4000, v0;
	v0 =	vadd.s32 $0x4080, v0  }
0x5e: {  	[tilespmem:s0+$0x20] =	vst v2  }
0x5f: {  	[tilespmem:s0+$0xFFFFFFA0] =	vst v1  }
0x60: {  	[tilespmem:s0+$0xA0] =	vst v0  }
0x61: {  	v0 =	vld [tilespmem:s3+$0x30];
	_ =	sdelay $0x4  }
0x62: {  	[tilespmem:s0+$0xFFFFFF30] =	vst v0;
	v1 =	vadd.s32 $0x80, v0;
	v2 =	vadd.s32 $0x4000, v0;
	v0 =	vadd.s32 $0x4080, v0  }
0x63: {  	[tilespmem:s0+$0x30] =	vst v2  }
0x64: {  	[tilespmem:s0+$0xFFFFFFB0] =	vst v1  }
0x65: {  	[tilespmem:s0+$0xB0] =	vst v0  }
0x66: {  	v0 =	vld [tilespmem:s3+$0x40];
	_ =	sdelay $0x4  }
0x67: {  	[tilespmem:s0+$0xFFFFFF40] =	vst v0;
	v1 =	vadd.s32 $0x80, v0;
	v2 =	vadd.s32 $0x4000, v0;
	v0 =	vadd.s32 $0x4080, v0  }
0x68: {  	[tilespmem:s0+$0xC0] =	vst v0  }
0x69: {  	[tilespmem:s0+$0xFFFFFFC0] =	vst v1  }
0x6a: {  	[tilespmem:s0+$0x40] =	vst v2  }
0x6b: {  	v0 =	vld [tilespmem:s3+$0x50];
	_ =	sdelay $0x4  }
.Ltmp0:
0x6c: {  	[tilespmem:s0+$0xFFFFFF50] =	vst v0;
	v1 =	vadd.s32 $0x80, v0;
	v2 =	vadd.s32 $0x4000, v0;
	v0 =	vadd.s32 $0x4080, v0;
	(pc) =	sbr.rel @p0 .LBB2_2-.Ltmp0, $4  }
0x6d: {  	[tilespmem:s0+$0xFFFFFFD0] =	vst v1  }
0x6e: {  	[tilespmem:s0+$0x50] =	vst v2  }
0x6f: {  	[tilespmem:s0+$0xD0] =	vst v0  }
0x70: {  	v0 =	vld [tilespmem:s3+$0x60]  }
0x71: {  	_ =	sdelay $0x3  }
0x72: {  	[tilespmem:s8+$0xFFFFFF60] =	vst v0;
	v1 =	vadd.s32 $0x4080, v0  }
0x73: {  	v2 =	vadd.s32 $0x80, v0;
	[tilespmem:s8+$0xE0] =	vst v1  }
0x74: {  	v61 =	vadd.s32 $0x4000, v0;
	[tilespmem:s8+$0xFFFFFFE0] =	vst v2  }
0x75: {  	[tilespmem:s8+$0x60] =	vst v61  }
0x76: {  	v0 =	vld [tilespmem:s3+$0x70];
	_ =	sdelay $0x4  }
0x77: {  	[tilespmem:s8+$0xFFFFFF70] =	vst v0;
	v62 =	vadd.s32 $0x80, v0  }
0x78: {  	v63 =	vadd.s32 $0x4080, v0;
	[tilespmem:s8+$0xFFFFFFF0] =	vst v62  }
0x79: {  	v0 =	vadd.s32 $0x4000, v0;
	[tilespmem:s8+$0xF0] =	vst v63  }
0x7a: {  	s0 =	simm.s32 $0x1800;
	s19 =	simm.s32 $0x2200;
	[tilespmem:s8+$0x70] =	vst v0  }
0x7b: {  	[tilespmem:s19], [sflag:$0x1] =	stream.indirect.gather [hbm4b:s1+s21], $0x1, s0, s21, $0xb8;
	[tilespmem:$0x5880] =	vst v63  }
0x7c: {  	s10 =	simm.s32 $0x2480;
	s8 =	simm.s32 $0x1A80  }
0x7d: {  	[tilespmem:s10], [sflag:$0x2] =	stream.indirect.gather [hbm4b:s1+s21], $0x1, s8, s21, $0xb8;
	[tilespmem:$0x5880] =	vst v63  }
0x7e: {  	s13 =	simm.s32 $0x1D00;
	s15 =	simm.s32 $0x2700  }
0x7f: {  	[tilespmem:s15], [sflag:$0x3] =	stream.indirect.gather [hbm4b:s1+s21], $0x1, s13, s21, $0xb8;
	[tilespmem:$0x5880] =	vst v63  }
0x80: {  	s17 =	simm.s32 $0x1F80;
	s19 =	simm.s32 $0x2980;
	s0 =	simm.s32 $0x0  }
0x81: {  	[tilespmem:s19], [sflag:$0x4] =	stream.indirect.gather [hbm4b:s1+s21], $0x1, s17, s21, $0xb8;
	[tilespmem:$0x5880] =	vst v63  }
.LBB2_4:
0x82: {  	s3 =	sshll.u32 s0, $0x1  }
0x83: {  	s8 =	sadd.s32 s6, s3  }
0x84: {  	s3 =	sor.u32 $0x1, s8  }
0x85: {  	s10 =	sshll.u32 s3, $0x7  }
0x86: {  	s10 =	sand.u32 $0x1FFFFF80, s10  }
0x87: {  	s13 =	simm.s32 $0x2C00;
	s10 =	sadd.s32 s5, s10  }
0x88: {  	[tilespmem:s13], [sflag:$0x9] =	stream.linear.gather [hbm4b:s10+s31], $0x280, $0x38;
	[tilespmem:$0x5880] =	vst v63  }
0x89: {  	s15 =	smul.u32 $0x280, s3;
	_ =	swait.ge [sflag:s11], $0x280  }
0x8a: {  	[sflag:s11] =	ssyncset.done $0x0  }
0x8b: {  	s17 =	simm.s32 $0x3000;
	s10 =	sadd.s32 s7, s15;
	[sflag:s11] =	ssyncadd.s32 $0xFFFFFD80  }
0x8c: {  	[tilespmem:s17], [sflag:$0x9] =	stream.linear.gather [hbm4b:s10+s31], $0x300, $0x38;
	[tilespmem:$0x5880] =	vst v63  }
0x8d: {  	s15 =	simm.s32 $0x3400;
	s19 =	sadd.s32 $0x80, s10  }
0x8e: {  	[tilespmem:s15], [sflag:$0x9] =	stream.linear.gather [hbm4b:s19+s31], $0x300, $0x38;
	[tilespmem:$0x5880] =	vst v63  }
0x8f: {  	s17 =	sadd.s32 $0x100, s10;
	s19 =	simm.s32 $0x3800  }
0x90: {  	[tilespmem:s19], [sflag:$0x9] =	stream.linear.gather [hbm4b:s17+s31], $0x300, $0x38;
	[tilespmem:$0x5880] =	vst v63  }
0x91: {  	s15 =	sadd.s32 $0x180, s10;
	s17 =	simm.s32 $0x3C00  }
0x92: {  	[tilespmem:s17], [sflag:$0x9] =	stream.linear.gather [hbm4b:s15+s31], $0x300, $0x38;
	[tilespmem:$0x5880] =	vst v63  }
0x93: {  	s10 =	sadd.s32 $0x200, s10;
	s19 =	simm.s32 $0x4000  }
0x94: {  	[tilespmem:s19], [sflag:$0x9] =	stream.linear.gather [hbm4b:s10+s31], $0x300, $0x38;
	[tilespmem:$0x5880] =	vst v63  }
0x95: {  	_ =	swait.ge [sflag:s11], $0xF00  }
0x96: {  	[sflag:s11] =	ssyncset.done $0x0  }
0x97: {  	s13 =	simm.s32 $0x0;
	[sflag:s11] =	ssyncadd.s32 $0xFFFFF100  }
0x98: {  	v0 =	vld [tilespmem:s13+$0x2C00];
	_ =	sdelay $0x3  }
0x99: {  	s10 =	simm.s32 $0x4500  }
0x9a: {  	[tilespmem:s10+$0xFFFFFF00] =	vst v0;
	v1 =	vadd.s32 $0x4080, v0  }
0x9b: {  	v2 =	vadd.s32 $0x80, v0;
	[tilespmem:s10+$0x80] =	vst v1  }
0x9c: {  	v0 =	vadd.s32 $0x4000, v0;
	[tilespmem:s10+$0xFFFFFF80] =	vst v2  }
0x9d: {  	[tilespmem:s10+$0x0] =	vst v0  }
0x9e: {  	v0 =	vld [tilespmem:s13+$0x2C10];
	_ =	sdelay $0x4  }
0x9f: {  	[tilespmem:s10+$0xFFFFFF10] =	vst v0;
	v1 =	vadd.s32 $0x80, v0  }
0xa0: {  	v2 =	vadd.s32 $0x4000, v0;
	[tilespmem:s10+$0xFFFFFF90] =	vst v1  }
0xa1: {  	v0 =	vadd.s32 $0x4080, v0;
	[tilespmem:s10+$0x10] =	vst v2  }
0xa2: {  	[tilespmem:s10+$0x90] =	vst v0  }
0xa3: {  	v0 =	vld [tilespmem:s13+$0x2C20];
	_ =	sdelay $0x4  }
0xa4: {  	[tilespmem:s10+$0xFFFFFF20] =	vst v0;
	v1 =	vadd.s32 $0x4000, v0  }
0xa5: {  	v2 =	vadd.s32 $0x80, v0;
	[tilespmem:s10+$0x20] =	vst v1  }
0xa6: {  	v0 =	vadd.s32 $0x4080, v0;
	[tilespmem:s10+$0xFFFFFFA0] =	vst v2  }
0xa7: {  	[tilespmem:s10+$0xA0] =	vst v0  }
0xa8: {  	v0 =	vld [tilespmem:s13+$0x2C30];
	_ =	sdelay $0x4  }
0xa9: {  	[tilespmem:s10+$0xFFFFFF30] =	vst v0;
	v1 =	vadd.s32 $0x4000, v0  }
0xaa: {  	v2 =	vadd.s32 $0x80, v0;
	[tilespmem:s10+$0x30] =	vst v1  }
0xab: {  	v0 =	vadd.s32 $0x4080, v0;
	[tilespmem:s10+$0xFFFFFFB0] =	vst v2  }
0xac: {  	[tilespmem:s10+$0xB0] =	vst v0  }
0xad: {  	v0 =	vld [tilespmem:s13+$0x2C40];
	_ =	sdelay $0x4  }
0xae: {  	[tilespmem:s10+$0xFFFFFF40] =	vst v0;
	v1 =	vadd.s32 $0x4080, v0  }
0xaf: {  	v2 =	vadd.s32 $0x80, v0;
	[tilespmem:s10+$0xC0] =	vst v1  }
0xb0: {  	v0 =	vadd.s32 $0x4000, v0;
	[tilespmem:s10+$0xFFFFFFC0] =	vst v2  }
0xb1: {  	[tilespmem:s10+$0x40] =	vst v0  }
0xb2: {  	v0 =	vld [tilespmem:s13+$0x2C50];
	_ =	sdelay $0x4  }
0xb3: {  	[tilespmem:s10+$0xFFFFFF50] =	vst v0;
	v1 =	vadd.s32 $0x80, v0  }
0xb4: {  	v2 =	vadd.s32 $0x4000, v0;
	[tilespmem:s10+$0xFFFFFFD0] =	vst v1  }
0xb5: {  	v0 =	vadd.s32 $0x4080, v0;
	[tilespmem:s10+$0x50] =	vst v2  }
0xb6: {  	[tilespmem:s10+$0xD0] =	vst v0  }
0xb7: {  	s17 =	simm.s32 $0x200;
	s15 =	simm.s32 $0x4500;
	v0 =	vld [tilespmem:s13+$0x2C60]  }
.LBB2_5:
0xb8: {  	p0 =	sne.s32 s17, $0x800  }
0xb9: {  	s10 =	sadd.s32 $0x200, s10;
	s19 =	smov.u32 s17;
	s17 =	sadd.s32 $0x200, s17  }
0xba: {  	_ =	sdelay $0x2  }
0xbb: {  	[tilespmem:s15+$0xFFFFFF60] =	vst v0;
	v1 =	vadd.s32 $0x80, v0;
	v2 =	vadd.s32 $0x4000, v0;
	v0 =	vadd.s32 $0x4080, v0  }
0xbc: {  	[tilespmem:s15+$0xE0] =	vst v0  }
0xbd: {  	[tilespmem:s15+$0xFFFFFFE0] =	vst v1  }
0xbe: {  	[tilespmem:s15+$0x60] =	vst v2  }
0xbf: {  	v0 =	vld [tilespmem:s13+$0x2C70];
	_ =	sdelay $0x4  }
0xc0: {  	[tilespmem:s15+$0xFFFFFF70] =	vst v0;
	v1 =	vadd.s32 $0x80, v0;
	v2 =	vadd.s32 $0x4000, v0;
	v0 =	vadd.s32 $0x4080, v0  }
0xc1: {  	[tilespmem:s15+$0xFFFFFFF0] =	vst v1  }
0xc2: {  	[tilespmem:s15+$0xF0] =	vst v0  }
0xc3: {  	s13 =	sshra.s32 s19, $0x2;
	[tilespmem:s15+$0x70] =	vst v2;
	s15 =	smov.u32 s10  }
0xc4: {  	v0 =	vld [tilespmem:s13+$0x2C00];
	_ =	sdelay $0x4  }
0xc5: {  	[tilespmem:s10+$0xFFFFFF00] =	vst v0;
	v1 =	vadd.s32 $0x80, v0;
	v2 =	vadd.s32 $0x4000, v0;
	v0 =	vadd.s32 $0x4080, v0  }
0xc6: {  	[tilespmem:s10+$0x80] =	vst v0  }
0xc7: {  	[tilespmem:s10+$0xFFFFFF80] =	vst v1  }
0xc8: {  	[tilespmem:s10+$0x0] =	vst v2  }
0xc9: {  	v0 =	vld [tilespmem:s13+$0x2C10];
	_ =	sdelay $0x4  }
0xca: {  	[tilespmem:s10+$0xFFFFFF10] =	vst v0;
	v1 =	vadd.s32 $0x80, v0;
	v2 =	vadd.s32 $0x4000, v0;
	v0 =	vadd.s32 $0x4080, v0  }
0xcb: {  	[tilespmem:s10+$0xFFFFFF90] =	vst v1  }
0xcc: {  	[tilespmem:s10+$0x10] =	vst v2  }
0xcd: {  	[tilespmem:s10+$0x90] =	vst v0  }
0xce: {  	v0 =	vld [tilespmem:s13+$0x2C20];
	_ =	sdelay $0x4  }
0xcf: {  	[tilespmem:s10+$0xFFFFFF20] =	vst v0;
	v1 =	vadd.s32 $0x80, v0;
	v2 =	vadd.s32 $0x4000, v0;
	v0 =	vadd.s32 $0x4080, v0  }
0xd0: {  	[tilespmem:s10+$0x20] =	vst v2  }
0xd1: {  	[tilespmem:s10+$0xFFFFFFA0] =	vst v1  }
0xd2: {  	[tilespmem:s10+$0xA0] =	vst v0  }
0xd3: {  	v0 =	vld [tilespmem:s13+$0x2C30];
	_ =	sdelay $0x4  }
0xd4: {  	[tilespmem:s10+$0xFFFFFF30] =	vst v0;
	v1 =	vadd.s32 $0x80, v0;
	v2 =	vadd.s32 $0x4000, v0;
	v0 =	vadd.s32 $0x4080, v0  }
0xd5: {  	[tilespmem:s10+$0x30] =	vst v2  }
0xd6: {  	[tilespmem:s10+$0xFFFFFFB0] =	vst v1  }
0xd7: {  	[tilespmem:s10+$0xB0] =	vst v0  }
0xd8: {  	v0 =	vld [tilespmem:s13+$0x2C40];
	_ =	sdelay $0x4  }
0xd9: {  	[tilespmem:s10+$0xFFFFFF40] =	vst v0;
	v1 =	vadd.s32 $0x80, v0;
	v2 =	vadd.s32 $0x4000, v0;
	v0 =	vadd.s32 $0x4080, v0  }
0xda: {  	[tilespmem:s10+$0xC0] =	vst v0  }
0xdb: {  	[tilespmem:s10+$0xFFFFFFC0] =	vst v1  }
0xdc: {  	[tilespmem:s10+$0x40] =	vst v2  }
0xdd: {  	v0 =	vld [tilespmem:s13+$0x2C50];
	_ =	sdelay $0x4  }
.Ltmp1:
0xde: {  	[tilespmem:s10+$0xFFFFFF50] =	vst v0;
	v1 =	vadd.s32 $0x80, v0;
	v2 =	vadd.s32 $0x4000, v0;
	v0 =	vadd.s32 $0x4080, v0;
	(pc) =	sbr.rel @p0 .LBB2_5-.Ltmp1, $4  }
0xdf: {  	[tilespmem:s10+$0xFFFFFFD0] =	vst v1  }
0xe0: {  	[tilespmem:s10+$0x50] =	vst v2  }
0xe1: {  	[tilespmem:s10+$0xD0] =	vst v0  }
0xe2: {  	v0 =	vld [tilespmem:s13+$0x2C60]  }
0xe3: {  	_ =	sdelay $0x3  }
0xe4: {  	[tilespmem:s15+$0xFFFFFF60] =	vst v0;
	v1 =	vadd.s32 $0x4080, v0  }
0xe5: {  	v2 =	vadd.s32 $0x80, v0;
	[tilespmem:s15+$0xE0] =	vst v1  }
0xe6: {  	v0 =	vadd.s32 $0x4000, v0;
	[tilespmem:s15+$0xFFFFFFE0] =	vst v2  }
0xe7: {  	[tilespmem:s15+$0x60] =	vst v0  }
0xe8: {  	v0 =	vld [tilespmem:s13+$0x2C70];
	_ =	sdelay $0x4  }
0xe9: {  	[tilespmem:s15+$0xFFFFFF70] =	vst v0;
	v1 =	vadd.s32 $0x80, v0  }
0xea: {  	v2 =	vadd.s32 $0x4080, v0;
	[tilespmem:s15+$0xFFFFFFF0] =	vst v1  }
0xeb: {  	v0 =	vadd.s32 $0x4000, v0;
	[tilespmem:s15+$0xF0] =	vst v2  }
0xec: {  	s10 =	simm.s32 $0x4400;
	s19 =	simm.s32 $0x4E00;
	[tilespmem:s15+$0x70] =	vst v0  }
0xed: {  	[tilespmem:s19], [sflag:$0x5] =	stream.indirect.gather [hbm4b:s1+s21], $0x1, s10, s21, $0xb8;
	[tilespmem:$0x5880] =	vst v63  }
0xee: {  	s15 =	simm.s32 $0x4680  }
0xef: {  	[tilespmem:s9], [sflag:$0x6] =	stream.indirect.gather [hbm4b:s1+s21], $0x1, s15, s21, $0xb8;
	[tilespmem:$0x5880] =	vst v63  }
0xf0: {  	_ = 	snop  }
0xf1: {  	[tilespmem:s14], [sflag:$0x7] =	stream.indirect.gather [hbm4b:s1+s21], $0x1, s12, s21, $0xb8;
	[tilespmem:$0x5880] =	vst v63  }
0xf2: {  	_ = 	snop  }
0xf3: {  	[tilespmem:s18], [sflag:$0x8] =	stream.indirect.gather [hbm4b:s1+s21], $0x1, s16, s21, $0xb8;
	[tilespmem:$0x5880] =	vst v63  }
0xf4: {  	_ =	swait.ge [sflag:s20], $0x280  }
0xf5: {  	[sflag:s20] =	ssyncset.done $0x0  }
0xf6: {  	[sflag:s20] =	ssyncadd.s32 $0xFFFFFD80  }
0xf7: {  	_ =	swait.ge [sflag:s22], $0x280  }
0xf8: {  	[sflag:s22] =	ssyncset.done $0x0  }
0xf9: {  	[sflag:s22] =	ssyncadd.s32 $0xFFFFFD80  }
0xfa: {  	_ =	swait.ge [sflag:s23], $0x280  }
0xfb: {  	[sflag:s23] =	ssyncset.done $0x0  }
0xfc: {  	[sflag:s23] =	ssyncadd.s32 $0xFFFFFD80  }
0xfd: {  	_ =	swait.ge [sflag:s24], $0x280  }
0xfe: {  	[sflag:s24] =	ssyncset.done $0x0  }
0xff: {  	s17 =	simm.s32 $0x580;
	[sflag:s24] =	ssyncadd.s32 $0xFFFFFD80  }
0x100: {  	s19 =	simm.s32 $0x0;
	v7 =	vld [tilespmem:s17+$0xFFFFFF80]  }
0x101: {  	v4 =	vld [tilespmem:s19+$0x2280]  }
0x102: {  	v2 =	vld [tilespmem:s19+$0x2200]  }
0x103: {  	v8 =	vld [tilespmem:s19+$0x2300]  }
0x104: {  	v11 =	vld [tilespmem:s17+$0x0]  }
0x105: {  	v5 =	vld [tilespmem:s17+$0x80]  }
0x106: {  	v3 =	vld [tilespmem:s17+$0x100]  }
0x107: {  	v6 =	vld [tilespmem:s19+$0x2380]  }
0x108: {  	v1 =	vld [tilespmem:s17+$0xFFFFFF00];
	v9 =	vshll.u32 v2, $0x10;
	v10 =	vand.u32 $0xFFFF0000, v2;
	v12 =	vshll.u32 v4, $0x10  }
0x109: {  	s10 =	simm.s32 $0x980;
	v2 =	vld [tilespmem:s17+$0xFFFFFE80];
	v13 =	vmul.f32 v9, v7;
	v14 =	vmul.f32 v10, v11;
	v9 =	vshll.u32 v8, $0x10  }
0x10a: {  	s13 =	simm.s32 $0x200;
	v15 =	vand.u32 $0xFFFF0000, v4;
	v4 =	vld [tilespmem:s10+$0xFFFFFF80];
	v9 =	vmul.f32 v9, v7;
	v7 =	vand.u32 $0xFFFF0000, v8  }
0x10b: {  	v10 =	vmul.f32 v12, v5;
	v8 =	vld [tilespmem:s13+$0x2280];
	v13 =	vadd.f32 v14, v13;
	v12 =	vmul.f32 v7, v11  }
0x10c: {  	v0 =	vimm.f32 $0.0e+00;
	s15 =	simm.s32 $0x1000;
	v7 =	vld [tilespmem:s13+$0x2200];
	v11 =	vmul.f32 v15, v3;
	v14 =	vshll.u32 v6, $0x10  }
.LBB2_7:
0x10d: {  	p0 =	sne.s32 s15, $0x2000;
	v15 =	vld [tilespmem:s13+$0x2300];
	v10 =	vadd.f32 v10, v13;
	v9 =	vadd.f32 v12, v9;
	v12 =	vmul.f32 v14, v5;
	v13 =	vmovc v1  }
0x10e: {  	v1 =	vand.u32 $0xFFFF0000, v6;
	v14 =	vld [tilespmem:s10+$0x0]  }
0x10f: {  	v1 =	vmul.f32 v1, v3;
	v5 =	vld [tilespmem:s10+$0x80];
	v10 =	vadd.f32 v10, v11;
	v9 =	vadd.f32 v12, v9  }
0x110: {  	v3 =	vld [tilespmem:s10+$0x100];
	v11 =	vshll.u32 v8, $0x10;
	v16 =	vand.u32 $0xFFFF0000, v8  }
0x111: {  	v6 =	vld [tilespmem:s13+$0x2380];
	v8 =	vshll.u32 v7, $0x10;
	v9 =	vadd.f32 v9, v1;
	v10 =	vmul.f32 v10, v2  }
.Ltmp2:
0x112: {  	v7 =	vand.u32 $0xFFFF0000, v7;
	v1 =	vld [tilespmem:s10+$0xFFFFFF00];
	v12 =	vmul.f32 v8, v4;
	v8 =	vshll.u32 v15, $0x10;
	(pc) =	sbr.rel @p0 .LBB2_7-.Ltmp2, $4  }
0x113: {  	v2 =	vld [tilespmem:s10+$0xFFFFFE80];
	v7 =	vmul.f32 v7, v14;
	s10 =	sadd.s32 $0x400, s10;
	v0 =	vadd.f32 v10, v0;
	v17 =	vmul.f32 v9, v13  }
0x114: {  	s13 =	sshra.s32 s15, $0x2;
	v9 =	vmul.f32 v8, v4;
	v10 =	vmul.f32 v11, v5;
	v4 =	vld [tilespmem:s10+$0xFFFFFF80];
	v11 =	vand.u32 $0xFFFF0000, v15  }
0x115: {  	v8 =	vld [tilespmem:s13+$0x2280];
	v13 =	vadd.f32 v7, v12;
	v12 =	vmul.f32 v11, v14;
	v0 =	vadd.f32 v17, v0  }
0x116: {  	s15 =	sadd.s32 $0x800, s15;
	v11 =	vmul.f32 v16, v3;
	v7 =	vld [tilespmem:s13+$0x2200];
	v14 =	vshll.u32 v6, $0x10  }
0x117: {  	v15 =	vld [tilespmem:s13+$0x2300]  }
0x118: {  	v10 =	vadd.f32 v10, v13;
	v13 =	vld [tilespmem:s10+$0x0]  }
0x119: {  	v9 =	vadd.f32 v12, v9;
	v5 =	vmul.f32 v14, v5;
	v12 =	vld [tilespmem:s10+$0x80]  }
0x11a: {  	v6 =	vand.u32 $0xFFFF0000, v6;
	v10 =	vadd.f32 v10, v11;
	v11 =	vld [tilespmem:s10+$0x100]  }
0x11b: {  	v3 =	vmul.f32 v6, v3;
	v5 =	vadd.f32 v5, v9;
	v9 =	vld [tilespmem:s13+$0x2380];
	v6 =	vshll.u32 v8, $0x10  }
0x11c: {  	v8 =	vand.u32 $0xFFFF0000, v8;
	v14 =	vshll.u32 v7, $0x10;
	v7 =	vand.u32 $0xFFFF0000, v7  }
0x11d: {  	v3 =	vadd.f32 v5, v3;
	v5 =	vmul.f32 v14, v4;
	v7 =	vmul.f32 v7, v13  }
0x11e: {  	v14 =	vshll.u32 v15, $0x10;
	v6 =	vmul.f32 v6, v12;
	v15 =	vand.u32 $0xFFFF0000, v15  }
0x11f: {  	v4 =	vmul.f32 v14, v4;
	v5 =	vadd.f32 v7, v5;
	v7 =	vmul.f32 v15, v13  }
0x120: {  	v2 =	vmul.f32 v10, v2;
	v10 =	vld [tilespmem:s10+$0xFFFFFE80];
	v8 =	vmul.f32 v8, v11;
	v13 =	vshll.u32 v9, $0x10  }
0x121: {  	v5 =	vadd.f32 v6, v5;
	v4 =	vadd.f32 v7, v4;
	v6 =	vmul.f32 v13, v12  }
0x122: {  	v0 =	vadd.f32 v2, v0;
	v1 =	vmul.f32 v3, v1;
	v2 =	vand.u32 $0xFFFF0000, v9;
	v7 =	vld [tilespmem:s10+$0xFFFFFF00]  }
0x123: {  	v2 =	vmul.f32 v2, v11;
	v3 =	vadd.f32 v5, v8;
	v4 =	vadd.f32 v6, v4;
	_ =	sdelay $0x1  }
0x124: {  	v0 =	vadd.f32 v1, v0;
	v1 =	vadd.f32 v4, v2;
	v2 =	vmul.f32 v3, v10;
	_ =	sdelay $0x1  }
0x125: {  	v0 =	vadd.f32 v2, v0;
	v1 =	vmul.f32 v1, v7;
	_ =	sdelay $0x1  }
0x126: {  	v0 =	vadd.f32 v1, v0;
	_ =	sdelay $0x1  }
0x127: {  	s17 =	simm.s32 $0x590;
	[tilespmem:$0x5800] =	vst v0  }
0x128: {  	s19 =	simm.s32 $0x0;
	v7 =	vld [tilespmem:s17+$0xFFFFFF80]  }
0x129: {  	v4 =	vld [tilespmem:s19+$0x2290]  }
0x12a: {  	v2 =	vld [tilespmem:s19+$0x2210]  }
0x12b: {  	v8 =	vld [tilespmem:s19+$0x2310]  }
0x12c: {  	v11 =	vld [tilespmem:s17+$0x0]  }
0x12d: {  	v5 =	vld [tilespmem:s17+$0x80]  }
0x12e: {  	v3 =	vld [tilespmem:s17+$0x100]  }
0x12f: {  	v6 =	vld [tilespmem:s19+$0x2390]  }
0x130: {  	v1 =	vld [tilespmem:s17+$0xFFFFFF00];
	v9 =	vshll.u32 v2, $0x10;
	v10 =	vand.u32 $0xFFFF0000, v2;
	v12 =	vshll.u32 v4, $0x10  }
0x131: {  	s10 =	simm.s32 $0x990;
	v2 =	vld [tilespmem:s17+$0xFFFFFE80];
	v13 =	vmul.f32 v9, v7;
	v14 =	vmul.f32 v10, v11;
	v9 =	vshll.u32 v8, $0x10  }
0x132: {  	s13 =	simm.s32 $0x200;
	v15 =	vand.u32 $0xFFFF0000, v4;
	v4 =	vld [tilespmem:s10+$0xFFFFFF80];
	v9 =	vmul.f32 v9, v7;
	v7 =	vand.u32 $0xFFFF0000, v8  }
0x133: {  	v10 =	vmul.f32 v12, v5;
	v8 =	vld [tilespmem:s13+$0x2290];
	v13 =	vadd.f32 v14, v13;
	v12 =	vmul.f32 v7, v11  }
0x134: {  	s15 =	simm.s32 $0x1000;
	v0 =	vimm.f32 $0.0e+00;
	v7 =	vld [tilespmem:s13+$0x2210];
	v11 =	vmul.f32 v15, v3;
	v14 =	vshll.u32 v6, $0x10  }
.LBB2_9:
0x135: {  	p0 =	sne.s32 s15, $0x2000;
	v15 =	vld [tilespmem:s13+$0x2310];
	v10 =	vadd.f32 v10, v13;
	v9 =	vadd.f32 v12, v9;
	v12 =	vmul.f32 v14, v5;
	v13 =	vmovc v1  }
0x136: {  	v1 =	vand.u32 $0xFFFF0000, v6;
	v14 =	vld [tilespmem:s10+$0x0]  }
0x137: {  	v1 =	vmul.f32 v1, v3;
	v5 =	vld [tilespmem:s10+$0x80];
	v10 =	vadd.f32 v10, v11;
	v9 =	vadd.f32 v12, v9  }
0x138: {  	v3 =	vld [tilespmem:s10+$0x100];
	v11 =	vshll.u32 v8, $0x10;
	v16 =	vand.u32 $0xFFFF0000, v8  }
0x139: {  	v6 =	vld [tilespmem:s13+$0x2390];
	v8 =	vshll.u32 v7, $0x10;
	v9 =	vadd.f32 v9, v1;
	v10 =	vmul.f32 v10, v2  }
.Ltmp3:
0x13a: {  	v7 =	vand.u32 $0xFFFF0000, v7;
	v1 =	vld [tilespmem:s10+$0xFFFFFF00];
	v12 =	vmul.f32 v8, v4;
	v8 =	vshll.u32 v15, $0x10;
	(pc) =	sbr.rel @p0 .LBB2_9-.Ltmp3, $4  }
0x13b: {  	v2 =	vld [tilespmem:s10+$0xFFFFFE80];
	v7 =	vmul.f32 v7, v14;
	s10 =	sadd.s32 $0x400, s10;
	v0 =	vadd.f32 v10, v0;
	v17 =	vmul.f32 v9, v13  }
0x13c: {  	s13 =	sshra.s32 s15, $0x2;
	v9 =	vmul.f32 v8, v4;
	v10 =	vmul.f32 v11, v5;
	v4 =	vld [tilespmem:s10+$0xFFFFFF80];
	v11 =	vand.u32 $0xFFFF0000, v15  }
0x13d: {  	v8 =	vld [tilespmem:s13+$0x2290];
	v13 =	vadd.f32 v7, v12;
	v12 =	vmul.f32 v11, v14;
	v0 =	vadd.f32 v17, v0  }
0x13e: {  	s15 =	sadd.s32 $0x800, s15;
	v11 =	vmul.f32 v16, v3;
	v7 =	vld [tilespmem:s13+$0x2210];
	v14 =	vshll.u32 v6, $0x10  }
0x13f: {  	v15 =	vld [tilespmem:s13+$0x2310]  }
0x140: {  	v10 =	vadd.f32 v10, v13;
	v13 =	vld [tilespmem:s10+$0x0]  }
0x141: {  	v9 =	vadd.f32 v12, v9;
	v5 =	vmul.f32 v14, v5;
	v12 =	vld [tilespmem:s10+$0x80]  }
0x142: {  	v6 =	vand.u32 $0xFFFF0000, v6;
	v10 =	vadd.f32 v10, v11;
	v11 =	vld [tilespmem:s10+$0x100]  }
0x143: {  	v3 =	vmul.f32 v6, v3;
	v5 =	vadd.f32 v5, v9;
	v9 =	vld [tilespmem:s13+$0x2390];
	v6 =	vshll.u32 v8, $0x10  }
0x144: {  	v8 =	vand.u32 $0xFFFF0000, v8;
	v14 =	vshll.u32 v7, $0x10;
	v7 =	vand.u32 $0xFFFF0000, v7  }
0x145: {  	v3 =	vadd.f32 v5, v3;
	v5 =	vmul.f32 v14, v4;
	v7 =	vmul.f32 v7, v13  }
0x146: {  	v14 =	vshll.u32 v15, $0x10;
	v6 =	vmul.f32 v6, v12;
	v15 =	vand.u32 $0xFFFF0000, v15  }
0x147: {  	v4 =	vmul.f32 v14, v4;
	v5 =	vadd.f32 v7, v5;
	v7 =	vmul.f32 v15, v13  }
0x148: {  	v2 =	vmul.f32 v10, v2;
	v10 =	vld [tilespmem:s10+$0xFFFFFE80];
	v8 =	vmul.f32 v8, v11;
	v13 =	vshll.u32 v9, $0x10  }
0x149: {  	v5 =	vadd.f32 v6, v5;
	v4 =	vadd.f32 v7, v4;
	v6 =	vmul.f32 v13, v12  }
0x14a: {  	v0 =	vadd.f32 v2, v0;
	v1 =	vmul.f32 v3, v1;
	v2 =	vand.u32 $0xFFFF0000, v9;
	v7 =	vld [tilespmem:s10+$0xFFFFFF00]  }
0x14b: {  	v2 =	vmul.f32 v2, v11;
	v3 =	vadd.f32 v5, v8;
	v4 =	vadd.f32 v6, v4;
	_ =	sdelay $0x1  }
0x14c: {  	v0 =	vadd.f32 v1, v0;
	v1 =	vadd.f32 v4, v2;
	v2 =	vmul.f32 v3, v10;
	_ =	sdelay $0x1  }
0x14d: {  	v0 =	vadd.f32 v2, v0;
	v1 =	vmul.f32 v1, v7;
	_ =	sdelay $0x1  }
0x14e: {  	v0 =	vadd.f32 v1, v0;
	_ =	sdelay $0x1  }
0x14f: {  	s17 =	simm.s32 $0x5A0;
	[tilespmem:$0x5810] =	vst v0  }
0x150: {  	s19 =	simm.s32 $0x0;
	v7 =	vld [tilespmem:s17+$0xFFFFFF80]  }
0x151: {  	v4 =	vld [tilespmem:s19+$0x22A0]  }
0x152: {  	v2 =	vld [tilespmem:s19+$0x2220]  }
0x153: {  	v8 =	vld [tilespmem:s19+$0x2320]  }
0x154: {  	v11 =	vld [tilespmem:s17+$0x0]  }
0x155: {  	v5 =	vld [tilespmem:s17+$0x80]  }
0x156: {  	v3 =	vld [tilespmem:s17+$0x100]  }
0x157: {  	v6 =	vld [tilespmem:s19+$0x23A0]  }
0x158: {  	v1 =	vld [tilespmem:s17+$0xFFFFFF00];
	v9 =	vshll.u32 v2, $0x10;
	v10 =	vand.u32 $0xFFFF0000, v2;
	v12 =	vshll.u32 v4, $0x10  }
0x159: {  	s10 =	simm.s32 $0x9A0;
	v2 =	vld [tilespmem:s17+$0xFFFFFE80];
	v13 =	vmul.f32 v9, v7;
	v14 =	vmul.f32 v10, v11;
	v9 =	vshll.u32 v8, $0x10  }
0x15a: {  	s13 =	simm.s32 $0x200;
	v15 =	vand.u32 $0xFFFF0000, v4;
	v4 =	vld [tilespmem:s10+$0xFFFFFF80];
	v9 =	vmul.f32 v9, v7;
	v7 =	vand.u32 $0xFFFF0000, v8  }
0x15b: {  	v10 =	vmul.f32 v12, v5;
	v8 =	vld [tilespmem:s13+$0x22A0];
	v13 =	vadd.f32 v14, v13;
	v12 =	vmul.f32 v7, v11  }
0x15c: {  	s15 =	simm.s32 $0x1000;
	v0 =	vimm.f32 $0.0e+00;
	v7 =	vld [tilespmem:s13+$0x2220];
	v11 =	vmul.f32 v15, v3;
	v14 =	vshll.u32 v6, $0x10  }
.LBB2_11:
0x15d: {  	p0 =	sne.s32 s15, $0x2000;
	v15 =	vld [tilespmem:s13+$0x2320];
	v10 =	vadd.f32 v10, v13;
	v9 =	vadd.f32 v12, v9;
	v12 =	vmul.f32 v14, v5;
	v13 =	vmovc v1  }
0x15e: {  	v1 =	vand.u32 $0xFFFF0000, v6;
	v14 =	vld [tilespmem:s10+$0x0]  }
0x15f: {  	v1 =	vmul.f32 v1, v3;
	v5 =	vld [tilespmem:s10+$0x80];
	v10 =	vadd.f32 v10, v11;
	v9 =	vadd.f32 v12, v9  }
0x160: {  	v3 =	vld [tilespmem:s10+$0x100];
	v11 =	vshll.u32 v8, $0x10;
	v16 =	vand.u32 $0xFFFF0000, v8  }
0x161: {  	v6 =	vld [tilespmem:s13+$0x23A0];
	v8 =	vshll.u32 v7, $0x10;
	v9 =	vadd.f32 v9, v1;
	v10 =	vmul.f32 v10, v2  }
.Ltmp4:
0x162: {  	v7 =	vand.u32 $0xFFFF0000, v7;
	v1 =	vld [tilespmem:s10+$0xFFFFFF00];
	v12 =	vmul.f32 v8, v4;
	v8 =	vshll.u32 v15, $0x10;
	(pc) =	sbr.rel @p0 .LBB2_11-.Ltmp4, $4  }
0x163: {  	v2 =	vld [tilespmem:s10+$0xFFFFFE80];
	v7 =	vmul.f32 v7, v14;
	s10 =	sadd.s32 $0x400, s10;
	v0 =	vadd.f32 v10, v0;
	v17 =	vmul.f32 v9, v13  }
0x164: {  	s13 =	sshra.s32 s15, $0x2;
	v9 =	vmul.f32 v8, v4;
	v10 =	vmul.f32 v11, v5;
	v4 =	vld [tilespmem:s10+$0xFFFFFF80];
	v11 =	vand.u32 $0xFFFF0000, v15  }
0x165: {  	v8 =	vld [tilespmem:s13+$0x22A0];
	v13 =	vadd.f32 v7, v12;
	v12 =	vmul.f32 v11, v14;
	v0 =	vadd.f32 v17, v0  }
0x166: {  	s15 =	sadd.s32 $0x800, s15;
	v11 =	vmul.f32 v16, v3;
	v7 =	vld [tilespmem:s13+$0x2220];
	v14 =	vshll.u32 v6, $0x10  }
0x167: {  	v15 =	vld [tilespmem:s13+$0x2320]  }
0x168: {  	v10 =	vadd.f32 v10, v13;
	v13 =	vld [tilespmem:s10+$0x0]  }
0x169: {  	v9 =	vadd.f32 v12, v9;
	v5 =	vmul.f32 v14, v5;
	v12 =	vld [tilespmem:s10+$0x80]  }
0x16a: {  	v6 =	vand.u32 $0xFFFF0000, v6;
	v10 =	vadd.f32 v10, v11;
	v11 =	vld [tilespmem:s10+$0x100]  }
0x16b: {  	v3 =	vmul.f32 v6, v3;
	v5 =	vadd.f32 v5, v9;
	v9 =	vld [tilespmem:s13+$0x23A0];
	v6 =	vshll.u32 v8, $0x10  }
0x16c: {  	v8 =	vand.u32 $0xFFFF0000, v8;
	v14 =	vshll.u32 v7, $0x10;
	v7 =	vand.u32 $0xFFFF0000, v7  }
0x16d: {  	v3 =	vadd.f32 v5, v3;
	v5 =	vmul.f32 v14, v4;
	v7 =	vmul.f32 v7, v13  }
0x16e: {  	v14 =	vshll.u32 v15, $0x10;
	v6 =	vmul.f32 v6, v12;
	v15 =	vand.u32 $0xFFFF0000, v15  }
0x16f: {  	v4 =	vmul.f32 v14, v4;
	v5 =	vadd.f32 v7, v5;
	v7 =	vmul.f32 v15, v13  }
0x170: {  	v2 =	vmul.f32 v10, v2;
	v10 =	vld [tilespmem:s10+$0xFFFFFE80];
	v8 =	vmul.f32 v8, v11;
	v13 =	vshll.u32 v9, $0x10  }
0x171: {  	v5 =	vadd.f32 v6, v5;
	v4 =	vadd.f32 v7, v4;
	v6 =	vmul.f32 v13, v12  }
0x172: {  	v0 =	vadd.f32 v2, v0;
	v1 =	vmul.f32 v3, v1;
	v2 =	vand.u32 $0xFFFF0000, v9;
	v7 =	vld [tilespmem:s10+$0xFFFFFF00]  }
0x173: {  	v2 =	vmul.f32 v2, v11;
	v3 =	vadd.f32 v5, v8;
	v4 =	vadd.f32 v6, v4;
	_ =	sdelay $0x1  }
0x174: {  	v0 =	vadd.f32 v1, v0;
	v1 =	vadd.f32 v4, v2;
	v2 =	vmul.f32 v3, v10;
	_ =	sdelay $0x1  }
0x175: {  	v0 =	vadd.f32 v2, v0;
	v1 =	vmul.f32 v1, v7;
	_ =	sdelay $0x1  }
0x176: {  	v0 =	vadd.f32 v1, v0;
	_ =	sdelay $0x1  }
0x177: {  	s17 =	simm.s32 $0x5B0;
	[tilespmem:$0x5820] =	vst v0  }
0x178: {  	s19 =	simm.s32 $0x0;
	v7 =	vld [tilespmem:s17+$0xFFFFFF80]  }
0x179: {  	v4 =	vld [tilespmem:s19+$0x22B0]  }
0x17a: {  	v2 =	vld [tilespmem:s19+$0x2230]  }
0x17b: {  	v8 =	vld [tilespmem:s19+$0x2330]  }
0x17c: {  	v11 =	vld [tilespmem:s17+$0x0]  }
0x17d: {  	v5 =	vld [tilespmem:s17+$0x80]  }
0x17e: {  	v3 =	vld [tilespmem:s17+$0x100]  }
0x17f: {  	v6 =	vld [tilespmem:s19+$0x23B0]  }
0x180: {  	v1 =	vld [tilespmem:s17+$0xFFFFFF00];
	v9 =	vshll.u32 v2, $0x10;
	v10 =	vand.u32 $0xFFFF0000, v2;
	v12 =	vshll.u32 v4, $0x10  }
0x181: {  	s10 =	simm.s32 $0x9B0;
	v2 =	vld [tilespmem:s17+$0xFFFFFE80];
	v13 =	vmul.f32 v9, v7;
	v14 =	vmul.f32 v10, v11;
	v9 =	vshll.u32 v8, $0x10  }
0x182: {  	s13 =	simm.s32 $0x200;
	v15 =	vand.u32 $0xFFFF0000, v4;
	v4 =	vld [tilespmem:s10+$0xFFFFFF80];
	v9 =	vmul.f32 v9, v7;
	v7 =	vand.u32 $0xFFFF0000, v8  }
0x183: {  	v10 =	vmul.f32 v12, v5;
	v8 =	vld [tilespmem:s13+$0x22B0];
	v13 =	vadd.f32 v14, v13;
	v12 =	vmul.f32 v7, v11  }
0x184: {  	s15 =	simm.s32 $0x1000;
	v0 =	vimm.f32 $0.0e+00;
	v7 =	vld [tilespmem:s13+$0x2230];
	v11 =	vmul.f32 v15, v3;
	v14 =	vshll.u32 v6, $0x10  }
.LBB2_13:
0x185: {  	p0 =	sne.s32 s15, $0x2000;
	v15 =	vld [tilespmem:s13+$0x2330];
	v10 =	vadd.f32 v10, v13;
	v9 =	vadd.f32 v12, v9;
	v12 =	vmul.f32 v14, v5;
	v13 =	vmovc v1  }
0x186: {  	v1 =	vand.u32 $0xFFFF0000, v6;
	v14 =	vld [tilespmem:s10+$0x0]  }
0x187: {  	v1 =	vmul.f32 v1, v3;
	v5 =	vld [tilespmem:s10+$0x80];
	v10 =	vadd.f32 v10, v11;
	v9 =	vadd.f32 v12, v9  }
0x188: {  	v3 =	vld [tilespmem:s10+$0x100];
	v11 =	vshll.u32 v8, $0x10;
	v16 =	vand.u32 $0xFFFF0000, v8  }
0x189: {  	v6 =	vld [tilespmem:s13+$0x23B0];
	v8 =	vshll.u32 v7, $0x10;
	v9 =	vadd.f32 v9, v1;
	v10 =	vmul.f32 v10, v2  }
.Ltmp5:
0x18a: {  	v7 =	vand.u32 $0xFFFF0000, v7;
	v1 =	vld [tilespmem:s10+$0xFFFFFF00];
	v12 =	vmul.f32 v8, v4;
	v8 =	vshll.u32 v15, $0x10;
	(pc) =	sbr.rel @p0 .LBB2_13-.Ltmp5, $4  }
0x18b: {  	v2 =	vld [tilespmem:s10+$0xFFFFFE80];
	v7 =	vmul.f32 v7, v14;
	s10 =	sadd.s32 $0x400, s10;
	v0 =	vadd.f32 v10, v0;
	v17 =	vmul.f32 v9, v13  }
0x18c: {  	s13 =	sshra.s32 s15, $0x2;
	v9 =	vmul.f32 v8, v4;
	v10 =	vmul.f32 v11, v5;
	v4 =	vld [tilespmem:s10+$0xFFFFFF80];
	v11 =	vand.u32 $0xFFFF0000, v15  }
0x18d: {  	v8 =	vld [tilespmem:s13+$0x22B0];
	v13 =	vadd.f32 v7, v12;
	v12 =	vmul.f32 v11, v14;
	v0 =	vadd.f32 v17, v0  }
0x18e: {  	s15 =	sadd.s32 $0x800, s15;
	v11 =	vmul.f32 v16, v3;
	v7 =	vld [tilespmem:s13+$0x2230];
	v14 =	vshll.u32 v6, $0x10  }
0x18f: {  	v15 =	vld [tilespmem:s13+$0x2330]  }
0x190: {  	v10 =	vadd.f32 v10, v13;
	v13 =	vld [tilespmem:s10+$0x0]  }
0x191: {  	v9 =	vadd.f32 v12, v9;
	v5 =	vmul.f32 v14, v5;
	v12 =	vld [tilespmem:s10+$0x80]  }
0x192: {  	v6 =	vand.u32 $0xFFFF0000, v6;
	v10 =	vadd.f32 v10, v11;
	v11 =	vld [tilespmem:s10+$0x100]  }
0x193: {  	v3 =	vmul.f32 v6, v3;
	v5 =	vadd.f32 v5, v9;
	v9 =	vld [tilespmem:s13+$0x23B0];
	v6 =	vshll.u32 v8, $0x10  }
0x194: {  	v8 =	vand.u32 $0xFFFF0000, v8;
	v14 =	vshll.u32 v7, $0x10;
	v7 =	vand.u32 $0xFFFF0000, v7  }
0x195: {  	v3 =	vadd.f32 v5, v3;
	v5 =	vmul.f32 v14, v4;
	v7 =	vmul.f32 v7, v13  }
0x196: {  	v14 =	vshll.u32 v15, $0x10;
	v6 =	vmul.f32 v6, v12;
	v15 =	vand.u32 $0xFFFF0000, v15  }
0x197: {  	v4 =	vmul.f32 v14, v4;
	v5 =	vadd.f32 v7, v5;
	v7 =	vmul.f32 v15, v13  }
0x198: {  	v2 =	vmul.f32 v10, v2;
	v10 =	vld [tilespmem:s10+$0xFFFFFE80];
	v8 =	vmul.f32 v8, v11;
	v13 =	vshll.u32 v9, $0x10  }
0x199: {  	v5 =	vadd.f32 v6, v5;
	v4 =	vadd.f32 v7, v4;
	v6 =	vmul.f32 v13, v12  }
0x19a: {  	v0 =	vadd.f32 v2, v0;
	v1 =	vmul.f32 v3, v1;
	v2 =	vand.u32 $0xFFFF0000, v9;
	v7 =	vld [tilespmem:s10+$0xFFFFFF00]  }
0x19b: {  	v2 =	vmul.f32 v2, v11;
	v3 =	vadd.f32 v5, v8;
	v4 =	vadd.f32 v6, v4;
	_ =	sdelay $0x1  }
0x19c: {  	v0 =	vadd.f32 v1, v0;
	v1 =	vadd.f32 v4, v2;
	v2 =	vmul.f32 v3, v10;
	_ =	sdelay $0x1  }
0x19d: {  	v0 =	vadd.f32 v2, v0;
	v1 =	vmul.f32 v1, v7;
	_ =	sdelay $0x1  }
0x19e: {  	v0 =	vadd.f32 v1, v0;
	_ =	sdelay $0x1  }
0x19f: {  	s17 =	simm.s32 $0x5C0;
	[tilespmem:$0x5830] =	vst v0  }
0x1a0: {  	s19 =	simm.s32 $0x0;
	v7 =	vld [tilespmem:s17+$0xFFFFFF80]  }
0x1a1: {  	v4 =	vld [tilespmem:s19+$0x22C0]  }
0x1a2: {  	v2 =	vld [tilespmem:s19+$0x2240]  }
0x1a3: {  	v8 =	vld [tilespmem:s19+$0x2340]  }
0x1a4: {  	v11 =	vld [tilespmem:s17+$0x0]  }
0x1a5: {  	v5 =	vld [tilespmem:s17+$0x80]  }
0x1a6: {  	v3 =	vld [tilespmem:s17+$0x100]  }
0x1a7: {  	v6 =	vld [tilespmem:s19+$0x23C0]  }
0x1a8: {  	v1 =	vld [tilespmem:s17+$0xFFFFFF00];
	v9 =	vshll.u32 v2, $0x10;
	v10 =	vand.u32 $0xFFFF0000, v2;
	v12 =	vshll.u32 v4, $0x10  }
0x1a9: {  	s10 =	simm.s32 $0x9C0;
	v2 =	vld [tilespmem:s17+$0xFFFFFE80];
	v13 =	vmul.f32 v9, v7;
	v14 =	vmul.f32 v10, v11;
	v9 =	vshll.u32 v8, $0x10  }
0x1aa: {  	s13 =	simm.s32 $0x200;
	v15 =	vand.u32 $0xFFFF0000, v4;
	v4 =	vld [tilespmem:s10+$0xFFFFFF80];
	v9 =	vmul.f32 v9, v7;
	v7 =	vand.u32 $0xFFFF0000, v8  }
0x1ab: {  	v10 =	vmul.f32 v12, v5;
	v8 =	vld [tilespmem:s13+$0x22C0];
	v13 =	vadd.f32 v14, v13;
	v12 =	vmul.f32 v7, v11  }
0x1ac: {  	s15 =	simm.s32 $0x1000;
	v0 =	vimm.f32 $0.0e+00;
	v7 =	vld [tilespmem:s13+$0x2240];
	v11 =	vmul.f32 v15, v3;
	v14 =	vshll.u32 v6, $0x10  }
.LBB2_15:
0x1ad: {  	p0 =	sne.s32 s15, $0x2000;
	v15 =	vld [tilespmem:s13+$0x2340];
	v10 =	vadd.f32 v10, v13;
	v9 =	vadd.f32 v12, v9;
	v12 =	vmul.f32 v14, v5;
	v13 =	vmovc v1  }
0x1ae: {  	v1 =	vand.u32 $0xFFFF0000, v6;
	v14 =	vld [tilespmem:s10+$0x0]  }
0x1af: {  	v1 =	vmul.f32 v1, v3;
	v5 =	vld [tilespmem:s10+$0x80];
	v10 =	vadd.f32 v10, v11;
	v9 =	vadd.f32 v12, v9  }
0x1b0: {  	v3 =	vld [tilespmem:s10+$0x100];
	v11 =	vshll.u32 v8, $0x10;
	v16 =	vand.u32 $0xFFFF0000, v8  }
0x1b1: {  	v6 =	vld [tilespmem:s13+$0x23C0];
	v8 =	vshll.u32 v7, $0x10;
	v9 =	vadd.f32 v9, v1;
	v10 =	vmul.f32 v10, v2  }
.Ltmp6:
0x1b2: {  	v7 =	vand.u32 $0xFFFF0000, v7;
	v1 =	vld [tilespmem:s10+$0xFFFFFF00];
	v12 =	vmul.f32 v8, v4;
	v8 =	vshll.u32 v15, $0x10;
	(pc) =	sbr.rel @p0 .LBB2_15-.Ltmp6, $4  }
0x1b3: {  	v2 =	vld [tilespmem:s10+$0xFFFFFE80];
	v7 =	vmul.f32 v7, v14;
	s10 =	sadd.s32 $0x400, s10;
	v0 =	vadd.f32 v10, v0;
	v17 =	vmul.f32 v9, v13  }
0x1b4: {  	s13 =	sshra.s32 s15, $0x2;
	v9 =	vmul.f32 v8, v4;
	v10 =	vmul.f32 v11, v5;
	v4 =	vld [tilespmem:s10+$0xFFFFFF80];
	v11 =	vand.u32 $0xFFFF0000, v15  }
0x1b5: {  	v8 =	vld [tilespmem:s13+$0x22C0];
	v13 =	vadd.f32 v7, v12;
	v12 =	vmul.f32 v11, v14;
	v0 =	vadd.f32 v17, v0  }
0x1b6: {  	s15 =	sadd.s32 $0x800, s15;
	v11 =	vmul.f32 v16, v3;
	v7 =	vld [tilespmem:s13+$0x2240];
	v14 =	vshll.u32 v6, $0x10  }
0x1b7: {  	v15 =	vld [tilespmem:s13+$0x2340]  }
0x1b8: {  	v10 =	vadd.f32 v10, v13;
	v13 =	vld [tilespmem:s10+$0x0]  }
0x1b9: {  	v9 =	vadd.f32 v12, v9;
	v5 =	vmul.f32 v14, v5;
	v12 =	vld [tilespmem:s10+$0x80]  }
0x1ba: {  	v6 =	vand.u32 $0xFFFF0000, v6;
	v10 =	vadd.f32 v10, v11;
	v11 =	vld [tilespmem:s10+$0x100]  }
0x1bb: {  	v3 =	vmul.f32 v6, v3;
	v5 =	vadd.f32 v5, v9;
	v9 =	vld [tilespmem:s13+$0x23C0];
	v6 =	vshll.u32 v8, $0x10  }
0x1bc: {  	v8 =	vand.u32 $0xFFFF0000, v8;
	v14 =	vshll.u32 v7, $0x10;
	v7 =	vand.u32 $0xFFFF0000, v7  }
0x1bd: {  	v3 =	vadd.f32 v5, v3;
	v5 =	vmul.f32 v14, v4;
	v7 =	vmul.f32 v7, v13  }
0x1be: {  	v14 =	vshll.u32 v15, $0x10;
	v6 =	vmul.f32 v6, v12;
	v15 =	vand.u32 $0xFFFF0000, v15  }
0x1bf: {  	v4 =	vmul.f32 v14, v4;
	v5 =	vadd.f32 v7, v5;
	v7 =	vmul.f32 v15, v13  }
0x1c0: {  	v2 =	vmul.f32 v10, v2;
	v10 =	vld [tilespmem:s10+$0xFFFFFE80];
	v8 =	vmul.f32 v8, v11;
	v13 =	vshll.u32 v9, $0x10  }
0x1c1: {  	v5 =	vadd.f32 v6, v5;
	v4 =	vadd.f32 v7, v4;
	v6 =	vmul.f32 v13, v12  }
0x1c2: {  	v0 =	vadd.f32 v2, v0;
	v1 =	vmul.f32 v3, v1;
	v2 =	vand.u32 $0xFFFF0000, v9;
	v7 =	vld [tilespmem:s10+$0xFFFFFF00]  }
0x1c3: {  	v2 =	vmul.f32 v2, v11;
	v3 =	vadd.f32 v5, v8;
	v4 =	vadd.f32 v6, v4;
	_ =	sdelay $0x1  }
0x1c4: {  	v0 =	vadd.f32 v1, v0;
	v1 =	vadd.f32 v4, v2;
	v2 =	vmul.f32 v3, v10;
	_ =	sdelay $0x1  }
0x1c5: {  	v0 =	vadd.f32 v2, v0;
	v1 =	vmul.f32 v1, v7;
	_ =	sdelay $0x1  }
0x1c6: {  	v0 =	vadd.f32 v1, v0;
	_ =	sdelay $0x1  }
0x1c7: {  	s17 =	simm.s32 $0x5D0;
	[tilespmem:$0x5840] =	vst v0  }
0x1c8: {  	s19 =	simm.s32 $0x0;
	v7 =	vld [tilespmem:s17+$0xFFFFFF80]  }
0x1c9: {  	v4 =	vld [tilespmem:s19+$0x22D0]  }
0x1ca: {  	v2 =	vld [tilespmem:s19+$0x2250]  }
0x1cb: {  	v8 =	vld [tilespmem:s19+$0x2350]  }
0x1cc: {  	v11 =	vld [tilespmem:s17+$0x0]  }
0x1cd: {  	v5 =	vld [tilespmem:s17+$0x80]  }
0x1ce: {  	v3 =	vld [tilespmem:s17+$0x100]  }
0x1cf: {  	v6 =	vld [tilespmem:s19+$0x23D0]  }
0x1d0: {  	v1 =	vld [tilespmem:s17+$0xFFFFFF00];
	v9 =	vshll.u32 v2, $0x10;
	v10 =	vand.u32 $0xFFFF0000, v2;
	v12 =	vshll.u32 v4, $0x10  }
0x1d1: {  	s10 =	simm.s32 $0x9D0;
	v2 =	vld [tilespmem:s17+$0xFFFFFE80];
	v13 =	vmul.f32 v9, v7;
	v14 =	vmul.f32 v10, v11;
	v9 =	vshll.u32 v8, $0x10  }
0x1d2: {  	s13 =	simm.s32 $0x200;
	v15 =	vand.u32 $0xFFFF0000, v4;
	v4 =	vld [tilespmem:s10+$0xFFFFFF80];
	v9 =	vmul.f32 v9, v7;
	v7 =	vand.u32 $0xFFFF0000, v8  }
0x1d3: {  	v10 =	vmul.f32 v12, v5;
	v8 =	vld [tilespmem:s13+$0x22D0];
	v13 =	vadd.f32 v14, v13;
	v12 =	vmul.f32 v7, v11  }
0x1d4: {  	s15 =	simm.s32 $0x1000;
	v0 =	vimm.f32 $0.0e+00;
	v7 =	vld [tilespmem:s13+$0x2250];
	v11 =	vmul.f32 v15, v3;
	v14 =	vshll.u32 v6, $0x10  }
.LBB2_17:
0x1d5: {  	p0 =	sne.s32 s15, $0x2000;
	v15 =	vld [tilespmem:s13+$0x2350];
	v10 =	vadd.f32 v10, v13;
	v9 =	vadd.f32 v12, v9;
	v12 =	vmul.f32 v14, v5;
	v13 =	vmovc v1  }
0x1d6: {  	v1 =	vand.u32 $0xFFFF0000, v6;
	v14 =	vld [tilespmem:s10+$0x0]  }
0x1d7: {  	v1 =	vmul.f32 v1, v3;
	v5 =	vld [tilespmem:s10+$0x80];
	v10 =	vadd.f32 v10, v11;
	v9 =	vadd.f32 v12, v9  }
0x1d8: {  	v3 =	vld [tilespmem:s10+$0x100];
	v11 =	vshll.u32 v8, $0x10;
	v16 =	vand.u32 $0xFFFF0000, v8  }
0x1d9: {  	v6 =	vld [tilespmem:s13+$0x23D0];
	v8 =	vshll.u32 v7, $0x10;
	v9 =	vadd.f32 v9, v1;
	v10 =	vmul.f32 v10, v2  }
.Ltmp7:
0x1da: {  	v7 =	vand.u32 $0xFFFF0000, v7;
	v1 =	vld [tilespmem:s10+$0xFFFFFF00];
	v12 =	vmul.f32 v8, v4;
	v8 =	vshll.u32 v15, $0x10;
	(pc) =	sbr.rel @p0 .LBB2_17-.Ltmp7, $4  }
0x1db: {  	v2 =	vld [tilespmem:s10+$0xFFFFFE80];
	v7 =	vmul.f32 v7, v14;
	s10 =	sadd.s32 $0x400, s10;
	v0 =	vadd.f32 v10, v0;
	v17 =	vmul.f32 v9, v13  }
0x1dc: {  	s13 =	sshra.s32 s15, $0x2;
	v9 =	vmul.f32 v8, v4;
	v10 =	vmul.f32 v11, v5;
	v4 =	vld [tilespmem:s10+$0xFFFFFF80];
	v11 =	vand.u32 $0xFFFF0000, v15  }
0x1dd: {  	v8 =	vld [tilespmem:s13+$0x22D0];
	v13 =	vadd.f32 v7, v12;
	v12 =	vmul.f32 v11, v14;
	v0 =	vadd.f32 v17, v0  }
0x1de: {  	s15 =	sadd.s32 $0x800, s15;
	v11 =	vmul.f32 v16, v3;
	v7 =	vld [tilespmem:s13+$0x2250];
	v14 =	vshll.u32 v6, $0x10  }
0x1df: {  	v15 =	vld [tilespmem:s13+$0x2350]  }
0x1e0: {  	v10 =	vadd.f32 v10, v13;
	v13 =	vld [tilespmem:s10+$0x0]  }
0x1e1: {  	v9 =	vadd.f32 v12, v9;
	v5 =	vmul.f32 v14, v5;
	v12 =	vld [tilespmem:s10+$0x80]  }
0x1e2: {  	v6 =	vand.u32 $0xFFFF0000, v6;
	v10 =	vadd.f32 v10, v11;
	v11 =	vld [tilespmem:s10+$0x100]  }
0x1e3: {  	v3 =	vmul.f32 v6, v3;
	v5 =	vadd.f32 v5, v9;
	v9 =	vld [tilespmem:s13+$0x23D0];
	v6 =	vshll.u32 v8, $0x10  }
0x1e4: {  	v8 =	vand.u32 $0xFFFF0000, v8;
	v14 =	vshll.u32 v7, $0x10;
	v7 =	vand.u32 $0xFFFF0000, v7  }
0x1e5: {  	v3 =	vadd.f32 v5, v3;
	v5 =	vmul.f32 v14, v4;
	v7 =	vmul.f32 v7, v13  }
0x1e6: {  	v14 =	vshll.u32 v15, $0x10;
	v6 =	vmul.f32 v6, v12;
	v15 =	vand.u32 $0xFFFF0000, v15  }
0x1e7: {  	v4 =	vmul.f32 v14, v4;
	v5 =	vadd.f32 v7, v5;
	v7 =	vmul.f32 v15, v13  }
0x1e8: {  	v2 =	vmul.f32 v10, v2;
	v10 =	vld [tilespmem:s10+$0xFFFFFE80];
	v8 =	vmul.f32 v8, v11;
	v13 =	vshll.u32 v9, $0x10  }
0x1e9: {  	v5 =	vadd.f32 v6, v5;
	v4 =	vadd.f32 v7, v4;
	v6 =	vmul.f32 v13, v12  }
0x1ea: {  	v0 =	vadd.f32 v2, v0;
	v1 =	vmul.f32 v3, v1;
	v2 =	vand.u32 $0xFFFF0000, v9;
	v7 =	vld [tilespmem:s10+$0xFFFFFF00]  }
0x1eb: {  	v2 =	vmul.f32 v2, v11;
	v3 =	vadd.f32 v5, v8;
	v4 =	vadd.f32 v6, v4;
	_ =	sdelay $0x1  }
0x1ec: {  	v0 =	vadd.f32 v1, v0;
	v1 =	vadd.f32 v4, v2;
	v2 =	vmul.f32 v3, v10;
	_ =	sdelay $0x1  }
0x1ed: {  	v0 =	vadd.f32 v2, v0;
	v1 =	vmul.f32 v1, v7;
	_ =	sdelay $0x1  }
0x1ee: {  	v0 =	vadd.f32 v1, v0;
	_ =	sdelay $0x1  }
0x1ef: {  	s17 =	simm.s32 $0x5E0;
	[tilespmem:$0x5850] =	vst v0  }
0x1f0: {  	s19 =	simm.s32 $0x0;
	v7 =	vld [tilespmem:s17+$0xFFFFFF80]  }
0x1f1: {  	v4 =	vld [tilespmem:s19+$0x22E0]  }
0x1f2: {  	v2 =	vld [tilespmem:s19+$0x2260]  }
0x1f3: {  	v8 =	vld [tilespmem:s19+$0x2360]  }
0x1f4: {  	v11 =	vld [tilespmem:s17+$0x0]  }
0x1f5: {  	v5 =	vld [tilespmem:s17+$0x80]  }
0x1f6: {  	v3 =	vld [tilespmem:s17+$0x100]  }
0x1f7: {  	v6 =	vld [tilespmem:s19+$0x23E0]  }
0x1f8: {  	v1 =	vld [tilespmem:s17+$0xFFFFFF00];
	v9 =	vshll.u32 v2, $0x10;
	v10 =	vand.u32 $0xFFFF0000, v2;
	v12 =	vshll.u32 v4, $0x10  }
0x1f9: {  	s10 =	simm.s32 $0x9E0;
	v2 =	vld [tilespmem:s17+$0xFFFFFE80];
	v13 =	vmul.f32 v9, v7;
	v14 =	vmul.f32 v10, v11;
	v9 =	vshll.u32 v8, $0x10  }
0x1fa: {  	s13 =	simm.s32 $0x200;
	v15 =	vand.u32 $0xFFFF0000, v4;
	v4 =	vld [tilespmem:s10+$0xFFFFFF80];
	v9 =	vmul.f32 v9, v7;
	v7 =	vand.u32 $0xFFFF0000, v8  }
0x1fb: {  	v10 =	vmul.f32 v12, v5;
	v8 =	vld [tilespmem:s13+$0x22E0];
	v13 =	vadd.f32 v14, v13;
	v12 =	vmul.f32 v7, v11  }
0x1fc: {  	s15 =	simm.s32 $0x1000;
	v0 =	vimm.f32 $0.0e+00;
	v7 =	vld [tilespmem:s13+$0x2260];
	v11 =	vmul.f32 v15, v3;
	v14 =	vshll.u32 v6, $0x10  }
.LBB2_19:
0x1fd: {  	p0 =	sne.s32 s15, $0x2000;
	v15 =	vld [tilespmem:s13+$0x2360];
	v10 =	vadd.f32 v10, v13;
	v9 =	vadd.f32 v12, v9;
	v12 =	vmul.f32 v14, v5;
	v13 =	vmovc v1  }
0x1fe: {  	v1 =	vand.u32 $0xFFFF0000, v6;
	v14 =	vld [tilespmem:s10+$0x0]  }
0x1ff: {  	v1 =	vmul.f32 v1, v3;
	v5 =	vld [tilespmem:s10+$0x80];
	v10 =	vadd.f32 v10, v11;
	v9 =	vadd.f32 v12, v9  }
0x200: {  	v3 =	vld [tilespmem:s10+$0x100];
	v11 =	vshll.u32 v8, $0x10;
	v16 =	vand.u32 $0xFFFF0000, v8  }
0x201: {  	v6 =	vld [tilespmem:s13+$0x23E0];
	v8 =	vshll.u32 v7, $0x10;
	v9 =	vadd.f32 v9, v1;
	v10 =	vmul.f32 v10, v2  }
.Ltmp8:
0x202: {  	v7 =	vand.u32 $0xFFFF0000, v7;
	v1 =	vld [tilespmem:s10+$0xFFFFFF00];
	v12 =	vmul.f32 v8, v4;
	v8 =	vshll.u32 v15, $0x10;
	(pc) =	sbr.rel @p0 .LBB2_19-.Ltmp8, $4  }
0x203: {  	v2 =	vld [tilespmem:s10+$0xFFFFFE80];
	v7 =	vmul.f32 v7, v14;
	s10 =	sadd.s32 $0x400, s10;
	v0 =	vadd.f32 v10, v0;
	v17 =	vmul.f32 v9, v13  }
0x204: {  	s13 =	sshra.s32 s15, $0x2;
	v9 =	vmul.f32 v8, v4;
	v10 =	vmul.f32 v11, v5;
	v4 =	vld [tilespmem:s10+$0xFFFFFF80];
	v11 =	vand.u32 $0xFFFF0000, v15  }
0x205: {  	v8 =	vld [tilespmem:s13+$0x22E0];
	v13 =	vadd.f32 v7, v12;
	v12 =	vmul.f32 v11, v14;
	v0 =	vadd.f32 v17, v0  }
0x206: {  	s15 =	sadd.s32 $0x800, s15;
	v11 =	vmul.f32 v16, v3;
	v7 =	vld [tilespmem:s13+$0x2260];
	v14 =	vshll.u32 v6, $0x10  }
0x207: {  	v15 =	vld [tilespmem:s13+$0x2360]  }
0x208: {  	v10 =	vadd.f32 v10, v13;
	v13 =	vld [tilespmem:s10+$0x0]  }
0x209: {  	v9 =	vadd.f32 v12, v9;
	v5 =	vmul.f32 v14, v5;
	v12 =	vld [tilespmem:s10+$0x80]  }
0x20a: {  	v6 =	vand.u32 $0xFFFF0000, v6;
	v10 =	vadd.f32 v10, v11;
	v11 =	vld [tilespmem:s10+$0x100]  }
0x20b: {  	v3 =	vmul.f32 v6, v3;
	v5 =	vadd.f32 v5, v9;
	v9 =	vld [tilespmem:s13+$0x23E0];
	v6 =	vshll.u32 v8, $0x10  }
0x20c: {  	v8 =	vand.u32 $0xFFFF0000, v8;
	v14 =	vshll.u32 v7, $0x10;
	v7 =	vand.u32 $0xFFFF0000, v7  }
0x20d: {  	v3 =	vadd.f32 v5, v3;
	v5 =	vmul.f32 v14, v4;
	v7 =	vmul.f32 v7, v13  }
0x20e: {  	v14 =	vshll.u32 v15, $0x10;
	v6 =	vmul.f32 v6, v12;
	v15 =	vand.u32 $0xFFFF0000, v15  }
0x20f: {  	v4 =	vmul.f32 v14, v4;
	v5 =	vadd.f32 v7, v5;
	v7 =	vmul.f32 v15, v13  }
0x210: {  	v2 =	vmul.f32 v10, v2;
	v10 =	vld [tilespmem:s10+$0xFFFFFE80];
	v8 =	vmul.f32 v8, v11;
	v13 =	vshll.u32 v9, $0x10  }
0x211: {  	v5 =	vadd.f32 v6, v5;
	v4 =	vadd.f32 v7, v4;
	v6 =	vmul.f32 v13, v12  }
0x212: {  	v0 =	vadd.f32 v2, v0;
	v1 =	vmul.f32 v3, v1;
	v2 =	vand.u32 $0xFFFF0000, v9;
	v7 =	vld [tilespmem:s10+$0xFFFFFF00]  }
0x213: {  	v2 =	vmul.f32 v2, v11;
	v3 =	vadd.f32 v5, v8;
	v4 =	vadd.f32 v6, v4;
	_ =	sdelay $0x1  }
0x214: {  	v0 =	vadd.f32 v1, v0;
	v1 =	vadd.f32 v4, v2;
	v2 =	vmul.f32 v3, v10;
	_ =	sdelay $0x1  }
0x215: {  	v0 =	vadd.f32 v2, v0;
	v1 =	vmul.f32 v1, v7;
	_ =	sdelay $0x1  }
0x216: {  	v0 =	vadd.f32 v1, v0;
	_ =	sdelay $0x1  }
0x217: {  	s17 =	simm.s32 $0x5F0;
	[tilespmem:$0x5860] =	vst v0  }
0x218: {  	s19 =	simm.s32 $0x0;
	v7 =	vld [tilespmem:s17+$0xFFFFFF80]  }
0x219: {  	v4 =	vld [tilespmem:s19+$0x22F0]  }
0x21a: {  	v2 =	vld [tilespmem:s19+$0x2270]  }
0x21b: {  	v8 =	vld [tilespmem:s19+$0x2370]  }
0x21c: {  	v11 =	vld [tilespmem:s17+$0x0]  }
0x21d: {  	v5 =	vld [tilespmem:s17+$0x80]  }
0x21e: {  	v3 =	vld [tilespmem:s17+$0x100]  }
0x21f: {  	v6 =	vld [tilespmem:s19+$0x23F0]  }
0x220: {  	v1 =	vld [tilespmem:s17+$0xFFFFFF00];
	v9 =	vshll.u32 v2, $0x10;
	v10 =	vand.u32 $0xFFFF0000, v2;
	v12 =	vshll.u32 v4, $0x10  }
0x221: {  	s10 =	simm.s32 $0x9F0;
	v2 =	vld [tilespmem:s17+$0xFFFFFE80];
	v13 =	vmul.f32 v9, v7;
	v14 =	vmul.f32 v10, v11;
	v9 =	vshll.u32 v8, $0x10  }
0x222: {  	s13 =	simm.s32 $0x200;
	v15 =	vand.u32 $0xFFFF0000, v4;
	v4 =	vld [tilespmem:s10+$0xFFFFFF80];
	v9 =	vmul.f32 v9, v7;
	v7 =	vand.u32 $0xFFFF0000, v8  }
0x223: {  	v10 =	vmul.f32 v12, v5;
	v8 =	vld [tilespmem:s13+$0x22F0];
	v13 =	vadd.f32 v14, v13;
	v12 =	vmul.f32 v7, v11  }
0x224: {  	s15 =	simm.s32 $0x1000;
	v0 =	vimm.f32 $0.0e+00;
	v7 =	vld [tilespmem:s13+$0x2270];
	v11 =	vmul.f32 v15, v3;
	v14 =	vshll.u32 v6, $0x10  }
.LBB2_21:
0x225: {  	p0 =	sne.s32 s15, $0x2000;
	v15 =	vld [tilespmem:s13+$0x2370];
	v10 =	vadd.f32 v10, v13;
	v9 =	vadd.f32 v12, v9;
	v12 =	vmul.f32 v14, v5;
	v13 =	vmovc v1  }
0x226: {  	v1 =	vand.u32 $0xFFFF0000, v6;
	v14 =	vld [tilespmem:s10+$0x0]  }
0x227: {  	v1 =	vmul.f32 v1, v3;
	v5 =	vld [tilespmem:s10+$0x80];
	v10 =	vadd.f32 v10, v11;
	v9 =	vadd.f32 v12, v9  }
0x228: {  	v3 =	vld [tilespmem:s10+$0x100];
	v11 =	vshll.u32 v8, $0x10;
	v16 =	vand.u32 $0xFFFF0000, v8  }
0x229: {  	v6 =	vld [tilespmem:s13+$0x23F0];
	v8 =	vshll.u32 v7, $0x10;
	v9 =	vadd.f32 v9, v1;
	v10 =	vmul.f32 v10, v2  }
.Ltmp9:
0x22a: {  	v7 =	vand.u32 $0xFFFF0000, v7;
	v1 =	vld [tilespmem:s10+$0xFFFFFF00];
	v12 =	vmul.f32 v8, v4;
	v8 =	vshll.u32 v15, $0x10;
	(pc) =	sbr.rel @p0 .LBB2_21-.Ltmp9, $4  }
0x22b: {  	v2 =	vld [tilespmem:s10+$0xFFFFFE80];
	v7 =	vmul.f32 v7, v14;
	s10 =	sadd.s32 $0x400, s10;
	v0 =	vadd.f32 v10, v0;
	v17 =	vmul.f32 v9, v13  }
0x22c: {  	s13 =	sshra.s32 s15, $0x2;
	v9 =	vmul.f32 v8, v4;
	v10 =	vmul.f32 v11, v5;
	v4 =	vld [tilespmem:s10+$0xFFFFFF80];
	v11 =	vand.u32 $0xFFFF0000, v15  }
0x22d: {  	v8 =	vld [tilespmem:s13+$0x22F0];
	v13 =	vadd.f32 v7, v12;
	v12 =	vmul.f32 v11, v14;
	v0 =	vadd.f32 v17, v0  }
0x22e: {  	s15 =	sadd.s32 $0x800, s15;
	v11 =	vmul.f32 v16, v3;
	v7 =	vld [tilespmem:s13+$0x2270];
	v14 =	vshll.u32 v6, $0x10  }
0x22f: {  	v15 =	vld [tilespmem:s13+$0x2370]  }
0x230: {  	v10 =	vadd.f32 v10, v13;
	v44 =	vld [tilespmem:s10+$0x0]  }
0x231: {  	v9 =	vadd.f32 v12, v9;
	v5 =	vmul.f32 v14, v5;
	v45 =	vld [tilespmem:s10+$0x80];
	v6 =	vand.u32 $0xFFFF0000, v6  }
0x232: {  	v46 =	vld [tilespmem:s10+$0x100];
	v3 =	vmul.f32 v6, v3  }
0x233: {  	v48 =	vld [tilespmem:s13+$0x23F0];
	v10 =	vadd.f32 v10, v11;
	v5 =	vadd.f32 v5, v9;
	v47 =	vshll.u32 v8, $0x10  }
0x234: {  	v49 =	vand.u32 $0xFFFF0000, v8;
	v50 =	vshll.u32 v7, $0x10;
	v51 =	vand.u32 $0xFFFF0000, v7  }
0x235: {  	v3 =	vadd.f32 v5, v3;
	v52 =	vmul.f32 v50, v4;
	v7 =	vmul.f32 v51, v44  }
0x236: {  	v53 =	vshll.u32 v15, $0x10;
	v6 =	vmul.f32 v47, v45;
	v15 =	vand.u32 $0xFFFF0000, v15  }
0x237: {  	v54 =	vmul.f32 v53, v4;
	v55 =	vmul.f32 v15, v44;
	v5 =	vadd.f32 v7, v52  }
0x238: {  	v56 =	vld [tilespmem:s10+$0xFFFFFE80];
	v2 =	vmul.f32 v10, v2;
	v8 =	vmul.f32 v49, v46;
	v57 =	vshll.u32 v48, $0x10  }
0x239: {  	v58 =	vmul.f32 v57, v45;
	v4 =	vadd.f32 v55, v54;
	v5 =	vadd.f32 v6, v5  }
0x23a: {  	v59 =	vld [tilespmem:s10+$0xFFFFFF00];
	v60 =	vand.u32 $0xFFFF0000, v48;
	v0 =	vadd.f32 v2, v0;
	v1 =	vmul.f32 v3, v1  }
0x23b: {  	v2 =	vmul.f32 v60, v46;
	v4 =	vadd.f32 v58, v4;
	v61 =	vadd.f32 v5, v8;
	_ =	sdelay $0x1  }
0x23c: {  	v0 =	vadd.f32 v1, v0;
	v62 =	vadd.f32 v4, v2;
	v63 =	vmul.f32 v61, v56;
	_ =	sdelay $0x1  }
0x23d: {  	v1 =	vmul.f32 v62, v59;
	v0 =	vadd.f32 v63, v0  }
0x23e: {  	s15 =	sshll.u32 s0, $0x5  }
0x23f: {  	s17 =	sshll.u32 s8, $0x4;
	s15 =	sand.u32 $0x60, s15;
	v0 =	vadd.f32 v1, v0  }
0x240: {  	p0 =	seq.s32 s0, $0xF;
	s10 =	sand.u32 $0x3F80, s17;
	s19 =	sadd.s32 s2, s15  }
.Ltmp10:
0x241: {  	s13 =	sadd.s32 s10, s19;
	[tilespmem:$0x5870] =	vst v0;
	(pc) =	sbr.rel @p0 .LBB2_26-.Ltmp10, $4  }
0x242: {  	[hbm4b:s13+s4] =	stream.linear.scatter [tilespmem:s25], [sflag:$0x9], $0x80, $0x38;
	[tilespmem:$0x5880] =	vst v63  }
0x243: {  	_ =	swait.ge [sflag:s11], $0x80  }
0x244: {  	[sflag:s11] =	ssyncset.done $0x0  }
0x245: {  	[sflag:s11] =	ssyncadd.s32 $0xFFFFFF80  }
0x246: {  	s8 =	sadd.s32 $0x2, s8  }
0x247: {  	s13 =	sshll.u32 s8, $0x7  }
0x248: {  	s13 =	sand.u32 $0x1FFFFF00, s13  }
0x249: {  	s15 =	simm.s32 $0x0;
	s13 =	sadd.s32 s5, s13  }
0x24a: {  	[tilespmem:s15], [sflag:$0x9] =	stream.linear.gather [hbm4b:s13+s15], $0x280, $0x38;
	[tilespmem:$0x5880] =	vst v63  }
0x24b: {  	s8 =	smul.u32 $0x280, s8;
	_ =	swait.ge [sflag:s11], $0x280  }
0x24c: {  	[sflag:s11] =	ssyncset.done $0x0  }
0x24d: {  	s17 =	simm.s32 $0x400;
	s8 =	sadd.s32 s7, s8;
	[sflag:s11] =	ssyncadd.s32 $0xFFFFFD80  }
0x24e: {  	[tilespmem:s17], [sflag:$0x9] =	stream.linear.gather [hbm4b:s8+s15], $0x300, $0x38;
	[tilespmem:$0x5880] =	vst v63  }
0x24f: {  	s19 =	sadd.s32 $0x80, s8;
	s17 =	simm.s32 $0x800  }
0x250: {  	[tilespmem:s17], [sflag:$0x9] =	stream.linear.gather [hbm4b:s19+s15], $0x300, $0x38;
	[tilespmem:$0x5880] =	vst v63  }
0x251: {  	s17 =	sadd.s32 $0x100, s8;
	s19 =	simm.s32 $0xC00  }
0x252: {  	[tilespmem:s19], [sflag:$0x9] =	stream.linear.gather [hbm4b:s17+s15], $0x300, $0x38;
	[tilespmem:$0x5880] =	vst v63  }
0x253: {  	s17 =	sadd.s32 $0x180, s8;
	s19 =	simm.s32 $0x1000  }
0x254: {  	[tilespmem:s19], [sflag:$0x9] =	stream.linear.gather [hbm4b:s17+s15], $0x300, $0x38;
	[tilespmem:$0x5880] =	vst v63  }
0x255: {  	s8 =	sadd.s32 $0x200, s8;
	s19 =	simm.s32 $0x1400  }
0x256: {  	[tilespmem:s19], [sflag:$0x9] =	stream.linear.gather [hbm4b:s8+s15], $0x300, $0x38;
	[tilespmem:$0x5880] =	vst v63  }
0x257: {  	_ =	swait.ge [sflag:s11], $0xF00  }
0x258: {  	[sflag:s11] =	ssyncset.done $0x0  }
0x259: {  	s13 =	simm.s32 $0x0;
	[sflag:s11] =	ssyncadd.s32 $0xFFFFF100  }
0x25a: {  	v0 =	vld [tilespmem:s13+$0x0];
	_ =	sdelay $0x3  }
0x25b: {  	s8 =	simm.s32 $0x1900  }
0x25c: {  	[tilespmem:s8+$0xFFFFFF00] =	vst v0;
	v1 =	vadd.s32 $0x4080, v0  }
0x25d: {  	v2 =	vadd.s32 $0x80, v0;
	[tilespmem:s8+$0x80] =	vst v1  }
0x25e: {  	v0 =	vadd.s32 $0x4000, v0;
	[tilespmem:s8+$0xFFFFFF80] =	vst v2  }
0x25f: {  	[tilespmem:s8+$0x0] =	vst v0  }
0x260: {  	v0 =	vld [tilespmem:s13+$0x10];
	_ =	sdelay $0x4  }
0x261: {  	[tilespmem:s8+$0xFFFFFF10] =	vst v0;
	v1 =	vadd.s32 $0x80, v0  }
0x262: {  	v2 =	vadd.s32 $0x4000, v0;
	[tilespmem:s8+$0xFFFFFF90] =	vst v1  }
0x263: {  	v0 =	vadd.s32 $0x4080, v0;
	[tilespmem:s8+$0x10] =	vst v2  }
0x264: {  	[tilespmem:s8+$0x90] =	vst v0  }
0x265: {  	v0 =	vld [tilespmem:s13+$0x20];
	_ =	sdelay $0x4  }
0x266: {  	[tilespmem:s8+$0xFFFFFF20] =	vst v0;
	v1 =	vadd.s32 $0x4000, v0  }
0x267: {  	v2 =	vadd.s32 $0x80, v0;
	[tilespmem:s8+$0x20] =	vst v1  }
0x268: {  	v0 =	vadd.s32 $0x4080, v0;
	[tilespmem:s8+$0xFFFFFFA0] =	vst v2  }
0x269: {  	[tilespmem:s8+$0xA0] =	vst v0  }
0x26a: {  	v0 =	vld [tilespmem:s13+$0x30];
	_ =	sdelay $0x4  }
0x26b: {  	[tilespmem:s8+$0xFFFFFF30] =	vst v0;
	v1 =	vadd.s32 $0x4000, v0  }
0x26c: {  	v2 =	vadd.s32 $0x80, v0;
	[tilespmem:s8+$0x30] =	vst v1  }
0x26d: {  	v0 =	vadd.s32 $0x4080, v0;
	[tilespmem:s8+$0xFFFFFFB0] =	vst v2  }
0x26e: {  	[tilespmem:s8+$0xB0] =	vst v0  }
0x26f: {  	v0 =	vld [tilespmem:s13+$0x40];
	_ =	sdelay $0x4  }
0x270: {  	[tilespmem:s8+$0xFFFFFF40] =	vst v0;
	v1 =	vadd.s32 $0x4080, v0  }
0x271: {  	v2 =	vadd.s32 $0x80, v0;
	[tilespmem:s8+$0xC0] =	vst v1  }
0x272: {  	v0 =	vadd.s32 $0x4000, v0;
	[tilespmem:s8+$0xFFFFFFC0] =	vst v2  }
0x273: {  	[tilespmem:s8+$0x40] =	vst v0  }
0x274: {  	v0 =	vld [tilespmem:s13+$0x50];
	_ =	sdelay $0x4  }
0x275: {  	[tilespmem:s8+$0xFFFFFF50] =	vst v0;
	v1 =	vadd.s32 $0x80, v0  }
0x276: {  	v2 =	vadd.s32 $0x4000, v0;
	[tilespmem:s8+$0xFFFFFFD0] =	vst v1  }
0x277: {  	v0 =	vadd.s32 $0x4080, v0;
	[tilespmem:s8+$0x50] =	vst v2  }
0x278: {  	[tilespmem:s8+$0xD0] =	vst v0  }
0x279: {  	s17 =	simm.s32 $0x200;
	s15 =	simm.s32 $0x1900;
	v0 =	vld [tilespmem:s13+$0x60]  }
.LBB2_24:
0x27a: {  	p0 =	sne.s32 s17, $0x800  }
0x27b: {  	s8 =	sadd.s32 $0x200, s8;
	s19 =	smov.u32 s17;
	s17 =	sadd.s32 $0x200, s17  }
0x27c: {  	_ =	sdelay $0x2  }
0x27d: {  	[tilespmem:s15+$0xFFFFFF60] =	vst v0;
	v1 =	vadd.s32 $0x80, v0;
	v2 =	vadd.s32 $0x4000, v0;
	v0 =	vadd.s32 $0x4080, v0  }
0x27e: {  	[tilespmem:s15+$0xE0] =	vst v0  }
0x27f: {  	[tilespmem:s15+$0xFFFFFFE0] =	vst v1  }
0x280: {  	[tilespmem:s15+$0x60] =	vst v2  }
0x281: {  	v0 =	vld [tilespmem:s13+$0x70];
	_ =	sdelay $0x4  }
0x282: {  	[tilespmem:s15+$0xFFFFFF70] =	vst v0;
	v1 =	vadd.s32 $0x80, v0;
	v2 =	vadd.s32 $0x4000, v0;
	v0 =	vadd.s32 $0x4080, v0  }
0x283: {  	[tilespmem:s15+$0xFFFFFFF0] =	vst v1  }
0x284: {  	[tilespmem:s15+$0xF0] =	vst v0  }
0x285: {  	s13 =	sshra.s32 s19, $0x2;
	[tilespmem:s15+$0x70] =	vst v2;
	s15 =	smov.u32 s8  }
0x286: {  	v0 =	vld [tilespmem:s13+$0x0];
	_ =	sdelay $0x4  }
0x287: {  	[tilespmem:s8+$0xFFFFFF00] =	vst v0;
	v1 =	vadd.s32 $0x80, v0;
	v2 =	vadd.s32 $0x4000, v0;
	v0 =	vadd.s32 $0x4080, v0  }
0x288: {  	[tilespmem:s8+$0x80] =	vst v0  }
0x289: {  	[tilespmem:s8+$0xFFFFFF80] =	vst v1  }
0x28a: {  	[tilespmem:s8+$0x0] =	vst v2  }
0x28b: {  	v0 =	vld [tilespmem:s13+$0x10];
	_ =	sdelay $0x4  }
0x28c: {  	[tilespmem:s8+$0xFFFFFF10] =	vst v0;
	v1 =	vadd.s32 $0x80, v0;
	v2 =	vadd.s32 $0x4000, v0;
	v0 =	vadd.s32 $0x4080, v0  }
0x28d: {  	[tilespmem:s8+$0xFFFFFF90] =	vst v1  }
0x28e: {  	[tilespmem:s8+$0x10] =	vst v2  }
0x28f: {  	[tilespmem:s8+$0x90] =	vst v0  }
0x290: {  	v0 =	vld [tilespmem:s13+$0x20];
	_ =	sdelay $0x4  }
0x291: {  	[tilespmem:s8+$0xFFFFFF20] =	vst v0;
	v1 =	vadd.s32 $0x80, v0;
	v2 =	vadd.s32 $0x4000, v0;
	v0 =	vadd.s32 $0x4080, v0  }
0x292: {  	[tilespmem:s8+$0x20] =	vst v2  }
0x293: {  	[tilespmem:s8+$0xFFFFFFA0] =	vst v1  }
0x294: {  	[tilespmem:s8+$0xA0] =	vst v0  }
0x295: {  	v0 =	vld [tilespmem:s13+$0x30];
	_ =	sdelay $0x4  }
0x296: {  	[tilespmem:s8+$0xFFFFFF30] =	vst v0;
	v1 =	vadd.s32 $0x80, v0;
	v2 =	vadd.s32 $0x4000, v0;
	v0 =	vadd.s32 $0x4080, v0  }
0x297: {  	[tilespmem:s8+$0x30] =	vst v2  }
0x298: {  	[tilespmem:s8+$0xFFFFFFB0] =	vst v1  }
0x299: {  	[tilespmem:s8+$0xB0] =	vst v0  }
0x29a: {  	v0 =	vld [tilespmem:s13+$0x40];
	_ =	sdelay $0x4  }
0x29b: {  	[tilespmem:s8+$0xFFFFFF40] =	vst v0;
	v1 =	vadd.s32 $0x80, v0;
	v2 =	vadd.s32 $0x4000, v0;
	v0 =	vadd.s32 $0x4080, v0  }
0x29c: {  	[tilespmem:s8+$0xC0] =	vst v0  }
0x29d: {  	[tilespmem:s8+$0xFFFFFFC0] =	vst v1  }
0x29e: {  	[tilespmem:s8+$0x40] =	vst v2  }
0x29f: {  	v0 =	vld [tilespmem:s13+$0x50];
	_ =	sdelay $0x4  }
.Ltmp11:
0x2a0: {  	[tilespmem:s8+$0xFFFFFF50] =	vst v0;
	v1 =	vadd.s32 $0x80, v0;
	v2 =	vadd.s32 $0x4000, v0;
	v0 =	vadd.s32 $0x4080, v0;
	(pc) =	sbr.rel @p0 .LBB2_24-.Ltmp11, $4  }
0x2a1: {  	[tilespmem:s8+$0xFFFFFFD0] =	vst v1  }
0x2a2: {  	[tilespmem:s8+$0x50] =	vst v2  }
0x2a3: {  	[tilespmem:s8+$0xD0] =	vst v0  }
0x2a4: {  	v0 =	vld [tilespmem:s13+$0x60]  }
0x2a5: {  	_ =	sdelay $0x3  }
0x2a6: {  	[tilespmem:s15+$0xFFFFFF60] =	vst v0;
	v1 =	vadd.s32 $0x4080, v0  }
0x2a7: {  	v2 =	vadd.s32 $0x80, v0;
	[tilespmem:s15+$0xE0] =	vst v1  }
0x2a8: {  	v61 =	vadd.s32 $0x4000, v0;
	[tilespmem:s15+$0xFFFFFFE0] =	vst v2  }
0x2a9: {  	[tilespmem:s15+$0x60] =	vst v61  }
0x2aa: {  	v0 =	vld [tilespmem:s13+$0x70];
	_ =	sdelay $0x4  }
0x2ab: {  	[tilespmem:s15+$0xFFFFFF70] =	vst v0;
	v62 =	vadd.s32 $0x80, v0  }
0x2ac: {  	v63 =	vadd.s32 $0x4080, v0;
	[tilespmem:s15+$0xFFFFFFF0] =	vst v62  }
0x2ad: {  	v0 =	vadd.s32 $0x4000, v0;
	[tilespmem:s15+$0xF0] =	vst v63  }
0x2ae: {  	s8 =	simm.s32 $0x1800;
	[tilespmem:s15+$0x70] =	vst v0;
	s15 =	simm.s32 $0x2200  }
0x2af: {  	[tilespmem:s15], [sflag:$0x1] =	stream.indirect.gather [hbm4b:s1+s21], $0x1, s8, s21, $0xb8;
	[tilespmem:$0x5880] =	vst v63  }
0x2b0: {  	s17 =	simm.s32 $0x1A80;
	s19 =	simm.s32 $0x2480  }
0x2b1: {  	[tilespmem:s19], [sflag:$0x2] =	stream.indirect.gather [hbm4b:s1+s21], $0x1, s17, s21, $0xb8;
	[tilespmem:$0x5880] =	vst v63  }
0x2b2: {  	s13 =	simm.s32 $0x1D00;
	s15 =	simm.s32 $0x2700  }
0x2b3: {  	[tilespmem:s15], [sflag:$0x3] =	stream.indirect.gather [hbm4b:s1+s21], $0x1, s13, s21, $0xb8;
	[tilespmem:$0x5880] =	vst v63  }
0x2b4: {  	s17 =	simm.s32 $0x1F80;
	s19 =	simm.s32 $0x2980  }
0x2b5: {  	[tilespmem:s19], [sflag:$0x4] =	stream.indirect.gather [hbm4b:s1+s21], $0x1, s17, s21, $0xb8;
	[tilespmem:$0x5880] =	vst v63  }
.LBB2_26:
0x2b6: {  	_ =	swait.ge [sflag:s26], $0x280  }
0x2b7: {  	[sflag:s26] =	ssyncset.done $0x0  }
0x2b8: {  	[sflag:s26] =	ssyncadd.s32 $0xFFFFFD80  }
0x2b9: {  	_ =	swait.ge [sflag:s28], $0x280  }
0x2ba: {  	[sflag:s28] =	ssyncset.done $0x0  }
0x2bb: {  	[sflag:s28] =	ssyncadd.s32 $0xFFFFFD80  }
0x2bc: {  	_ =	swait.ge [sflag:s29], $0x280  }
0x2bd: {  	[sflag:s29] =	ssyncset.done $0x0  }
0x2be: {  	[sflag:s29] =	ssyncadd.s32 $0xFFFFFD80  }
0x2bf: {  	_ =	swait.ge [sflag:s30], $0x280  }
0x2c0: {  	[sflag:s30] =	ssyncset.done $0x0  }
0x2c1: {  	s8 =	simm.s32 $0x3180;
	[sflag:s30] =	ssyncadd.s32 $0xFFFFFD80  }
0x2c2: {  	s13 =	simm.s32 $0x0;
	v7 =	vld [tilespmem:s8+$0xFFFFFF80]  }
0x2c3: {  	v4 =	vld [tilespmem:s13+$0x4E80]  }
0x2c4: {  	v2 =	vld [tilespmem:s13+$0x4E00]  }
0x2c5: {  	v8 =	vld [tilespmem:s13+$0x4F00]  }
0x2c6: {  	v11 =	vld [tilespmem:s8+$0x0]  }
0x2c7: {  	v5 =	vld [tilespmem:s8+$0x80]  }
0x2c8: {  	v3 =	vld [tilespmem:s8+$0x100]  }
0x2c9: {  	v6 =	vld [tilespmem:s13+$0x4F80]  }
0x2ca: {  	v1 =	vld [tilespmem:s8+$0xFFFFFF00];
	v9 =	vshll.u32 v2, $0x10;
	v10 =	vand.u32 $0xFFFF0000, v2;
	v12 =	vshll.u32 v4, $0x10  }
0x2cb: {  	v2 =	vld [tilespmem:s8+$0xFFFFFE80];
	s8 =	simm.s32 $0x3580;
	v13 =	vmul.f32 v9, v7;
	v14 =	vmul.f32 v10, v11;
	v9 =	vshll.u32 v8, $0x10  }
0x2cc: {  	s13 =	simm.s32 $0x200;
	v15 =	vand.u32 $0xFFFF0000, v4;
	v4 =	vld [tilespmem:s8+$0xFFFFFF80];
	v9 =	vmul.f32 v9, v7;
	v7 =	vand.u32 $0xFFFF0000, v8  }
0x2cd: {  	v10 =	vmul.f32 v12, v5;
	v8 =	vld [tilespmem:s13+$0x4E80];
	v13 =	vadd.f32 v14, v13;
	v12 =	vmul.f32 v7, v11  }
0x2ce: {  	v0 =	vimm.f32 $0.0e+00;
	s15 =	simm.s32 $0x1000;
	v7 =	vld [tilespmem:s13+$0x4E00];
	v11 =	vmul.f32 v15, v3;
	v14 =	vshll.u32 v6, $0x10  }
.LBB2_27:
0x2cf: {  	p0 =	sne.s32 s15, $0x2000;
	v15 =	vld [tilespmem:s13+$0x4F00];
	v10 =	vadd.f32 v10, v13;
	v9 =	vadd.f32 v12, v9;
	v12 =	vmul.f32 v14, v5;
	v13 =	vmovc v1  }
0x2d0: {  	v1 =	vand.u32 $0xFFFF0000, v6;
	v14 =	vld [tilespmem:s8+$0x0]  }
0x2d1: {  	v1 =	vmul.f32 v1, v3;
	v5 =	vld [tilespmem:s8+$0x80];
	v10 =	vadd.f32 v10, v11;
	v9 =	vadd.f32 v12, v9  }
0x2d2: {  	v3 =	vld [tilespmem:s8+$0x100];
	v11 =	vshll.u32 v8, $0x10;
	v16 =	vand.u32 $0xFFFF0000, v8  }
0x2d3: {  	v6 =	vld [tilespmem:s13+$0x4F80];
	v8 =	vshll.u32 v7, $0x10;
	v9 =	vadd.f32 v9, v1;
	v10 =	vmul.f32 v10, v2  }
.Ltmp12:
0x2d4: {  	v7 =	vand.u32 $0xFFFF0000, v7;
	v1 =	vld [tilespmem:s8+$0xFFFFFF00];
	v12 =	vmul.f32 v8, v4;
	v8 =	vshll.u32 v15, $0x10;
	(pc) =	sbr.rel @p0 .LBB2_27-.Ltmp12, $4  }
0x2d5: {  	v2 =	vld [tilespmem:s8+$0xFFFFFE80];
	v7 =	vmul.f32 v7, v14;
	s8 =	sadd.s32 $0x400, s8;
	v0 =	vadd.f32 v10, v0;
	v17 =	vmul.f32 v9, v13  }
0x2d6: {  	s13 =	sshra.s32 s15, $0x2;
	v9 =	vmul.f32 v8, v4;
	v10 =	vmul.f32 v11, v5;
	v4 =	vld [tilespmem:s8+$0xFFFFFF80];
	v11 =	vand.u32 $0xFFFF0000, v15  }
0x2d7: {  	v8 =	vld [tilespmem:s13+$0x4E80];
	v13 =	vadd.f32 v7, v12;
	v12 =	vmul.f32 v11, v14;
	v0 =	vadd.f32 v17, v0  }
0x2d8: {  	s15 =	sadd.s32 $0x800, s15;
	v11 =	vmul.f32 v16, v3;
	v7 =	vld [tilespmem:s13+$0x4E00];
	v14 =	vshll.u32 v6, $0x10  }
0x2d9: {  	v15 =	vld [tilespmem:s13+$0x4F00]  }
0x2da: {  	v10 =	vadd.f32 v10, v13;
	v13 =	vld [tilespmem:s8+$0x0]  }
0x2db: {  	v9 =	vadd.f32 v12, v9;
	v5 =	vmul.f32 v14, v5;
	v12 =	vld [tilespmem:s8+$0x80]  }
0x2dc: {  	v6 =	vand.u32 $0xFFFF0000, v6;
	v10 =	vadd.f32 v10, v11;
	v11 =	vld [tilespmem:s8+$0x100]  }
0x2dd: {  	v3 =	vmul.f32 v6, v3;
	v5 =	vadd.f32 v5, v9;
	v9 =	vld [tilespmem:s13+$0x4F80];
	v6 =	vshll.u32 v8, $0x10  }
0x2de: {  	v8 =	vand.u32 $0xFFFF0000, v8;
	v14 =	vshll.u32 v7, $0x10;
	v7 =	vand.u32 $0xFFFF0000, v7  }
0x2df: {  	v3 =	vadd.f32 v5, v3;
	v5 =	vmul.f32 v14, v4;
	v7 =	vmul.f32 v7, v13  }
0x2e0: {  	v14 =	vshll.u32 v15, $0x10;
	v6 =	vmul.f32 v6, v12;
	v15 =	vand.u32 $0xFFFF0000, v15  }
0x2e1: {  	v4 =	vmul.f32 v14, v4;
	v5 =	vadd.f32 v7, v5;
	v7 =	vmul.f32 v15, v13  }
0x2e2: {  	v2 =	vmul.f32 v10, v2;
	v10 =	vld [tilespmem:s8+$0xFFFFFE80];
	v8 =	vmul.f32 v8, v11;
	v13 =	vshll.u32 v9, $0x10  }
0x2e3: {  	v5 =	vadd.f32 v6, v5;
	v4 =	vadd.f32 v7, v4;
	v6 =	vmul.f32 v13, v12  }
0x2e4: {  	v0 =	vadd.f32 v2, v0;
	v1 =	vmul.f32 v3, v1;
	v2 =	vand.u32 $0xFFFF0000, v9;
	v7 =	vld [tilespmem:s8+$0xFFFFFF00]  }
0x2e5: {  	v2 =	vmul.f32 v2, v11;
	v3 =	vadd.f32 v5, v8;
	v4 =	vadd.f32 v6, v4;
	_ =	sdelay $0x1  }
0x2e6: {  	v0 =	vadd.f32 v1, v0;
	v1 =	vadd.f32 v4, v2;
	v2 =	vmul.f32 v3, v10;
	_ =	sdelay $0x1  }
0x2e7: {  	v0 =	vadd.f32 v2, v0;
	v1 =	vmul.f32 v1, v7;
	_ =	sdelay $0x1  }
0x2e8: {  	v0 =	vadd.f32 v1, v0;
	_ =	sdelay $0x1  }
0x2e9: {  	s17 =	simm.s32 $0x3190;
	[tilespmem:$0x5800] =	vst v0  }
0x2ea: {  	s19 =	simm.s32 $0x0;
	v7 =	vld [tilespmem:s17+$0xFFFFFF80]  }
0x2eb: {  	v4 =	vld [tilespmem:s19+$0x4E90]  }
0x2ec: {  	v2 =	vld [tilespmem:s19+$0x4E10]  }
0x2ed: {  	v8 =	vld [tilespmem:s19+$0x4F10]  }
0x2ee: {  	v11 =	vld [tilespmem:s17+$0x0]  }
0x2ef: {  	v5 =	vld [tilespmem:s17+$0x80]  }
0x2f0: {  	v3 =	vld [tilespmem:s17+$0x100]  }
0x2f1: {  	v6 =	vld [tilespmem:s19+$0x4F90]  }
0x2f2: {  	v1 =	vld [tilespmem:s17+$0xFFFFFF00];
	v9 =	vshll.u32 v2, $0x10;
	v10 =	vand.u32 $0xFFFF0000, v2;
	v12 =	vshll.u32 v4, $0x10  }
0x2f3: {  	s8 =	simm.s32 $0x3590;
	v2 =	vld [tilespmem:s17+$0xFFFFFE80];
	v13 =	vmul.f32 v9, v7;
	v14 =	vmul.f32 v10, v11;
	v9 =	vshll.u32 v8, $0x10  }
0x2f4: {  	s13 =	simm.s32 $0x200;
	v15 =	vand.u32 $0xFFFF0000, v4;
	v4 =	vld [tilespmem:s8+$0xFFFFFF80];
	v9 =	vmul.f32 v9, v7;
	v7 =	vand.u32 $0xFFFF0000, v8  }
0x2f5: {  	v10 =	vmul.f32 v12, v5;
	v8 =	vld [tilespmem:s13+$0x4E90];
	v13 =	vadd.f32 v14, v13;
	v12 =	vmul.f32 v7, v11  }
0x2f6: {  	s15 =	simm.s32 $0x1000;
	v0 =	vimm.f32 $0.0e+00;
	v7 =	vld [tilespmem:s13+$0x4E10];
	v11 =	vmul.f32 v15, v3;
	v14 =	vshll.u32 v6, $0x10  }
.LBB2_29:
0x2f7: {  	p0 =	sne.s32 s15, $0x2000;
	v15 =	vld [tilespmem:s13+$0x4F10];
	v10 =	vadd.f32 v10, v13;
	v9 =	vadd.f32 v12, v9;
	v12 =	vmul.f32 v14, v5;
	v13 =	vmovc v1  }
0x2f8: {  	v1 =	vand.u32 $0xFFFF0000, v6;
	v14 =	vld [tilespmem:s8+$0x0]  }
0x2f9: {  	v1 =	vmul.f32 v1, v3;
	v5 =	vld [tilespmem:s8+$0x80];
	v10 =	vadd.f32 v10, v11;
	v9 =	vadd.f32 v12, v9  }
0x2fa: {  	v3 =	vld [tilespmem:s8+$0x100];
	v11 =	vshll.u32 v8, $0x10;
	v16 =	vand.u32 $0xFFFF0000, v8  }
0x2fb: {  	v6 =	vld [tilespmem:s13+$0x4F90];
	v8 =	vshll.u32 v7, $0x10;
	v9 =	vadd.f32 v9, v1;
	v10 =	vmul.f32 v10, v2  }
.Ltmp13:
0x2fc: {  	v7 =	vand.u32 $0xFFFF0000, v7;
	v1 =	vld [tilespmem:s8+$0xFFFFFF00];
	v12 =	vmul.f32 v8, v4;
	v8 =	vshll.u32 v15, $0x10;
	(pc) =	sbr.rel @p0 .LBB2_29-.Ltmp13, $4  }
0x2fd: {  	v2 =	vld [tilespmem:s8+$0xFFFFFE80];
	v7 =	vmul.f32 v7, v14;
	s8 =	sadd.s32 $0x400, s8;
	v0 =	vadd.f32 v10, v0;
	v17 =	vmul.f32 v9, v13  }
0x2fe: {  	s13 =	sshra.s32 s15, $0x2;
	v9 =	vmul.f32 v8, v4;
	v10 =	vmul.f32 v11, v5;
	v4 =	vld [tilespmem:s8+$0xFFFFFF80];
	v11 =	vand.u32 $0xFFFF0000, v15  }
0x2ff: {  	v8 =	vld [tilespmem:s13+$0x4E90];
	v13 =	vadd.f32 v7, v12;
	v12 =	vmul.f32 v11, v14;
	v0 =	vadd.f32 v17, v0  }
0x300: {  	s15 =	sadd.s32 $0x800, s15;
	v11 =	vmul.f32 v16, v3;
	v7 =	vld [tilespmem:s13+$0x4E10];
	v14 =	vshll.u32 v6, $0x10  }
0x301: {  	v15 =	vld [tilespmem:s13+$0x4F10]  }
0x302: {  	v10 =	vadd.f32 v10, v13;
	v13 =	vld [tilespmem:s8+$0x0]  }
0x303: {  	v9 =	vadd.f32 v12, v9;
	v5 =	vmul.f32 v14, v5;
	v12 =	vld [tilespmem:s8+$0x80]  }
0x304: {  	v6 =	vand.u32 $0xFFFF0000, v6;
	v10 =	vadd.f32 v10, v11;
	v11 =	vld [tilespmem:s8+$0x100]  }
0x305: {  	v3 =	vmul.f32 v6, v3;
	v5 =	vadd.f32 v5, v9;
	v9 =	vld [tilespmem:s13+$0x4F90];
	v6 =	vshll.u32 v8, $0x10  }
0x306: {  	v8 =	vand.u32 $0xFFFF0000, v8;
	v14 =	vshll.u32 v7, $0x10;
	v7 =	vand.u32 $0xFFFF0000, v7  }
0x307: {  	v3 =	vadd.f32 v5, v3;
	v5 =	vmul.f32 v14, v4;
	v7 =	vmul.f32 v7, v13  }
0x308: {  	v14 =	vshll.u32 v15, $0x10;
	v6 =	vmul.f32 v6, v12;
	v15 =	vand.u32 $0xFFFF0000, v15  }
0x309: {  	v4 =	vmul.f32 v14, v4;
	v5 =	vadd.f32 v7, v5;
	v7 =	vmul.f32 v15, v13  }
0x30a: {  	v2 =	vmul.f32 v10, v2;
	v10 =	vld [tilespmem:s8+$0xFFFFFE80];
	v8 =	vmul.f32 v8, v11;
	v13 =	vshll.u32 v9, $0x10  }
0x30b: {  	v5 =	vadd.f32 v6, v5;
	v4 =	vadd.f32 v7, v4;
	v6 =	vmul.f32 v13, v12  }
0x30c: {  	v0 =	vadd.f32 v2, v0;
	v1 =	vmul.f32 v3, v1;
	v2 =	vand.u32 $0xFFFF0000, v9;
	v7 =	vld [tilespmem:s8+$0xFFFFFF00]  }
0x30d: {  	v2 =	vmul.f32 v2, v11;
	v3 =	vadd.f32 v5, v8;
	v4 =	vadd.f32 v6, v4;
	_ =	sdelay $0x1  }
0x30e: {  	v0 =	vadd.f32 v1, v0;
	v1 =	vadd.f32 v4, v2;
	v2 =	vmul.f32 v3, v10;
	_ =	sdelay $0x1  }
0x30f: {  	v0 =	vadd.f32 v2, v0;
	v1 =	vmul.f32 v1, v7;
	_ =	sdelay $0x1  }
0x310: {  	v0 =	vadd.f32 v1, v0;
	_ =	sdelay $0x1  }
0x311: {  	s17 =	simm.s32 $0x31A0;
	[tilespmem:$0x5810] =	vst v0  }
0x312: {  	s19 =	simm.s32 $0x0;
	v7 =	vld [tilespmem:s17+$0xFFFFFF80]  }
0x313: {  	v4 =	vld [tilespmem:s19+$0x4EA0]  }
0x314: {  	v2 =	vld [tilespmem:s19+$0x4E20]  }
0x315: {  	v8 =	vld [tilespmem:s19+$0x4F20]  }
0x316: {  	v11 =	vld [tilespmem:s17+$0x0]  }
0x317: {  	v5 =	vld [tilespmem:s17+$0x80]  }
0x318: {  	v3 =	vld [tilespmem:s17+$0x100]  }
0x319: {  	v6 =	vld [tilespmem:s19+$0x4FA0]  }
0x31a: {  	v1 =	vld [tilespmem:s17+$0xFFFFFF00];
	v9 =	vshll.u32 v2, $0x10;
	v10 =	vand.u32 $0xFFFF0000, v2;
	v12 =	vshll.u32 v4, $0x10  }
0x31b: {  	s8 =	simm.s32 $0x35A0;
	v2 =	vld [tilespmem:s17+$0xFFFFFE80];
	v13 =	vmul.f32 v9, v7;
	v14 =	vmul.f32 v10, v11;
	v9 =	vshll.u32 v8, $0x10  }
0x31c: {  	s13 =	simm.s32 $0x200;
	v15 =	vand.u32 $0xFFFF0000, v4;
	v4 =	vld [tilespmem:s8+$0xFFFFFF80];
	v9 =	vmul.f32 v9, v7;
	v7 =	vand.u32 $0xFFFF0000, v8  }
0x31d: {  	v10 =	vmul.f32 v12, v5;
	v8 =	vld [tilespmem:s13+$0x4EA0];
	v13 =	vadd.f32 v14, v13;
	v12 =	vmul.f32 v7, v11  }
0x31e: {  	s15 =	simm.s32 $0x1000;
	v0 =	vimm.f32 $0.0e+00;
	v7 =	vld [tilespmem:s13+$0x4E20];
	v11 =	vmul.f32 v15, v3;
	v14 =	vshll.u32 v6, $0x10  }
.LBB2_31:
0x31f: {  	p0 =	sne.s32 s15, $0x2000;
	v15 =	vld [tilespmem:s13+$0x4F20];
	v10 =	vadd.f32 v10, v13;
	v9 =	vadd.f32 v12, v9;
	v12 =	vmul.f32 v14, v5;
	v13 =	vmovc v1  }
0x320: {  	v1 =	vand.u32 $0xFFFF0000, v6;
	v14 =	vld [tilespmem:s8+$0x0]  }
0x321: {  	v1 =	vmul.f32 v1, v3;
	v5 =	vld [tilespmem:s8+$0x80];
	v10 =	vadd.f32 v10, v11;
	v9 =	vadd.f32 v12, v9  }
0x322: {  	v3 =	vld [tilespmem:s8+$0x100];
	v11 =	vshll.u32 v8, $0x10;
	v16 =	vand.u32 $0xFFFF0000, v8  }
0x323: {  	v6 =	vld [tilespmem:s13+$0x4FA0];
	v8 =	vshll.u32 v7, $0x10;
	v9 =	vadd.f32 v9, v1;
	v10 =	vmul.f32 v10, v2  }
.Ltmp14:
0x324: {  	v7 =	vand.u32 $0xFFFF0000, v7;
	v1 =	vld [tilespmem:s8+$0xFFFFFF00];
	v12 =	vmul.f32 v8, v4;
	v8 =	vshll.u32 v15, $0x10;
	(pc) =	sbr.rel @p0 .LBB2_31-.Ltmp14, $4  }
0x325: {  	v2 =	vld [tilespmem:s8+$0xFFFFFE80];
	v7 =	vmul.f32 v7, v14;
	s8 =	sadd.s32 $0x400, s8;
	v0 =	vadd.f32 v10, v0;
	v17 =	vmul.f32 v9, v13  }
0x326: {  	s13 =	sshra.s32 s15, $0x2;
	v9 =	vmul.f32 v8, v4;
	v10 =	vmul.f32 v11, v5;
	v4 =	vld [tilespmem:s8+$0xFFFFFF80];
	v11 =	vand.u32 $0xFFFF0000, v15  }
0x327: {  	v8 =	vld [tilespmem:s13+$0x4EA0];
	v13 =	vadd.f32 v7, v12;
	v12 =	vmul.f32 v11, v14;
	v0 =	vadd.f32 v17, v0  }
0x328: {  	s15 =	sadd.s32 $0x800, s15;
	v11 =	vmul.f32 v16, v3;
	v7 =	vld [tilespmem:s13+$0x4E20];
	v14 =	vshll.u32 v6, $0x10  }
0x329: {  	v15 =	vld [tilespmem:s13+$0x4F20]  }
0x32a: {  	v10 =	vadd.f32 v10, v13;
	v13 =	vld [tilespmem:s8+$0x0]  }
0x32b: {  	v9 =	vadd.f32 v12, v9;
	v5 =	vmul.f32 v14, v5;
	v12 =	vld [tilespmem:s8+$0x80]  }
0x32c: {  	v6 =	vand.u32 $0xFFFF0000, v6;
	v10 =	vadd.f32 v10, v11;
	v11 =	vld [tilespmem:s8+$0x100]  }
0x32d: {  	v3 =	vmul.f32 v6, v3;
	v5 =	vadd.f32 v5, v9;
	v9 =	vld [tilespmem:s13+$0x4FA0];
	v6 =	vshll.u32 v8, $0x10  }
0x32e: {  	v8 =	vand.u32 $0xFFFF0000, v8;
	v14 =	vshll.u32 v7, $0x10;
	v7 =	vand.u32 $0xFFFF0000, v7  }
0x32f: {  	v3 =	vadd.f32 v5, v3;
	v5 =	vmul.f32 v14, v4;
	v7 =	vmul.f32 v7, v13  }
0x330: {  	v14 =	vshll.u32 v15, $0x10;
	v6 =	vmul.f32 v6, v12;
	v15 =	vand.u32 $0xFFFF0000, v15  }
0x331: {  	v4 =	vmul.f32 v14, v4;
	v5 =	vadd.f32 v7, v5;
	v7 =	vmul.f32 v15, v13  }
0x332: {  	v2 =	vmul.f32 v10, v2;
	v10 =	vld [tilespmem:s8+$0xFFFFFE80];
	v8 =	vmul.f32 v8, v11;
	v13 =	vshll.u32 v9, $0x10  }
0x333: {  	v5 =	vadd.f32 v6, v5;
	v4 =	vadd.f32 v7, v4;
	v6 =	vmul.f32 v13, v12  }
0x334: {  	v0 =	vadd.f32 v2, v0;
	v1 =	vmul.f32 v3, v1;
	v2 =	vand.u32 $0xFFFF0000, v9;
	v7 =	vld [tilespmem:s8+$0xFFFFFF00]  }
0x335: {  	v2 =	vmul.f32 v2, v11;
	v3 =	vadd.f32 v5, v8;
	v4 =	vadd.f32 v6, v4;
	_ =	sdelay $0x1  }
0x336: {  	v0 =	vadd.f32 v1, v0;
	v1 =	vadd.f32 v4, v2;
	v2 =	vmul.f32 v3, v10;
	_ =	sdelay $0x1  }
0x337: {  	v0 =	vadd.f32 v2, v0;
	v1 =	vmul.f32 v1, v7;
	_ =	sdelay $0x1  }
0x338: {  	v0 =	vadd.f32 v1, v0;
	_ =	sdelay $0x1  }
0x339: {  	s17 =	simm.s32 $0x31B0;
	[tilespmem:$0x5820] =	vst v0  }
0x33a: {  	s19 =	simm.s32 $0x0;
	v7 =	vld [tilespmem:s17+$0xFFFFFF80]  }
0x33b: {  	v4 =	vld [tilespmem:s19+$0x4EB0]  }
0x33c: {  	v2 =	vld [tilespmem:s19+$0x4E30]  }
0x33d: {  	v8 =	vld [tilespmem:s19+$0x4F30]  }
0x33e: {  	v11 =	vld [tilespmem:s17+$0x0]  }
0x33f: {  	v5 =	vld [tilespmem:s17+$0x80]  }
0x340: {  	v3 =	vld [tilespmem:s17+$0x100]  }
0x341: {  	v6 =	vld [tilespmem:s19+$0x4FB0]  }
0x342: {  	v1 =	vld [tilespmem:s17+$0xFFFFFF00];
	v9 =	vshll.u32 v2, $0x10;
	v10 =	vand.u32 $0xFFFF0000, v2;
	v12 =	vshll.u32 v4, $0x10  }
0x343: {  	s8 =	simm.s32 $0x35B0;
	v2 =	vld [tilespmem:s17+$0xFFFFFE80];
	v13 =	vmul.f32 v9, v7;
	v14 =	vmul.f32 v10, v11;
	v9 =	vshll.u32 v8, $0x10  }
0x344: {  	s13 =	simm.s32 $0x200;
	v15 =	vand.u32 $0xFFFF0000, v4;
	v4 =	vld [tilespmem:s8+$0xFFFFFF80];
	v9 =	vmul.f32 v9, v7;
	v7 =	vand.u32 $0xFFFF0000, v8  }
0x345: {  	v10 =	vmul.f32 v12, v5;
	v8 =	vld [tilespmem:s13+$0x4EB0];
	v13 =	vadd.f32 v14, v13;
	v12 =	vmul.f32 v7, v11  }
0x346: {  	s15 =	simm.s32 $0x1000;
	v0 =	vimm.f32 $0.0e+00;
	v7 =	vld [tilespmem:s13+$0x4E30];
	v11 =	vmul.f32 v15, v3;
	v14 =	vshll.u32 v6, $0x10  }
.LBB2_33:
0x347: {  	p0 =	sne.s32 s15, $0x2000;
	v15 =	vld [tilespmem:s13+$0x4F30];
	v10 =	vadd.f32 v10, v13;
	v9 =	vadd.f32 v12, v9;
	v12 =	vmul.f32 v14, v5;
	v13 =	vmovc v1  }
0x348: {  	v1 =	vand.u32 $0xFFFF0000, v6;
	v14 =	vld [tilespmem:s8+$0x0]  }
0x349: {  	v1 =	vmul.f32 v1, v3;
	v5 =	vld [tilespmem:s8+$0x80];
	v10 =	vadd.f32 v10, v11;
	v9 =	vadd.f32 v12, v9  }
0x34a: {  	v3 =	vld [tilespmem:s8+$0x100];
	v11 =	vshll.u32 v8, $0x10;
	v16 =	vand.u32 $0xFFFF0000, v8  }
0x34b: {  	v6 =	vld [tilespmem:s13+$0x4FB0];
	v8 =	vshll.u32 v7, $0x10;
	v9 =	vadd.f32 v9, v1;
	v10 =	vmul.f32 v10, v2  }
.Ltmp15:
0x34c: {  	v7 =	vand.u32 $0xFFFF0000, v7;
	v1 =	vld [tilespmem:s8+$0xFFFFFF00];
	v12 =	vmul.f32 v8, v4;
	v8 =	vshll.u32 v15, $0x10;
	(pc) =	sbr.rel @p0 .LBB2_33-.Ltmp15, $4  }
0x34d: {  	v2 =	vld [tilespmem:s8+$0xFFFFFE80];
	v7 =	vmul.f32 v7, v14;
	s8 =	sadd.s32 $0x400, s8;
	v0 =	vadd.f32 v10, v0;
	v17 =	vmul.f32 v9, v13  }
0x34e: {  	s13 =	sshra.s32 s15, $0x2;
	v9 =	vmul.f32 v8, v4;
	v10 =	vmul.f32 v11, v5;
	v4 =	vld [tilespmem:s8+$0xFFFFFF80];
	v11 =	vand.u32 $0xFFFF0000, v15  }
0x34f: {  	v8 =	vld [tilespmem:s13+$0x4EB0];
	v13 =	vadd.f32 v7, v12;
	v12 =	vmul.f32 v11, v14;
	v0 =	vadd.f32 v17, v0  }
0x350: {  	s15 =	sadd.s32 $0x800, s15;
	v11 =	vmul.f32 v16, v3;
	v7 =	vld [tilespmem:s13+$0x4E30];
	v14 =	vshll.u32 v6, $0x10  }
0x351: {  	v15 =	vld [tilespmem:s13+$0x4F30]  }
0x352: {  	v10 =	vadd.f32 v10, v13;
	v13 =	vld [tilespmem:s8+$0x0]  }
0x353: {  	v9 =	vadd.f32 v12, v9;
	v5 =	vmul.f32 v14, v5;
	v12 =	vld [tilespmem:s8+$0x80]  }
0x354: {  	v6 =	vand.u32 $0xFFFF0000, v6;
	v10 =	vadd.f32 v10, v11;
	v11 =	vld [tilespmem:s8+$0x100]  }
0x355: {  	v3 =	vmul.f32 v6, v3;
	v5 =	vadd.f32 v5, v9;
	v9 =	vld [tilespmem:s13+$0x4FB0];
	v6 =	vshll.u32 v8, $0x10  }
0x356: {  	v8 =	vand.u32 $0xFFFF0000, v8;
	v14 =	vshll.u32 v7, $0x10;
	v7 =	vand.u32 $0xFFFF0000, v7  }
0x357: {  	v3 =	vadd.f32 v5, v3;
	v5 =	vmul.f32 v14, v4;
	v7 =	vmul.f32 v7, v13  }
0x358: {  	v14 =	vshll.u32 v15, $0x10;
	v6 =	vmul.f32 v6, v12;
	v15 =	vand.u32 $0xFFFF0000, v15  }
0x359: {  	v4 =	vmul.f32 v14, v4;
	v5 =	vadd.f32 v7, v5;
	v7 =	vmul.f32 v15, v13  }
0x35a: {  	v2 =	vmul.f32 v10, v2;
	v10 =	vld [tilespmem:s8+$0xFFFFFE80];
	v8 =	vmul.f32 v8, v11;
	v13 =	vshll.u32 v9, $0x10  }
0x35b: {  	v5 =	vadd.f32 v6, v5;
	v4 =	vadd.f32 v7, v4;
	v6 =	vmul.f32 v13, v12  }
0x35c: {  	v0 =	vadd.f32 v2, v0;
	v1 =	vmul.f32 v3, v1;
	v2 =	vand.u32 $0xFFFF0000, v9;
	v7 =	vld [tilespmem:s8+$0xFFFFFF00]  }
0x35d: {  	v2 =	vmul.f32 v2, v11;
	v3 =	vadd.f32 v5, v8;
	v4 =	vadd.f32 v6, v4;
	_ =	sdelay $0x1  }
0x35e: {  	v0 =	vadd.f32 v1, v0;
	v1 =	vadd.f32 v4, v2;
	v2 =	vmul.f32 v3, v10;
	_ =	sdelay $0x1  }
0x35f: {  	v0 =	vadd.f32 v2, v0;
	v1 =	vmul.f32 v1, v7;
	_ =	sdelay $0x1  }
0x360: {  	v0 =	vadd.f32 v1, v0;
	_ =	sdelay $0x1  }
0x361: {  	s17 =	simm.s32 $0x31C0;
	[tilespmem:$0x5830] =	vst v0  }
0x362: {  	s19 =	simm.s32 $0x0;
	v7 =	vld [tilespmem:s17+$0xFFFFFF80]  }
0x363: {  	v4 =	vld [tilespmem:s19+$0x4EC0]  }
0x364: {  	v2 =	vld [tilespmem:s19+$0x4E40]  }
0x365: {  	v8 =	vld [tilespmem:s19+$0x4F40]  }
0x366: {  	v11 =	vld [tilespmem:s17+$0x0]  }
0x367: {  	v5 =	vld [tilespmem:s17+$0x80]  }
0x368: {  	v3 =	vld [tilespmem:s17+$0x100]  }
0x369: {  	v6 =	vld [tilespmem:s19+$0x4FC0]  }
0x36a: {  	v1 =	vld [tilespmem:s17+$0xFFFFFF00];
	v9 =	vshll.u32 v2, $0x10;
	v10 =	vand.u32 $0xFFFF0000, v2;
	v12 =	vshll.u32 v4, $0x10  }
0x36b: {  	s8 =	simm.s32 $0x35C0;
	v2 =	vld [tilespmem:s17+$0xFFFFFE80];
	v13 =	vmul.f32 v9, v7;
	v14 =	vmul.f32 v10, v11;
	v9 =	vshll.u32 v8, $0x10  }
0x36c: {  	s13 =	simm.s32 $0x200;
	v15 =	vand.u32 $0xFFFF0000, v4;
	v4 =	vld [tilespmem:s8+$0xFFFFFF80];
	v9 =	vmul.f32 v9, v7;
	v7 =	vand.u32 $0xFFFF0000, v8  }
0x36d: {  	v10 =	vmul.f32 v12, v5;
	v8 =	vld [tilespmem:s13+$0x4EC0];
	v13 =	vadd.f32 v14, v13;
	v12 =	vmul.f32 v7, v11  }
0x36e: {  	s15 =	simm.s32 $0x1000;
	v0 =	vimm.f32 $0.0e+00;
	v7 =	vld [tilespmem:s13+$0x4E40];
	v11 =	vmul.f32 v15, v3;
	v14 =	vshll.u32 v6, $0x10  }
.LBB2_35:
0x36f: {  	p0 =	sne.s32 s15, $0x2000;
	v15 =	vld [tilespmem:s13+$0x4F40];
	v10 =	vadd.f32 v10, v13;
	v9 =	vadd.f32 v12, v9;
	v12 =	vmul.f32 v14, v5;
	v13 =	vmovc v1  }
0x370: {  	v1 =	vand.u32 $0xFFFF0000, v6;
	v14 =	vld [tilespmem:s8+$0x0]  }
0x371: {  	v1 =	vmul.f32 v1, v3;
	v5 =	vld [tilespmem:s8+$0x80];
	v10 =	vadd.f32 v10, v11;
	v9 =	vadd.f32 v12, v9  }
0x372: {  	v3 =	vld [tilespmem:s8+$0x100];
	v11 =	vshll.u32 v8, $0x10;
	v16 =	vand.u32 $0xFFFF0000, v8  }
0x373: {  	v6 =	vld [tilespmem:s13+$0x4FC0];
	v8 =	vshll.u32 v7, $0x10;
	v9 =	vadd.f32 v9, v1;
	v10 =	vmul.f32 v10, v2  }
.Ltmp16:
0x374: {  	v7 =	vand.u32 $0xFFFF0000, v7;
	v1 =	vld [tilespmem:s8+$0xFFFFFF00];
	v12 =	vmul.f32 v8, v4;
	v8 =	vshll.u32 v15, $0x10;
	(pc) =	sbr.rel @p0 .LBB2_35-.Ltmp16, $4  }
0x375: {  	v2 =	vld [tilespmem:s8+$0xFFFFFE80];
	v7 =	vmul.f32 v7, v14;
	s8 =	sadd.s32 $0x400, s8;
	v0 =	vadd.f32 v10, v0;
	v17 =	vmul.f32 v9, v13  }
0x376: {  	s13 =	sshra.s32 s15, $0x2;
	v9 =	vmul.f32 v8, v4;
	v10 =	vmul.f32 v11, v5;
	v4 =	vld [tilespmem:s8+$0xFFFFFF80];
	v11 =	vand.u32 $0xFFFF0000, v15  }
0x377: {  	v8 =	vld [tilespmem:s13+$0x4EC0];
	v13 =	vadd.f32 v7, v12;
	v12 =	vmul.f32 v11, v14;
	v0 =	vadd.f32 v17, v0  }
0x378: {  	s15 =	sadd.s32 $0x800, s15;
	v11 =	vmul.f32 v16, v3;
	v7 =	vld [tilespmem:s13+$0x4E40];
	v14 =	vshll.u32 v6, $0x10  }
0x379: {  	v15 =	vld [tilespmem:s13+$0x4F40]  }
0x37a: {  	v10 =	vadd.f32 v10, v13;
	v13 =	vld [tilespmem:s8+$0x0]  }
0x37b: {  	v9 =	vadd.f32 v12, v9;
	v5 =	vmul.f32 v14, v5;
	v12 =	vld [tilespmem:s8+$0x80]  }
0x37c: {  	v6 =	vand.u32 $0xFFFF0000, v6;
	v10 =	vadd.f32 v10, v11;
	v11 =	vld [tilespmem:s8+$0x100]  }
0x37d: {  	v3 =	vmul.f32 v6, v3;
	v5 =	vadd.f32 v5, v9;
	v9 =	vld [tilespmem:s13+$0x4FC0];
	v6 =	vshll.u32 v8, $0x10  }
0x37e: {  	v8 =	vand.u32 $0xFFFF0000, v8;
	v14 =	vshll.u32 v7, $0x10;
	v7 =	vand.u32 $0xFFFF0000, v7  }
0x37f: {  	v3 =	vadd.f32 v5, v3;
	v5 =	vmul.f32 v14, v4;
	v7 =	vmul.f32 v7, v13  }
0x380: {  	v14 =	vshll.u32 v15, $0x10;
	v6 =	vmul.f32 v6, v12;
	v15 =	vand.u32 $0xFFFF0000, v15  }
0x381: {  	v4 =	vmul.f32 v14, v4;
	v5 =	vadd.f32 v7, v5;
	v7 =	vmul.f32 v15, v13  }
0x382: {  	v2 =	vmul.f32 v10, v2;
	v10 =	vld [tilespmem:s8+$0xFFFFFE80];
	v8 =	vmul.f32 v8, v11;
	v13 =	vshll.u32 v9, $0x10  }
0x383: {  	v5 =	vadd.f32 v6, v5;
	v4 =	vadd.f32 v7, v4;
	v6 =	vmul.f32 v13, v12  }
0x384: {  	v0 =	vadd.f32 v2, v0;
	v1 =	vmul.f32 v3, v1;
	v2 =	vand.u32 $0xFFFF0000, v9;
	v7 =	vld [tilespmem:s8+$0xFFFFFF00]  }
0x385: {  	v2 =	vmul.f32 v2, v11;
	v3 =	vadd.f32 v5, v8;
	v4 =	vadd.f32 v6, v4;
	_ =	sdelay $0x1  }
0x386: {  	v0 =	vadd.f32 v1, v0;
	v1 =	vadd.f32 v4, v2;
	v2 =	vmul.f32 v3, v10;
	_ =	sdelay $0x1  }
0x387: {  	v0 =	vadd.f32 v2, v0;
	v1 =	vmul.f32 v1, v7;
	_ =	sdelay $0x1  }
0x388: {  	v0 =	vadd.f32 v1, v0;
	_ =	sdelay $0x1  }
0x389: {  	s17 =	simm.s32 $0x31D0;
	[tilespmem:$0x5840] =	vst v0  }
0x38a: {  	s19 =	simm.s32 $0x0;
	v7 =	vld [tilespmem:s17+$0xFFFFFF80]  }
0x38b: {  	v4 =	vld [tilespmem:s19+$0x4ED0]  }
0x38c: {  	v2 =	vld [tilespmem:s19+$0x4E50]  }
0x38d: {  	v8 =	vld [tilespmem:s19+$0x4F50]  }
0x38e: {  	v11 =	vld [tilespmem:s17+$0x0]  }
0x38f: {  	v5 =	vld [tilespmem:s17+$0x80]  }
0x390: {  	v3 =	vld [tilespmem:s17+$0x100]  }
0x391: {  	v6 =	vld [tilespmem:s19+$0x4FD0]  }
0x392: {  	v1 =	vld [tilespmem:s17+$0xFFFFFF00];
	v9 =	vshll.u32 v2, $0x10;
	v10 =	vand.u32 $0xFFFF0000, v2;
	v12 =	vshll.u32 v4, $0x10  }
0x393: {  	s8 =	simm.s32 $0x35D0;
	v2 =	vld [tilespmem:s17+$0xFFFFFE80];
	v13 =	vmul.f32 v9, v7;
	v14 =	vmul.f32 v10, v11;
	v9 =	vshll.u32 v8, $0x10  }
0x394: {  	s13 =	simm.s32 $0x200;
	v15 =	vand.u32 $0xFFFF0000, v4;
	v4 =	vld [tilespmem:s8+$0xFFFFFF80];
	v9 =	vmul.f32 v9, v7;
	v7 =	vand.u32 $0xFFFF0000, v8  }
0x395: {  	v10 =	vmul.f32 v12, v5;
	v8 =	vld [tilespmem:s13+$0x4ED0];
	v13 =	vadd.f32 v14, v13;
	v12 =	vmul.f32 v7, v11  }
0x396: {  	s15 =	simm.s32 $0x1000;
	v0 =	vimm.f32 $0.0e+00;
	v7 =	vld [tilespmem:s13+$0x4E50];
	v11 =	vmul.f32 v15, v3;
	v14 =	vshll.u32 v6, $0x10  }
.LBB2_37:
0x397: {  	p0 =	sne.s32 s15, $0x2000;
	v15 =	vld [tilespmem:s13+$0x4F50];
	v10 =	vadd.f32 v10, v13;
	v9 =	vadd.f32 v12, v9;
	v12 =	vmul.f32 v14, v5;
	v13 =	vmovc v1  }
0x398: {  	v1 =	vand.u32 $0xFFFF0000, v6;
	v14 =	vld [tilespmem:s8+$0x0]  }
0x399: {  	v1 =	vmul.f32 v1, v3;
	v5 =	vld [tilespmem:s8+$0x80];
	v10 =	vadd.f32 v10, v11;
	v9 =	vadd.f32 v12, v9  }
0x39a: {  	v3 =	vld [tilespmem:s8+$0x100];
	v11 =	vshll.u32 v8, $0x10;
	v16 =	vand.u32 $0xFFFF0000, v8  }
0x39b: {  	v6 =	vld [tilespmem:s13+$0x4FD0];
	v8 =	vshll.u32 v7, $0x10;
	v9 =	vadd.f32 v9, v1;
	v10 =	vmul.f32 v10, v2  }
.Ltmp17:
0x39c: {  	v7 =	vand.u32 $0xFFFF0000, v7;
	v1 =	vld [tilespmem:s8+$0xFFFFFF00];
	v12 =	vmul.f32 v8, v4;
	v8 =	vshll.u32 v15, $0x10;
	(pc) =	sbr.rel @p0 .LBB2_37-.Ltmp17, $4  }
0x39d: {  	v2 =	vld [tilespmem:s8+$0xFFFFFE80];
	v7 =	vmul.f32 v7, v14;
	s8 =	sadd.s32 $0x400, s8;
	v0 =	vadd.f32 v10, v0;
	v17 =	vmul.f32 v9, v13  }
0x39e: {  	s13 =	sshra.s32 s15, $0x2;
	v9 =	vmul.f32 v8, v4;
	v10 =	vmul.f32 v11, v5;
	v4 =	vld [tilespmem:s8+$0xFFFFFF80];
	v11 =	vand.u32 $0xFFFF0000, v15  }
0x39f: {  	v8 =	vld [tilespmem:s13+$0x4ED0];
	v13 =	vadd.f32 v7, v12;
	v12 =	vmul.f32 v11, v14;
	v0 =	vadd.f32 v17, v0  }
0x3a0: {  	s15 =	sadd.s32 $0x800, s15;
	v11 =	vmul.f32 v16, v3;
	v7 =	vld [tilespmem:s13+$0x4E50];
	v14 =	vshll.u32 v6, $0x10  }
0x3a1: {  	v15 =	vld [tilespmem:s13+$0x4F50]  }
0x3a2: {  	v10 =	vadd.f32 v10, v13;
	v13 =	vld [tilespmem:s8+$0x0]  }
0x3a3: {  	v9 =	vadd.f32 v12, v9;
	v5 =	vmul.f32 v14, v5;
	v12 =	vld [tilespmem:s8+$0x80]  }
0x3a4: {  	v6 =	vand.u32 $0xFFFF0000, v6;
	v10 =	vadd.f32 v10, v11;
	v11 =	vld [tilespmem:s8+$0x100]  }
0x3a5: {  	v3 =	vmul.f32 v6, v3;
	v5 =	vadd.f32 v5, v9;
	v9 =	vld [tilespmem:s13+$0x4FD0];
	v6 =	vshll.u32 v8, $0x10  }
0x3a6: {  	v8 =	vand.u32 $0xFFFF0000, v8;
	v14 =	vshll.u32 v7, $0x10;
	v7 =	vand.u32 $0xFFFF0000, v7  }
0x3a7: {  	v3 =	vadd.f32 v5, v3;
	v5 =	vmul.f32 v14, v4;
	v7 =	vmul.f32 v7, v13  }
0x3a8: {  	v14 =	vshll.u32 v15, $0x10;
	v6 =	vmul.f32 v6, v12;
	v15 =	vand.u32 $0xFFFF0000, v15  }
0x3a9: {  	v4 =	vmul.f32 v14, v4;
	v5 =	vadd.f32 v7, v5;
	v7 =	vmul.f32 v15, v13  }
0x3aa: {  	v2 =	vmul.f32 v10, v2;
	v10 =	vld [tilespmem:s8+$0xFFFFFE80];
	v8 =	vmul.f32 v8, v11;
	v13 =	vshll.u32 v9, $0x10  }
0x3ab: {  	v5 =	vadd.f32 v6, v5;
	v4 =	vadd.f32 v7, v4;
	v6 =	vmul.f32 v13, v12  }
0x3ac: {  	v0 =	vadd.f32 v2, v0;
	v1 =	vmul.f32 v3, v1;
	v2 =	vand.u32 $0xFFFF0000, v9;
	v7 =	vld [tilespmem:s8+$0xFFFFFF00]  }
0x3ad: {  	v2 =	vmul.f32 v2, v11;
	v3 =	vadd.f32 v5, v8;
	v4 =	vadd.f32 v6, v4;
	_ =	sdelay $0x1  }
0x3ae: {  	v0 =	vadd.f32 v1, v0;
	v1 =	vadd.f32 v4, v2;
	v2 =	vmul.f32 v3, v10;
	_ =	sdelay $0x1  }
0x3af: {  	v0 =	vadd.f32 v2, v0;
	v1 =	vmul.f32 v1, v7;
	_ =	sdelay $0x1  }
0x3b0: {  	v0 =	vadd.f32 v1, v0;
	_ =	sdelay $0x1  }
0x3b1: {  	s17 =	simm.s32 $0x31E0;
	[tilespmem:$0x5850] =	vst v0  }
0x3b2: {  	s19 =	simm.s32 $0x0;
	v7 =	vld [tilespmem:s17+$0xFFFFFF80]  }
0x3b3: {  	v4 =	vld [tilespmem:s19+$0x4EE0]  }
0x3b4: {  	v2 =	vld [tilespmem:s19+$0x4E60]  }
0x3b5: {  	v8 =	vld [tilespmem:s19+$0x4F60]  }
0x3b6: {  	v11 =	vld [tilespmem:s17+$0x0]  }
0x3b7: {  	v5 =	vld [tilespmem:s17+$0x80]  }
0x3b8: {  	v3 =	vld [tilespmem:s17+$0x100]  }
0x3b9: {  	v6 =	vld [tilespmem:s19+$0x4FE0]  }
0x3ba: {  	v1 =	vld [tilespmem:s17+$0xFFFFFF00];
	v9 =	vshll.u32 v2, $0x10;
	v10 =	vand.u32 $0xFFFF0000, v2;
	v12 =	vshll.u32 v4, $0x10  }
0x3bb: {  	s8 =	simm.s32 $0x35E0;
	v2 =	vld [tilespmem:s17+$0xFFFFFE80];
	v13 =	vmul.f32 v9, v7;
	v14 =	vmul.f32 v10, v11;
	v9 =	vshll.u32 v8, $0x10  }
0x3bc: {  	s13 =	simm.s32 $0x200;
	v15 =	vand.u32 $0xFFFF0000, v4;
	v4 =	vld [tilespmem:s8+$0xFFFFFF80];
	v9 =	vmul.f32 v9, v7;
	v7 =	vand.u32 $0xFFFF0000, v8  }
0x3bd: {  	v10 =	vmul.f32 v12, v5;
	v8 =	vld [tilespmem:s13+$0x4EE0];
	v13 =	vadd.f32 v14, v13;
	v12 =	vmul.f32 v7, v11  }
0x3be: {  	s15 =	simm.s32 $0x1000;
	v0 =	vimm.f32 $0.0e+00;
	v7 =	vld [tilespmem:s13+$0x4E60];
	v11 =	vmul.f32 v15, v3;
	v14 =	vshll.u32 v6, $0x10  }
.LBB2_39:
0x3bf: {  	p0 =	sne.s32 s15, $0x2000;
	v15 =	vld [tilespmem:s13+$0x4F60];
	v10 =	vadd.f32 v10, v13;
	v9 =	vadd.f32 v12, v9;
	v12 =	vmul.f32 v14, v5;
	v13 =	vmovc v1  }
0x3c0: {  	v1 =	vand.u32 $0xFFFF0000, v6;
	v14 =	vld [tilespmem:s8+$0x0]  }
0x3c1: {  	v1 =	vmul.f32 v1, v3;
	v5 =	vld [tilespmem:s8+$0x80];
	v10 =	vadd.f32 v10, v11;
	v9 =	vadd.f32 v12, v9  }
0x3c2: {  	v3 =	vld [tilespmem:s8+$0x100];
	v11 =	vshll.u32 v8, $0x10;
	v16 =	vand.u32 $0xFFFF0000, v8  }
0x3c3: {  	v6 =	vld [tilespmem:s13+$0x4FE0];
	v8 =	vshll.u32 v7, $0x10;
	v9 =	vadd.f32 v9, v1;
	v10 =	vmul.f32 v10, v2  }
.Ltmp18:
0x3c4: {  	v7 =	vand.u32 $0xFFFF0000, v7;
	v1 =	vld [tilespmem:s8+$0xFFFFFF00];
	v12 =	vmul.f32 v8, v4;
	v8 =	vshll.u32 v15, $0x10;
	(pc) =	sbr.rel @p0 .LBB2_39-.Ltmp18, $4  }
0x3c5: {  	v2 =	vld [tilespmem:s8+$0xFFFFFE80];
	v7 =	vmul.f32 v7, v14;
	s8 =	sadd.s32 $0x400, s8;
	v0 =	vadd.f32 v10, v0;
	v17 =	vmul.f32 v9, v13  }
0x3c6: {  	s13 =	sshra.s32 s15, $0x2;
	v9 =	vmul.f32 v8, v4;
	v10 =	vmul.f32 v11, v5;
	v4 =	vld [tilespmem:s8+$0xFFFFFF80];
	v11 =	vand.u32 $0xFFFF0000, v15  }
0x3c7: {  	v8 =	vld [tilespmem:s13+$0x4EE0];
	v13 =	vadd.f32 v7, v12;
	v12 =	vmul.f32 v11, v14;
	v0 =	vadd.f32 v17, v0  }
0x3c8: {  	s15 =	sadd.s32 $0x800, s15;
	v11 =	vmul.f32 v16, v3;
	v7 =	vld [tilespmem:s13+$0x4E60];
	v14 =	vshll.u32 v6, $0x10  }
0x3c9: {  	v15 =	vld [tilespmem:s13+$0x4F60]  }
0x3ca: {  	v10 =	vadd.f32 v10, v13;
	v13 =	vld [tilespmem:s8+$0x0]  }
0x3cb: {  	v9 =	vadd.f32 v12, v9;
	v5 =	vmul.f32 v14, v5;
	v12 =	vld [tilespmem:s8+$0x80]  }
0x3cc: {  	v6 =	vand.u32 $0xFFFF0000, v6;
	v10 =	vadd.f32 v10, v11;
	v11 =	vld [tilespmem:s8+$0x100]  }
0x3cd: {  	v3 =	vmul.f32 v6, v3;
	v5 =	vadd.f32 v5, v9;
	v9 =	vld [tilespmem:s13+$0x4FE0];
	v6 =	vshll.u32 v8, $0x10  }
0x3ce: {  	v8 =	vand.u32 $0xFFFF0000, v8;
	v14 =	vshll.u32 v7, $0x10;
	v7 =	vand.u32 $0xFFFF0000, v7  }
0x3cf: {  	v3 =	vadd.f32 v5, v3;
	v5 =	vmul.f32 v14, v4;
	v7 =	vmul.f32 v7, v13  }
0x3d0: {  	v14 =	vshll.u32 v15, $0x10;
	v6 =	vmul.f32 v6, v12;
	v15 =	vand.u32 $0xFFFF0000, v15  }
0x3d1: {  	v4 =	vmul.f32 v14, v4;
	v5 =	vadd.f32 v7, v5;
	v7 =	vmul.f32 v15, v13  }
0x3d2: {  	v2 =	vmul.f32 v10, v2;
	v10 =	vld [tilespmem:s8+$0xFFFFFE80];
	v8 =	vmul.f32 v8, v11;
	v13 =	vshll.u32 v9, $0x10  }
0x3d3: {  	v5 =	vadd.f32 v6, v5;
	v4 =	vadd.f32 v7, v4;
	v6 =	vmul.f32 v13, v12  }
0x3d4: {  	v0 =	vadd.f32 v2, v0;
	v1 =	vmul.f32 v3, v1;
	v2 =	vand.u32 $0xFFFF0000, v9;
	v7 =	vld [tilespmem:s8+$0xFFFFFF00]  }
0x3d5: {  	v2 =	vmul.f32 v2, v11;
	v3 =	vadd.f32 v5, v8;
	v4 =	vadd.f32 v6, v4;
	_ =	sdelay $0x1  }
0x3d6: {  	v0 =	vadd.f32 v1, v0;
	v1 =	vadd.f32 v4, v2;
	v2 =	vmul.f32 v3, v10;
	_ =	sdelay $0x1  }
0x3d7: {  	v0 =	vadd.f32 v2, v0;
	v1 =	vmul.f32 v1, v7;
	_ =	sdelay $0x1  }
0x3d8: {  	v0 =	vadd.f32 v1, v0;
	_ =	sdelay $0x1  }
0x3d9: {  	s17 =	simm.s32 $0x31F0;
	[tilespmem:$0x5860] =	vst v0  }
0x3da: {  	s19 =	simm.s32 $0x0;
	v7 =	vld [tilespmem:s17+$0xFFFFFF80]  }
0x3db: {  	v4 =	vld [tilespmem:s19+$0x4EF0]  }
0x3dc: {  	v2 =	vld [tilespmem:s19+$0x4E70]  }
0x3dd: {  	v8 =	vld [tilespmem:s19+$0x4F70]  }
0x3de: {  	v11 =	vld [tilespmem:s17+$0x0]  }
0x3df: {  	v5 =	vld [tilespmem:s17+$0x80]  }
0x3e0: {  	v3 =	vld [tilespmem:s17+$0x100]  }
0x3e1: {  	v6 =	vld [tilespmem:s19+$0x4FF0]  }
0x3e2: {  	v1 =	vld [tilespmem:s17+$0xFFFFFF00];
	v9 =	vshll.u32 v2, $0x10;
	v10 =	vand.u32 $0xFFFF0000, v2;
	v12 =	vshll.u32 v4, $0x10  }
0x3e3: {  	s8 =	simm.s32 $0x35F0;
	v2 =	vld [tilespmem:s17+$0xFFFFFE80];
	v13 =	vmul.f32 v9, v7;
	v14 =	vmul.f32 v10, v11;
	v9 =	vshll.u32 v8, $0x10  }
0x3e4: {  	s13 =	simm.s32 $0x200;
	v15 =	vand.u32 $0xFFFF0000, v4;
	v4 =	vld [tilespmem:s8+$0xFFFFFF80];
	v9 =	vmul.f32 v9, v7;
	v7 =	vand.u32 $0xFFFF0000, v8  }
0x3e5: {  	v10 =	vmul.f32 v12, v5;
	v8 =	vld [tilespmem:s13+$0x4EF0];
	v13 =	vadd.f32 v14, v13;
	v12 =	vmul.f32 v7, v11  }
0x3e6: {  	s15 =	simm.s32 $0x1000;
	v0 =	vimm.f32 $0.0e+00;
	v7 =	vld [tilespmem:s13+$0x4E70];
	v11 =	vmul.f32 v15, v3;
	v14 =	vshll.u32 v6, $0x10  }
.LBB2_41:
0x3e7: {  	p0 =	sne.s32 s15, $0x2000;
	v15 =	vld [tilespmem:s13+$0x4F70];
	v10 =	vadd.f32 v10, v13;
	v9 =	vadd.f32 v12, v9;
	v12 =	vmul.f32 v14, v5;
	v13 =	vmovc v1  }
0x3e8: {  	v1 =	vand.u32 $0xFFFF0000, v6;
	v14 =	vld [tilespmem:s8+$0x0]  }
0x3e9: {  	v1 =	vmul.f32 v1, v3;
	v5 =	vld [tilespmem:s8+$0x80];
	v10 =	vadd.f32 v10, v11;
	v9 =	vadd.f32 v12, v9  }
0x3ea: {  	v3 =	vld [tilespmem:s8+$0x100];
	v11 =	vshll.u32 v8, $0x10;
	v16 =	vand.u32 $0xFFFF0000, v8  }
0x3eb: {  	v6 =	vld [tilespmem:s13+$0x4FF0];
	v8 =	vshll.u32 v7, $0x10;
	v9 =	vadd.f32 v9, v1;
	v10 =	vmul.f32 v10, v2  }
.Ltmp19:
0x3ec: {  	v7 =	vand.u32 $0xFFFF0000, v7;
	v1 =	vld [tilespmem:s8+$0xFFFFFF00];
	v12 =	vmul.f32 v8, v4;
	v8 =	vshll.u32 v15, $0x10;
	(pc) =	sbr.rel @p0 .LBB2_41-.Ltmp19, $4  }
0x3ed: {  	v2 =	vld [tilespmem:s8+$0xFFFFFE80];
	v7 =	vmul.f32 v7, v14;
	s8 =	sadd.s32 $0x400, s8;
	v0 =	vadd.f32 v10, v0;
	v17 =	vmul.f32 v9, v13  }
0x3ee: {  	s13 =	sshra.s32 s15, $0x2;
	v9 =	vmul.f32 v8, v4;
	v10 =	vmul.f32 v11, v5;
	v4 =	vld [tilespmem:s8+$0xFFFFFF80];
	v11 =	vand.u32 $0xFFFF0000, v15  }
0x3ef: {  	v8 =	vld [tilespmem:s13+$0x4EF0];
	v13 =	vadd.f32 v7, v12;
	v12 =	vmul.f32 v11, v14;
	v0 =	vadd.f32 v17, v0  }
0x3f0: {  	s15 =	sadd.s32 $0x800, s15;
	v11 =	vmul.f32 v16, v3;
	v7 =	vld [tilespmem:s13+$0x4E70];
	v14 =	vshll.u32 v6, $0x10  }
0x3f1: {  	v15 =	vld [tilespmem:s13+$0x4F70]  }
0x3f2: {  	v10 =	vadd.f32 v10, v13;
	v44 =	vld [tilespmem:s8+$0x0]  }
0x3f3: {  	v9 =	vadd.f32 v12, v9;
	v5 =	vmul.f32 v14, v5;
	v45 =	vld [tilespmem:s8+$0x80];
	v6 =	vand.u32 $0xFFFF0000, v6  }
0x3f4: {  	v46 =	vld [tilespmem:s8+$0x100];
	v3 =	vmul.f32 v6, v3  }
0x3f5: {  	v48 =	vld [tilespmem:s13+$0x4FF0];
	v10 =	vadd.f32 v10, v11;
	v5 =	vadd.f32 v5, v9;
	v47 =	vshll.u32 v8, $0x10  }
0x3f6: {  	v49 =	vand.u32 $0xFFFF0000, v8;
	v50 =	vshll.u32 v7, $0x10;
	v51 =	vand.u32 $0xFFFF0000, v7  }
0x3f7: {  	v3 =	vadd.f32 v5, v3;
	v52 =	vmul.f32 v50, v4;
	v7 =	vmul.f32 v51, v44  }
0x3f8: {  	v53 =	vshll.u32 v15, $0x10;
	v6 =	vmul.f32 v47, v45;
	v15 =	vand.u32 $0xFFFF0000, v15  }
0x3f9: {  	v54 =	vmul.f32 v53, v4;
	v55 =	vmul.f32 v15, v44;
	v5 =	vadd.f32 v7, v52  }
0x3fa: {  	v56 =	vld [tilespmem:s8+$0xFFFFFE80];
	v2 =	vmul.f32 v10, v2;
	v8 =	vmul.f32 v49, v46;
	v57 =	vshll.u32 v48, $0x10  }
0x3fb: {  	v58 =	vmul.f32 v57, v45;
	v4 =	vadd.f32 v55, v54;
	v5 =	vadd.f32 v6, v5  }
0x3fc: {  	v59 =	vld [tilespmem:s8+$0xFFFFFF00];
	v60 =	vand.u32 $0xFFFF0000, v48;
	v0 =	vadd.f32 v2, v0;
	v1 =	vmul.f32 v3, v1  }
0x3fd: {  	v2 =	vmul.f32 v60, v46;
	v4 =	vadd.f32 v58, v4;
	v61 =	vadd.f32 v5, v8;
	_ =	sdelay $0x1  }
0x3fe: {  	v0 =	vadd.f32 v1, v0;
	v62 =	vadd.f32 v4, v2;
	v63 =	vmul.f32 v61, v56;
	_ =	sdelay $0x1  }
0x3ff: {  	v1 =	vmul.f32 v62, v59;
	v0 =	vadd.f32 v63, v0;
	_ =	sdelay $0x1  }
0x400: {  	s3 =	sshll.u32 s3, $0x4;
	s0 =	sadd.s32 $0x1, s0;
	v0 =	vadd.f32 v1, v0  }
0x401: {  	s19 =	sadd.s32 s2, s10;
	s3 =	sand.u32 $0x70, s3;
	p0 =	sne.s32 s0, $0x10  }
.Ltmp20:
0x402: {  	s3 =	sadd.s32 s3, s19;
	[tilespmem:$0x5870] =	vst v0;
	(pc) =	sbr.rel @p0 .LBB2_4-.Ltmp20, $4  }
0x403: {  	[hbm4b:s3+s4] =	stream.linear.scatter [tilespmem:s25], [sflag:$0x9], $0x80, $0x38;
	[tilespmem:$0x5880] =	vst v63  }
0x404: {  	_ =	swait.ge [sflag:s11], $0x80  }
0x405: {  	[sflag:s11] =	ssyncset.done $0x0  }
0x406: {  	[sflag:s11] =	ssyncadd.s32 $0xFFFFFF80  }
0x407: {  	s3 =	rddreg [dreg:$0xb]  }
0x408: {  	s0 =	rddreg [dreg:$0x6];
	s3 =	sadd.s32 $0x1, s3  }
0x409: {  	p0 =	sne.s32 s3, s0  }
.Ltmp21:
0x40a: {  	_ = 	snop;
	(pc) =	sbr.rel @p0 .LBB2_1-.Ltmp21, $1  }
0x40b: {  	_ =	sdelay $0x3  }
0x40c: {  	_ =	sfence.sel $0x180000  }
0x40d: {  	[bflag:$0x0] =	sbarrier.arrive $0xFFFF  }
0x40e: {  	_ =	strace $0x90000047  }
0x40f: {  	s0 =	stileid.u32;
	[bflag:$0x2] =	sbarrier.arrive $0xFFFF  }
0x410: {  	p0 =	sne.s32 s0, $0x0;
	s0 =	rddreg [dreg:$0x3]  }
0x411: {  	s0 =	sadd.s32 @!p0 $0x100000, s0  }
0x412: {  	[sflag:s0] =	ssyncadd.tile.s32 @!p0 $0x1;
	_ =	shalt  }
.Lfunc_end2:
_tile_overlayer_lowered:
.L_overlay_start_2:
0x413: {  	(tag) =	ssettag $0x2  }
0x414: {  	s0 =	rddreg [dreg:$0x0];
	s2 =	stileid.u32  }
0x415: {  	s1 =	rddreg [dreg:$0x1];
	p0 =	sne.s32 s2, $0x0  }
0x416: {  	s3 =	rddreg [dreg:$0x2];
	[bflag:$0x3] =	sbarrier.arrive $0xFFFF;
	s2 =	simm.s32 @!p0 $0x1C09  }
0x417: {  	[timem:s3], [sflag:s2] =	dma.local @!p0 [hbm:s0], s1  }
0x418: {  	s0 =	simm.s32 @!p0 $0x9  }
0x419: {  	_ =	swait.ge @!p0 [sflag:s0], s1  }
0x41a: {  	s1 =	ssub.s32 @!p0 $0x0, s1;
	[sflag:s0] =	ssyncset.done @!p0 $0x0  }
0x41b: {  	[sflag:s0] =	ssyncadd.s32 @!p0 s1  }
0x41c: {  	[bflag:$0x3] =	sbarrier.arrive $0xFFFF  }
0x41d: {  	_ =	shalt  }

</sc_bundles>
